<compile_context>
chip_gen: v7x
topology: tpu7x:2x2x1
jax: 0.10.2.dev20260603
libtpu: 0.0.44.dev20260713+nightly
codegen_flags: <defaults>
</compile_context>

<pallas_src>
import functools

import jax
import jax.numpy as jnp
from jax import lax
from jax.experimental import pallas as pl
from jax.experimental.pallas import tpu as pltpu
from jax.experimental.pallas import tpu_sc as plsc

MAX_RADIUS = 3.0
NUM_BASIS = 10
NOUT = 3
NC, NS = 2, 16
NW = NC * NS
LANES = 16

_F32 = jnp.float32
_I32 = jnp.int32


def _edge_vec_call(pos_flat, edge_index, n_nodes, n_edges, c_lo, c_hi):
    ch = 2560
    nv = ch // LANES

    mesh = plsc.VectorSubcoreMesh(
        core_axis_name="c", subcore_axis_name="s", num_cores=NC, num_subcores=NS
    )

    @functools.partial(
        pl.kernel,
        out_type=tuple(jax.ShapeDtypeStruct((n_edges,), _F32) for _ in range(3)),
        mesh=mesh,
        scratch_types=[
            pltpu.VMEM((3 * n_nodes,), _F32),
            pltpu.VMEM((2, ch), _I32),
            pltpu.VMEM((ch,), _F32),
            pltpu.VMEM((ch,), _F32),
            pltpu.VMEM((ch,), _F32),
        ],
        compiler_params=pltpu.CompilerParams(needs_layout_passes=False),
    )
    def k(pos_hbm, ei_hbm, ox_hbm, oy_hbm, oz_hbm,
          pos_v, ei_v, ex_v, ey_v, ez_v):
        wid = lax.axis_index("s") * NC + lax.axis_index("c")
        pltpu.sync_copy(pos_hbm, pos_v)
        n_mine = (c_hi - c_lo - wid + NW - 1) // NW

        def chunk_body(i, _):
            cbase = (c_lo + wid + i * NW) * ch
            pltpu.sync_copy(ei_hbm.at[:, pl.ds(cbase, ch)], ei_v)

            def vec_body(j, _):
                for u in range(5):
                    off = (j * 5 + u) * LANES
                    s3 = ei_v[0, pl.ds(off, LANES)] * 3
                    d3 = ei_v[1, pl.ds(off, LANES)] * 3
                    ex_v[pl.ds(off, LANES)] = (
                        plsc.load_gather(pos_v, [s3]) - plsc.load_gather(pos_v, [d3]))
                    ey_v[pl.ds(off, LANES)] = (
                        plsc.load_gather(pos_v, [s3 + 1]) - plsc.load_gather(pos_v, [d3 + 1]))
                    ez_v[pl.ds(off, LANES)] = (
                        plsc.load_gather(pos_v, [s3 + 2]) - plsc.load_gather(pos_v, [d3 + 2]))
                return 0

            lax.fori_loop(0, nv // 5, vec_body, 0)
            pltpu.sync_copy(ex_v, ox_hbm.at[pl.ds(cbase, ch)])
            pltpu.sync_copy(ey_v, oy_hbm.at[pl.ds(cbase, ch)])
            pltpu.sync_copy(ez_v, oz_hbm.at[pl.ds(cbase, ch)])
            return 0

        lax.fori_loop(0, n_mine, chunk_body, 0)

    return k(pos_flat, edge_index)


def _coeff_body(ex_ref, ey_ref, ez_ref, w1t_ref, b1_ref, w2ct_ref, b2c_ref,
                c0_ref, c1_ref, c2_ref):
    x = ex_ref[...]
    y = ey_ref[...]
    z = ez_ref[...]
    r = jnp.sqrt(x * x + y * y + z * z + 1e-12)

    step = MAX_RADIUS / (NUM_BASIS + 1)
    amp = 1.14136 * (2.718281828459045 ** 2) * (NUM_BASIS ** 0.5)
    kk = jnp.arange(1, NUM_BASIS + 1, dtype=jnp.int32).astype(_F32)
    centers = (kk * step)[:, None]
    d = (r[None, :] - centers) / step
    inside = jnp.abs(d) < 1.0
    safe = jnp.where(inside, d, 0.0)
    emb = jnp.where(inside, amp * jnp.exp(1.0 / (safe * safe - 1.0)), 0.0)

    h = lax.dot_general(w1t_ref[...], emb, (((1,), (0,)), ((), ())),
                        precision=lax.Precision.DEFAULT,
                        preferred_element_type=_F32)
    h = h + b1_ref[...][:, None]
    h = h / (1.0 + jnp.exp(-h))
    w48 = lax.dot_general(w2ct_ref[...], h, (((1,), (0,)), ((), ())),
                          precision=lax.Precision.DEFAULT,
                          preferred_element_type=_F32)
    w48 = w48 + b2c_ref[...][:, None]

    inv_r = 1.0 / r
    ux = x * inv_r
    uy = y * inv_r
    uz = z * inv_r
    s3c = 3.0 ** 0.5
    s15 = 15.0 ** 0.5
    s5 = 5.0 ** 0.5
    one = jnp.ones_like(ux)
    zero = jnp.zeros_like(ux)
    sh16 = jnp.stack(
        [one, s3c * uy, s3c * uz, s3c * ux,
         s15 * ux * uy, s15 * uy * uz, (s5 / 2.0) * (3.0 * uz * uz - 1.0),
         s15 * ux * uz, (s15 / 2.0) * (ux * ux - uy * uy),
         zero, zero, zero, zero, zero, zero, zero], axis=0)

    t = 10.0 * (1.0 - r / MAX_RADIUS)
    cut = jnp.where(t > 0.0, jnp.exp(-1.0 / jnp.where(t > 0.0, t, 1.0)), 0.0)

    for o, out_ref in enumerate((c0_ref, c1_ref, c2_ref)):
        acc = jnp.sum(sh16 * w48[16 * o:16 * (o + 1), :], axis=0)
        out_ref[...] = cut * acc


def _coeff_call(ex, ey, ez, w1t, b1, w2ct, b2c, n_edges, blk_lo, nblk):
    tblk = 16384
    grid = (nblk,)
    ev_spec = pl.BlockSpec((tblk,), lambda i: (i + blk_lo,))
    full2 = lambda shape: pl.BlockSpec(shape, lambda i: (0,) * len(shape))
    return pl.pallas_call(
        _coeff_body,
        grid=grid,
        in_specs=[ev_spec, ev_spec, ev_spec,
                  full2(w1t.shape), full2(b1.shape),
                  full2(w2ct.shape), full2(b2c.shape)],
        out_specs=[ev_spec, ev_spec, ev_spec],
        out_shape=tuple(jax.ShapeDtypeStruct((n_edges,), _F32) for _ in range(3)),
    )(ex, ey, ez, w1t, b1, w2ct, b2c)


def _scatter_call(xp_flat, edge_index, c0, c1, c2, n_nodes, n_edges, c_lo, c_hi):
    ch = 2560
    nv = ch // LANES
    acc_len = 3 * n_nodes

    mesh = plsc.VectorSubcoreMesh(
        core_axis_name="c", subcore_axis_name="s", num_cores=NC, num_subcores=NS
    )

    @functools.partial(
        pl.kernel,
        out_type=jax.ShapeDtypeStruct((NW, acc_len), _F32),
        mesh=mesh,
        scratch_types=[
            pltpu.VMEM((acc_len,), _F32),
            pltpu.VMEM((acc_len,), _F32),
            pltpu.VMEM((2, ch), _I32),
            pltpu.VMEM((ch,), _F32),
            pltpu.VMEM((ch,), _F32),
            pltpu.VMEM((ch,), _F32),
        ],
        compiler_params=pltpu.CompilerParams(needs_layout_passes=False),
    )
    def k(xp_hbm, ei_hbm, c0_hbm, c1_hbm, c2_hbm, out_hbm,
          xp_v, acc_v, ei_v, c0_v, c1_v, c2_v):
        wid = lax.axis_index("s") * NC + lax.axis_index("c")
        pltpu.sync_copy(xp_hbm, xp_v)

        zeros16 = jnp.zeros((LANES,), _F32)

        def zero_body(i, _):
            acc_v[pl.ds(i * LANES, LANES)] = zeros16
            return 0

        lax.fori_loop(0, acc_len // LANES, zero_body, 0)

        n_mine = (c_hi - c_lo - wid + NW - 1) // NW

        def chunk_body(i, _):
            cbase = (c_lo + wid + i * NW) * ch
            pltpu.sync_copy(ei_hbm.at[:, pl.ds(cbase, ch)], ei_v)
            pltpu.sync_copy(c0_hbm.at[pl.ds(cbase, ch)], c0_v)
            pltpu.sync_copy(c1_hbm.at[pl.ds(cbase, ch)], c1_v)
            pltpu.sync_copy(c2_hbm.at[pl.ds(cbase, ch)], c2_v)

            def vec_body(j, _):
                for u in range(5):
                    off = (j * 5 + u) * LANES
                    s16 = ei_v[0, pl.ds(off, LANES)]
                    d16 = ei_v[1, pl.ds(off, LANES)]
                    v0 = plsc.load_gather(xp_v, [s16]) * c0_v[pl.ds(off, LANES)]
                    plsc.addupdate_scatter(acc_v, [d16], v0)
                    v1 = plsc.load_gather(xp_v, [s16 + n_nodes]) * c1_v[pl.ds(off, LANES)]
                    plsc.addupdate_scatter(acc_v, [d16 + n_nodes], v1)
                    v2 = plsc.load_gather(xp_v, [s16 + 2 * n_nodes]) * c2_v[pl.ds(off, LANES)]
                    plsc.addupdate_scatter(acc_v, [d16 + 2 * n_nodes], v2)
                return 0

            lax.fori_loop(0, nv // 5, vec_body, 0)
            return 0

        lax.fori_loop(0, n_mine, chunk_body, 0)
        pltpu.sync_copy(acc_v, out_hbm.at[wid])

    return k(xp_flat, edge_index, c0, c1, c2)


def _xproj_body(feat_ref, w3t_ref, out_ref):
    out_ref[...] = lax.dot_general(
        w3t_ref[...], feat_ref[...], (((1,), (1,)), ((), ())),
        precision=lax.Precision.DEFAULT, preferred_element_type=_F32)


def _finish_body(pa_ref, pb_ref, out_ref):
    psi0 = jnp.sum(pa_ref[:, 0, :], axis=0) + jnp.sum(pb_ref[:, 0, :], axis=0)
    psi1 = jnp.sum(pa_ref[:, 1, :], axis=0) + jnp.sum(pb_ref[:, 1, :], axis=0)
    psi2 = jnp.sum(pa_ref[:, 2, :], axis=0) + jnp.sum(pb_ref[:, 2, :], axis=0)
    out_ref[0, :] = psi2 - psi1
    out_ref[1, :] = psi0 - psi2
    out_ref[2, :] = psi1 - psi0


def kernel(node_features, pos, edge_index, W1, b1, W2, b2, W_tp):
    B, N, F = node_features.shape
    E = edge_index.shape[1]
    out_dim = W_tp.shape[1]

    feat = node_features.reshape(B * N, F)
    pos_flat = pos.reshape(-1)
    ei = edge_index.astype(_I32)

    w3t = W_tp[:, :NOUT].T
    col_idx = jnp.array(
        [s * out_dim + o for o in range(NOUT) for s in range(9)], dtype=_I32)
    w2ct27 = W2[:, col_idx].T
    b2c27 = b2[col_idx]
    rows48 = jnp.array(
        [o * 16 + s for o in range(NOUT) for s in range(9)], dtype=_I32)
    w2ct = jnp.zeros((48, W2.shape[0]), _F32).at[rows48].set(w2ct27)
    b2c = jnp.zeros((48,), _F32).at[rows48].set(b2c27)
    w1t = W1.T

    xpT = pl.pallas_call(
        _xproj_body,
        out_shape=jax.ShapeDtypeStruct((NOUT, B * N), _F32),
    )(feat, w3t)
    xp_flat = xpT.reshape(-1)

    ch = 2560
    nchunks = E // ch
    split = 64
    nblk_a = (split * ch) // 16384
    nblk_b = (E - split * ch + 16383) // 16384

    exa, eya, eza = _edge_vec_call(pos_flat, ei, B * N, E, 0, split)
    ca0, ca1, ca2 = _coeff_call(exa, eya, eza, w1t, b1, w2ct, b2c, E, 0, nblk_a)
    exb, eyb, ezb = _edge_vec_call(pos_flat, ei, B * N, E, split, nchunks)
    cb0, cb1, cb2 = _coeff_call(exb, eyb, ezb, w1t, b1, w2ct, b2c, E, nblk_a, nblk_b)
    pa = _scatter_call(xp_flat, ei, ca0, ca1, ca2, B * N, E, 0, split)
    pb = _scatter_call(xp_flat, ei, cb0, cb1, cb2, B * N, E, split, nchunks)

    out3 = pl.pallas_call(
        _finish_body,
        out_shape=jax.ShapeDtypeStruct((3, B * N), _F32),
    )(pa.reshape(NW, 3, B * N), pb.reshape(NW, 3, B * N))

    return out3.T.reshape(B, N, 3)

# --- scband reference (transcript-rebuilt; emitter-appended) ---
"""Pipeline reference for scband-se3-conti-former-75892072120804 (READ-ONLY COPY).

The authoritative reference and input builder live on the scoring server;
editing this copy changes nothing except your own understanding.
"""

import jax, jax.numpy as jnp
import numpy as np

MAX_RADIUS = 3.0
NUM_BASIS = 10
HIDDEN = 64
IN_DIM = 128
OUT_DIM = 80  # '32x0e + 16x1o' -> 32 + 16*3
SH_DIM = 9    # l=0,1,2 spherical harmonics
WEIGHT_NUMEL = SH_DIM * OUT_DIM


def soft_unit_step(x):
    xp = jnp.where(x > 0, x, 1.0)
    return jnp.where(x > 0, jnp.exp(-1.0 / xp), 0.0)


def soft_one_hot_linspace(x, start, end, number):
    # e3nn smooth_finite basis with cutoff=True
    values = jnp.linspace(start, end, number + 2)
    step = values[1] - values[0]
    values = values[1:-1]
    diff = (x[:, None] - values[None, :]) / step
    inside = jnp.abs(diff) < 1.0
    safe = jnp.where(inside, diff, 0.0)
    y = jnp.where(inside, 1.14136 * jnp.exp(2.0) * jnp.exp(1.0 / (safe ** 2 - 1.0)), 0.0)
    return y


def spherical_harmonics_l012(vec):
    # component-normalized real spherical harmonics, e3nn convention (y, z, x)
    n = jnp.sqrt(jnp.sum(vec ** 2, axis=-1, keepdims=True) + 1e-12)
    u = vec / n
    x, y, z = u[:, 0], u[:, 1], u[:, 2]
    sh0 = jnp.ones_like(x)[:, None]
    s3 = jnp.sqrt(3.0)
    sh1 = jnp.stack([s3 * y, s3 * z, s3 * x], axis=-1)
    s15 = jnp.sqrt(15.0)
    s5 = jnp.sqrt(5.0)
    sh2 = jnp.stack([s15 * x * y, s15 * y * z, (s5 / 2.0) * (3.0 * z ** 2 - 1.0),
                     s15 * x * z, (s15 / 2.0) * (x ** 2 - y ** 2)], axis=-1)
    return jnp.concatenate([sh0, sh1, sh2], axis=-1)


def setup_inputs(seed: int = 0) -> dict:
    key = jax.random.key(seed)
    ks = jax.random.split(key, 8)
    B, N, F = 1, 10000, IN_DIM
    E = 320000
    node_features = jax.random.normal(ks[0], (B, N, F), dtype=jnp.float32)
    pos = jax.random.uniform(ks[1], (B, N, 3), dtype=jnp.float32)
    edge_index = jax.random.randint(ks[2], (2, E), 0, N).astype(jnp.int64)
    # learned params: radial MLP (num_basis -> hidden -> weight_numel) and input projection for TP
    W1 = jax.random.normal(ks[3], (NUM_BASIS, HIDDEN), dtype=jnp.float32) / np.sqrt(NUM_BASIS)
    b1 = jnp.zeros((HIDDEN,), dtype=jnp.float32)
    W2 = jax.random.normal(ks[4], (HIDDEN, WEIGHT_NUMEL), dtype=jnp.float32) / np.sqrt(HIDDEN)
    b2 = jnp.zeros((WEIGHT_NUMEL,), dtype=jnp.float32)
    W_tp = jax.random.normal(ks[5], (F, OUT_DIM), dtype=jnp.float32) / np.sqrt(F)
    return {"node_features": node_features, "pos": pos, "edge_index": edge_index,
            "W1": W1, "b1": b1, "W2": W2, "b2": b2, "W_tp": W_tp}


def reference(node_features, pos, edge_index, W1, b1, W2, b2, W_tp):
    B, N, F = node_features.shape
    pos_flat = pos.reshape(-1, 3)
    feat = node_features.reshape(-1, F)
    src = edge_index[0]
    dst = edge_index[1]
    edge_vec = pos_flat[src] - pos_flat[dst]                      # gather x2
    edge_len = jnp.sqrt(jnp.sum(edge_vec ** 2, axis=1) + 1e-12)
    emb = soft_one_hot_linspace(edge_len, 0.0, MAX_RADIUS, NUM_BASIS) * (NUM_BASIS ** 0.5)
    cutoff = soft_unit_step(10.0 * (1.0 - edge_len / MAX_RADIUS))
    sh = spherical_harmonics_l012(edge_vec)                       # [E, 9]
    w = jax.nn.silu(emb @ W1 + b1) @ W2 + b2                      # per-edge TP weights [E, 720]
    xproj = feat[src] @ W_tp                                      # gather + project [E, 80]
    potential = xproj * jnp.einsum('es,eso->eo', sh, w.reshape(-1, SH_DIM, OUT_DIM))
    pot_nodes = jax.ops.segment_sum(cutoff[:, None] * potential, dst, num_segments=B * N)
    pot_nodes = pot_nodes.reshape(B, N, OUT_DIM)
    psi = pot_nodes[:, :, :3]
    curl = jnp.stack([psi[:, :, 2] - psi[:, :, 1],
                      psi[:, :, 0] - psi[:, :, 2],
                      psi[:, :, 1] - psi[:, :, 0]], axis=-1)
    return curl

if __name__ == "__main__":
    import jax
    _d = setup_inputs()
    print(jax.jit(kernel)(*tuple(_d.values())))

</pallas_src>

<mosaic_0001>
#map = affine_map<(d0, d1) -> (0)>
#map1 = affine_map<(d0, d1) -> (0, 0)>
module attributes {stable_mosaic.version = 14 : i64} {
  func.func @k(%arg0: i32, %arg1: i32, %arg2: memref<30000xf32, #tpu.memory_space<hbm>>, %arg3: memref<2x320000xi32, #tpu.memory_space<hbm>>, %arg4: memref<320000xf32, #tpu.memory_space<hbm>>, %arg5: memref<320000xf32, #tpu.memory_space<hbm>>, %arg6: memref<320000xf32, #tpu.memory_space<hbm>>, %arg7: memref<30000xf32, #tpu.memory_space<vmem>>, %arg8: memref<2x2560xi32, #tpu.memory_space<vmem>>, %arg9: memref<2560xf32, #tpu.memory_space<vmem>>, %arg10: memref<2560xf32, #tpu.memory_space<vmem>>, %arg11: memref<2560xf32, #tpu.memory_space<vmem>>) attributes {dimension_semantics = [#tpu.dimension_semantics<core_parallel>, #tpu.dimension_semantics<subcore_parallel>], iteration_bounds = array<i64: 2, 16>, scalar_prefetch = 0 : i64, scratch_operands = 5 : i64, tpu.core_type = #tpu.core_type<sc_vector_subcore>, window_params = [{transform_indices = #map}, {transform_indices = #map1}, {transform_indices = #map}, {transform_indices = #map}, {transform_indices = #map}]} {
    %mul3A = arith.constant 2 : i32
    %mul3A_0 = arith.muli %arg1, %mul3A : i32
    %add3A = arith.addi %mul3A_0, %arg0 : i32
    "tpu.region"() ({
      %run_scoped3A = tpu.sem_alloc : memref<!tpu.dma_semaphore, #tpu.memory_space<semaphore_mem>>
      tpu.enqueue_dma source(%arg2 : memref<30000xf32, #tpu.memory_space<hbm>>) target(%arg7 : memref<30000xf32, #tpu.memory_space<vmem>>) target_semaphore(%run_scoped3A : memref<!tpu.dma_semaphore, #tpu.memory_space<semaphore_mem>>)
      tpu.wait_dma2 semaphore(%run_scoped3A : memref<!tpu.dma_semaphore, #tpu.memory_space<semaphore_mem>>) src(%arg2 : memref<30000xf32, #tpu.memory_space<hbm>>) dst(%arg7 : memref<30000xf32, #tpu.memory_space<vmem>>)
      tpu.yield
    }) : () -> ()
    %sub3A = arith.constant 61 : i32
    %sub3A_1 = arith.subi %sub3A, %add3A : i32
    %add3A_2 = arith.constant 32 : i32
    %add3A_3 = arith.addi %sub3A_1, %add3A_2 : i32
    %sub3A_4 = arith.constant 1 : i32
    %sub3A_5 = arith.subi %add3A_3, %sub3A_4 : i32
    %jit3A = arith.constant 32 : i32
    %div3A = arith.divsi %sub3A_5, %jit3A : i32
    %sign3A = arith.constant 0 : i32
    %sign3A_6 = arith.cmpi sgt, %sub3A_5, %sign3A : i32
    %sign3A_7 = arith.extui %sign3A_6 : i1 to i32
    %sign3A_8 = arith.constant 0 : i32
    %sign3A_9 = arith.cmpi slt, %sub3A_5, %sign3A_8 : i32
    %sign3A_10 = arith.extui %sign3A_9 : i1 to i32
    %sign3A_11 = arith.subi %sign3A_7, %sign3A_10 : i32
    %sign3A_12 = arith.constant 0 : i32
    %sign3A_13 = arith.cmpi sgt, %jit3A, %sign3A_12 : i32
    %sign3A_14 = arith.extui %sign3A_13 : i1 to i32
    %sign3A_15 = arith.constant 0 : i32
    %sign3A_16 = arith.cmpi slt, %jit3A, %sign3A_15 : i32
    %sign3A_17 = arith.extui %sign3A_16 : i1 to i32
    %sign3A_18 = arith.subi %sign3A_14, %sign3A_17 : i32
    %ne3A = arith.cmpi ne, %sign3A_11, %sign3A_18 : i32
    %rem3A = arith.remsi %sub3A_5, %jit3A : i32
    %ne3A_19 = arith.constant 0 : i32
    %ne3A_20 = arith.cmpi ne, %rem3A, %ne3A_19 : i32
    %and3A = arith.andi %ne3A, %ne3A_20 : i1
    %sub3A_21 = arith.constant 1 : i32
    %sub3A_22 = arith.subi %div3A, %sub3A_21 : i32
    %select_n3A = arith.select %and3A, %sub3A_22, %div3A : i32
    %while3A = arith.constant 0 : i32
    %while3A_23 = arith.constant 0 : i32
    %while3A_24 = arith.subi %select_n3A, %while3A : i32
    %while3A_25 = arith.addi %while3A, %while3A_24 : i32
    %while3A_26 = arith.constant 1 : i32
    %while3A_27 = arith.divsi %while3A_24, %while3A_26 : i32
    %while3A_28 = arith.muli %while3A_27, %while3A_26 : i32
    %while3A_29 = arith.addi %while3A, %while3A_28 : i32
    %while3A_30 = arith.constant 1 : i32
    %while3A_31 = scf.for %while3A_34 = %while3A to %while3A_29 step %while3A_30 iter_args(%while3A_35 = %while3A_23) -> (i32)  : i32 {
      %add3A_36 = arith.constant 64 : i32
      %add3A_37 = arith.addi %add3A_36, %add3A : i32
      %mul3A_38 = arith.constant 32 : i32
      %mul3A_39 = arith.muli %while3A_34, %mul3A_38 : i32
      %add3A_40 = arith.addi %add3A_37, %mul3A_39 : i32
      %mul3A_41 = arith.constant 2560 : i32
      %mul3A_42 = arith.muli %add3A_40, %mul3A_41 : i32
      "tpu.region"() ({
        %run_scoped3A = tpu.sem_alloc : memref<!tpu.dma_semaphore, #tpu.memory_space<semaphore_mem>>
        %dma_start3A = arith.constant 0 : i32
        %dma_start3A_50 = tpu.memref_slice %arg3[%dma_start3A, %mul3A_42] : memref<2x320000xi32, #tpu.memory_space<hbm>> -> memref<2x2560xi32, #tpu.memory_space<hbm>>
        %dma_start3A_51 = arith.constant 0 : i32
        %dma_start3A_52 = tpu.memref_slice %arg3[%dma_start3A_51, %mul3A_42] : memref<2x320000xi32, #tpu.memory_space<hbm>> -> memref<2x2560xi32, #tpu.memory_space<hbm>>
        tpu.enqueue_dma source(%dma_start3A_52 : memref<2x2560xi32, #tpu.memory_space<hbm>>) target(%arg8 : memref<2x2560xi32, #tpu.memory_space<vmem>>) target_semaphore(%run_scoped3A : memref<!tpu.dma_semaphore, #tpu.memory_space<semaphore_mem>>)
        %dma_wait3A = arith.constant 0 : i32
        %dma_wait3A_53 = tpu.memref_slice %arg3[%dma_wait3A, %mul3A_42] : memref<2x320000xi32, #tpu.memory_space<hbm>> -> memref<2x2560xi32, #tpu.memory_space<hbm>>
        %dma_wait3A_54 = arith.constant 0 : i32
        %dma_wait3A_55 = tpu.memref_slice %arg3[%dma_wait3A_54, %mul3A_42] : memref<2x320000xi32, #tpu.memory_space<hbm>> -> memref<2x2560xi32, #tpu.memory_space<hbm>>
        tpu.wait_dma2 semaphore(%run_scoped3A : memref<!tpu.dma_semaphore, #tpu.memory_space<semaphore_mem>>) src(%dma_wait3A_55 : memref<2x2560xi32, #tpu.memory_space<hbm>>) dst(%arg8 : memref<2x2560xi32, #tpu.memory_space<vmem>>)
        tpu.yield
      }) : () -> ()
      %scan3A = arith.constant 0 : i32
      %scan3A_43 = arith.constant 0 : i32
      %scan3A_44 = arith.constant 32 : i32
      %scan3A_45 = arith.addi %scan3A_43, %scan3A_44 : i32
      %scan3A_46 = arith.constant 1 : i32
      %scan3A_47 = scf.for %scan3A_50 = %scan3A_43 to %scan3A_45 step %scan3A_46 iter_args(%scan3A_51 = %scan3A) -> (i32)  : i32 {
        %mul3A_52 = arith.constant 5 : i32
        %mul3A_53 = arith.muli %scan3A_50, %mul3A_52 : i32
        %add3A_54 = arith.constant 0 : i32
        %add3A_55 = arith.addi %mul3A_53, %add3A_54 : i32
        %mul3A_56 = arith.constant 16 : i32
        %mul3A_57 = arith.muli %add3A_55, %mul3A_56 : i32
        %get3A = arith.constant 0 : i32
        %get3A_58 = arith.index_cast %get3A : i32 to index
        %get3A_59 = arith.index_cast %mul3A_57 : i32 to index
        %get3A_60 = tpu.vector_load %arg8[%get3A_58, %get3A_59] {strides = array<i32>} : memref<2x2560xi32, #tpu.memory_space<vmem>>, vector<16xi32>,
        %mul3A_61 = arith.constant 3 : i32
        %mul3A_62 = vector.broadcast %mul3A_61 : i32 to vector<16xi32>
        %mul3A_63 = arith.muli %get3A_60, %mul3A_62 : vector<16xi32>
        %get3A_64 = arith.constant 1 : i32
        %get3A_65 = arith.index_cast %get3A_64 : i32 to index
        %get3A_66 = arith.index_cast %mul3A_57 : i32 to index
        %get3A_67 = tpu.vector_load %arg8[%get3A_65, %get3A_66] {strides = array<i32>} : memref<2x2560xi32, #tpu.memory_space<vmem>>, vector<16xi32>,
        %mul3A_68 = arith.constant 3 : i32
        %mul3A_69 = vector.broadcast %mul3A_68 : i32 to vector<16xi32>
        %mul3A_70 = arith.muli %get3A_67, %mul3A_69 : vector<16xi32>
        %gather3A = tpu.vector_load_idx %arg7[%mul3A_63] : memref<30000xf32, #tpu.memory_space<vmem>>[vector<16xi32>], vector<16xf32>,
        %gather3A_71 = tpu.vector_load_idx %arg7[%mul3A_70] : memref<30000xf32, #tpu.memory_space<vmem>>[vector<16xi32>], vector<16xf32>,
        %sub3A_72 = arith.subf %gather3A, %gather3A_71 : vector<16xf32>
        %swap3A = arith.index_cast %mul3A_57 : i32 to index
        %swap3A_73 = tpu.vector_load %arg9[%swap3A] {strides = array<i32>} : memref<2560xf32, #tpu.memory_space<vmem>>, vector<16xf32>,
        tpu.vector_store %arg9[%swap3A], %sub3A_72 {strides = array<i32>} : memref<2560xf32, #tpu.memory_space<vmem>>, vector<16xf32>,
        %add3A_74 = arith.constant 1 : i32
        %add3A_75 = vector.broadcast %add3A_74 : i32 to vector<16xi32>
        %add3A_76 = arith.addi %mul3A_63, %add3A_75 : vector<16xi32>
        %gather3A_77 = tpu.vector_load_idx %arg7[%add3A_76] : memref<30000xf32, #tpu.memory_space<vmem>>[vector<16xi32>], vector<16xf32>,
        %add3A_78 = arith.constant 1 : i32
        %add3A_79 = vector.broadcast %add3A_78 : i32 to vector<16xi32>
        %add3A_80 = arith.addi %mul3A_70, %add3A_79 : vector<16xi32>
        %gather3A_81 = tpu.vector_load_idx %arg7[%add3A_80] : memref<30000xf32, #tpu.memory_space<vmem>>[vector<16xi32>], vector<16xf32>,
        %sub3A_82 = arith.subf %gather3A_77, %gather3A_81 : vector<16xf32>
        %swap3A_83 = arith.index_cast %mul3A_57 : i32 to index
        %swap3A_84 = tpu.vector_load %arg10[%swap3A_83] {strides = array<i32>} : memref<2560xf32, #tpu.memory_space<vmem>>, vector<16xf32>,
        tpu.vector_store %arg10[%swap3A_83], %sub3A_82 {strides = array<i32>} : memref<2560xf32, #tpu.memory_space<vmem>>, vector<16xf32>,
        %add3A_85 = arith.constant 2 : i32
        %add3A_86 = vector.broadcast %add3A_85 : i32 to vector<16xi32>
        %add3A_87 = arith.addi %mul3A_63, %add3A_86 : vector<16xi32>
        %gather3A_88 = tpu.vector_load_idx %arg7[%add3A_87] : memref<30000xf32, #tpu.memory_space<vmem>>[vector<16xi32>], vector<16xf32>,
        %add3A_89 = arith.constant 2 : i32
        %add3A_90 = vector.broadcast %add3A_89 : i32 to vector<16xi32>
        %add3A_91 = arith.addi %mul3A_70, %add3A_90 : vector<16xi32>
        %gather3A_92 = tpu.vector_load_idx %arg7[%add3A_91] : memref<30000xf32, #tpu.memory_space<vmem>>[vector<16xi32>], vector<16xf32>,
        %sub3A_93 = arith.subf %gather3A_88, %gather3A_92 : vector<16xf32>
        %swap3A_94 = arith.index_cast %mul3A_57 : i32 to index
        %swap3A_95 = tpu.vector_load %arg11[%swap3A_94] {strides = array<i32>} : memref<2560xf32, #tpu.memory_space<vmem>>, vector<16xf32>,
        tpu.vector_store %arg11[%swap3A_94], %sub3A_93 {strides = array<i32>} : memref<2560xf32, #tpu.memory_space<vmem>>, vector<16xf32>,
        %mul3A_96 = arith.constant 5 : i32
        %mul3A_97 = arith.muli %scan3A_50, %mul3A_96 : i32
        %add3A_98 = arith.constant 1 : i32
        %add3A_99 = arith.addi %mul3A_97, %add3A_98 : i32
        %mul3A_100 = arith.constant 16 : i32
        %mul3A_101 = arith.muli %add3A_99, %mul3A_100 : i32
        %get3A_102 = arith.constant 0 : i32
        %get3A_103 = arith.index_cast %get3A_102 : i32 to index
        %get3A_104 = arith.index_cast %mul3A_101 : i32 to index
        %get3A_105 = tpu.vector_load %arg8[%get3A_103, %get3A_104] {strides = array<i32>} : memref<2x2560xi32, #tpu.memory_space<vmem>>, vector<16xi32>,
        %mul3A_106 = arith.constant 3 : i32
        %mul3A_107 = vector.broadcast %mul3A_106 : i32 to vector<16xi32>
        %mul3A_108 = arith.muli %get3A_105, %mul3A_107 : vector<16xi32>
        %get3A_109 = arith.constant 1 : i32
        %get3A_110 = arith.index_cast %get3A_109 : i32 to index
        %get3A_111 = arith.index_cast %mul3A_101 : i32 to index
        %get3A_112 = tpu.vector_load %arg8[%get3A_110, %get3A_111] {strides = array<i32>} : memref<2x2560xi32, #tpu.memory_space<vmem>>, vector<16xi32>,
        %mul3A_113 = arith.constant 3 : i32
        %mul3A_114 = vector.broadcast %mul3A_113 : i32 to vector<16xi32>
        %mul3A_115 = arith.muli %get3A_112, %mul3A_114 : vector<16xi32>
        %gather3A_116 = tpu.vector_load_idx %arg7[%mul3A_108] : memref<30000xf32, #tpu.memory_space<vmem>>[vector<16xi32>], vector<16xf32>,
        %gather3A_117 = tpu.vector_load_idx %arg7[%mul3A_115] : memref<30000xf32, #tpu.memory_space<vmem>>[vector<16xi32>], vector<16xf32>,
        %sub3A_118 = arith.subf %gather3A_116, %gather3A_117 : vector<16xf32>
        %swap3A_119 = arith.index_cast %mul3A_101 : i32 to index
        %swap3A_120 = tpu.vector_load %arg9[%swap3A_119] {strides = array<i32>} : memref<2560xf32, #tpu.memory_space<vmem>>, vector<16xf32>,
        tpu.vector_store %arg9[%swap3A_119], %sub3A_118 {strides = array<i32>} : memref<2560xf32, #tpu.memory_space<vmem>>, vector<16xf32>,
        %add3A_121 = arith.constant 1 : i32
        %add3A_122 = vector.broadcast %add3A_121 : i32 to vector<16xi32>
        %add3A_123 = arith.addi %mul3A_108, %add3A_122 : vector<16xi32>
        %gather3A_124 = tpu.vector_load_idx %arg7[%add3A_123] : memref<30000xf32, #tpu.memory_space<vmem>>[vector<16xi32>], vector<16xf32>,
        %add3A_125 = arith.constant 1 : i32
        %add3A_126 = vector.broadcast %add3A_125 : i32 to vector<16xi32>
        %add3A_127 = arith.addi %mul3A_115, %add3A_126 : vector<16xi32>
        %gather3A_128 = tpu.vector_load_idx %arg7[%add3A_127] : memref<30000xf32, #tpu.memory_space<vmem>>[vector<16xi32>], vector<16xf32>,
        %sub3A_129 = arith.subf %gather3A_124, %gather3A_128 : vector<16xf32>
        %swap3A_130 = arith.index_cast %mul3A_101 : i32 to index
        %swap3A_131 = tpu.vector_load %arg10[%swap3A_130] {strides = array<i32>} : memref<2560xf32, #tpu.memory_space<vmem>>, vector<16xf32>,
        tpu.vector_store %arg10[%swap3A_130], %sub3A_129 {strides = array<i32>} : memref<2560xf32, #tpu.memory_space<vmem>>, vector<16xf32>,
        %add3A_132 = arith.constant 2 : i32
        %add3A_133 = vector.broadcast %add3A_132 : i32 to vector<16xi32>
        %add3A_134 = arith.addi %mul3A_108, %add3A_133 : vector<16xi32>
        %gather3A_135 = tpu.vector_load_idx %arg7[%add3A_134] : memref<30000xf32, #tpu.memory_space<vmem>>[vector<16xi32>], vector<16xf32>,
        %add3A_136 = arith.constant 2 : i32
        %add3A_137 = vector.broadcast %add3A_136 : i32 to vector<16xi32>
        %add3A_138 = arith.addi %mul3A_115, %add3A_137 : vector<16xi32>
        %gather3A_139 = tpu.vector_load_idx %arg7[%add3A_138] : memref<30000xf32, #tpu.memory_space<vmem>>[vector<16xi32>], vector<16xf32>,
        %sub3A_140 = arith.subf %gather3A_135, %gather3A_139 : vector<16xf32>
        %swap3A_141 = arith.index_cast %mul3A_101 : i32 to index
        %swap3A_142 = tpu.vector_load %arg11[%swap3A_141] {strides = array<i32>} : memref<2560xf32, #tpu.memory_space<vmem>>, vector<16xf32>,
        tpu.vector_store %arg11[%swap3A_141], %sub3A_140 {strides = array<i32>} : memref<2560xf32, #tpu.memory_space<vmem>>, vector<16xf32>,
        %mul3A_143 = arith.constant 5 : i32
        %mul3A_144 = arith.muli %scan3A_50, %mul3A_143 : i32
        %add3A_145 = arith.constant 2 : i32
        %add3A_146 = arith.addi %mul3A_144, %add3A_145 : i32
        %mul3A_147 = arith.constant 16 : i32
        %mul3A_148 = arith.muli %add3A_146, %mul3A_147 : i32
        %get3A_149 = arith.constant 0 : i32
        %get3A_150 = arith.index_cast %get3A_149 : i32 to index
        %get3A_151 = arith.index_cast %mul3A_148 : i32 to index
        %get3A_152 = tpu.vector_load %arg8[%get3A_150, %get3A_151] {strides = array<i32>} : memref<2x2560xi32, #tpu.memory_space<vmem>>, vector<16xi32>,
        %mul3A_153 = arith.constant 3 : i32
        %mul3A_154 = vector.broadcast %mul3A_153 : i32 to vector<16xi32>
        %mul3A_155 = arith.muli %get3A_152, %mul3A_154 : vector<16xi32>
        %get3A_156 = arith.constant 1 : i32
        %get3A_157 = arith.index_cast %get3A_156 : i32 to index
        %get3A_158 = arith.index_cast %mul3A_148 : i32 to index
        %get3A_159 = tpu.vector_load %arg8[%get3A_157, %get3A_158] {strides = array<i32>} : memref<2x2560xi32, #tpu.memory_space<vmem>>, vector<16xi32>,
        %mul3A_160 = arith.constant 3 : i32
        %mul3A_161 = vector.broadcast %mul3A_160 : i32 to vector<16xi32>
        %mul3A_162 = arith.muli %get3A_159, %mul3A_161 : vector<16xi32>
        %gather3A_163 = tpu.vector_load_idx %arg7[%mul3A_155] : memref<30000xf32, #tpu.memory_space<vmem>>[vector<16xi32>], vector<16xf32>,
        %gather3A_164 = tpu.vector_load_idx %arg7[%mul3A_162] : memref<30000xf32, #tpu.memory_space<vmem>>[vector<16xi32>], vector<16xf32>,
        %sub3A_165 = arith.subf %gather3A_163, %gather3A_164 : vector<16xf32>
        %swap3A_166 = arith.index_cast %mul3A_148 : i32 to index
        %swap3A_167 = tpu.vector_load %arg9[%swap3A_166] {strides = array<i32>} : memref<2560xf32, #tpu.memory_space<vmem>>, vector<16xf32>,
        tpu.vector_store %arg9[%swap3A_166], %sub3A_165 {strides = array<i32>} : memref<2560xf32, #tpu.memory_space<vmem>>, vector<16xf32>,
        %add3A_168 = arith.constant 1 : i32
        %add3A_169 = vector.broadcast %add3A_168 : i32 to vector<16xi32>
        %add3A_170 = arith.addi %mul3A_155, %add3A_169 : vector<16xi32>
        %gather3A_171 = tpu.vector_load_idx %arg7[%add3A_170] : memref<30000xf32, #tpu.memory_space<vmem>>[vector<16xi32>], vector<16xf32>,
        %add3A_172 = arith.constant 1 : i32
        %add3A_173 = vector.broadcast %add3A_172 : i32 to vector<16xi32>
        %add3A_174 = arith.addi %mul3A_162, %add3A_173 : vector<16xi32>
        %gather3A_175 = tpu.vector_load_idx %arg7[%add3A_174] : memref<30000xf32, #tpu.memory_space<vmem>>[vector<16xi32>], vector<16xf32>,
        %sub3A_176 = arith.subf %gather3A_171, %gather3A_175 : vector<16xf32>
        %swap3A_177 = arith.index_cast %mul3A_148 : i32 to index
        %swap3A_178 = tpu.vector_load %arg10[%swap3A_177] {strides = array<i32>} : memref<2560xf32, #tpu.memory_space<vmem>>, vector<16xf32>,
        tpu.vector_store %arg10[%swap3A_177], %sub3A_176 {strides = array<i32>} : memref<2560xf32, #tpu.memory_space<vmem>>, vector<16xf32>,
        %add3A_179 = arith.constant 2 : i32
        %add3A_180 = vector.broadcast %add3A_179 : i32 to vector<16xi32>
        %add3A_181 = arith.addi %mul3A_155, %add3A_180 : vector<16xi32>
        %gather3A_182 = tpu.vector_load_idx %arg7[%add3A_181] : memref<30000xf32, #tpu.memory_space<vmem>>[vector<16xi32>], vector<16xf32>,
        %add3A_183 = arith.constant 2 : i32
        %add3A_184 = vector.broadcast %add3A_183 : i32 to vector<16xi32>
        %add3A_185 = arith.addi %mul3A_162, %add3A_184 : vector<16xi32>
        %gather3A_186 = tpu.vector_load_idx %arg7[%add3A_185] : memref<30000xf32, #tpu.memory_space<vmem>>[vector<16xi32>], vector<16xf32>,
        %sub3A_187 = arith.subf %gather3A_182, %gather3A_186 : vector<16xf32>
        %swap3A_188 = arith.index_cast %mul3A_148 : i32 to index
        %swap3A_189 = tpu.vector_load %arg11[%swap3A_188] {strides = array<i32>} : memref<2560xf32, #tpu.memory_space<vmem>>, vector<16xf32>,
        tpu.vector_store %arg11[%swap3A_188], %sub3A_187 {strides = array<i32>} : memref<2560xf32, #tpu.memory_space<vmem>>, vector<16xf32>,
        %mul3A_190 = arith.constant 5 : i32
        %mul3A_191 = arith.muli %scan3A_50, %mul3A_190 : i32
        %add3A_192 = arith.constant 3 : i32
        %add3A_193 = arith.addi %mul3A_191, %add3A_192 : i32
        %mul3A_194 = arith.constant 16 : i32
        %mul3A_195 = arith.muli %add3A_193, %mul3A_194 : i32
        %get3A_196 = arith.constant 0 : i32
        %get3A_197 = arith.index_cast %get3A_196 : i32 to index
        %get3A_198 = arith.index_cast %mul3A_195 : i32 to index
        %get3A_199 = tpu.vector_load %arg8[%get3A_197, %get3A_198] {strides = array<i32>} : memref<2x2560xi32, #tpu.memory_space<vmem>>, vector<16xi32>,
        %mul3A_200 = arith.constant 3 : i32
        %mul3A_201 = vector.broadcast %mul3A_200 : i32 to vector<16xi32>
        %mul3A_202 = arith.muli %get3A_199, %mul3A_201 : vector<16xi32>
        %get3A_203 = arith.constant 1 : i32
        %get3A_204 = arith.index_cast %get3A_203 : i32 to index
        %get3A_205 = arith.index_cast %mul3A_195 : i32 to index
        %get3A_206 = tpu.vector_load %arg8[%get3A_204, %get3A_205] {strides = array<i32>} : memref<2x2560xi32, #tpu.memory_space<vmem>>, vector<16xi32>,
        %mul3A_207 = arith.constant 3 : i32
        %mul3A_208 = vector.broadcast %mul3A_207 : i32 to vector<16xi32>
        %mul3A_209 = arith.muli %get3A_206, %mul3A_208 : vector<16xi32>
        %gather3A_210 = tpu.vector_load_idx %arg7[%mul3A_202] : memref<30000xf32, #tpu.memory_space<vmem>>[vector<16xi32>], vector<16xf32>,
        %gather3A_211 = tpu.vector_load_idx %arg7[%mul3A_209] : memref<30000xf32, #tpu.memory_space<vmem>>[vector<16xi32>], vector<16xf32>,
        %sub3A_212 = arith.subf %gather3A_210, %gather3A_211 : vector<16xf32>
        %swap3A_213 = arith.index_cast %mul3A_195 : i32 to index
        %swap3A_214 = tpu.vector_load %arg9[%swap3A_213] {strides = array<i32>} : memref<2560xf32, #tpu.memory_space<vmem>>, vector<16xf32>,
        tpu.vector_store %arg9[%swap3A_213], %sub3A_212 {strides = array<i32>} : memref<2560xf32, #tpu.memory_space<vmem>>, vector<16xf32>,
        %add3A_215 = arith.constant 1 : i32
        %add3A_216 = vector.broadcast %add3A_215 : i32 to vector<16xi32>
        %add3A_217 = arith.addi %mul3A_202, %add3A_216 : vector<16xi32>
        %gather3A_218 = tpu.vector_load_idx %arg7[%add3A_217] : memref<30000xf32, #tpu.memory_space<vmem>>[vector<16xi32>], vector<16xf32>,
        %add3A_219 = arith.constant 1 : i32
        %add3A_220 = vector.broadcast %add3A_219 : i32 to vector<16xi32>
        %add3A_221 = arith.addi %mul3A_209, %add3A_220 : vector<16xi32>
        %gather3A_222 = tpu.vector_load_idx %arg7[%add3A_221] : memref<30000xf32, #tpu.memory_space<vmem>>[vector<16xi32>], vector<16xf32>,
        %sub3A_223 = arith.subf %gather3A_218, %gather3A_222 : vector<16xf32>
        %swap3A_224 = arith.index_cast %mul3A_195 : i32 to index
        %swap3A_225 = tpu.vector_load %arg10[%swap3A_224] {strides = array<i32>} : memref<2560xf32, #tpu.memory_space<vmem>>, vector<16xf32>,
        tpu.vector_store %arg10[%swap3A_224], %sub3A_223 {strides = array<i32>} : memref<2560xf32, #tpu.memory_space<vmem>>, vector<16xf32>,
        %add3A_226 = arith.constant 2 : i32
        %add3A_227 = vector.broadcast %add3A_226 : i32 to vector<16xi32>
        %add3A_228 = arith.addi %mul3A_202, %add3A_227 : vector<16xi32>
        %gather3A_229 = tpu.vector_load_idx %arg7[%add3A_228] : memref<30000xf32, #tpu.memory_space<vmem>>[vector<16xi32>], vector<16xf32>,
        %add3A_230 = arith.constant 2 : i32
        %add3A_231 = vector.broadcast %add3A_230 : i32 to vector<16xi32>
        %add3A_232 = arith.addi %mul3A_209, %add3A_231 : vector<16xi32>
        %gather3A_233 = tpu.vector_load_idx %arg7[%add3A_232] : memref<30000xf32, #tpu.memory_space<vmem>>[vector<16xi32>], vector<16xf32>,
        %sub3A_234 = arith.subf %gather3A_229, %gather3A_233 : vector<16xf32>
        %swap3A_235 = arith.index_cast %mul3A_195 : i32 to index
        %swap3A_236 = tpu.vector_load %arg11[%swap3A_235] {strides = array<i32>} : memref<2560xf32, #tpu.memory_space<vmem>>, vector<16xf32>,
        tpu.vector_store %arg11[%swap3A_235], %sub3A_234 {strides = array<i32>} : memref<2560xf32, #tpu.memory_space<vmem>>, vector<16xf32>,
        %mul3A_237 = arith.constant 5 : i32
        %mul3A_238 = arith.muli %scan3A_50, %mul3A_237 : i32
        %add3A_239 = arith.constant 4 : i32
        %add3A_240 = arith.addi %mul3A_238, %add3A_239 : i32
        %mul3A_241 = arith.constant 16 : i32
        %mul3A_242 = arith.muli %add3A_240, %mul3A_241 : i32
        %get3A_243 = arith.constant 0 : i32
        %get3A_244 = arith.index_cast %get3A_243 : i32 to index
        %get3A_245 = arith.index_cast %mul3A_242 : i32 to index
        %get3A_246 = tpu.vector_load %arg8[%get3A_244, %get3A_245] {strides = array<i32>} : memref<2x2560xi32, #tpu.memory_space<vmem>>, vector<16xi32>,
        %mul3A_247 = arith.constant 3 : i32
        %mul3A_248 = vector.broadcast %mul3A_247 : i32 to vector<16xi32>
        %mul3A_249 = arith.muli %get3A_246, %mul3A_248 : vector<16xi32>
        %get3A_250 = arith.constant 1 : i32
        %get3A_251 = arith.index_cast %get3A_250 : i32 to index
        %get3A_252 = arith.index_cast %mul3A_242 : i32 to index
        %get3A_253 = tpu.vector_load %arg8[%get3A_251, %get3A_252] {strides = array<i32>} : memref<2x2560xi32, #tpu.memory_space<vmem>>, vector<16xi32>,
        %mul3A_254 = arith.constant 3 : i32
        %mul3A_255 = vector.broadcast %mul3A_254 : i32 to vector<16xi32>
        %mul3A_256 = arith.muli %get3A_253, %mul3A_255 : vector<16xi32>
        %gather3A_257 = tpu.vector_load_idx %arg7[%mul3A_249] : memref<30000xf32, #tpu.memory_space<vmem>>[vector<16xi32>], vector<16xf32>,
        %gather3A_258 = tpu.vector_load_idx %arg7[%mul3A_256] : memref<30000xf32, #tpu.memory_space<vmem>>[vector<16xi32>], vector<16xf32>,
        %sub3A_259 = arith.subf %gather3A_257, %gather3A_258 : vector<16xf32>
        %swap3A_260 = arith.index_cast %mul3A_242 : i32 to index
        %swap3A_261 = tpu.vector_load %arg9[%swap3A_260] {strides = array<i32>} : memref<2560xf32, #tpu.memory_space<vmem>>, vector<16xf32>,
        tpu.vector_store %arg9[%swap3A_260], %sub3A_259 {strides = array<i32>} : memref<2560xf32, #tpu.memory_space<vmem>>, vector<16xf32>,
        %add3A_262 = arith.constant 1 : i32
        %add3A_263 = vector.broadcast %add3A_262 : i32 to vector<16xi32>
        %add3A_264 = arith.addi %mul3A_249, %add3A_263 : vector<16xi32>
        %gather3A_265 = tpu.vector_load_idx %arg7[%add3A_264] : memref<30000xf32, #tpu.memory_space<vmem>>[vector<16xi32>], vector<16xf32>,
        %add3A_266 = arith.constant 1 : i32
        %add3A_267 = vector.broadcast %add3A_266 : i32 to vector<16xi32>
        %add3A_268 = arith.addi %mul3A_256, %add3A_267 : vector<16xi32>
        %gather3A_269 = tpu.vector_load_idx %arg7[%add3A_268] : memref<30000xf32, #tpu.memory_space<vmem>>[vector<16xi32>], vector<16xf32>,
        %sub3A_270 = arith.subf %gather3A_265, %gather3A_269 : vector<16xf32>
        %swap3A_271 = arith.index_cast %mul3A_242 : i32 to index
        %swap3A_272 = tpu.vector_load %arg10[%swap3A_271] {strides = array<i32>} : memref<2560xf32, #tpu.memory_space<vmem>>, vector<16xf32>,
        tpu.vector_store %arg10[%swap3A_271], %sub3A_270 {strides = array<i32>} : memref<2560xf32, #tpu.memory_space<vmem>>, vector<16xf32>,
        %add3A_273 = arith.constant 2 : i32
        %add3A_274 = vector.broadcast %add3A_273 : i32 to vector<16xi32>
        %add3A_275 = arith.addi %mul3A_249, %add3A_274 : vector<16xi32>
        %gather3A_276 = tpu.vector_load_idx %arg7[%add3A_275] : memref<30000xf32, #tpu.memory_space<vmem>>[vector<16xi32>], vector<16xf32>,
        %add3A_277 = arith.constant 2 : i32
        %add3A_278 = vector.broadcast %add3A_277 : i32 to vector<16xi32>
        %add3A_279 = arith.addi %mul3A_256, %add3A_278 : vector<16xi32>
        %gather3A_280 = tpu.vector_load_idx %arg7[%add3A_279] : memref<30000xf32, #tpu.memory_space<vmem>>[vector<16xi32>], vector<16xf32>,
        %sub3A_281 = arith.subf %gather3A_276, %gather3A_280 : vector<16xf32>
        %swap3A_282 = arith.index_cast %mul3A_242 : i32 to index
        %swap3A_283 = tpu.vector_load %arg11[%swap3A_282] {strides = array<i32>} : memref<2560xf32, #tpu.memory_space<vmem>>, vector<16xf32>,
        tpu.vector_store %arg11[%swap3A_282], %sub3A_281 {strides = array<i32>} : memref<2560xf32, #tpu.memory_space<vmem>>, vector<16xf32>,
        %scan3A_284 = arith.constant 0 : i32
        scf.yield %scan3A_284 : i32
      }
      %scan3A_48 = arith.constant 32 : i32
      "tpu.region"() ({
        %run_scoped3A = tpu.sem_alloc : memref<!tpu.dma_semaphore, #tpu.memory_space<semaphore_mem>>
        %dma_start3A = tpu.memref_slice %arg4[%mul3A_42] : memref<320000xf32, #tpu.memory_space<hbm>> -> memref<2560xf32, #tpu.memory_space<hbm>>
        %dma_start3A_50 = tpu.memref_slice %arg4[%mul3A_42] : memref<320000xf32, #tpu.memory_space<hbm>> -> memref<2560xf32, #tpu.memory_space<hbm>>
        tpu.enqueue_dma source(%arg9 : memref<2560xf32, #tpu.memory_space<vmem>>) target(%dma_start3A_50 : memref<2560xf32, #tpu.memory_space<hbm>>) target_semaphore(%run_scoped3A : memref<!tpu.dma_semaphore, #tpu.memory_space<semaphore_mem>>)
        %dma_wait3A = tpu.memref_slice %arg4[%mul3A_42] : memref<320000xf32, #tpu.memory_space<hbm>> -> memref<2560xf32, #tpu.memory_space<hbm>>
        %dma_wait3A_51 = tpu.memref_slice %arg4[%mul3A_42] : memref<320000xf32, #tpu.memory_space<hbm>> -> memref<2560xf32, #tpu.memory_space<hbm>>
        tpu.wait_dma2 semaphore(%run_scoped3A : memref<!tpu.dma_semaphore, #tpu.memory_space<semaphore_mem>>) src(%arg9 : memref<2560xf32, #tpu.memory_space<vmem>>) dst(%dma_wait3A_51 : memref<2560xf32, #tpu.memory_space<hbm>>)
        tpu.yield
      }) : () -> ()
      "tpu.region"() ({
        %run_scoped3A = tpu.sem_alloc : memref<!tpu.dma_semaphore, #tpu.memory_space<semaphore_mem>>
        %dma_start3A = tpu.memref_slice %arg5[%mul3A_42] : memref<320000xf32, #tpu.memory_space<hbm>> -> memref<2560xf32, #tpu.memory_space<hbm>>
        %dma_start3A_50 = tpu.memref_slice %arg5[%mul3A_42] : memref<320000xf32, #tpu.memory_space<hbm>> -> memref<2560xf32, #tpu.memory_space<hbm>>
        tpu.enqueue_dma source(%arg10 : memref<2560xf32, #tpu.memory_space<vmem>>) target(%dma_start3A_50 : memref<2560xf32, #tpu.memory_space<hbm>>) target_semaphore(%run_scoped3A : memref<!tpu.dma_semaphore, #tpu.memory_space<semaphore_mem>>)
        %dma_wait3A = tpu.memref_slice %arg5[%mul3A_42] : memref<320000xf32, #tpu.memory_space<hbm>> -> memref<2560xf32, #tpu.memory_space<hbm>>
        %dma_wait3A_51 = tpu.memref_slice %arg5[%mul3A_42] : memref<320000xf32, #tpu.memory_space<hbm>> -> memref<2560xf32, #tpu.memory_space<hbm>>
        tpu.wait_dma2 semaphore(%run_scoped3A : memref<!tpu.dma_semaphore, #tpu.memory_space<semaphore_mem>>) src(%arg10 : memref<2560xf32, #tpu.memory_space<vmem>>) dst(%dma_wait3A_51 : memref<2560xf32, #tpu.memory_space<hbm>>)
        tpu.yield
      }) : () -> ()
      "tpu.region"() ({
        %run_scoped3A = tpu.sem_alloc : memref<!tpu.dma_semaphore, #tpu.memory_space<semaphore_mem>>
        %dma_start3A = tpu.memref_slice %arg6[%mul3A_42] : memref<320000xf32, #tpu.memory_space<hbm>> -> memref<2560xf32, #tpu.memory_space<hbm>>
        %dma_start3A_50 = tpu.memref_slice %arg6[%mul3A_42] : memref<320000xf32, #tpu.memory_space<hbm>> -> memref<2560xf32, #tpu.memory_space<hbm>>
        tpu.enqueue_dma source(%arg11 : memref<2560xf32, #tpu.memory_space<vmem>>) target(%dma_start3A_50 : memref<2560xf32, #tpu.memory_space<hbm>>) target_semaphore(%run_scoped3A : memref<!tpu.dma_semaphore, #tpu.memory_space<semaphore_mem>>)
        %dma_wait3A = tpu.memref_slice %arg6[%mul3A_42] : memref<320000xf32, #tpu.memory_space<hbm>> -> memref<2560xf32, #tpu.memory_space<hbm>>
        %dma_wait3A_51 = tpu.memref_slice %arg6[%mul3A_42] : memref<320000xf32, #tpu.memory_space<hbm>> -> memref<2560xf32, #tpu.memory_space<hbm>>
        tpu.wait_dma2 semaphore(%run_scoped3A : memref<!tpu.dma_semaphore, #tpu.memory_space<semaphore_mem>>) src(%arg11 : memref<2560xf32, #tpu.memory_space<vmem>>) dst(%dma_wait3A_51 : memref<2560xf32, #tpu.memory_space<hbm>>)
        tpu.yield
      }) : () -> ()
      %while3A_49 = arith.constant 0 : i32
      scf.yield %while3A_49 : i32
    }
    %while3A_32 = arith.constant 1 : i32
    %while3A_33 = scf.for %while3A_34 = %while3A_29 to %while3A_25 step %while3A_32 iter_args(%while3A_35 = %while3A_31) -> (i32)  : i32 {
      %add3A_36 = arith.constant 64 : i32
      %add3A_37 = arith.addi %add3A_36, %add3A : i32
      %mul3A_38 = arith.constant 32 : i32
      %mul3A_39 = arith.muli %while3A_34, %mul3A_38 : i32
      %add3A_40 = arith.addi %add3A_37, %mul3A_39 : i32
      %mul3A_41 = arith.constant 2560 : i32
      %mul3A_42 = arith.muli %add3A_40, %mul3A_41 : i32
      "tpu.region"() ({
        %run_scoped3A = tpu.sem_alloc : memref<!tpu.dma_semaphore, #tpu.memory_space<semaphore_mem>>
        %dma_start3A = arith.constant 0 : i32
        %dma_start3A_50 = tpu.memref_slice %arg3[%dma_start3A, %mul3A_42] : memref<2x320000xi32, #tpu.memory_space<hbm>> -> memref<2x2560xi32, #tpu.memory_space<hbm>>
        %dma_start3A_51 = arith.constant 0 : i32
        %dma_start3A_52 = tpu.memref_slice %arg3[%dma_start3A_51, %mul3A_42] : memref<2x320000xi32, #tpu.memory_space<hbm>> -> memref<2x2560xi32, #tpu.memory_space<hbm>>
        tpu.enqueue_dma source(%dma_start3A_52 : memref<2x2560xi32, #tpu.memory_space<hbm>>) target(%arg8 : memref<2x2560xi32, #tpu.memory_space<vmem>>) target_semaphore(%run_scoped3A : memref<!tpu.dma_semaphore, #tpu.memory_space<semaphore_mem>>)
        %dma_wait3A = arith.constant 0 : i32
        %dma_wait3A_53 = tpu.memref_slice %arg3[%dma_wait3A, %mul3A_42] : memref<2x320000xi32, #tpu.memory_space<hbm>> -> memref<2x2560xi32, #tpu.memory_space<hbm>>
        %dma_wait3A_54 = arith.constant 0 : i32
        %dma_wait3A_55 = tpu.memref_slice %arg3[%dma_wait3A_54, %mul3A_42] : memref<2x320000xi32, #tpu.memory_space<hbm>> -> memref<2x2560xi32, #tpu.memory_space<hbm>>
        tpu.wait_dma2 semaphore(%run_scoped3A : memref<!tpu.dma_semaphore, #tpu.memory_space<semaphore_mem>>) src(%dma_wait3A_55 : memref<2x2560xi32, #tpu.memory_space<hbm>>) dst(%arg8 : memref<2x2560xi32, #tpu.memory_space<vmem>>)
        tpu.yield
      }) : () -> ()
      %scan3A = arith.constant 0 : i32
      %scan3A_43 = arith.constant 0 : i32
      %scan3A_44 = arith.constant 32 : i32
      %scan3A_45 = arith.addi %scan3A_43, %scan3A_44 : i32
      %scan3A_46 = arith.constant 1 : i32
      %scan3A_47 = scf.for %scan3A_50 = %scan3A_43 to %scan3A_45 step %scan3A_46 iter_args(%scan3A_51 = %scan3A) -> (i32)  : i32 {
        %mul3A_52 = arith.constant 5 : i32
        %mul3A_53 = arith.muli %scan3A_50, %mul3A_52 : i32
        %add3A_54 = arith.constant 0 : i32
        %add3A_55 = arith.addi %mul3A_53, %add3A_54 : i32
        %mul3A_56 = arith.constant 16 : i32
        %mul3A_57 = arith.muli %add3A_55, %mul3A_56 : i32
        %get3A = arith.constant 0 : i32
        %get3A_58 = arith.index_cast %get3A : i32 to index
        %get3A_59 = arith.index_cast %mul3A_57 : i32 to index
        %get3A_60 = tpu.vector_load %arg8[%get3A_58, %get3A_59] {strides = array<i32>} : memref<2x2560xi32, #tpu.memory_space<vmem>>, vector<16xi32>,
        %mul3A_61 = arith.constant 3 : i32
        %mul3A_62 = vector.broadcast %mul3A_61 : i32 to vector<16xi32>
        %mul3A_63 = arith.muli %get3A_60, %mul3A_62 : vector<16xi32>
        %get3A_64 = arith.constant 1 : i32
        %get3A_65 = arith.index_cast %get3A_64 : i32 to index
        %get3A_66 = arith.index_cast %mul3A_57 : i32 to index
        %get3A_67 = tpu.vector_load %arg8[%get3A_65, %get3A_66] {strides = array<i32>} : memref<2x2560xi32, #tpu.memory_space<vmem>>, vector<16xi32>,
        %mul3A_68 = arith.constant 3 : i32
        %mul3A_69 = vector.broadcast %mul3A_68 : i32 to vector<16xi32>
        %mul3A_70 = arith.muli %get3A_67, %mul3A_69 : vector<16xi32>
        %gather3A = tpu.vector_load_idx %arg7[%mul3A_63] : memref<30000xf32, #tpu.memory_space<vmem>>[vector<16xi32>], vector<16xf32>,
        %gather3A_71 = tpu.vector_load_idx %arg7[%mul3A_70] : memref<30000xf32, #tpu.memory_space<vmem>>[vector<16xi32>], vector<16xf32>,
        %sub3A_72 = arith.subf %gather3A, %gather3A_71 : vector<16xf32>
        %swap3A = arith.index_cast %mul3A_57 : i32 to index
        %swap3A_73 = tpu.vector_load %arg9[%swap3A] {strides = array<i32>} : memref<2560xf32, #tpu.memory_space<vmem>>, vector<16xf32>,
        tpu.vector_store %arg9[%swap3A], %sub3A_72 {strides = array<i32>} : memref<2560xf32, #tpu.memory_space<vmem>>, vector<16xf32>,
        %add3A_74 = arith.constant 1 : i32
        %add3A_75 = vector.broadcast %add3A_74 : i32 to vector<16xi32>
        %add3A_76 = arith.addi %mul3A_63, %add3A_75 : vector<16xi32>
        %gather3A_77 = tpu.vector_load_idx %arg7[%add3A_76] : memref<30000xf32, #tpu.memory_space<vmem>>[vector<16xi32>], vector<16xf32>,
        %add3A_78 = arith.constant 1 : i32
        %add3A_79 = vector.broadcast %add3A_78 : i32 to vector<16xi32>
        %add3A_80 = arith.addi %mul3A_70, %add3A_79 : vector<16xi32>
        %gather3A_81 = tpu.vector_load_idx %arg7[%add3A_80] : memref<30000xf32, #tpu.memory_space<vmem>>[vector<16xi32>], vector<16xf32>,
        %sub3A_82 = arith.subf %gather3A_77, %gather3A_81 : vector<16xf32>
        %swap3A_83 = arith.index_cast %mul3A_57 : i32 to index
        %swap3A_84 = tpu.vector_load %arg10[%swap3A_83] {strides = array<i32>} : memref<2560xf32, #tpu.memory_space<vmem>>, vector<16xf32>,
        tpu.vector_store %arg10[%swap3A_83], %sub3A_82 {strides = array<i32>} : memref<2560xf32, #tpu.memory_space<vmem>>, vector<16xf32>,
        %add3A_85 = arith.constant 2 : i32
        %add3A_86 = vector.broadcast %add3A_85 : i32 to vector<16xi32>
        %add3A_87 = arith.addi %mul3A_63, %add3A_86 : vector<16xi32>
        %gather3A_88 = tpu.vector_load_idx %arg7[%add3A_87] : memref<30000xf32, #tpu.memory_space<vmem>>[vector<16xi32>], vector<16xf32>,
        %add3A_89 = arith.constant 2 : i32
        %add3A_90 = vector.broadcast %add3A_89 : i32 to vector<16xi32>
        %add3A_91 = arith.addi %mul3A_70, %add3A_90 : vector<16xi32>
        %gather3A_92 = tpu.vector_load_idx %arg7[%add3A_91] : memref<30000xf32, #tpu.memory_space<vmem>>[vector<16xi32>], vector<16xf32>,
        %sub3A_93 = arith.subf %gather3A_88, %gather3A_92 : vector<16xf32>
        %swap3A_94 = arith.index_cast %mul3A_57 : i32 to index
        %swap3A_95 = tpu.vector_load %arg11[%swap3A_94] {strides = array<i32>} : memref<2560xf32, #tpu.memory_space<vmem>>, vector<16xf32>,
        tpu.vector_store %arg11[%swap3A_94], %sub3A_93 {strides = array<i32>} : memref<2560xf32, #tpu.memory_space<vmem>>, vector<16xf32>,
        %mul3A_96 = arith.constant 5 : i32
        %mul3A_97 = arith.muli %scan3A_50, %mul3A_96 : i32
        %add3A_98 = arith.constant 1 : i32
        %add3A_99 = arith.addi %mul3A_97, %add3A_98 : i32
        %mul3A_100 = arith.constant 16 : i32
        %mul3A_101 = arith.muli %add3A_99, %mul3A_100 : i32
        %get3A_102 = arith.constant 0 : i32
        %get3A_103 = arith.index_cast %get3A_102 : i32 to index
        %get3A_104 = arith.index_cast %mul3A_101 : i32 to index
        %get3A_105 = tpu.vector_load %arg8[%get3A_103, %get3A_104] {strides = array<i32>} : memref<2x2560xi32, #tpu.memory_space<vmem>>, vector<16xi32>,
        %mul3A_106 = arith.constant 3 : i32
        %mul3A_107 = vector.broadcast %mul3A_106 : i32 to vector<16xi32>
        %mul3A_108 = arith.muli %get3A_105, %mul3A_107 : vector<16xi32>
        %get3A_109 = arith.constant 1 : i32
        %get3A_110 = arith.index_cast %get3A_109 : i32 to index
        %get3A_111 = arith.index_cast %mul3A_101 : i32 to index
        %get3A_112 = tpu.vector_load %arg8[%get3A_110, %get3A_111] {strides = array<i32>} : memref<2x2560xi32, #tpu.memory_space<vmem>>, vector<16xi32>,
        %mul3A_113 = arith.constant 3 : i32
        %mul3A_114 = vector.broadcast %mul3A_113 : i32 to vector<16xi32>
        %mul3A_115 = arith.muli %get3A_112, %mul3A_114 : vector<16xi32>
        %gather3A_116 = tpu.vector_load_idx %arg7[%mul3A_108] : memref<30000xf32, #tpu.memory_space<vmem>>[vector<16xi32>], vector<16xf32>,
        %gather3A_117 = tpu.vector_load_idx %arg7[%mul3A_115] : memref<30000xf32, #tpu.memory_space<vmem>>[vector<16xi32>], vector<16xf32>,
        %sub3A_118 = arith.subf %gather3A_116, %gather3A_117 : vector<16xf32>
        %swap3A_119 = arith.index_cast %mul3A_101 : i32 to index
        %swap3A_120 = tpu.vector_load %arg9[%swap3A_119] {strides = array<i32>} : memref<2560xf32, #tpu.memory_space<vmem>>, vector<16xf32>,
        tpu.vector_store %arg9[%swap3A_119], %sub3A_118 {strides = array<i32>} : memref<2560xf32, #tpu.memory_space<vmem>>, vector<16xf32>,
        %add3A_121 = arith.constant 1 : i32
        %add3A_122 = vector.broadcast %add3A_121 : i32 to vector<16xi32>
        %add3A_123 = arith.addi %mul3A_108, %add3A_122 : vector<16xi32>
        %gather3A_124 = tpu.vector_load_idx %arg7[%add3A_123] : memref<30000xf32, #tpu.memory_space<vmem>>[vector<16xi32>], vector<16xf32>,
        %add3A_125 = arith.constant 1 : i32
        %add3A_126 = vector.broadcast %add3A_125 : i32 to vector<16xi32>
        %add3A_127 = arith.addi %mul3A_115, %add3A_126 : vector<16xi32>
        %gather3A_128 = tpu.vector_load_idx %arg7[%add3A_127] : memref<30000xf32, #tpu.memory_space<vmem>>[vector<16xi32>], vector<16xf32>,
        %sub3A_129 = arith.subf %gather3A_124, %gather3A_128 : vector<16xf32>
        %swap3A_130 = arith.index_cast %mul3A_101 : i32 to index
        %swap3A_131 = tpu.vector_load %arg10[%swap3A_130] {strides = array<i32>} : memref<2560xf32, #tpu.memory_space<vmem>>, vector<16xf32>,
        tpu.vector_store %arg10[%swap3A_130], %sub3A_129 {strides = array<i32>} : memref<2560xf32, #tpu.memory_space<vmem>>, vector<16xf32>,
        %add3A_132 = arith.constant 2 : i32
        %add3A_133 = vector.broadcast %add3A_132 : i32 to vector<16xi32>
        %add3A_134 = arith.addi %mul3A_108, %add3A_133 : vector<16xi32>
        %gather3A_135 = tpu.vector_load_idx %arg7[%add3A_134] : memref<30000xf32, #tpu.memory_space<vmem>>[vector<16xi32>], vector<16xf32>,
        %add3A_136 = arith.constant 2 : i32
        %add3A_137 = vector.broadcast %add3A_136 : i32 to vector<16xi32>
        %add3A_138 = arith.addi %mul3A_115, %add3A_137 : vector<16xi32>
        %gather3A_139 = tpu.vector_load_idx %arg7[%add3A_138] : memref<30000xf32, #tpu.memory_space<vmem>>[vector<16xi32>], vector<16xf32>,
        %sub3A_140 = arith.subf %gather3A_135, %gather3A_139 : vector<16xf32>
        %swap3A_141 = arith.index_cast %mul3A_101 : i32 to index
        %swap3A_142 = tpu.vector_load %arg11[%swap3A_141] {strides = array<i32>} : memref<2560xf32, #tpu.memory_space<vmem>>, vector<16xf32>,
        tpu.vector_store %arg11[%swap3A_141], %sub3A_140 {strides = array<i32>} : memref<2560xf32, #tpu.memory_space<vmem>>, vector<16xf32>,
        %mul3A_143 = arith.constant 5 : i32
        %mul3A_144 = arith.muli %scan3A_50, %mul3A_143 : i32
        %add3A_145 = arith.constant 2 : i32
        %add3A_146 = arith.addi %mul3A_144, %add3A_145 : i32
        %mul3A_147 = arith.constant 16 : i32
        %mul3A_148 = arith.muli %add3A_146, %mul3A_147 : i32
        %get3A_149 = arith.constant 0 : i32
        %get3A_150 = arith.index_cast %get3A_149 : i32 to index
        %get3A_151 = arith.index_cast %mul3A_148 : i32 to index
        %get3A_152 = tpu.vector_load %arg8[%get3A_150, %get3A_151] {strides = array<i32>} : memref<2x2560xi32, #tpu.memory_space<vmem>>, vector<16xi32>,
        %mul3A_153 = arith.constant 3 : i32
        %mul3A_154 = vector.broadcast %mul3A_153 : i32 to vector<16xi32>
        %mul3A_155 = arith.muli %get3A_152, %mul3A_154 : vector<16xi32>
        %get3A_156 = arith.constant 1 : i32
        %get3A_157 = arith.index_cast %get3A_156 : i32 to index
        %get3A_158 = arith.index_cast %mul3A_148 : i32 to index
        %get3A_159 = tpu.vector_load %arg8[%get3A_157, %get3A_158] {strides = array<i32>} : memref<2x2560xi32, #tpu.memory_space<vmem>>, vector<16xi32>,
        %mul3A_160 = arith.constant 3 : i32
        %mul3A_161 = vector.broadcast %mul3A_160 : i32 to vector<16xi32>
        %mul3A_162 = arith.muli %get3A_159, %mul3A_161 : vector<16xi32>
        %gather3A_163 = tpu.vector_load_idx %arg7[%mul3A_155] : memref<30000xf32, #tpu.memory_space<vmem>>[vector<16xi32>], vector<16xf32>,
        %gather3A_164 = tpu.vector_load_idx %arg7[%mul3A_162] : memref<30000xf32, #tpu.memory_space<vmem>>[vector<16xi32>], vector<16xf32>,
        %sub3A_165 = arith.subf %gather3A_163, %gather3A_164 : vector<16xf32>
        %swap3A_166 = arith.index_cast %mul3A_148 : i32 to index
        %swap3A_167 = tpu.vector_load %arg9[%swap3A_166] {strides = array<i32>} : memref<2560xf32, #tpu.memory_space<vmem>>, vector<16xf32>,
        tpu.vector_store %arg9[%swap3A_166], %sub3A_165 {strides = array<i32>} : memref<2560xf32, #tpu.memory_space<vmem>>, vector<16xf32>,
        %add3A_168 = arith.constant 1 : i32
        %add3A_169 = vector.broadcast %add3A_168 : i32 to vector<16xi32>
        %add3A_170 = arith.addi %mul3A_155, %add3A_169 : vector<16xi32>
        %gather3A_171 = tpu.vector_load_idx %arg7[%add3A_170] : memref<30000xf32, #tpu.memory_space<vmem>>[vector<16xi32>], vector<16xf32>,
        %add3A_172 = arith.constant 1 : i32
        %add3A_173 = vector.broadcast %add3A_172 : i32 to vector<16xi32>
        %add3A_174 = arith.addi %mul3A_162, %add3A_173 : vector<16xi32>
        %gather3A_175 = tpu.vector_load_idx %arg7[%add3A_174] : memref<30000xf32, #tpu.memory_space<vmem>>[vector<16xi32>], vector<16xf32>,
        %sub3A_176 = arith.subf %gather3A_171, %gather3A_175 : vector<16xf32>
        %swap3A_177 = arith.index_cast %mul3A_148 : i32 to index
        %swap3A_178 = tpu.vector_load %arg10[%swap3A_177] {strides = array<i32>} : memref<2560xf32, #tpu.memory_space<vmem>>, vector<16xf32>,
        tpu.vector_store %arg10[%swap3A_177], %sub3A_176 {strides = array<i32>} : memref<2560xf32, #tpu.memory_space<vmem>>, vector<16xf32>,
        %add3A_179 = arith.constant 2 : i32
        %add3A_180 = vector.broadcast %add3A_179 : i32 to vector<16xi32>
        %add3A_181 = arith.addi %mul3A_155, %add3A_180 : vector<16xi32>
        %gather3A_182 = tpu.vector_load_idx %arg7[%add3A_181] : memref<30000xf32, #tpu.memory_space<vmem>>[vector<16xi32>], vector<16xf32>,
        %add3A_183 = arith.constant 2 : i32
        %add3A_184 = vector.broadcast %add3A_183 : i32 to vector<16xi32>
        %add3A_185 = arith.addi %mul3A_162, %add3A_184 : vector<16xi32>
        %gather3A_186 = tpu.vector_load_idx %arg7[%add3A_185] : memref<30000xf32, #tpu.memory_space<vmem>>[vector<16xi32>], vector<16xf32>,
        %sub3A_187 = arith.subf %gather3A_182, %gather3A_186 : vector<16xf32>
        %swap3A_188 = arith.index_cast %mul3A_148 : i32 to index
        %swap3A_189 = tpu.vector_load %arg11[%swap3A_188] {strides = array<i32>} : memref<2560xf32, #tpu.memory_space<vmem>>, vector<16xf32>,
        tpu.vector_store %arg11[%swap3A_188], %sub3A_187 {strides = array<i32>} : memref<2560xf32, #tpu.memory_space<vmem>>, vector<16xf32>,
        %mul3A_190 = arith.constant 5 : i32
        %mul3A_191 = arith.muli %scan3A_50, %mul3A_190 : i32
        %add3A_192 = arith.constant 3 : i32
        %add3A_193 = arith.addi %mul3A_191, %add3A_192 : i32
        %mul3A_194 = arith.constant 16 : i32
        %mul3A_195 = arith.muli %add3A_193, %mul3A_194 : i32
        %get3A_196 = arith.constant 0 : i32
        %get3A_197 = arith.index_cast %get3A_196 : i32 to index
        %get3A_198 = arith.index_cast %mul3A_195 : i32 to index
        %get3A_199 = tpu.vector_load %arg8[%get3A_197, %get3A_198] {strides = array<i32>} : memref<2x2560xi32, #tpu.memory_space<vmem>>, vector<16xi32>,
        %mul3A_200 = arith.constant 3 : i32
        %mul3A_201 = vector.broadcast %mul3A_200 : i32 to vector<16xi32>
        %mul3A_202 = arith.muli %get3A_199, %mul3A_201 : vector<16xi32>
        %get3A_203 = arith.constant 1 : i32
        %get3A_204 = arith.index_cast %get3A_203 : i32 to index
        %get3A_205 = arith.index_cast %mul3A_195 : i32 to index
        %get3A_206 = tpu.vector_load %arg8[%get3A_204, %get3A_205] {strides = array<i32>} : memref<2x2560xi32, #tpu.memory_space<vmem>>, vector<16xi32>,
        %mul3A_207 = arith.constant 3 : i32
        %mul3A_208 = vector.broadcast %mul3A_207 : i32 to vector<16xi32>
        %mul3A_209 = arith.muli %get3A_206, %mul3A_208 : vector<16xi32>
        %gather3A_210 = tpu.vector_load_idx %arg7[%mul3A_202] : memref<30000xf32, #tpu.memory_space<vmem>>[vector<16xi32>], vector<16xf32>,
        %gather3A_211 = tpu.vector_load_idx %arg7[%mul3A_209] : memref<30000xf32, #tpu.memory_space<vmem>>[vector<16xi32>], vector<16xf32>,
        %sub3A_212 = arith.subf %gather3A_210, %gather3A_211 : vector<16xf32>
        %swap3A_213 = arith.index_cast %mul3A_195 : i32 to index
        %swap3A_214 = tpu.vector_load %arg9[%swap3A_213] {strides = array<i32>} : memref<2560xf32, #tpu.memory_space<vmem>>, vector<16xf32>,
        tpu.vector_store %arg9[%swap3A_213], %sub3A_212 {strides = array<i32>} : memref<2560xf32, #tpu.memory_space<vmem>>, vector<16xf32>,
        %add3A_215 = arith.constant 1 : i32
        %add3A_216 = vector.broadcast %add3A_215 : i32 to vector<16xi32>
        %add3A_217 = arith.addi %mul3A_202, %add3A_216 : vector<16xi32>
        %gather3A_218 = tpu.vector_load_idx %arg7[%add3A_217] : memref<30000xf32, #tpu.memory_space<vmem>>[vector<16xi32>], vector<16xf32>,
        %add3A_219 = arith.constant 1 : i32
        %add3A_220 = vector.broadcast %add3A_219 : i32 to vector<16xi32>
        %add3A_221 = arith.addi %mul3A_209, %add3A_220 : vector<16xi32>
        %gather3A_222 = tpu.vector_load_idx %arg7[%add3A_221] : memref<30000xf32, #tpu.memory_space<vmem>>[vector<16xi32>], vector<16xf32>,
        %sub3A_223 = arith.subf %gather3A_218, %gather3A_222 : vector<16xf32>
        %swap3A_224 = arith.index_cast %mul3A_195 : i32 to index
        %swap3A_225 = tpu.vector_load %arg10[%swap3A_224] {strides = array<i32>} : memref<2560xf32, #tpu.memory_space<vmem>>, vector<16xf32>,
        tpu.vector_store %arg10[%swap3A_224], %sub3A_223 {strides = array<i32>} : memref<2560xf32, #tpu.memory_space<vmem>>, vector<16xf32>,
        %add3A_226 = arith.constant 2 : i32
        %add3A_227 = vector.broadcast %add3A_226 : i32 to vector<16xi32>
        %add3A_228 = arith.addi %mul3A_202, %add3A_227 : vector<16xi32>
        %gather3A_229 = tpu.vector_load_idx %arg7[%add3A_228] : memref<30000xf32, #tpu.memory_space<vmem>>[vector<16xi32>], vector<16xf32>,
        %add3A_230 = arith.constant 2 : i32
        %add3A_231 = vector.broadcast %add3A_230 : i32 to vector<16xi32>
        %add3A_232 = arith.addi %mul3A_209, %add3A_231 : vector<16xi32>
        %gather3A_233 = tpu.vector_load_idx %arg7[%add3A_232] : memref<30000xf32, #tpu.memory_space<vmem>>[vector<16xi32>], vector<16xf32>,
        %sub3A_234 = arith.subf %gather3A_229, %gather3A_233 : vector<16xf32>
        %swap3A_235 = arith.index_cast %mul3A_195 : i32 to index
        %swap3A_236 = tpu.vector_load %arg11[%swap3A_235] {strides = array<i32>} : memref<2560xf32, #tpu.memory_space<vmem>>, vector<16xf32>,
        tpu.vector_store %arg11[%swap3A_235], %sub3A_234 {strides = array<i32>} : memref<2560xf32, #tpu.memory_space<vmem>>, vector<16xf32>,
        %mul3A_237 = arith.constant 5 : i32
        %mul3A_238 = arith.muli %scan3A_50, %mul3A_237 : i32
        %add3A_239 = arith.constant 4 : i32
        %add3A_240 = arith.addi %mul3A_238, %add3A_239 : i32
        %mul3A_241 = arith.constant 16 : i32
        %mul3A_242 = arith.muli %add3A_240, %mul3A_241 : i32
        %get3A_243 = arith.constant 0 : i32
        %get3A_244 = arith.index_cast %get3A_243 : i32 to index
        %get3A_245 = arith.index_cast %mul3A_242 : i32 to index
        %get3A_246 = tpu.vector_load %arg8[%get3A_244, %get3A_245] {strides = array<i32>} : memref<2x2560xi32, #tpu.memory_space<vmem>>, vector<16xi32>,
        %mul3A_247 = arith.constant 3 : i32
        %mul3A_248 = vector.broadcast %mul3A_247 : i32 to vector<16xi32>
        %mul3A_249 = arith.muli %get3A_246, %mul3A_248 : vector<16xi32>
        %get3A_250 = arith.constant 1 : i32
        %get3A_251 = arith.index_cast %get3A_250 : i32 to index
        %get3A_252 = arith.index_cast %mul3A_242 : i32 to index
        %get3A_253 = tpu.vector_load %arg8[%get3A_251, %get3A_252] {strides = array<i32>} : memref<2x2560xi32, #tpu.memory_space<vmem>>, vector<16xi32>,
        %mul3A_254 = arith.constant 3 : i32
        %mul3A_255 = vector.broadcast %mul3A_254 : i32 to vector<16xi32>
        %mul3A_256 = arith.muli %get3A_253, %mul3A_255 : vector<16xi32>
        %gather3A_257 = tpu.vector_load_idx %arg7[%mul3A_249] : memref<30000xf32, #tpu.memory_space<vmem>>[vector<16xi32>], vector<16xf32>,
        %gather3A_258 = tpu.vector_load_idx %arg7[%mul3A_256] : memref<30000xf32, #tpu.memory_space<vmem>>[vector<16xi32>], vector<16xf32>,
        %sub3A_259 = arith.subf %gather3A_257, %gather3A_258 : vector<16xf32>
        %swap3A_260 = arith.index_cast %mul3A_242 : i32 to index
        %swap3A_261 = tpu.vector_load %arg9[%swap3A_260] {strides = array<i32>} : memref<2560xf32, #tpu.memory_space<vmem>>, vector<16xf32>,
        tpu.vector_store %arg9[%swap3A_260], %sub3A_259 {strides = array<i32>} : memref<2560xf32, #tpu.memory_space<vmem>>, vector<16xf32>,
        %add3A_262 = arith.constant 1 : i32
        %add3A_263 = vector.broadcast %add3A_262 : i32 to vector<16xi32>
        %add3A_264 = arith.addi %mul3A_249, %add3A_263 : vector<16xi32>
        %gather3A_265 = tpu.vector_load_idx %arg7[%add3A_264] : memref<30000xf32, #tpu.memory_space<vmem>>[vector<16xi32>], vector<16xf32>,
        %add3A_266 = arith.constant 1 : i32
        %add3A_267 = vector.broadcast %add3A_266 : i32 to vector<16xi32>
        %add3A_268 = arith.addi %mul3A_256, %add3A_267 : vector<16xi32>
        %gather3A_269 = tpu.vector_load_idx %arg7[%add3A_268] : memref<30000xf32, #tpu.memory_space<vmem>>[vector<16xi32>], vector<16xf32>,
        %sub3A_270 = arith.subf %gather3A_265, %gather3A_269 : vector<16xf32>
        %swap3A_271 = arith.index_cast %mul3A_242 : i32 to index
        %swap3A_272 = tpu.vector_load %arg10[%swap3A_271] {strides = array<i32>} : memref<2560xf32, #tpu.memory_space<vmem>>, vector<16xf32>,
        tpu.vector_store %arg10[%swap3A_271], %sub3A_270 {strides = array<i32>} : memref<2560xf32, #tpu.memory_space<vmem>>, vector<16xf32>,
        %add3A_273 = arith.constant 2 : i32
        %add3A_274 = vector.broadcast %add3A_273 : i32 to vector<16xi32>
        %add3A_275 = arith.addi %mul3A_249, %add3A_274 : vector<16xi32>
        %gather3A_276 = tpu.vector_load_idx %arg7[%add3A_275] : memref<30000xf32, #tpu.memory_space<vmem>>[vector<16xi32>], vector<16xf32>,
        %add3A_277 = arith.constant 2 : i32
        %add3A_278 = vector.broadcast %add3A_277 : i32 to vector<16xi32>
        %add3A_279 = arith.addi %mul3A_256, %add3A_278 : vector<16xi32>
        %gather3A_280 = tpu.vector_load_idx %arg7[%add3A_279] : memref<30000xf32, #tpu.memory_space<vmem>>[vector<16xi32>], vector<16xf32>,
        %sub3A_281 = arith.subf %gather3A_276, %gather3A_280 : vector<16xf32>
        %swap3A_282 = arith.index_cast %mul3A_242 : i32 to index
        %swap3A_283 = tpu.vector_load %arg11[%swap3A_282] {strides = array<i32>} : memref<2560xf32, #tpu.memory_space<vmem>>, vector<16xf32>,
        tpu.vector_store %arg11[%swap3A_282], %sub3A_281 {strides = array<i32>} : memref<2560xf32, #tpu.memory_space<vmem>>, vector<16xf32>,
        %scan3A_284 = arith.constant 0 : i32
        scf.yield %scan3A_284 : i32
      }
      %scan3A_48 = arith.constant 32 : i32
      "tpu.region"() ({
        %run_scoped3A = tpu.sem_alloc : memref<!tpu.dma_semaphore, #tpu.memory_space<semaphore_mem>>
        %dma_start3A = tpu.memref_slice %arg4[%mul3A_42] : memref<320000xf32, #tpu.memory_space<hbm>> -> memref<2560xf32, #tpu.memory_space<hbm>>
        %dma_start3A_50 = tpu.memref_slice %arg4[%mul3A_42] : memref<320000xf32, #tpu.memory_space<hbm>> -> memref<2560xf32, #tpu.memory_space<hbm>>
        tpu.enqueue_dma source(%arg9 : memref<2560xf32, #tpu.memory_space<vmem>>) target(%dma_start3A_50 : memref<2560xf32, #tpu.memory_space<hbm>>) target_semaphore(%run_scoped3A : memref<!tpu.dma_semaphore, #tpu.memory_space<semaphore_mem>>)
        %dma_wait3A = tpu.memref_slice %arg4[%mul3A_42] : memref<320000xf32, #tpu.memory_space<hbm>> -> memref<2560xf32, #tpu.memory_space<hbm>>
        %dma_wait3A_51 = tpu.memref_slice %arg4[%mul3A_42] : memref<320000xf32, #tpu.memory_space<hbm>> -> memref<2560xf32, #tpu.memory_space<hbm>>
        tpu.wait_dma2 semaphore(%run_scoped3A : memref<!tpu.dma_semaphore, #tpu.memory_space<semaphore_mem>>) src(%arg9 : memref<2560xf32, #tpu.memory_space<vmem>>) dst(%dma_wait3A_51 : memref<2560xf32, #tpu.memory_space<hbm>>)
        tpu.yield
      }) : () -> ()
      "tpu.region"() ({
        %run_scoped3A = tpu.sem_alloc : memref<!tpu.dma_semaphore, #tpu.memory_space<semaphore_mem>>
        %dma_start3A = tpu.memref_slice %arg5[%mul3A_42] : memref<320000xf32, #tpu.memory_space<hbm>> -> memref<2560xf32, #tpu.memory_space<hbm>>
        %dma_start3A_50 = tpu.memref_slice %arg5[%mul3A_42] : memref<320000xf32, #tpu.memory_space<hbm>> -> memref<2560xf32, #tpu.memory_space<hbm>>
        tpu.enqueue_dma source(%arg10 : memref<2560xf32, #tpu.memory_space<vmem>>) target(%dma_start3A_50 : memref<2560xf32, #tpu.memory_space<hbm>>) target_semaphore(%run_scoped3A : memref<!tpu.dma_semaphore, #tpu.memory_space<semaphore_mem>>)
        %dma_wait3A = tpu.memref_slice %arg5[%mul3A_42] : memref<320000xf32, #tpu.memory_space<hbm>> -> memref<2560xf32, #tpu.memory_space<hbm>>
        %dma_wait3A_51 = tpu.memref_slice %arg5[%mul3A_42] : memref<320000xf32, #tpu.memory_space<hbm>> -> memref<2560xf32, #tpu.memory_space<hbm>>
        tpu.wait_dma2 semaphore(%run_scoped3A : memref<!tpu.dma_semaphore, #tpu.memory_space<semaphore_mem>>) src(%arg10 : memref<2560xf32, #tpu.memory_space<vmem>>) dst(%dma_wait3A_51 : memref<2560xf32, #tpu.memory_space<hbm>>)
        tpu.yield
      }) : () -> ()
      "tpu.region"() ({
        %run_scoped3A = tpu.sem_alloc : memref<!tpu.dma_semaphore, #tpu.memory_space<semaphore_mem>>
        %dma_start3A = tpu.memref_slice %arg6[%mul3A_42] : memref<320000xf32, #tpu.memory_space<hbm>> -> memref<2560xf32, #tpu.memory_space<hbm>>
        %dma_start3A_50 = tpu.memref_slice %arg6[%mul3A_42] : memref<320000xf32, #tpu.memory_space<hbm>> -> memref<2560xf32, #tpu.memory_space<hbm>>
        tpu.enqueue_dma source(%arg11 : memref<2560xf32, #tpu.memory_space<vmem>>) target(%dma_start3A_50 : memref<2560xf32, #tpu.memory_space<hbm>>) target_semaphore(%run_scoped3A : memref<!tpu.dma_semaphore, #tpu.memory_space<semaphore_mem>>)
        %dma_wait3A = tpu.memref_slice %arg6[%mul3A_42] : memref<320000xf32, #tpu.memory_space<hbm>> -> memref<2560xf32, #tpu.memory_space<hbm>>
        %dma_wait3A_51 = tpu.memref_slice %arg6[%mul3A_42] : memref<320000xf32, #tpu.memory_space<hbm>> -> memref<2560xf32, #tpu.memory_space<hbm>>
        tpu.wait_dma2 semaphore(%run_scoped3A : memref<!tpu.dma_semaphore, #tpu.memory_space<semaphore_mem>>) src(%arg11 : memref<2560xf32, #tpu.memory_space<vmem>>) dst(%dma_wait3A_51 : memref<2560xf32, #tpu.memory_space<hbm>>)
        tpu.yield
      }) : () -> ()
      %while3A_49 = arith.constant 0 : i32
      scf.yield %while3A_49 : i32
    }
    return
  }
}

#map = affine_map<(d0, d1) -> (0)>
#map1 = affine_map<(d0, d1) -> (0, 0)>
module attributes {stable_mosaic.version = 14 : i64} {
  func.func @k(%arg0: i32, %arg1: i32, %arg2: memref<30000xf32, #tpu.memory_space<hbm>>, %arg3: memref<2x320000xi32, #tpu.memory_space<hbm>>, %arg4: memref<320000xf32, #tpu.memory_space<hbm>>, %arg5: memref<320000xf32, #tpu.memory_space<hbm>>, %arg6: memref<320000xf32, #tpu.memory_space<hbm>>, %arg7: memref<32x30000xf32, #tpu.memory_space<hbm>>, %arg8: memref<30000xf32, #tpu.memory_space<vmem>>, %arg9: memref<30000xf32, #tpu.memory_space<vmem>>, %arg10: memref<2x2560xi32, #tpu.memory_space<vmem>>, %arg11: memref<2560xf32, #tpu.memory_space<vmem>>, %arg12: memref<2560xf32, #tpu.memory_space<vmem>>, %arg13: memref<2560xf32, #tpu.memory_space<vmem>>) attributes {dimension_semantics = [#tpu.dimension_semantics<core_parallel>, #tpu.dimension_semantics<subcore_parallel>], iteration_bounds = array<i64: 2, 16>, scalar_prefetch = 0 : i64, scratch_operands = 6 : i64, tpu.core_type = #tpu.core_type<sc_vector_subcore>, window_params = [{transform_indices = #map}, {transform_indices = #map1}, {transform_indices = #map}, {transform_indices = #map}, {transform_indices = #map}, {transform_indices = #map1}]} {
    %mul3A = arith.constant 2 : i32
    %mul3A_0 = arith.muli %arg1, %mul3A : i32
    %add3A = arith.addi %mul3A_0, %arg0 : i32
    "tpu.region"() ({
      %run_scoped3A = tpu.sem_alloc : memref<!tpu.dma_semaphore, #tpu.memory_space<semaphore_mem>>
      tpu.enqueue_dma source(%arg2 : memref<30000xf32, #tpu.memory_space<hbm>>) target(%arg8 : memref<30000xf32, #tpu.memory_space<vmem>>) target_semaphore(%run_scoped3A : memref<!tpu.dma_semaphore, #tpu.memory_space<semaphore_mem>>)
      tpu.wait_dma2 semaphore(%run_scoped3A : memref<!tpu.dma_semaphore, #tpu.memory_space<semaphore_mem>>) src(%arg2 : memref<30000xf32, #tpu.memory_space<hbm>>) dst(%arg8 : memref<30000xf32, #tpu.memory_space<vmem>>)
      tpu.yield
    }) : () -> ()
    %broadcast_in_dim3A = arith.constant 0.000000e+00 : f32
    %broadcast_in_dim3A_1 = vector.broadcast %broadcast_in_dim3A : f32 to vector<16xf32>
    %scan3A = arith.constant 0 : i32
    %scan3A_2 = arith.constant 0 : i32
    %scan3A_3 = arith.constant 1875 : i32
    %scan3A_4 = arith.addi %scan3A_2, %scan3A_3 : i32
    %scan3A_5 = arith.constant 1 : i32
    %scan3A_6 = scf.for %scan3A_41 = %scan3A_2 to %scan3A_4 step %scan3A_5 iter_args(%scan3A_42 = %scan3A) -> (i32)  : i32 {
      %mul3A_43 = arith.constant 16 : i32
      %mul3A_44 = arith.muli %scan3A_41, %mul3A_43 : i32
      %swap3A = arith.index_cast %mul3A_44 : i32 to index
      %swap3A_45 = tpu.vector_load %arg9[%swap3A] {strides = array<i32>} : memref<30000xf32, #tpu.memory_space<vmem>>, vector<16xf32>,
      tpu.vector_store %arg9[%swap3A], %broadcast_in_dim3A_1 {strides = array<i32>} : memref<30000xf32, #tpu.memory_space<vmem>>, vector<16xf32>,
      %scan3A_46 = arith.constant 0 : i32
      scf.yield %scan3A_46 : i32
    }
    %scan3A_7 = arith.constant 1875 : i32
    %sub3A = arith.constant 64 : i32
    %sub3A_8 = arith.subi %sub3A, %add3A : i32
    %add3A_9 = arith.constant 32 : i32
    %add3A_10 = arith.addi %sub3A_8, %add3A_9 : i32
    %sub3A_11 = arith.constant 1 : i32
    %sub3A_12 = arith.subi %add3A_10, %sub3A_11 : i32
    %jit3A = arith.constant 32 : i32
    %div3A = arith.divsi %sub3A_12, %jit3A : i32
    %sign3A = arith.constant 0 : i32
    %sign3A_13 = arith.cmpi sgt, %sub3A_12, %sign3A : i32
    %sign3A_14 = arith.extui %sign3A_13 : i1 to i32
    %sign3A_15 = arith.constant 0 : i32
    %sign3A_16 = arith.cmpi slt, %sub3A_12, %sign3A_15 : i32
    %sign3A_17 = arith.extui %sign3A_16 : i1 to i32
    %sign3A_18 = arith.subi %sign3A_14, %sign3A_17 : i32
    %sign3A_19 = arith.constant 0 : i32
    %sign3A_20 = arith.cmpi sgt, %jit3A, %sign3A_19 : i32
    %sign3A_21 = arith.extui %sign3A_20 : i1 to i32
    %sign3A_22 = arith.constant 0 : i32
    %sign3A_23 = arith.cmpi slt, %jit3A, %sign3A_22 : i32
    %sign3A_24 = arith.extui %sign3A_23 : i1 to i32
    %sign3A_25 = arith.subi %sign3A_21, %sign3A_24 : i32
    %ne3A = arith.cmpi ne, %sign3A_18, %sign3A_25 : i32
    %rem3A = arith.remsi %sub3A_12, %jit3A : i32
    %ne3A_26 = arith.constant 0 : i32
    %ne3A_27 = arith.cmpi ne, %rem3A, %ne3A_26 : i32
    %and3A = arith.andi %ne3A, %ne3A_27 : i1
    %sub3A_28 = arith.constant 1 : i32
    %sub3A_29 = arith.subi %div3A, %sub3A_28 : i32
    %select_n3A = arith.select %and3A, %sub3A_29, %div3A : i32
    %while3A = arith.constant 0 : i32
    %while3A_30 = arith.constant 0 : i32
    %while3A_31 = arith.subi %select_n3A, %while3A : i32
    %while3A_32 = arith.addi %while3A, %while3A_31 : i32
    %while3A_33 = arith.constant 1 : i32
    %while3A_34 = arith.divsi %while3A_31, %while3A_33 : i32
    %while3A_35 = arith.muli %while3A_34, %while3A_33 : i32
    %while3A_36 = arith.addi %while3A, %while3A_35 : i32
    %while3A_37 = arith.constant 1 : i32
    %while3A_38 = scf.for %while3A_41 = %while3A to %while3A_36 step %while3A_37 iter_args(%while3A_42 = %while3A_30) -> (i32)  : i32 {
      %add3A_43 = arith.constant 0 : i32
      %add3A_44 = arith.addi %add3A_43, %add3A : i32
      %mul3A_45 = arith.constant 32 : i32
      %mul3A_46 = arith.muli %while3A_41, %mul3A_45 : i32
      %add3A_47 = arith.addi %add3A_44, %mul3A_46 : i32
      %mul3A_48 = arith.constant 2560 : i32
      %mul3A_49 = arith.muli %add3A_47, %mul3A_48 : i32
      "tpu.region"() ({
        %run_scoped3A = tpu.sem_alloc : memref<!tpu.dma_semaphore, #tpu.memory_space<semaphore_mem>>
        %dma_start3A = arith.constant 0 : i32
        %dma_start3A_58 = tpu.memref_slice %arg3[%dma_start3A, %mul3A_49] : memref<2x320000xi32, #tpu.memory_space<hbm>> -> memref<2x2560xi32, #tpu.memory_space<hbm>>
        %dma_start3A_59 = arith.constant 0 : i32
        %dma_start3A_60 = tpu.memref_slice %arg3[%dma_start3A_59, %mul3A_49] : memref<2x320000xi32, #tpu.memory_space<hbm>> -> memref<2x2560xi32, #tpu.memory_space<hbm>>
        tpu.enqueue_dma source(%dma_start3A_60 : memref<2x2560xi32, #tpu.memory_space<hbm>>) target(%arg10 : memref<2x2560xi32, #tpu.memory_space<vmem>>) target_semaphore(%run_scoped3A : memref<!tpu.dma_semaphore, #tpu.memory_space<semaphore_mem>>)
        %dma_wait3A = arith.constant 0 : i32
        %dma_wait3A_61 = tpu.memref_slice %arg3[%dma_wait3A, %mul3A_49] : memref<2x320000xi32, #tpu.memory_space<hbm>> -> memref<2x2560xi32, #tpu.memory_space<hbm>>
        %dma_wait3A_62 = arith.constant 0 : i32
        %dma_wait3A_63 = tpu.memref_slice %arg3[%dma_wait3A_62, %mul3A_49] : memref<2x320000xi32, #tpu.memory_space<hbm>> -> memref<2x2560xi32, #tpu.memory_space<hbm>>
        tpu.wait_dma2 semaphore(%run_scoped3A : memref<!tpu.dma_semaphore, #tpu.memory_space<semaphore_mem>>) src(%dma_wait3A_63 : memref<2x2560xi32, #tpu.memory_space<hbm>>) dst(%arg10 : memref<2x2560xi32, #tpu.memory_space<vmem>>)
        tpu.yield
      }) : () -> ()
      "tpu.region"() ({
        %run_scoped3A = tpu.sem_alloc : memref<!tpu.dma_semaphore, #tpu.memory_space<semaphore_mem>>
        %dma_start3A = tpu.memref_slice %arg4[%mul3A_49] : memref<320000xf32, #tpu.memory_space<hbm>> -> memref<2560xf32, #tpu.memory_space<hbm>>
        %dma_start3A_58 = tpu.memref_slice %arg4[%mul3A_49] : memref<320000xf32, #tpu.memory_space<hbm>> -> memref<2560xf32, #tpu.memory_space<hbm>>
        tpu.enqueue_dma source(%dma_start3A_58 : memref<2560xf32, #tpu.memory_space<hbm>>) target(%arg11 : memref<2560xf32, #tpu.memory_space<vmem>>) target_semaphore(%run_scoped3A : memref<!tpu.dma_semaphore, #tpu.memory_space<semaphore_mem>>)
        %dma_wait3A = tpu.memref_slice %arg4[%mul3A_49] : memref<320000xf32, #tpu.memory_space<hbm>> -> memref<2560xf32, #tpu.memory_space<hbm>>
        %dma_wait3A_59 = tpu.memref_slice %arg4[%mul3A_49] : memref<320000xf32, #tpu.memory_space<hbm>> -> memref<2560xf32, #tpu.memory_space<hbm>>
        tpu.wait_dma2 semaphore(%run_scoped3A : memref<!tpu.dma_semaphore, #tpu.memory_space<semaphore_mem>>) src(%dma_wait3A_59 : memref<2560xf32, #tpu.memory_space<hbm>>) dst(%arg11 : memref<2560xf32, #tpu.memory_space<vmem>>)
        tpu.yield
      }) : () -> ()
      "tpu.region"() ({
        %run_scoped3A = tpu.sem_alloc : memref<!tpu.dma_semaphore, #tpu.memory_space<semaphore_mem>>
        %dma_start3A = tpu.memref_slice %arg5[%mul3A_49] : memref<320000xf32, #tpu.memory_space<hbm>> -> memref<2560xf32, #tpu.memory_space<hbm>>
        %dma_start3A_58 = tpu.memref_slice %arg5[%mul3A_49] : memref<320000xf32, #tpu.memory_space<hbm>> -> memref<2560xf32, #tpu.memory_space<hbm>>
        tpu.enqueue_dma source(%dma_start3A_58 : memref<2560xf32, #tpu.memory_space<hbm>>) target(%arg12 : memref<2560xf32, #tpu.memory_space<vmem>>) target_semaphore(%run_scoped3A : memref<!tpu.dma_semaphore, #tpu.memory_space<semaphore_mem>>)
        %dma_wait3A = tpu.memref_slice %arg5[%mul3A_49] : memref<320000xf32, #tpu.memory_space<hbm>> -> memref<2560xf32, #tpu.memory_space<hbm>>
        %dma_wait3A_59 = tpu.memref_slice %arg5[%mul3A_49] : memref<320000xf32, #tpu.memory_space<hbm>> -> memref<2560xf32, #tpu.memory_space<hbm>>
        tpu.wait_dma2 semaphore(%run_scoped3A : memref<!tpu.dma_semaphore, #tpu.memory_space<semaphore_mem>>) src(%dma_wait3A_59 : memref<2560xf32, #tpu.memory_space<hbm>>) dst(%arg12 : memref<2560xf32, #tpu.memory_space<vmem>>)
        tpu.yield
      }) : () -> ()
      "tpu.region"() ({
        %run_scoped3A = tpu.sem_alloc : memref<!tpu.dma_semaphore, #tpu.memory_space<semaphore_mem>>
        %dma_start3A = tpu.memref_slice %arg6[%mul3A_49] : memref<320000xf32, #tpu.memory_space<hbm>> -> memref<2560xf32, #tpu.memory_space<hbm>>
        %dma_start3A_58 = tpu.memref_slice %arg6[%mul3A_49] : memref<320000xf32, #tpu.memory_space<hbm>> -> memref<2560xf32, #tpu.memory_space<hbm>>
        tpu.enqueue_dma source(%dma_start3A_58 : memref<2560xf32, #tpu.memory_space<hbm>>) target(%arg13 : memref<2560xf32, #tpu.memory_space<vmem>>) target_semaphore(%run_scoped3A : memref<!tpu.dma_semaphore, #tpu.memory_space<semaphore_mem>>)
        %dma_wait3A = tpu.memref_slice %arg6[%mul3A_49] : memref<320000xf32, #tpu.memory_space<hbm>> -> memref<2560xf32, #tpu.memory_space<hbm>>
        %dma_wait3A_59 = tpu.memref_slice %arg6[%mul3A_49] : memref<320000xf32, #tpu.memory_space<hbm>> -> memref<2560xf32, #tpu.memory_space<hbm>>
        tpu.wait_dma2 semaphore(%run_scoped3A : memref<!tpu.dma_semaphore, #tpu.memory_space<semaphore_mem>>) src(%dma_wait3A_59 : memref<2560xf32, #tpu.memory_space<hbm>>) dst(%arg13 : memref<2560xf32, #tpu.memory_space<vmem>>)
        tpu.yield
      }) : () -> ()
      %scan3A_50 = arith.constant 0 : i32
      %scan3A_51 = arith.constant 0 : i32
      %scan3A_52 = arith.constant 32 : i32
      %scan3A_53 = arith.addi %scan3A_51, %scan3A_52 : i32
      %scan3A_54 = arith.constant 1 : i32
      %scan3A_55 = scf.for %scan3A_58 = %scan3A_51 to %scan3A_53 step %scan3A_54 iter_args(%scan3A_59 = %scan3A_50) -> (i32)  : i32 {
        %mul3A_60 = arith.constant 5 : i32
        %mul3A_61 = arith.muli %scan3A_58, %mul3A_60 : i32
        %add3A_62 = arith.constant 0 : i32
        %add3A_63 = arith.addi %mul3A_61, %add3A_62 : i32
        %mul3A_64 = arith.constant 16 : i32
        %mul3A_65 = arith.muli %add3A_63, %mul3A_64 : i32
        %get3A = arith.constant 0 : i32
        %get3A_66 = arith.index_cast %get3A : i32 to index
        %get3A_67 = arith.index_cast %mul3A_65 : i32 to index
        %get3A_68 = tpu.vector_load %arg10[%get3A_66, %get3A_67] {strides = array<i32>} : memref<2x2560xi32, #tpu.memory_space<vmem>>, vector<16xi32>,
        %get3A_69 = arith.constant 1 : i32
        %get3A_70 = arith.index_cast %get3A_69 : i32 to index
        %get3A_71 = arith.index_cast %mul3A_65 : i32 to index
        %get3A_72 = tpu.vector_load %arg10[%get3A_70, %get3A_71] {strides = array<i32>} : memref<2x2560xi32, #tpu.memory_space<vmem>>, vector<16xi32>,
        %gather3A = tpu.vector_load_idx %arg8[%get3A_68] : memref<30000xf32, #tpu.memory_space<vmem>>[vector<16xi32>], vector<16xf32>,
        %get3A_73 = arith.index_cast %mul3A_65 : i32 to index
        %get3A_74 = tpu.vector_load %arg11[%get3A_73] {strides = array<i32>} : memref<2560xf32, #tpu.memory_space<vmem>>, vector<16xf32>,
        %mul3A_75 = arith.mulf %gather3A, %get3A_74 : vector<16xf32>
        tpu.vector_store_idx %arg9[%get3A_72], %mul3A_75 {add = true} : memref<30000xf32, #tpu.memory_space<vmem>>[vector<16xi32>], vector<16xf32>,
        %add3A_76 = arith.constant 10000 : i32
        %add3A_77 = vector.broadcast %add3A_76 : i32 to vector<16xi32>
        %add3A_78 = arith.addi %get3A_68, %add3A_77 : vector<16xi32>
        %gather3A_79 = tpu.vector_load_idx %arg8[%add3A_78] : memref<30000xf32, #tpu.memory_space<vmem>>[vector<16xi32>], vector<16xf32>,
        %get3A_80 = arith.index_cast %mul3A_65 : i32 to index
        %get3A_81 = tpu.vector_load %arg12[%get3A_80] {strides = array<i32>} : memref<2560xf32, #tpu.memory_space<vmem>>, vector<16xf32>,
        %mul3A_82 = arith.mulf %gather3A_79, %get3A_81 : vector<16xf32>
        %add3A_83 = arith.constant 10000 : i32
        %add3A_84 = vector.broadcast %add3A_83 : i32 to vector<16xi32>
        %add3A_85 = arith.addi %get3A_72, %add3A_84 : vector<16xi32>
        tpu.vector_store_idx %arg9[%add3A_85], %mul3A_82 {add = true} : memref<30000xf32, #tpu.memory_space<vmem>>[vector<16xi32>], vector<16xf32>,
        %add3A_86 = arith.constant 20000 : i32
        %add3A_87 = vector.broadcast %add3A_86 : i32 to vector<16xi32>
        %add3A_88 = arith.addi %get3A_68, %add3A_87 : vector<16xi32>
        %gather3A_89 = tpu.vector_load_idx %arg8[%add3A_88] : memref<30000xf32, #tpu.memory_space<vmem>>[vector<16xi32>], vector<16xf32>,
        %get3A_90 = arith.index_cast %mul3A_65 : i32 to index
        %get3A_91 = tpu.vector_load %arg13[%get3A_90] {strides = array<i32>} : memref<2560xf32, #tpu.memory_space<vmem>>, vector<16xf32>,
        %mul3A_92 = arith.mulf %gather3A_89, %get3A_91 : vector<16xf32>
        %add3A_93 = arith.constant 20000 : i32
        %add3A_94 = vector.broadcast %add3A_93 : i32 to vector<16xi32>
        %add3A_95 = arith.addi %get3A_72, %add3A_94 : vector<16xi32>
        tpu.vector_store_idx %arg9[%add3A_95], %mul3A_92 {add = true} : memref<30000xf32, #tpu.memory_space<vmem>>[vector<16xi32>], vector<16xf32>,
        %mul3A_96 = arith.constant 5 : i32
        %mul3A_97 = arith.muli %scan3A_58, %mul3A_96 : i32
        %add3A_98 = arith.constant 1 : i32
        %add3A_99 = arith.addi %mul3A_97, %add3A_98 : i32
        %mul3A_100 = arith.constant 16 : i32
        %mul3A_101 = arith.muli %add3A_99, %mul3A_100 : i32
        %get3A_102 = arith.constant 0 : i32
        %get3A_103 = arith.index_cast %get3A_102 : i32 to index
        %get3A_104 = arith.index_cast %mul3A_101 : i32 to index
        %get3A_105 = tpu.vector_load %arg10[%get3A_103, %get3A_104] {strides = array<i32>} : memref<2x2560xi32, #tpu.memory_space<vmem>>, vector<16xi32>,
        %get3A_106 = arith.constant 1 : i32
        %get3A_107 = arith.index_cast %get3A_106 : i32 to index
        %get3A_108 = arith.index_cast %mul3A_101 : i32 to index
        %get3A_109 = tpu.vector_load %arg10[%get3A_107, %get3A_108] {strides = array<i32>} : memref<2x2560xi32, #tpu.memory_space<vmem>>, vector<16xi32>,
        %gather3A_110 = tpu.vector_load_idx %arg8[%get3A_105] : memref<30000xf32, #tpu.memory_space<vmem>>[vector<16xi32>], vector<16xf32>,
        %get3A_111 = arith.index_cast %mul3A_101 : i32 to index
        %get3A_112 = tpu.vector_load %arg11[%get3A_111] {strides = array<i32>} : memref<2560xf32, #tpu.memory_space<vmem>>, vector<16xf32>,
        %mul3A_113 = arith.mulf %gather3A_110, %get3A_112 : vector<16xf32>
        tpu.vector_store_idx %arg9[%get3A_109], %mul3A_113 {add = true} : memref<30000xf32, #tpu.memory_space<vmem>>[vector<16xi32>], vector<16xf32>,
        %add3A_114 = arith.constant 10000 : i32
        %add3A_115 = vector.broadcast %add3A_114 : i32 to vector<16xi32>
        %add3A_116 = arith.addi %get3A_105, %add3A_115 : vector<16xi32>
        %gather3A_117 = tpu.vector_load_idx %arg8[%add3A_116] : memref<30000xf32, #tpu.memory_space<vmem>>[vector<16xi32>], vector<16xf32>,
        %get3A_118 = arith.index_cast %mul3A_101 : i32 to index
        %get3A_119 = tpu.vector_load %arg12[%get3A_118] {strides = array<i32>} : memref<2560xf32, #tpu.memory_space<vmem>>, vector<16xf32>,
        %mul3A_120 = arith.mulf %gather3A_117, %get3A_119 : vector<16xf32>
        %add3A_121 = arith.constant 10000 : i32
        %add3A_122 = vector.broadcast %add3A_121 : i32 to vector<16xi32>
        %add3A_123 = arith.addi %get3A_109, %add3A_122 : vector<16xi32>
        tpu.vector_store_idx %arg9[%add3A_123], %mul3A_120 {add = true} : memref<30000xf32, #tpu.memory_space<vmem>>[vector<16xi32>], vector<16xf32>,
        %add3A_124 = arith.constant 20000 : i32
        %add3A_125 = vector.broadcast %add3A_124 : i32 to vector<16xi32>
        %add3A_126 = arith.addi %get3A_105, %add3A_125 : vector<16xi32>
        %gather3A_127 = tpu.vector_load_idx %arg8[%add3A_126] : memref<30000xf32, #tpu.memory_space<vmem>>[vector<16xi32>], vector<16xf32>,
        %get3A_128 = arith.index_cast %mul3A_101 : i32 to index
        %get3A_129 = tpu.vector_load %arg13[%get3A_128] {strides = array<i32>} : memref<2560xf32, #tpu.memory_space<vmem>>, vector<16xf32>,
        %mul3A_130 = arith.mulf %gather3A_127, %get3A_129 : vector<16xf32>
        %add3A_131 = arith.constant 20000 : i32
        %add3A_132 = vector.broadcast %add3A_131 : i32 to vector<16xi32>
        %add3A_133 = arith.addi %get3A_109, %add3A_132 : vector<16xi32>
        tpu.vector_store_idx %arg9[%add3A_133], %mul3A_130 {add = true} : memref<30000xf32, #tpu.memory_space<vmem>>[vector<16xi32>], vector<16xf32>,
        %mul3A_134 = arith.constant 5 : i32
        %mul3A_135 = arith.muli %scan3A_58, %mul3A_134 : i32
        %add3A_136 = arith.constant 2 : i32
        %add3A_137 = arith.addi %mul3A_135, %add3A_136 : i32
        %mul3A_138 = arith.constant 16 : i32
        %mul3A_139 = arith.muli %add3A_137, %mul3A_138 : i32
        %get3A_140 = arith.constant 0 : i32
        %get3A_141 = arith.index_cast %get3A_140 : i32 to index
        %get3A_142 = arith.index_cast %mul3A_139 : i32 to index
        %get3A_143 = tpu.vector_load %arg10[%get3A_141, %get3A_142] {strides = array<i32>} : memref<2x2560xi32, #tpu.memory_space<vmem>>, vector<16xi32>,
        %get3A_144 = arith.constant 1 : i32
        %get3A_145 = arith.index_cast %get3A_144 : i32 to index
        %get3A_146 = arith.index_cast %mul3A_139 : i32 to index
        %get3A_147 = tpu.vector_load %arg10[%get3A_145, %get3A_146] {strides = array<i32>} : memref<2x2560xi32, #tpu.memory_space<vmem>>, vector<16xi32>,
        %gather3A_148 = tpu.vector_load_idx %arg8[%get3A_143] : memref<30000xf32, #tpu.memory_space<vmem>>[vector<16xi32>], vector<16xf32>,
        %get3A_149 = arith.index_cast %mul3A_139 : i32 to index
        %get3A_150 = tpu.vector_load %arg11[%get3A_149] {strides = array<i32>} : memref<2560xf32, #tpu.memory_space<vmem>>, vector<16xf32>,
        %mul3A_151 = arith.mulf %gather3A_148, %get3A_150 : vector<16xf32>
        tpu.vector_store_idx %arg9[%get3A_147], %mul3A_151 {add = true} : memref<30000xf32, #tpu.memory_space<vmem>>[vector<16xi32>], vector<16xf32>,
        %add3A_152 = arith.constant 10000 : i32
        %add3A_153 = vector.broadcast %add3A_152 : i32 to vector<16xi32>
        %add3A_154 = arith.addi %get3A_143, %add3A_153 : vector<16xi32>
        %gather3A_155 = tpu.vector_load_idx %arg8[%add3A_154] : memref<30000xf32, #tpu.memory_space<vmem>>[vector<16xi32>], vector<16xf32>,
        %get3A_156 = arith.index_cast %mul3A_139 : i32 to index
        %get3A_157 = tpu.vector_load %arg12[%get3A_156] {strides = array<i32>} : memref<2560xf32, #tpu.memory_space<vmem>>, vector<16xf32>,
        %mul3A_158 = arith.mulf %gather3A_155, %get3A_157 : vector<16xf32>
        %add3A_159 = arith.constant 10000 : i32
        %add3A_160 = vector.broadcast %add3A_159 : i32 to vector<16xi32>
        %add3A_161 = arith.addi %get3A_147, %add3A_160 : vector<16xi32>
        tpu.vector_store_idx %arg9[%add3A_161], %mul3A_158 {add = true} : memref<30000xf32, #tpu.memory_space<vmem>>[vector<16xi32>], vector<16xf32>,
        %add3A_162 = arith.constant 20000 : i32
        %add3A_163 = vector.broadcast %add3A_162 : i32 to vector<16xi32>
        %add3A_164 = arith.addi %get3A_143, %add3A_163 : vector<16xi32>
        %gather3A_165 = tpu.vector_load_idx %arg8[%add3A_164] : memref<30000xf32, #tpu.memory_space<vmem>>[vector<16xi32>], vector<16xf32>,
        %get3A_166 = arith.index_cast %mul3A_139 : i32 to index
        %get3A_167 = tpu.vector_load %arg13[%get3A_166] {strides = array<i32>} : memref<2560xf32, #tpu.memory_space<vmem>>, vector<16xf32>,
        %mul3A_168 = arith.mulf %gather3A_165, %get3A_167 : vector<16xf32>
        %add3A_169 = arith.constant 20000 : i32
        %add3A_170 = vector.broadcast %add3A_169 : i32 to vector<16xi32>
        %add3A_171 = arith.addi %get3A_147, %add3A_170 : vector<16xi32>
        tpu.vector_store_idx %arg9[%add3A_171], %mul3A_168 {add = true} : memref<30000xf32, #tpu.memory_space<vmem>>[vector<16xi32>], vector<16xf32>,
        %mul3A_172 = arith.constant 5 : i32
        %mul3A_173 = arith.muli %scan3A_58, %mul3A_172 : i32
        %add3A_174 = arith.constant 3 : i32
        %add3A_175 = arith.addi %mul3A_173, %add3A_174 : i32
        %mul3A_176 = arith.constant 16 : i32
        %mul3A_177 = arith.muli %add3A_175, %mul3A_176 : i32
        %get3A_178 = arith.constant 0 : i32
        %get3A_179 = arith.index_cast %get3A_178 : i32 to index
        %get3A_180 = arith.index_cast %mul3A_177 : i32 to index
        %get3A_181 = tpu.vector_load %arg10[%get3A_179, %get3A_180] {strides = array<i32>} : memref<2x2560xi32, #tpu.memory_space<vmem>>, vector<16xi32>,
        %get3A_182 = arith.constant 1 : i32
        %get3A_183 = arith.index_cast %get3A_182 : i32 to index
        %get3A_184 = arith.index_cast %mul3A_177 : i32 to index
        %get3A_185 = tpu.vector_load %arg10[%get3A_183, %get3A_184] {strides = array<i32>} : memref<2x2560xi32, #tpu.memory_space<vmem>>, vector<16xi32>,
        %gather3A_186 = tpu.vector_load_idx %arg8[%get3A_181] : memref<30000xf32, #tpu.memory_space<vmem>>[vector<16xi32>], vector<16xf32>,
        %get3A_187 = arith.index_cast %mul3A_177 : i32 to index
        %get3A_188 = tpu.vector_load %arg11[%get3A_187] {strides = array<i32>} : memref<2560xf32, #tpu.memory_space<vmem>>, vector<16xf32>,
        %mul3A_189 = arith.mulf %gather3A_186, %get3A_188 : vector<16xf32>
        tpu.vector_store_idx %arg9[%get3A_185], %mul3A_189 {add = true} : memref<30000xf32, #tpu.memory_space<vmem>>[vector<16xi32>], vector<16xf32>,
        %add3A_190 = arith.constant 10000 : i32
        %add3A_191 = vector.broadcast %add3A_190 : i32 to vector<16xi32>
        %add3A_192 = arith.addi %get3A_181, %add3A_191 : vector<16xi32>
        %gather3A_193 = tpu.vector_load_idx %arg8[%add3A_192] : memref<30000xf32, #tpu.memory_space<vmem>>[vector<16xi32>], vector<16xf32>,
        %get3A_194 = arith.index_cast %mul3A_177 : i32 to index
        %get3A_195 = tpu.vector_load %arg12[%get3A_194] {strides = array<i32>} : memref<2560xf32, #tpu.memory_space<vmem>>, vector<16xf32>,
        %mul3A_196 = arith.mulf %gather3A_193, %get3A_195 : vector<16xf32>
        %add3A_197 = arith.constant 10000 : i32
        %add3A_198 = vector.broadcast %add3A_197 : i32 to vector<16xi32>
        %add3A_199 = arith.addi %get3A_185, %add3A_198 : vector<16xi32>
        tpu.vector_store_idx %arg9[%add3A_199], %mul3A_196 {add = true} : memref<30000xf32, #tpu.memory_space<vmem>>[vector<16xi32>], vector<16xf32>,
        %add3A_200 = arith.constant 20000 : i32
        %add3A_201 = vector.broadcast %add3A_200 : i32 to vector<16xi32>
        %add3A_202 = arith.addi %get3A_181, %add3A_201 : vector<16xi32>
        %gather3A_203 = tpu.vector_load_idx %arg8[%add3A_202] : memref<30000xf32, #tpu.memory_space<vmem>>[vector<16xi32>], vector<16xf32>,
        %get3A_204 = arith.index_cast %mul3A_177 : i32 to index
        %get3A_205 = tpu.vector_load %arg13[%get3A_204] {strides = array<i32>} : memref<2560xf32, #tpu.memory_space<vmem>>, vector<16xf32>,
        %mul3A_206 = arith.mulf %gather3A_203, %get3A_205 : vector<16xf32>
        %add3A_207 = arith.constant 20000 : i32
        %add3A_208 = vector.broadcast %add3A_207 : i32 to vector<16xi32>
        %add3A_209 = arith.addi %get3A_185, %add3A_208 : vector<16xi32>
        tpu.vector_store_idx %arg9[%add3A_209], %mul3A_206 {add = true} : memref<30000xf32, #tpu.memory_space<vmem>>[vector<16xi32>], vector<16xf32>,
        %mul3A_210 = arith.constant 5 : i32
        %mul3A_211 = arith.muli %scan3A_58, %mul3A_210 : i32
        %add3A_212 = arith.constant 4 : i32
        %add3A_213 = arith.addi %mul3A_211, %add3A_212 : i32
        %mul3A_214 = arith.constant 16 : i32
        %mul3A_215 = arith.muli %add3A_213, %mul3A_214 : i32
        %get3A_216 = arith.constant 0 : i32
        %get3A_217 = arith.index_cast %get3A_216 : i32 to index
        %get3A_218 = arith.index_cast %mul3A_215 : i32 to index
        %get3A_219 = tpu.vector_load %arg10[%get3A_217, %get3A_218] {strides = array<i32>} : memref<2x2560xi32, #tpu.memory_space<vmem>>, vector<16xi32>,
        %get3A_220 = arith.constant 1 : i32
        %get3A_221 = arith.index_cast %get3A_220 : i32 to index
        %get3A_222 = arith.index_cast %mul3A_215 : i32 to index
        %get3A_223 = tpu.vector_load %arg10[%get3A_221, %get3A_222] {strides = array<i32>} : memref<2x2560xi32, #tpu.memory_space<vmem>>, vector<16xi32>,
        %gather3A_224 = tpu.vector_load_idx %arg8[%get3A_219] : memref<30000xf32, #tpu.memory_space<vmem>>[vector<16xi32>], vector<16xf32>,
        %get3A_225 = arith.index_cast %mul3A_215 : i32 to index
        %get3A_226 = tpu.vector_load %arg11[%get3A_225] {strides = array<i32>} : memref<2560xf32, #tpu.memory_space<vmem>>, vector<16xf32>,
        %mul3A_227 = arith.mulf %gather3A_224, %get3A_226 : vector<16xf32>
        tpu.vector_store_idx %arg9[%get3A_223], %mul3A_227 {add = true} : memref<30000xf32, #tpu.memory_space<vmem>>[vector<16xi32>], vector<16xf32>,
        %add3A_228 = arith.constant 10000 : i32
        %add3A_229 = vector.broadcast %add3A_228 : i32 to vector<16xi32>
        %add3A_230 = arith.addi %get3A_219, %add3A_229 : vector<16xi32>
        %gather3A_231 = tpu.vector_load_idx %arg8[%add3A_230] : memref<30000xf32, #tpu.memory_space<vmem>>[vector<16xi32>], vector<16xf32>,
        %get3A_232 = arith.index_cast %mul3A_215 : i32 to index
        %get3A_233 = tpu.vector_load %arg12[%get3A_232] {strides = array<i32>} : memref<2560xf32, #tpu.memory_space<vmem>>, vector<16xf32>,
        %mul3A_234 = arith.mulf %gather3A_231, %get3A_233 : vector<16xf32>
        %add3A_235 = arith.constant 10000 : i32
        %add3A_236 = vector.broadcast %add3A_235 : i32 to vector<16xi32>
        %add3A_237 = arith.addi %get3A_223, %add3A_236 : vector<16xi32>
        tpu.vector_store_idx %arg9[%add3A_237], %mul3A_234 {add = true} : memref<30000xf32, #tpu.memory_space<vmem>>[vector<16xi32>], vector<16xf32>,
        %add3A_238 = arith.constant 20000 : i32
        %add3A_239 = vector.broadcast %add3A_238 : i32 to vector<16xi32>
        %add3A_240 = arith.addi %get3A_219, %add3A_239 : vector<16xi32>
        %gather3A_241 = tpu.vector_load_idx %arg8[%add3A_240] : memref<30000xf32, #tpu.memory_space<vmem>>[vector<16xi32>], vector<16xf32>,
        %get3A_242 = arith.index_cast %mul3A_215 : i32 to index
        %get3A_243 = tpu.vector_load %arg13[%get3A_242] {strides = array<i32>} : memref<2560xf32, #tpu.memory_space<vmem>>, vector<16xf32>,
        %mul3A_244 = arith.mulf %gather3A_241, %get3A_243 : vector<16xf32>
        %add3A_245 = arith.constant 20000 : i32
        %add3A_246 = vector.broadcast %add3A_245 : i32 to vector<16xi32>
        %add3A_247 = arith.addi %get3A_223, %add3A_246 : vector<16xi32>
        tpu.vector_store_idx %arg9[%add3A_247], %mul3A_244 {add = true} : memref<30000xf32, #tpu.memory_space<vmem>>[vector<16xi32>], vector<16xf32>,
        %scan3A_248 = arith.constant 0 : i32
        scf.yield %scan3A_248 : i32
      }
      %scan3A_56 = arith.constant 32 : i32
      %while3A_57 = arith.constant 0 : i32
      scf.yield %while3A_57 : i32
    }
    %while3A_39 = arith.constant 1 : i32
    %while3A_40 = scf.for %while3A_41 = %while3A_36 to %while3A_32 step %while3A_39 iter_args(%while3A_42 = %while3A_38) -> (i32)  : i32 {
      %add3A_43 = arith.constant 0 : i32
      %add3A_44 = arith.addi %add3A_43, %add3A : i32
      %mul3A_45 = arith.constant 32 : i32
      %mul3A_46 = arith.muli %while3A_41, %mul3A_45 : i32
      %add3A_47 = arith.addi %add3A_44, %mul3A_46 : i32
      %mul3A_48 = arith.constant 2560 : i32
      %mul3A_49 = arith.muli %add3A_47, %mul3A_48 : i32
      "tpu.region"() ({
        %run_scoped3A = tpu.sem_alloc : memref<!tpu.dma_semaphore, #tpu.memory_space<semaphore_mem>>
        %dma_start3A = arith.constant 0 : i32
        %dma_start3A_58 = tpu.memref_slice %arg3[%dma_start3A, %mul3A_49] : memref<2x320000xi32, #tpu.memory_space<hbm>> -> memref<2x2560xi32, #tpu.memory_space<hbm>>
        %dma_start3A_59 = arith.constant 0 : i32
        %dma_start3A_60 = tpu.memref_slice %arg3[%dma_start3A_59, %mul3A_49] : memref<2x320000xi32, #tpu.memory_space<hbm>> -> memref<2x2560xi32, #tpu.memory_space<hbm>>
        tpu.enqueue_dma source(%dma_start3A_60 : memref<2x2560xi32, #tpu.memory_space<hbm>>) target(%arg10 : memref<2x2560xi32, #tpu.memory_space<vmem>>) target_semaphore(%run_scoped3A : memref<!tpu.dma_semaphore, #tpu.memory_space<semaphore_mem>>)
        %dma_wait3A = arith.constant 0 : i32
        %dma_wait3A_61 = tpu.memref_slice %arg3[%dma_wait3A, %mul3A_49] : memref<2x320000xi32, #tpu.memory_space<hbm>> -> memref<2x2560xi32, #tpu.memory_space<hbm>>
        %dma_wait3A_62 = arith.constant 0 : i32
        %dma_wait3A_63 = tpu.memref_slice %arg3[%dma_wait3A_62, %mul3A_49] : memref<2x320000xi32, #tpu.memory_space<hbm>> -> memref<2x2560xi32, #tpu.memory_space<hbm>>
        tpu.wait_dma2 semaphore(%run_scoped3A : memref<!tpu.dma_semaphore, #tpu.memory_space<semaphore_mem>>) src(%dma_wait3A_63 : memref<2x2560xi32, #tpu.memory_space<hbm>>) dst(%arg10 : memref<2x2560xi32, #tpu.memory_space<vmem>>)
        tpu.yield
      }) : () -> ()
      "tpu.region"() ({
        %run_scoped3A = tpu.sem_alloc : memref<!tpu.dma_semaphore, #tpu.memory_space<semaphore_mem>>
        %dma_start3A = tpu.memref_slice %arg4[%mul3A_49] : memref<320000xf32, #tpu.memory_space<hbm>> -> memref<2560xf32, #tpu.memory_space<hbm>>
        %dma_start3A_58 = tpu.memref_slice %arg4[%mul3A_49] : memref<320000xf32, #tpu.memory_space<hbm>> -> memref<2560xf32, #tpu.memory_space<hbm>>
        tpu.enqueue_dma source(%dma_start3A_58 : memref<2560xf32, #tpu.memory_space<hbm>>) target(%arg11 : memref<2560xf32, #tpu.memory_space<vmem>>) target_semaphore(%run_scoped3A : memref<!tpu.dma_semaphore, #tpu.memory_space<semaphore_mem>>)
        %dma_wait3A = tpu.memref_slice %arg4[%mul3A_49] : memref<320000xf32, #tpu.memory_space<hbm>> -> memref<2560xf32, #tpu.memory_space<hbm>>
        %dma_wait3A_59 = tpu.memref_slice %arg4[%mul3A_49] : memref<320000xf32, #tpu.memory_space<hbm>> -> memref<2560xf32, #tpu.memory_space<hbm>>
        tpu.wait_dma2 semaphore(%run_scoped3A : memref<!tpu.dma_semaphore, #tpu.memory_space<semaphore_mem>>) src(%dma_wait3A_59 : memref<2560xf32, #tpu.memory_space<hbm>>) dst(%arg11 : memref<2560xf32, #tpu.memory_space<vmem>>)
        tpu.yield
      }) : () -> ()
      "tpu.region"() ({
        %run_scoped3A = tpu.sem_alloc : memref<!tpu.dma_semaphore, #tpu.memory_space<semaphore_mem>>
        %dma_start3A = tpu.memref_slice %arg5[%mul3A_49] : memref<320000xf32, #tpu.memory_space<hbm>> -> memref<2560xf32, #tpu.memory_space<hbm>>
        %dma_start3A_58 = tpu.memref_slice %arg5[%mul3A_49] : memref<320000xf32, #tpu.memory_space<hbm>> -> memref<2560xf32, #tpu.memory_space<hbm>>
        tpu.enqueue_dma source(%dma_start3A_58 : memref<2560xf32, #tpu.memory_space<hbm>>) target(%arg12 : memref<2560xf32, #tpu.memory_space<vmem>>) target_semaphore(%run_scoped3A : memref<!tpu.dma_semaphore, #tpu.memory_space<semaphore_mem>>)
        %dma_wait3A = tpu.memref_slice %arg5[%mul3A_49] : memref<320000xf32, #tpu.memory_space<hbm>> -> memref<2560xf32, #tpu.memory_space<hbm>>
        %dma_wait3A_59 = tpu.memref_slice %arg5[%mul3A_49] : memref<320000xf32, #tpu.memory_space<hbm>> -> memref<2560xf32, #tpu.memory_space<hbm>>
        tpu.wait_dma2 semaphore(%run_scoped3A : memref<!tpu.dma_semaphore, #tpu.memory_space<semaphore_mem>>) src(%dma_wait3A_59 : memref<2560xf32, #tpu.memory_space<hbm>>) dst(%arg12 : memref<2560xf32, #tpu.memory_space<vmem>>)
        tpu.yield
      }) : () -> ()
      "tpu.region"() ({
        %run_scoped3A = tpu.sem_alloc : memref<!tpu.dma_semaphore, #tpu.memory_space<semaphore_mem>>
        %dma_start3A = tpu.memref_slice %arg6[%mul3A_49] : memref<320000xf32, #tpu.memory_space<hbm>> -> memref<2560xf32, #tpu.memory_space<hbm>>
        %dma_start3A_58 = tpu.memref_slice %arg6[%mul3A_49] : memref<320000xf32, #tpu.memory_space<hbm>> -> memref<2560xf32, #tpu.memory_space<hbm>>
        tpu.enqueue_dma source(%dma_start3A_58 : memref<2560xf32, #tpu.memory_space<hbm>>) target(%arg13 : memref<2560xf32, #tpu.memory_space<vmem>>) target_semaphore(%run_scoped3A : memref<!tpu.dma_semaphore, #tpu.memory_space<semaphore_mem>>)
        %dma_wait3A = tpu.memref_slice %arg6[%mul3A_49] : memref<320000xf32, #tpu.memory_space<hbm>> -> memref<2560xf32, #tpu.memory_space<hbm>>
        %dma_wait3A_59 = tpu.memref_slice %arg6[%mul3A_49] : memref<320000xf32, #tpu.memory_space<hbm>> -> memref<2560xf32, #tpu.memory_space<hbm>>
        tpu.wait_dma2 semaphore(%run_scoped3A : memref<!tpu.dma_semaphore, #tpu.memory_space<semaphore_mem>>) src(%dma_wait3A_59 : memref<2560xf32, #tpu.memory_space<hbm>>) dst(%arg13 : memref<2560xf32, #tpu.memory_space<vmem>>)
        tpu.yield
      }) : () -> ()
      %scan3A_50 = arith.constant 0 : i32
      %scan3A_51 = arith.constant 0 : i32
      %scan3A_52 = arith.constant 32 : i32
      %scan3A_53 = arith.addi %scan3A_51, %scan3A_52 : i32
      %scan3A_54 = arith.constant 1 : i32
      %scan3A_55 = scf.for %scan3A_58 = %scan3A_51 to %scan3A_53 step %scan3A_54 iter_args(%scan3A_59 = %scan3A_50) -> (i32)  : i32 {
        %mul3A_60 = arith.constant 5 : i32
        %mul3A_61 = arith.muli %scan3A_58, %mul3A_60 : i32
        %add3A_62 = arith.constant 0 : i32
        %add3A_63 = arith.addi %mul3A_61, %add3A_62 : i32
        %mul3A_64 = arith.constant 16 : i32
        %mul3A_65 = arith.muli %add3A_63, %mul3A_64 : i32
        %get3A = arith.constant 0 : i32
        %get3A_66 = arith.index_cast %get3A : i32 to index
        %get3A_67 = arith.index_cast %mul3A_65 : i32 to index
        %get3A_68 = tpu.vector_load %arg10[%get3A_66, %get3A_67] {strides = array<i32>} : memref<2x2560xi32, #tpu.memory_space<vmem>>, vector<16xi32>,
        %get3A_69 = arith.constant 1 : i32
        %get3A_70 = arith.index_cast %get3A_69 : i32 to index
        %get3A_71 = arith.index_cast %mul3A_65 : i32 to index
        %get3A_72 = tpu.vector_load %arg10[%get3A_70, %get3A_71] {strides = array<i32>} : memref<2x2560xi32, #tpu.memory_space<vmem>>, vector<16xi32>,
        %gather3A = tpu.vector_load_idx %arg8[%get3A_68] : memref<30000xf32, #tpu.memory_space<vmem>>[vector<16xi32>], vector<16xf32>,
        %get3A_73 = arith.index_cast %mul3A_65 : i32 to index
        %get3A_74 = tpu.vector_load %arg11[%get3A_73] {strides = array<i32>} : memref<2560xf32, #tpu.memory_space<vmem>>, vector<16xf32>,
        %mul3A_75 = arith.mulf %gather3A, %get3A_74 : vector<16xf32>
        tpu.vector_store_idx %arg9[%get3A_72], %mul3A_75 {add = true} : memref<30000xf32, #tpu.memory_space<vmem>>[vector<16xi32>], vector<16xf32>,
        %add3A_76 = arith.constant 10000 : i32
        %add3A_77 = vector.broadcast %add3A_76 : i32 to vector<16xi32>
        %add3A_78 = arith.addi %get3A_68, %add3A_77 : vector<16xi32>
        %gather3A_79 = tpu.vector_load_idx %arg8[%add3A_78] : memref<30000xf32, #tpu.memory_space<vmem>>[vector<16xi32>], vector<16xf32>,
        %get3A_80 = arith.index_cast %mul3A_65 : i32 to index
        %get3A_81 = tpu.vector_load %arg12[%get3A_80] {strides = array<i32>} : memref<2560xf32, #tpu.memory_space<vmem>>, vector<16xf32>,
        %mul3A_82 = arith.mulf %gather3A_79, %get3A_81 : vector<16xf32>
        %add3A_83 = arith.constant 10000 : i32
        %add3A_84 = vector.broadcast %add3A_83 : i32 to vector<16xi32>
        %add3A_85 = arith.addi %get3A_72, %add3A_84 : vector<16xi32>
        tpu.vector_store_idx %arg9[%add3A_85], %mul3A_82 {add = true} : memref<30000xf32, #tpu.memory_space<vmem>>[vector<16xi32>], vector<16xf32>,
        %add3A_86 = arith.constant 20000 : i32
        %add3A_87 = vector.broadcast %add3A_86 : i32 to vector<16xi32>
        %add3A_88 = arith.addi %get3A_68, %add3A_87 : vector<16xi32>
        %gather3A_89 = tpu.vector_load_idx %arg8[%add3A_88] : memref<30000xf32, #tpu.memory_space<vmem>>[vector<16xi32>], vector<16xf32>,
        %get3A_90 = arith.index_cast %mul3A_65 : i32 to index
        %get3A_91 = tpu.vector_load %arg13[%get3A_90] {strides = array<i32>} : memref<2560xf32, #tpu.memory_space<vmem>>, vector<16xf32>,
        %mul3A_92 = arith.mulf %gather3A_89, %get3A_91 : vector<16xf32>
        %add3A_93 = arith.constant 20000 : i32
        %add3A_94 = vector.broadcast %add3A_93 : i32 to vector<16xi32>
        %add3A_95 = arith.addi %get3A_72, %add3A_94 : vector<16xi32>
        tpu.vector_store_idx %arg9[%add3A_95], %mul3A_92 {add = true} : memref<30000xf32, #tpu.memory_space<vmem>>[vector<16xi32>], vector<16xf32>,
        %mul3A_96 = arith.constant 5 : i32
        %mul3A_97 = arith.muli %scan3A_58, %mul3A_96 : i32
        %add3A_98 = arith.constant 1 : i32
        %add3A_99 = arith.addi %mul3A_97, %add3A_98 : i32
        %mul3A_100 = arith.constant 16 : i32
        %mul3A_101 = arith.muli %add3A_99, %mul3A_100 : i32
        %get3A_102 = arith.constant 0 : i32
        %get3A_103 = arith.index_cast %get3A_102 : i32 to index
        %get3A_104 = arith.index_cast %mul3A_101 : i32 to index
        %get3A_105 = tpu.vector_load %arg10[%get3A_103, %get3A_104] {strides = array<i32>} : memref<2x2560xi32, #tpu.memory_space<vmem>>, vector<16xi32>,
        %get3A_106 = arith.constant 1 : i32
        %get3A_107 = arith.index_cast %get3A_106 : i32 to index
        %get3A_108 = arith.index_cast %mul3A_101 : i32 to index
        %get3A_109 = tpu.vector_load %arg10[%get3A_107, %get3A_108] {strides = array<i32>} : memref<2x2560xi32, #tpu.memory_space<vmem>>, vector<16xi32>,
        %gather3A_110 = tpu.vector_load_idx %arg8[%get3A_105] : memref<30000xf32, #tpu.memory_space<vmem>>[vector<16xi32>], vector<16xf32>,
        %get3A_111 = arith.index_cast %mul3A_101 : i32 to index
        %get3A_112 = tpu.vector_load %arg11[%get3A_111] {strides = array<i32>} : memref<2560xf32, #tpu.memory_space<vmem>>, vector<16xf32>,
        %mul3A_113 = arith.mulf %gather3A_110, %get3A_112 : vector<16xf32>
        tpu.vector_store_idx %arg9[%get3A_109], %mul3A_113 {add = true} : memref<30000xf32, #tpu.memory_space<vmem>>[vector<16xi32>], vector<16xf32>,
        %add3A_114 = arith.constant 10000 : i32
        %add3A_115 = vector.broadcast %add3A_114 : i32 to vector<16xi32>
        %add3A_116 = arith.addi %get3A_105, %add3A_115 : vector<16xi32>
        %gather3A_117 = tpu.vector_load_idx %arg8[%add3A_116] : memref<30000xf32, #tpu.memory_space<vmem>>[vector<16xi32>], vector<16xf32>,
        %get3A_118 = arith.index_cast %mul3A_101 : i32 to index
        %get3A_119 = tpu.vector_load %arg12[%get3A_118] {strides = array<i32>} : memref<2560xf32, #tpu.memory_space<vmem>>, vector<16xf32>,
        %mul3A_120 = arith.mulf %gather3A_117, %get3A_119 : vector<16xf32>
        %add3A_121 = arith.constant 10000 : i32
        %add3A_122 = vector.broadcast %add3A_121 : i32 to vector<16xi32>
        %add3A_123 = arith.addi %get3A_109, %add3A_122 : vector<16xi32>
        tpu.vector_store_idx %arg9[%add3A_123], %mul3A_120 {add = true} : memref<30000xf32, #tpu.memory_space<vmem>>[vector<16xi32>], vector<16xf32>,
        %add3A_124 = arith.constant 20000 : i32
        %add3A_125 = vector.broadcast %add3A_124 : i32 to vector<16xi32>
        %add3A_126 = arith.addi %get3A_105, %add3A_125 : vector<16xi32>
        %gather3A_127 = tpu.vector_load_idx %arg8[%add3A_126] : memref<30000xf32, #tpu.memory_space<vmem>>[vector<16xi32>], vector<16xf32>,
        %get3A_128 = arith.index_cast %mul3A_101 : i32 to index
        %get3A_129 = tpu.vector_load %arg13[%get3A_128] {strides = array<i32>} : memref<2560xf32, #tpu.memory_space<vmem>>, vector<16xf32>,
        %mul3A_130 = arith.mulf %gather3A_127, %get3A_129 : vector<16xf32>
        %add3A_131 = arith.constant 20000 : i32
        %add3A_132 = vector.broadcast %add3A_131 : i32 to vector<16xi32>
        %add3A_133 = arith.addi %get3A_109, %add3A_132 : vector<16xi32>
        tpu.vector_store_idx %arg9[%add3A_133], %mul3A_130 {add = true} : memref<30000xf32, #tpu.memory_space<vmem>>[vector<16xi32>], vector<16xf32>,
        %mul3A_134 = arith.constant 5 : i32
        %mul3A_135 = arith.muli %scan3A_58, %mul3A_134 : i32
        %add3A_136 = arith.constant 2 : i32
        %add3A_137 = arith.addi %mul3A_135, %add3A_136 : i32
        %mul3A_138 = arith.constant 16 : i32
        %mul3A_139 = arith.muli %add3A_137, %mul3A_138 : i32
        %get3A_140 = arith.constant 0 : i32
        %get3A_141 = arith.index_cast %get3A_140 : i32 to index
        %get3A_142 = arith.index_cast %mul3A_139 : i32 to index
        %get3A_143 = tpu.vector_load %arg10[%get3A_141, %get3A_142] {strides = array<i32>} : memref<2x2560xi32, #tpu.memory_space<vmem>>, vector<16xi32>,
        %get3A_144 = arith.constant 1 : i32
        %get3A_145 = arith.index_cast %get3A_144 : i32 to index
        %get3A_146 = arith.index_cast %mul3A_139 : i32 to index
        %get3A_147 = tpu.vector_load %arg10[%get3A_145, %get3A_146] {strides = array<i32>} : memref<2x2560xi32, #tpu.memory_space<vmem>>, vector<16xi32>,
        %gather3A_148 = tpu.vector_load_idx %arg8[%get3A_143] : memref<30000xf32, #tpu.memory_space<vmem>>[vector<16xi32>], vector<16xf32>,
        %get3A_149 = arith.index_cast %mul3A_139 : i32 to index
        %get3A_150 = tpu.vector_load %arg11[%get3A_149] {strides = array<i32>} : memref<2560xf32, #tpu.memory_space<vmem>>, vector<16xf32>,
        %mul3A_151 = arith.mulf %gather3A_148, %get3A_150 : vector<16xf32>
        tpu.vector_store_idx %arg9[%get3A_147], %mul3A_151 {add = true} : memref<30000xf32, #tpu.memory_space<vmem>>[vector<16xi32>], vector<16xf32>,
        %add3A_152 = arith.constant 10000 : i32
        %add3A_153 = vector.broadcast %add3A_152 : i32 to vector<16xi32>
        %add3A_154 = arith.addi %get3A_143, %add3A_153 : vector<16xi32>
        %gather3A_155 = tpu.vector_load_idx %arg8[%add3A_154] : memref<30000xf32, #tpu.memory_space<vmem>>[vector<16xi32>], vector<16xf32>,
        %get3A_156 = arith.index_cast %mul3A_139 : i32 to index
        %get3A_157 = tpu.vector_load %arg12[%get3A_156] {strides = array<i32>} : memref<2560xf32, #tpu.memory_space<vmem>>, vector<16xf32>,
        %mul3A_158 = arith.mulf %gather3A_155, %get3A_157 : vector<16xf32>
        %add3A_159 = arith.constant 10000 : i32
        %add3A_160 = vector.broadcast %add3A_159 : i32 to vector<16xi32>
        %add3A_161 = arith.addi %get3A_147, %add3A_160 : vector<16xi32>
        tpu.vector_store_idx %arg9[%add3A_161], %mul3A_158 {add = true} : memref<30000xf32, #tpu.memory_space<vmem>>[vector<16xi32>], vector<16xf32>,
        %add3A_162 = arith.constant 20000 : i32
        %add3A_163 = vector.broadcast %add3A_162 : i32 to vector<16xi32>
        %add3A_164 = arith.addi %get3A_143, %add3A_163 : vector<16xi32>
        %gather3A_165 = tpu.vector_load_idx %arg8[%add3A_164] : memref<30000xf32, #tpu.memory_space<vmem>>[vector<16xi32>], vector<16xf32>,
        %get3A_166 = arith.index_cast %mul3A_139 : i32 to index
        %get3A_167 = tpu.vector_load %arg13[%get3A_166] {strides = array<i32>} : memref<2560xf32, #tpu.memory_space<vmem>>, vector<16xf32>,
        %mul3A_168 = arith.mulf %gather3A_165, %get3A_167 : vector<16xf32>
        %add3A_169 = arith.constant 20000 : i32
        %add3A_170 = vector.broadcast %add3A_169 : i32 to vector<16xi32>
        %add3A_171 = arith.addi %get3A_147, %add3A_170 : vector<16xi32>
        tpu.vector_store_idx %arg9[%add3A_171], %mul3A_168 {add = true} : memref<30000xf32, #tpu.memory_space<vmem>>[vector<16xi32>], vector<16xf32>,
        %mul3A_172 = arith.constant 5 : i32
        %mul3A_173 = arith.muli %scan3A_58, %mul3A_172 : i32
        %add3A_174 = arith.constant 3 : i32
        %add3A_175 = arith.addi %mul3A_173, %add3A_174 : i32
        %mul3A_176 = arith.constant 16 : i32
        %mul3A_177 = arith.muli %add3A_175, %mul3A_176 : i32
        %get3A_178 = arith.constant 0 : i32
        %get3A_179 = arith.index_cast %get3A_178 : i32 to index
        %get3A_180 = arith.index_cast %mul3A_177 : i32 to index
        %get3A_181 = tpu.vector_load %arg10[%get3A_179, %get3A_180] {strides = array<i32>} : memref<2x2560xi32, #tpu.memory_space<vmem>>, vector<16xi32>,
        %get3A_182 = arith.constant 1 : i32
        %get3A_183 = arith.index_cast %get3A_182 : i32 to index
        %get3A_184 = arith.index_cast %mul3A_177 : i32 to index
        %get3A_185 = tpu.vector_load %arg10[%get3A_183, %get3A_184] {strides = array<i32>} : memref<2x2560xi32, #tpu.memory_space<vmem>>, vector<16xi32>,
        %gather3A_186 = tpu.vector_load_idx %arg8[%get3A_181] : memref<30000xf32, #tpu.memory_space<vmem>>[vector<16xi32>], vector<16xf32>,
        %get3A_187 = arith.index_cast %mul3A_177 : i32 to index
        %get3A_188 = tpu.vector_load %arg11[%get3A_187] {strides = array<i32>} : memref<2560xf32, #tpu.memory_space<vmem>>, vector<16xf32>,
        %mul3A_189 = arith.mulf %gather3A_186, %get3A_188 : vector<16xf32>
        tpu.vector_store_idx %arg9[%get3A_185], %mul3A_189 {add = true} : memref<30000xf32, #tpu.memory_space<vmem>>[vector<16xi32>], vector<16xf32>,
        %add3A_190 = arith.constant 10000 : i32
        %add3A_191 = vector.broadcast %add3A_190 : i32 to vector<16xi32>
        %add3A_192 = arith.addi %get3A_181, %add3A_191 : vector<16xi32>
        %gather3A_193 = tpu.vector_load_idx %arg8[%add3A_192] : memref<30000xf32, #tpu.memory_space<vmem>>[vector<16xi32>], vector<16xf32>,
        %get3A_194 = arith.index_cast %mul3A_177 : i32 to index
        %get3A_195 = tpu.vector_load %arg12[%get3A_194] {strides = array<i32>} : memref<2560xf32, #tpu.memory_space<vmem>>, vector<16xf32>,
        %mul3A_196 = arith.mulf %gather3A_193, %get3A_195 : vector<16xf32>
        %add3A_197 = arith.constant 10000 : i32
        %add3A_198 = vector.broadcast %add3A_197 : i32 to vector<16xi32>
        %add3A_199 = arith.addi %get3A_185, %add3A_198 : vector<16xi32>
        tpu.vector_store_idx %arg9[%add3A_199], %mul3A_196 {add = true} : memref<30000xf32, #tpu.memory_space<vmem>>[vector<16xi32>], vector<16xf32>,
        %add3A_200 = arith.constant 20000 : i32
        %add3A_201 = vector.broadcast %add3A_200 : i32 to vector<16xi32>
        %add3A_202 = arith.addi %get3A_181, %add3A_201 : vector<16xi32>
        %gather3A_203 = tpu.vector_load_idx %arg8[%add3A_202] : memref<30000xf32, #tpu.memory_space<vmem>>[vector<16xi32>], vector<16xf32>,
        %get3A_204 = arith.index_cast %mul3A_177 : i32 to index
        %get3A_205 = tpu.vector_load %arg13[%get3A_204] {strides = array<i32>} : memref<2560xf32, #tpu.memory_space<vmem>>, vector<16xf32>,
        %mul3A_206 = arith.mulf %gather3A_203, %get3A_205 : vector<16xf32>
        %add3A_207 = arith.constant 20000 : i32
        %add3A_208 = vector.broadcast %add3A_207 : i32 to vector<16xi32>
        %add3A_209 = arith.addi %get3A_185, %add3A_208 : vector<16xi32>
        tpu.vector_store_idx %arg9[%add3A_209], %mul3A_206 {add = true} : memref<30000xf32, #tpu.memory_space<vmem>>[vector<16xi32>], vector<16xf32>,
        %mul3A_210 = arith.constant 5 : i32
        %mul3A_211 = arith.muli %scan3A_58, %mul3A_210 : i32
        %add3A_212 = arith.constant 4 : i32
        %add3A_213 = arith.addi %mul3A_211, %add3A_212 : i32
        %mul3A_214 = arith.constant 16 : i32
        %mul3A_215 = arith.muli %add3A_213, %mul3A_214 : i32
        %get3A_216 = arith.constant 0 : i32
        %get3A_217 = arith.index_cast %get3A_216 : i32 to index
        %get3A_218 = arith.index_cast %mul3A_215 : i32 to index
        %get3A_219 = tpu.vector_load %arg10[%get3A_217, %get3A_218] {strides = array<i32>} : memref<2x2560xi32, #tpu.memory_space<vmem>>, vector<16xi32>,
        %get3A_220 = arith.constant 1 : i32
        %get3A_221 = arith.index_cast %get3A_220 : i32 to index
        %get3A_222 = arith.index_cast %mul3A_215 : i32 to index
        %get3A_223 = tpu.vector_load %arg10[%get3A_221, %get3A_222] {strides = array<i32>} : memref<2x2560xi32, #tpu.memory_space<vmem>>, vector<16xi32>,
        %gather3A_224 = tpu.vector_load_idx %arg8[%get3A_219] : memref<30000xf32, #tpu.memory_space<vmem>>[vector<16xi32>], vector<16xf32>,
        %get3A_225 = arith.index_cast %mul3A_215 : i32 to index
        %get3A_226 = tpu.vector_load %arg11[%get3A_225] {strides = array<i32>} : memref<2560xf32, #tpu.memory_space<vmem>>, vector<16xf32>,
        %mul3A_227 = arith.mulf %gather3A_224, %get3A_226 : vector<16xf32>
        tpu.vector_store_idx %arg9[%get3A_223], %mul3A_227 {add = true} : memref<30000xf32, #tpu.memory_space<vmem>>[vector<16xi32>], vector<16xf32>,
        %add3A_228 = arith.constant 10000 : i32
        %add3A_229 = vector.broadcast %add3A_228 : i32 to vector<16xi32>
        %add3A_230 = arith.addi %get3A_219, %add3A_229 : vector<16xi32>
        %gather3A_231 = tpu.vector_load_idx %arg8[%add3A_230] : memref<30000xf32, #tpu.memory_space<vmem>>[vector<16xi32>], vector<16xf32>,
        %get3A_232 = arith.index_cast %mul3A_215 : i32 to index
        %get3A_233 = tpu.vector_load %arg12[%get3A_232] {strides = array<i32>} : memref<2560xf32, #tpu.memory_space<vmem>>, vector<16xf32>,
        %mul3A_234 = arith.mulf %gather3A_231, %get3A_233 : vector<16xf32>
        %add3A_235 = arith.constant 10000 : i32
        %add3A_236 = vector.broadcast %add3A_235 : i32 to vector<16xi32>
        %add3A_237 = arith.addi %get3A_223, %add3A_236 : vector<16xi32>
        tpu.vector_store_idx %arg9[%add3A_237], %mul3A_234 {add = true} : memref<30000xf32, #tpu.memory_space<vmem>>[vector<16xi32>], vector<16xf32>,
        %add3A_238 = arith.constant 20000 : i32
        %add3A_239 = vector.broadcast %add3A_238 : i32 to vector<16xi32>
        %add3A_240 = arith.addi %get3A_219, %add3A_239 : vector<16xi32>
        %gather3A_241 = tpu.vector_load_idx %arg8[%add3A_240] : memref<30000xf32, #tpu.memory_space<vmem>>[vector<16xi32>], vector<16xf32>,
        %get3A_242 = arith.index_cast %mul3A_215 : i32 to index
        %get3A_243 = tpu.vector_load %arg13[%get3A_242] {strides = array<i32>} : memref<2560xf32, #tpu.memory_space<vmem>>, vector<16xf32>,
        %mul3A_244 = arith.mulf %gather3A_241, %get3A_243 : vector<16xf32>
        %add3A_245 = arith.constant 20000 : i32
        %add3A_246 = vector.broadcast %add3A_245 : i32 to vector<16xi32>
        %add3A_247 = arith.addi %get3A_223, %add3A_246 : vector<16xi32>
        tpu.vector_store_idx %arg9[%add3A_247], %mul3A_244 {add = true} : memref<30000xf32, #tpu.memory_space<vmem>>[vector<16xi32>], vector<16xf32>,
        %scan3A_248 = arith.constant 0 : i32
        scf.yield %scan3A_248 : i32
      }
      %scan3A_56 = arith.constant 32 : i32
      %while3A_57 = arith.constant 0 : i32
      scf.yield %while3A_57 : i32
    }
    "tpu.region"() ({
      %run_scoped3A = tpu.sem_alloc : memref<!tpu.dma_semaphore, #tpu.memory_space<semaphore_mem>>
      %dma_start3A = arith.constant 0 : i32
      %dma_start3A_41 = tpu.memref_slice %arg7[%add3A, %dma_start3A] : memref<32x30000xf32, #tpu.memory_space<hbm>> -> memref<1x30000xf32, #tpu.memory_space<hbm>>
      %dma_start3A_42 = tpu.memref_squeeze %dma_start3A_41 : memref<1x30000xf32, #tpu.memory_space<hbm>> -> memref<30000xf32, #tpu.memory_space<hbm>>
      %dma_start3A_43 = arith.constant 0 : i32
      %dma_start3A_44 = tpu.memref_slice %arg7[%add3A, %dma_start3A_43] : memref<32x30000xf32, #tpu.memory_space<hbm>> -> memref<1x30000xf32, #tpu.memory_space<hbm>>
      %dma_start3A_45 = tpu.memref_squeeze %dma_start3A_44 : memref<1x30000xf32, #tpu.memory_space<hbm>> -> memref<30000xf32, #tpu.memory_space<hbm>>
      tpu.enqueue_dma source(%arg9 : memref<30000xf32, #tpu.memory_space<vmem>>) target(%dma_start3A_45 : memref<30000xf32, #tpu.memory_space<hbm>>) target_semaphore(%run_scoped3A : memref<!tpu.dma_semaphore, #tpu.memory_space<semaphore_mem>>)
      %dma_wait3A = arith.constant 0 : i32
      %dma_wait3A_46 = tpu.memref_slice %arg7[%add3A, %dma_wait3A] : memref<32x30000xf32, #tpu.memory_space<hbm>> -> memref<1x30000xf32, #tpu.memory_space<hbm>>
      %dma_wait3A_47 = tpu.memref_squeeze %dma_wait3A_46 : memref<1x30000xf32, #tpu.memory_space<hbm>> -> memref<30000xf32, #tpu.memory_space<hbm>>
      %dma_wait3A_48 = arith.constant 0 : i32
      %dma_wait3A_49 = tpu.memref_slice %arg7[%add3A, %dma_wait3A_48] : memref<32x30000xf32, #tpu.memory_space<hbm>> -> memref<1x30000xf32, #tpu.memory_space<hbm>>
      %dma_wait3A_50 = tpu.memref_squeeze %dma_wait3A_49 : memref<1x30000xf32, #tpu.memory_space<hbm>> -> memref<30000xf32, #tpu.memory_space<hbm>>
      tpu.wait_dma2 semaphore(%run_scoped3A : memref<!tpu.dma_semaphore, #tpu.memory_space<semaphore_mem>>) src(%arg9 : memref<30000xf32, #tpu.memory_space<vmem>>) dst(%dma_wait3A_50 : memref<30000xf32, #tpu.memory_space<hbm>>)
      tpu.yield
    }) : () -> ()
    return
  }
}

#map = affine_map<(d0, d1) -> (0)>
#map1 = affine_map<(d0, d1) -> (0, 0)>
module attributes {stable_mosaic.version = 14 : i64} {
  func.func @k(%arg0: i32, %arg1: i32, %arg2: memref<30000xf32, #tpu.memory_space<hbm>>, %arg3: memref<2x320000xi32, #tpu.memory_space<hbm>>, %arg4: memref<320000xf32, #tpu.memory_space<hbm>>, %arg5: memref<320000xf32, #tpu.memory_space<hbm>>, %arg6: memref<320000xf32, #tpu.memory_space<hbm>>, %arg7: memref<32x30000xf32, #tpu.memory_space<hbm>>, %arg8: memref<30000xf32, #tpu.memory_space<vmem>>, %arg9: memref<30000xf32, #tpu.memory_space<vmem>>, %arg10: memref<2x2560xi32, #tpu.memory_space<vmem>>, %arg11: memref<2560xf32, #tpu.memory_space<vmem>>, %arg12: memref<2560xf32, #tpu.memory_space<vmem>>, %arg13: memref<2560xf32, #tpu.memory_space<vmem>>) attributes {dimension_semantics = [#tpu.dimension_semantics<core_parallel>, #tpu.dimension_semantics<subcore_parallel>], iteration_bounds = array<i64: 2, 16>, scalar_prefetch = 0 : i64, scratch_operands = 6 : i64, tpu.core_type = #tpu.core_type<sc_vector_subcore>, window_params = [{transform_indices = #map}, {transform_indices = #map1}, {transform_indices = #map}, {transform_indices = #map}, {transform_indices = #map}, {transform_indices = #map1}]} {
    %mul3A = arith.constant 2 : i32
    %mul3A_0 = arith.muli %arg1, %mul3A : i32
    %add3A = arith.addi %mul3A_0, %arg0 : i32
    "tpu.region"() ({
      %run_scoped3A = tpu.sem_alloc : memref<!tpu.dma_semaphore, #tpu.memory_space<semaphore_mem>>
      tpu.enqueue_dma source(%arg2 : memref<30000xf32, #tpu.memory_space<hbm>>) target(%arg8 : memref<30000xf32, #tpu.memory_space<vmem>>) target_semaphore(%run_scoped3A : memref<!tpu.dma_semaphore, #tpu.memory_space<semaphore_mem>>)
      tpu.wait_dma2 semaphore(%run_scoped3A : memref<!tpu.dma_semaphore, #tpu.memory_space<semaphore_mem>>) src(%arg2 : memref<30000xf32, #tpu.memory_space<hbm>>) dst(%arg8 : memref<30000xf32, #tpu.memory_space<vmem>>)
      tpu.yield
    }) : () -> ()
    %broadcast_in_dim3A = arith.constant 0.000000e+00 : f32
    %broadcast_in_dim3A_1 = vector.broadcast %broadcast_in_dim3A : f32 to vector<16xf32>
    %scan3A = arith.constant 0 : i32
    %scan3A_2 = arith.constant 0 : i32
    %scan3A_3 = arith.constant 1875 : i32
    %scan3A_4 = arith.addi %scan3A_2, %scan3A_3 : i32
    %scan3A_5 = arith.constant 1 : i32
    %scan3A_6 = scf.for %scan3A_41 = %scan3A_2 to %scan3A_4 step %scan3A_5 iter_args(%scan3A_42 = %scan3A) -> (i32)  : i32 {
      %mul3A_43 = arith.constant 16 : i32
      %mul3A_44 = arith.muli %scan3A_41, %mul3A_43 : i32
      %swap3A = arith.index_cast %mul3A_44 : i32 to index
      %swap3A_45 = tpu.vector_load %arg9[%swap3A] {strides = array<i32>} : memref<30000xf32, #tpu.memory_space<vmem>>, vector<16xf32>,
      tpu.vector_store %arg9[%swap3A], %broadcast_in_dim3A_1 {strides = array<i32>} : memref<30000xf32, #tpu.memory_space<vmem>>, vector<16xf32>,
      %scan3A_46 = arith.constant 0 : i32
      scf.yield %scan3A_46 : i32
    }
    %scan3A_7 = arith.constant 1875 : i32
    %sub3A = arith.constant 61 : i32
    %sub3A_8 = arith.subi %sub3A, %add3A : i32
    %add3A_9 = arith.constant 32 : i32
    %add3A_10 = arith.addi %sub3A_8, %add3A_9 : i32
    %sub3A_11 = arith.constant 1 : i32
    %sub3A_12 = arith.subi %add3A_10, %sub3A_11 : i32
    %jit3A = arith.constant 32 : i32
    %div3A = arith.divsi %sub3A_12, %jit3A : i32
    %sign3A = arith.constant 0 : i32
    %sign3A_13 = arith.cmpi sgt, %sub3A_12, %sign3A : i32
    %sign3A_14 = arith.extui %sign3A_13 : i1 to i32
    %sign3A_15 = arith.constant 0 : i32
    %sign3A_16 = arith.cmpi slt, %sub3A_12, %sign3A_15 : i32
    %sign3A_17 = arith.extui %sign3A_16 : i1 to i32
    %sign3A_18 = arith.subi %sign3A_14, %sign3A_17 : i32
    %sign3A_19 = arith.constant 0 : i32
    %sign3A_20 = arith.cmpi sgt, %jit3A, %sign3A_19 : i32
    %sign3A_21 = arith.extui %sign3A_20 : i1 to i32
    %sign3A_22 = arith.constant 0 : i32
    %sign3A_23 = arith.cmpi slt, %jit3A, %sign3A_22 : i32
    %sign3A_24 = arith.extui %sign3A_23 : i1 to i32
    %sign3A_25 = arith.subi %sign3A_21, %sign3A_24 : i32
    %ne3A = arith.cmpi ne, %sign3A_18, %sign3A_25 : i32
    %rem3A = arith.remsi %sub3A_12, %jit3A : i32
    %ne3A_26 = arith.constant 0 : i32
    %ne3A_27 = arith.cmpi ne, %rem3A, %ne3A_26 : i32
    %and3A = arith.andi %ne3A, %ne3A_27 : i1
    %sub3A_28 = arith.constant 1 : i32
    %sub3A_29 = arith.subi %div3A, %sub3A_28 : i32
    %select_n3A = arith.select %and3A, %sub3A_29, %div3A : i32
    %while3A = arith.constant 0 : i32
    %while3A_30 = arith.constant 0 : i32
    %while3A_31 = arith.subi %select_n3A, %while3A : i32
    %while3A_32 = arith.addi %while3A, %while3A_31 : i32
    %while3A_33 = arith.constant 1 : i32
    %while3A_34 = arith.divsi %while3A_31, %while3A_33 : i32
    %while3A_35 = arith.muli %while3A_34, %while3A_33 : i32
    %while3A_36 = arith.addi %while3A, %while3A_35 : i32
    %while3A_37 = arith.constant 1 : i32
    %while3A_38 = scf.for %while3A_41 = %while3A to %while3A_36 step %while3A_37 iter_args(%while3A_42 = %while3A_30) -> (i32)  : i32 {
      %add3A_43 = arith.constant 64 : i32
      %add3A_44 = arith.addi %add3A_43, %add3A : i32
      %mul3A_45 = arith.constant 32 : i32
      %mul3A_46 = arith.muli %while3A_41, %mul3A_45 : i32
      %add3A_47 = arith.addi %add3A_44, %mul3A_46 : i32
      %mul3A_48 = arith.constant 2560 : i32
      %mul3A_49 = arith.muli %add3A_47, %mul3A_48 : i32
      "tpu.region"() ({
        %run_scoped3A = tpu.sem_alloc : memref<!tpu.dma_semaphore, #tpu.memory_space<semaphore_mem>>
        %dma_start3A = arith.constant 0 : i32
        %dma_start3A_58 = tpu.memref_slice %arg3[%dma_start3A, %mul3A_49] : memref<2x320000xi32, #tpu.memory_space<hbm>> -> memref<2x2560xi32, #tpu.memory_space<hbm>>
        %dma_start3A_59 = arith.constant 0 : i32
        %dma_start3A_60 = tpu.memref_slice %arg3[%dma_start3A_59, %mul3A_49] : memref<2x320000xi32, #tpu.memory_space<hbm>> -> memref<2x2560xi32, #tpu.memory_space<hbm>>
        tpu.enqueue_dma source(%dma_start3A_60 : memref<2x2560xi32, #tpu.memory_space<hbm>>) target(%arg10 : memref<2x2560xi32, #tpu.memory_space<vmem>>) target_semaphore(%run_scoped3A : memref<!tpu.dma_semaphore, #tpu.memory_space<semaphore_mem>>)
        %dma_wait3A = arith.constant 0 : i32
        %dma_wait3A_61 = tpu.memref_slice %arg3[%dma_wait3A, %mul3A_49] : memref<2x320000xi32, #tpu.memory_space<hbm>> -> memref<2x2560xi32, #tpu.memory_space<hbm>>
        %dma_wait3A_62 = arith.constant 0 : i32
        %dma_wait3A_63 = tpu.memref_slice %arg3[%dma_wait3A_62, %mul3A_49] : memref<2x320000xi32, #tpu.memory_space<hbm>> -> memref<2x2560xi32, #tpu.memory_space<hbm>>
        tpu.wait_dma2 semaphore(%run_scoped3A : memref<!tpu.dma_semaphore, #tpu.memory_space<semaphore_mem>>) src(%dma_wait3A_63 : memref<2x2560xi32, #tpu.memory_space<hbm>>) dst(%arg10 : memref<2x2560xi32, #tpu.memory_space<vmem>>)
        tpu.yield
      }) : () -> ()
      "tpu.region"() ({
        %run_scoped3A = tpu.sem_alloc : memref<!tpu.dma_semaphore, #tpu.memory_space<semaphore_mem>>
        %dma_start3A = tpu.memref_slice %arg4[%mul3A_49] : memref<320000xf32, #tpu.memory_space<hbm>> -> memref<2560xf32, #tpu.memory_space<hbm>>
        %dma_start3A_58 = tpu.memref_slice %arg4[%mul3A_49] : memref<320000xf32, #tpu.memory_space<hbm>> -> memref<2560xf32, #tpu.memory_space<hbm>>
        tpu.enqueue_dma source(%dma_start3A_58 : memref<2560xf32, #tpu.memory_space<hbm>>) target(%arg11 : memref<2560xf32, #tpu.memory_space<vmem>>) target_semaphore(%run_scoped3A : memref<!tpu.dma_semaphore, #tpu.memory_space<semaphore_mem>>)
        %dma_wait3A = tpu.memref_slice %arg4[%mul3A_49] : memref<320000xf32, #tpu.memory_space<hbm>> -> memref<2560xf32, #tpu.memory_space<hbm>>
        %dma_wait3A_59 = tpu.memref_slice %arg4[%mul3A_49] : memref<320000xf32, #tpu.memory_space<hbm>> -> memref<2560xf32, #tpu.memory_space<hbm>>
        tpu.wait_dma2 semaphore(%run_scoped3A : memref<!tpu.dma_semaphore, #tpu.memory_space<semaphore_mem>>) src(%dma_wait3A_59 : memref<2560xf32, #tpu.memory_space<hbm>>) dst(%arg11 : memref<2560xf32, #tpu.memory_space<vmem>>)
        tpu.yield
      }) : () -> ()
      "tpu.region"() ({
        %run_scoped3A = tpu.sem_alloc : memref<!tpu.dma_semaphore, #tpu.memory_space<semaphore_mem>>
        %dma_start3A = tpu.memref_slice %arg5[%mul3A_49] : memref<320000xf32, #tpu.memory_space<hbm>> -> memref<2560xf32, #tpu.memory_space<hbm>>
        %dma_start3A_58 = tpu.memref_slice %arg5[%mul3A_49] : memref<320000xf32, #tpu.memory_space<hbm>> -> memref<2560xf32, #tpu.memory_space<hbm>>
        tpu.enqueue_dma source(%dma_start3A_58 : memref<2560xf32, #tpu.memory_space<hbm>>) target(%arg12 : memref<2560xf32, #tpu.memory_space<vmem>>) target_semaphore(%run_scoped3A : memref<!tpu.dma_semaphore, #tpu.memory_space<semaphore_mem>>)
        %dma_wait3A = tpu.memref_slice %arg5[%mul3A_49] : memref<320000xf32, #tpu.memory_space<hbm>> -> memref<2560xf32, #tpu.memory_space<hbm>>
        %dma_wait3A_59 = tpu.memref_slice %arg5[%mul3A_49] : memref<320000xf32, #tpu.memory_space<hbm>> -> memref<2560xf32, #tpu.memory_space<hbm>>
        tpu.wait_dma2 semaphore(%run_scoped3A : memref<!tpu.dma_semaphore, #tpu.memory_space<semaphore_mem>>) src(%dma_wait3A_59 : memref<2560xf32, #tpu.memory_space<hbm>>) dst(%arg12 : memref<2560xf32, #tpu.memory_space<vmem>>)
        tpu.yield
      }) : () -> ()
      "tpu.region"() ({
        %run_scoped3A = tpu.sem_alloc : memref<!tpu.dma_semaphore, #tpu.memory_space<semaphore_mem>>
        %dma_start3A = tpu.memref_slice %arg6[%mul3A_49] : memref<320000xf32, #tpu.memory_space<hbm>> -> memref<2560xf32, #tpu.memory_space<hbm>>
        %dma_start3A_58 = tpu.memref_slice %arg6[%mul3A_49] : memref<320000xf32, #tpu.memory_space<hbm>> -> memref<2560xf32, #tpu.memory_space<hbm>>
        tpu.enqueue_dma source(%dma_start3A_58 : memref<2560xf32, #tpu.memory_space<hbm>>) target(%arg13 : memref<2560xf32, #tpu.memory_space<vmem>>) target_semaphore(%run_scoped3A : memref<!tpu.dma_semaphore, #tpu.memory_space<semaphore_mem>>)
        %dma_wait3A = tpu.memref_slice %arg6[%mul3A_49] : memref<320000xf32, #tpu.memory_space<hbm>> -> memref<2560xf32, #tpu.memory_space<hbm>>
        %dma_wait3A_59 = tpu.memref_slice %arg6[%mul3A_49] : memref<320000xf32, #tpu.memory_space<hbm>> -> memref<2560xf32, #tpu.memory_space<hbm>>
        tpu.wait_dma2 semaphore(%run_scoped3A : memref<!tpu.dma_semaphore, #tpu.memory_space<semaphore_mem>>) src(%dma_wait3A_59 : memref<2560xf32, #tpu.memory_space<hbm>>) dst(%arg13 : memref<2560xf32, #tpu.memory_space<vmem>>)
        tpu.yield
      }) : () -> ()
      %scan3A_50 = arith.constant 0 : i32
      %scan3A_51 = arith.constant 0 : i32
      %scan3A_52 = arith.constant 32 : i32
      %scan3A_53 = arith.addi %scan3A_51, %scan3A_52 : i32
      %scan3A_54 = arith.constant 1 : i32
      %scan3A_55 = scf.for %scan3A_58 = %scan3A_51 to %scan3A_53 step %scan3A_54 iter_args(%scan3A_59 = %scan3A_50) -> (i32)  : i32 {
        %mul3A_60 = arith.constant 5 : i32
        %mul3A_61 = arith.muli %scan3A_58, %mul3A_60 : i32
        %add3A_62 = arith.constant 0 : i32
        %add3A_63 = arith.addi %mul3A_61, %add3A_62 : i32
        %mul3A_64 = arith.constant 16 : i32
        %mul3A_65 = arith.muli %add3A_63, %mul3A_64 : i32
        %get3A = arith.constant 0 : i32
        %get3A_66 = arith.index_cast %get3A : i32 to index
        %get3A_67 = arith.index_cast %mul3A_65 : i32 to index
        %get3A_68 = tpu.vector_load %arg10[%get3A_66, %get3A_67] {strides = array<i32>} : memref<2x2560xi32, #tpu.memory_space<vmem>>, vector<16xi32>,
        %get3A_69 = arith.constant 1 : i32
        %get3A_70 = arith.index_cast %get3A_69 : i32 to index
        %get3A_71 = arith.index_cast %mul3A_65 : i32 to index
        %get3A_72 = tpu.vector_load %arg10[%get3A_70, %get3A_71] {strides = array<i32>} : memref<2x2560xi32, #tpu.memory_space<vmem>>, vector<16xi32>,
        %gather3A = tpu.vector_load_idx %arg8[%get3A_68] : memref<30000xf32, #tpu.memory_space<vmem>>[vector<16xi32>], vector<16xf32>,
        %get3A_73 = arith.index_cast %mul3A_65 : i32 to index
        %get3A_74 = tpu.vector_load %arg11[%get3A_73] {strides = array<i32>} : memref<2560xf32, #tpu.memory_space<vmem>>, vector<16xf32>,
        %mul3A_75 = arith.mulf %gather3A, %get3A_74 : vector<16xf32>
        tpu.vector_store_idx %arg9[%get3A_72], %mul3A_75 {add = true} : memref<30000xf32, #tpu.memory_space<vmem>>[vector<16xi32>], vector<16xf32>,
        %add3A_76 = arith.constant 10000 : i32
        %add3A_77 = vector.broadcast %add3A_76 : i32 to vector<16xi32>
        %add3A_78 = arith.addi %get3A_68, %add3A_77 : vector<16xi32>
        %gather3A_79 = tpu.vector_load_idx %arg8[%add3A_78] : memref<30000xf32, #tpu.memory_space<vmem>>[vector<16xi32>], vector<16xf32>,
        %get3A_80 = arith.index_cast %mul3A_65 : i32 to index
        %get3A_81 = tpu.vector_load %arg12[%get3A_80] {strides = array<i32>} : memref<2560xf32, #tpu.memory_space<vmem>>, vector<16xf32>,
        %mul3A_82 = arith.mulf %gather3A_79, %get3A_81 : vector<16xf32>
        %add3A_83 = arith.constant 10000 : i32
        %add3A_84 = vector.broadcast %add3A_83 : i32 to vector<16xi32>
        %add3A_85 = arith.addi %get3A_72, %add3A_84 : vector<16xi32>
        tpu.vector_store_idx %arg9[%add3A_85], %mul3A_82 {add = true} : memref<30000xf32, #tpu.memory_space<vmem>>[vector<16xi32>], vector<16xf32>,
        %add3A_86 = arith.constant 20000 : i32
        %add3A_87 = vector.broadcast %add3A_86 : i32 to vector<16xi32>
        %add3A_88 = arith.addi %get3A_68, %add3A_87 : vector<16xi32>
        %gather3A_89 = tpu.vector_load_idx %arg8[%add3A_88] : memref<30000xf32, #tpu.memory_space<vmem>>[vector<16xi32>], vector<16xf32>,
        %get3A_90 = arith.index_cast %mul3A_65 : i32 to index
        %get3A_91 = tpu.vector_load %arg13[%get3A_90] {strides = array<i32>} : memref<2560xf32, #tpu.memory_space<vmem>>, vector<16xf32>,
        %mul3A_92 = arith.mulf %gather3A_89, %get3A_91 : vector<16xf32>
        %add3A_93 = arith.constant 20000 : i32
        %add3A_94 = vector.broadcast %add3A_93 : i32 to vector<16xi32>
        %add3A_95 = arith.addi %get3A_72, %add3A_94 : vector<16xi32>
        tpu.vector_store_idx %arg9[%add3A_95], %mul3A_92 {add = true} : memref<30000xf32, #tpu.memory_space<vmem>>[vector<16xi32>], vector<16xf32>,
        %mul3A_96 = arith.constant 5 : i32
        %mul3A_97 = arith.muli %scan3A_58, %mul3A_96 : i32
        %add3A_98 = arith.constant 1 : i32
        %add3A_99 = arith.addi %mul3A_97, %add3A_98 : i32
        %mul3A_100 = arith.constant 16 : i32
        %mul3A_101 = arith.muli %add3A_99, %mul3A_100 : i32
        %get3A_102 = arith.constant 0 : i32
        %get3A_103 = arith.index_cast %get3A_102 : i32 to index
        %get3A_104 = arith.index_cast %mul3A_101 : i32 to index
        %get3A_105 = tpu.vector_load %arg10[%get3A_103, %get3A_104] {strides = array<i32>} : memref<2x2560xi32, #tpu.memory_space<vmem>>, vector<16xi32>,
        %get3A_106 = arith.constant 1 : i32
        %get3A_107 = arith.index_cast %get3A_106 : i32 to index
        %get3A_108 = arith.index_cast %mul3A_101 : i32 to index
        %get3A_109 = tpu.vector_load %arg10[%get3A_107, %get3A_108] {strides = array<i32>} : memref<2x2560xi32, #tpu.memory_space<vmem>>, vector<16xi32>,
        %gather3A_110 = tpu.vector_load_idx %arg8[%get3A_105] : memref<30000xf32, #tpu.memory_space<vmem>>[vector<16xi32>], vector<16xf32>,
        %get3A_111 = arith.index_cast %mul3A_101 : i32 to index
        %get3A_112 = tpu.vector_load %arg11[%get3A_111] {strides = array<i32>} : memref<2560xf32, #tpu.memory_space<vmem>>, vector<16xf32>,
        %mul3A_113 = arith.mulf %gather3A_110, %get3A_112 : vector<16xf32>
        tpu.vector_store_idx %arg9[%get3A_109], %mul3A_113 {add = true} : memref<30000xf32, #tpu.memory_space<vmem>>[vector<16xi32>], vector<16xf32>,
        %add3A_114 = arith.constant 10000 : i32
        %add3A_115 = vector.broadcast %add3A_114 : i32 to vector<16xi32>
        %add3A_116 = arith.addi %get3A_105, %add3A_115 : vector<16xi32>
        %gather3A_117 = tpu.vector_load_idx %arg8[%add3A_116] : memref<30000xf32, #tpu.memory_space<vmem>>[vector<16xi32>], vector<16xf32>,
        %get3A_118 = arith.index_cast %mul3A_101 : i32 to index
        %get3A_119 = tpu.vector_load %arg12[%get3A_118] {strides = array<i32>} : memref<2560xf32, #tpu.memory_space<vmem>>, vector<16xf32>,
        %mul3A_120 = arith.mulf %gather3A_117, %get3A_119 : vector<16xf32>
        %add3A_121 = arith.constant 10000 : i32
        %add3A_122 = vector.broadcast %add3A_121 : i32 to vector<16xi32>
        %add3A_123 = arith.addi %get3A_109, %add3A_122 : vector<16xi32>
        tpu.vector_store_idx %arg9[%add3A_123], %mul3A_120 {add = true} : memref<30000xf32, #tpu.memory_space<vmem>>[vector<16xi32>], vector<16xf32>,
        %add3A_124 = arith.constant 20000 : i32
        %add3A_125 = vector.broadcast %add3A_124 : i32 to vector<16xi32>
        %add3A_126 = arith.addi %get3A_105, %add3A_125 : vector<16xi32>
        %gather3A_127 = tpu.vector_load_idx %arg8[%add3A_126] : memref<30000xf32, #tpu.memory_space<vmem>>[vector<16xi32>], vector<16xf32>,
        %get3A_128 = arith.index_cast %mul3A_101 : i32 to index
        %get3A_129 = tpu.vector_load %arg13[%get3A_128] {strides = array<i32>} : memref<2560xf32, #tpu.memory_space<vmem>>, vector<16xf32>,
        %mul3A_130 = arith.mulf %gather3A_127, %get3A_129 : vector<16xf32>
        %add3A_131 = arith.constant 20000 : i32
        %add3A_132 = vector.broadcast %add3A_131 : i32 to vector<16xi32>
        %add3A_133 = arith.addi %get3A_109, %add3A_132 : vector<16xi32>
        tpu.vector_store_idx %arg9[%add3A_133], %mul3A_130 {add = true} : memref<30000xf32, #tpu.memory_space<vmem>>[vector<16xi32>], vector<16xf32>,
        %mul3A_134 = arith.constant 5 : i32
        %mul3A_135 = arith.muli %scan3A_58, %mul3A_134 : i32
        %add3A_136 = arith.constant 2 : i32
        %add3A_137 = arith.addi %mul3A_135, %add3A_136 : i32
        %mul3A_138 = arith.constant 16 : i32
        %mul3A_139 = arith.muli %add3A_137, %mul3A_138 : i32
        %get3A_140 = arith.constant 0 : i32
        %get3A_141 = arith.index_cast %get3A_140 : i32 to index
        %get3A_142 = arith.index_cast %mul3A_139 : i32 to index
        %get3A_143 = tpu.vector_load %arg10[%get3A_141, %get3A_142] {strides = array<i32>} : memref<2x2560xi32, #tpu.memory_space<vmem>>, vector<16xi32>,
        %get3A_144 = arith.constant 1 : i32
        %get3A_145 = arith.index_cast %get3A_144 : i32 to index
        %get3A_146 = arith.index_cast %mul3A_139 : i32 to index
        %get3A_147 = tpu.vector_load %arg10[%get3A_145, %get3A_146] {strides = array<i32>} : memref<2x2560xi32, #tpu.memory_space<vmem>>, vector<16xi32>,
        %gather3A_148 = tpu.vector_load_idx %arg8[%get3A_143] : memref<30000xf32, #tpu.memory_space<vmem>>[vector<16xi32>], vector<16xf32>,
        %get3A_149 = arith.index_cast %mul3A_139 : i32 to index
        %get3A_150 = tpu.vector_load %arg11[%get3A_149] {strides = array<i32>} : memref<2560xf32, #tpu.memory_space<vmem>>, vector<16xf32>,
        %mul3A_151 = arith.mulf %gather3A_148, %get3A_150 : vector<16xf32>
        tpu.vector_store_idx %arg9[%get3A_147], %mul3A_151 {add = true} : memref<30000xf32, #tpu.memory_space<vmem>>[vector<16xi32>], vector<16xf32>,
        %add3A_152 = arith.constant 10000 : i32
        %add3A_153 = vector.broadcast %add3A_152 : i32 to vector<16xi32>
        %add3A_154 = arith.addi %get3A_143, %add3A_153 : vector<16xi32>
        %gather3A_155 = tpu.vector_load_idx %arg8[%add3A_154] : memref<30000xf32, #tpu.memory_space<vmem>>[vector<16xi32>], vector<16xf32>,
        %get3A_156 = arith.index_cast %mul3A_139 : i32 to index
        %get3A_157 = tpu.vector_load %arg12[%get3A_156] {strides = array<i32>} : memref<2560xf32, #tpu.memory_space<vmem>>, vector<16xf32>,
        %mul3A_158 = arith.mulf %gather3A_155, %get3A_157 : vector<16xf32>
        %add3A_159 = arith.constant 10000 : i32
        %add3A_160 = vector.broadcast %add3A_159 : i32 to vector<16xi32>
        %add3A_161 = arith.addi %get3A_147, %add3A_160 : vector<16xi32>
        tpu.vector_store_idx %arg9[%add3A_161], %mul3A_158 {add = true} : memref<30000xf32, #tpu.memory_space<vmem>>[vector<16xi32>], vector<16xf32>,
        %add3A_162 = arith.constant 20000 : i32
        %add3A_163 = vector.broadcast %add3A_162 : i32 to vector<16xi32>
        %add3A_164 = arith.addi %get3A_143, %add3A_163 : vector<16xi32>
        %gather3A_165 = tpu.vector_load_idx %arg8[%add3A_164] : memref<30000xf32, #tpu.memory_space<vmem>>[vector<16xi32>], vector<16xf32>,
        %get3A_166 = arith.index_cast %mul3A_139 : i32 to index
        %get3A_167 = tpu.vector_load %arg13[%get3A_166] {strides = array<i32>} : memref<2560xf32, #tpu.memory_space<vmem>>, vector<16xf32>,
        %mul3A_168 = arith.mulf %gather3A_165, %get3A_167 : vector<16xf32>
        %add3A_169 = arith.constant 20000 : i32
        %add3A_170 = vector.broadcast %add3A_169 : i32 to vector<16xi32>
        %add3A_171 = arith.addi %get3A_147, %add3A_170 : vector<16xi32>
        tpu.vector_store_idx %arg9[%add3A_171], %mul3A_168 {add = true} : memref<30000xf32, #tpu.memory_space<vmem>>[vector<16xi32>], vector<16xf32>,
        %mul3A_172 = arith.constant 5 : i32
        %mul3A_173 = arith.muli %scan3A_58, %mul3A_172 : i32
        %add3A_174 = arith.constant 3 : i32
        %add3A_175 = arith.addi %mul3A_173, %add3A_174 : i32
        %mul3A_176 = arith.constant 16 : i32
        %mul3A_177 = arith.muli %add3A_175, %mul3A_176 : i32
        %get3A_178 = arith.constant 0 : i32
        %get3A_179 = arith.index_cast %get3A_178 : i32 to index
        %get3A_180 = arith.index_cast %mul3A_177 : i32 to index
        %get3A_181 = tpu.vector_load %arg10[%get3A_179, %get3A_180] {strides = array<i32>} : memref<2x2560xi32, #tpu.memory_space<vmem>>, vector<16xi32>,
        %get3A_182 = arith.constant 1 : i32
        %get3A_183 = arith.index_cast %get3A_182 : i32 to index
        %get3A_184 = arith.index_cast %mul3A_177 : i32 to index
        %get3A_185 = tpu.vector_load %arg10[%get3A_183, %get3A_184] {strides = array<i32>} : memref<2x2560xi32, #tpu.memory_space<vmem>>, vector<16xi32>,
        %gather3A_186 = tpu.vector_load_idx %arg8[%get3A_181] : memref<30000xf32, #tpu.memory_space<vmem>>[vector<16xi32>], vector<16xf32>,
        %get3A_187 = arith.index_cast %mul3A_177 : i32 to index
        %get3A_188 = tpu.vector_load %arg11[%get3A_187] {strides = array<i32>} : memref<2560xf32, #tpu.memory_space<vmem>>, vector<16xf32>,
        %mul3A_189 = arith.mulf %gather3A_186, %get3A_188 : vector<16xf32>
        tpu.vector_store_idx %arg9[%get3A_185], %mul3A_189 {add = true} : memref<30000xf32, #tpu.memory_space<vmem>>[vector<16xi32>], vector<16xf32>,
        %add3A_190 = arith.constant 10000 : i32
        %add3A_191 = vector.broadcast %add3A_190 : i32 to vector<16xi32>
        %add3A_192 = arith.addi %get3A_181, %add3A_191 : vector<16xi32>
        %gather3A_193 = tpu.vector_load_idx %arg8[%add3A_192] : memref<30000xf32, #tpu.memory_space<vmem>>[vector<16xi32>], vector<16xf32>,
        %get3A_194 = arith.index_cast %mul3A_177 : i32 to index
        %get3A_195 = tpu.vector_load %arg12[%get3A_194] {strides = array<i32>} : memref<2560xf32, #tpu.memory_space<vmem>>, vector<16xf32>,
        %mul3A_196 = arith.mulf %gather3A_193, %get3A_195 : vector<16xf32>
        %add3A_197 = arith.constant 10000 : i32
        %add3A_198 = vector.broadcast %add3A_197 : i32 to vector<16xi32>
        %add3A_199 = arith.addi %get3A_185, %add3A_198 : vector<16xi32>
        tpu.vector_store_idx %arg9[%add3A_199], %mul3A_196 {add = true} : memref<30000xf32, #tpu.memory_space<vmem>>[vector<16xi32>], vector<16xf32>,
        %add3A_200 = arith.constant 20000 : i32
        %add3A_201 = vector.broadcast %add3A_200 : i32 to vector<16xi32>
        %add3A_202 = arith.addi %get3A_181, %add3A_201 : vector<16xi32>
        %gather3A_203 = tpu.vector_load_idx %arg8[%add3A_202] : memref<30000xf32, #tpu.memory_space<vmem>>[vector<16xi32>], vector<16xf32>,
        %get3A_204 = arith.index_cast %mul3A_177 : i32 to index
        %get3A_205 = tpu.vector_load %arg13[%get3A_204] {strides = array<i32>} : memref<2560xf32, #tpu.memory_space<vmem>>, vector<16xf32>,
        %mul3A_206 = arith.mulf %gather3A_203, %get3A_205 : vector<16xf32>
        %add3A_207 = arith.constant 20000 : i32
        %add3A_208 = vector.broadcast %add3A_207 : i32 to vector<16xi32>
        %add3A_209 = arith.addi %get3A_185, %add3A_208 : vector<16xi32>
        tpu.vector_store_idx %arg9[%add3A_209], %mul3A_206 {add = true} : memref<30000xf32, #tpu.memory_space<vmem>>[vector<16xi32>], vector<16xf32>,
        %mul3A_210 = arith.constant 5 : i32
        %mul3A_211 = arith.muli %scan3A_58, %mul3A_210 : i32
        %add3A_212 = arith.constant 4 : i32
        %add3A_213 = arith.addi %mul3A_211, %add3A_212 : i32
        %mul3A_214 = arith.constant 16 : i32
        %mul3A_215 = arith.muli %add3A_213, %mul3A_214 : i32
        %get3A_216 = arith.constant 0 : i32
        %get3A_217 = arith.index_cast %get3A_216 : i32 to index
        %get3A_218 = arith.index_cast %mul3A_215 : i32 to index
        %get3A_219 = tpu.vector_load %arg10[%get3A_217, %get3A_218] {strides = array<i32>} : memref<2x2560xi32, #tpu.memory_space<vmem>>, vector<16xi32>,
        %get3A_220 = arith.constant 1 : i32
        %get3A_221 = arith.index_cast %get3A_220 : i32 to index
        %get3A_222 = arith.index_cast %mul3A_215 : i32 to index
        %get3A_223 = tpu.vector_load %arg10[%get3A_221, %get3A_222] {strides = array<i32>} : memref<2x2560xi32, #tpu.memory_space<vmem>>, vector<16xi32>,
        %gather3A_224 = tpu.vector_load_idx %arg8[%get3A_219] : memref<30000xf32, #tpu.memory_space<vmem>>[vector<16xi32>], vector<16xf32>,
        %get3A_225 = arith.index_cast %mul3A_215 : i32 to index
        %get3A_226 = tpu.vector_load %arg11[%get3A_225] {strides = array<i32>} : memref<2560xf32, #tpu.memory_space<vmem>>, vector<16xf32>,
        %mul3A_227 = arith.mulf %gather3A_224, %get3A_226 : vector<16xf32>
        tpu.vector_store_idx %arg9[%get3A_223], %mul3A_227 {add = true} : memref<30000xf32, #tpu.memory_space<vmem>>[vector<16xi32>], vector<16xf32>,
        %add3A_228 = arith.constant 10000 : i32
        %add3A_229 = vector.broadcast %add3A_228 : i32 to vector<16xi32>
        %add3A_230 = arith.addi %get3A_219, %add3A_229 : vector<16xi32>
        %gather3A_231 = tpu.vector_load_idx %arg8[%add3A_230] : memref<30000xf32, #tpu.memory_space<vmem>>[vector<16xi32>], vector<16xf32>,
        %get3A_232 = arith.index_cast %mul3A_215 : i32 to index
        %get3A_233 = tpu.vector_load %arg12[%get3A_232] {strides = array<i32>} : memref<2560xf32, #tpu.memory_space<vmem>>, vector<16xf32>,
        %mul3A_234 = arith.mulf %gather3A_231, %get3A_233 : vector<16xf32>
        %add3A_235 = arith.constant 10000 : i32
        %add3A_236 = vector.broadcast %add3A_235 : i32 to vector<16xi32>
        %add3A_237 = arith.addi %get3A_223, %add3A_236 : vector<16xi32>
        tpu.vector_store_idx %arg9[%add3A_237], %mul3A_234 {add = true} : memref<30000xf32, #tpu.memory_space<vmem>>[vector<16xi32>], vector<16xf32>,
        %add3A_238 = arith.constant 20000 : i32
        %add3A_239 = vector.broadcast %add3A_238 : i32 to vector<16xi32>
        %add3A_240 = arith.addi %get3A_219, %add3A_239 : vector<16xi32>
        %gather3A_241 = tpu.vector_load_idx %arg8[%add3A_240] : memref<30000xf32, #tpu.memory_space<vmem>>[vector<16xi32>], vector<16xf32>,
        %get3A_242 = arith.index_cast %mul3A_215 : i32 to index
        %get3A_243 = tpu.vector_load %arg13[%get3A_242] {strides = array<i32>} : memref<2560xf32, #tpu.memory_space<vmem>>, vector<16xf32>,
        %mul3A_244 = arith.mulf %gather3A_241, %get3A_243 : vector<16xf32>
        %add3A_245 = arith.constant 20000 : i32
        %add3A_246 = vector.broadcast %add3A_245 : i32 to vector<16xi32>
        %add3A_247 = arith.addi %get3A_223, %add3A_246 : vector<16xi32>
        tpu.vector_store_idx %arg9[%add3A_247], %mul3A_244 {add = true} : memref<30000xf32, #tpu.memory_space<vmem>>[vector<16xi32>], vector<16xf32>,
        %scan3A_248 = arith.constant 0 : i32
        scf.yield %scan3A_248 : i32
      }
      %scan3A_56 = arith.constant 32 : i32
      %while3A_57 = arith.constant 0 : i32
      scf.yield %while3A_57 : i32
    }
    %while3A_39 = arith.constant 1 : i32
    %while3A_40 = scf.for %while3A_41 = %while3A_36 to %while3A_32 step %while3A_39 iter_args(%while3A_42 = %while3A_38) -> (i32)  : i32 {
      %add3A_43 = arith.constant 64 : i32
      %add3A_44 = arith.addi %add3A_43, %add3A : i32
      %mul3A_45 = arith.constant 32 : i32
      %mul3A_46 = arith.muli %while3A_41, %mul3A_45 : i32
      %add3A_47 = arith.addi %add3A_44, %mul3A_46 : i32
      %mul3A_48 = arith.constant 2560 : i32
      %mul3A_49 = arith.muli %add3A_47, %mul3A_48 : i32
      "tpu.region"() ({
        %run_scoped3A = tpu.sem_alloc : memref<!tpu.dma_semaphore, #tpu.memory_space<semaphore_mem>>
        %dma_start3A = arith.constant 0 : i32
        %dma_start3A_58 = tpu.memref_slice %arg3[%dma_start3A, %mul3A_49] : memref<2x320000xi32, #tpu.memory_space<hbm>> -> memref<2x2560xi32, #tpu.memory_space<hbm>>
        %dma_start3A_59 = arith.constant 0 : i32
        %dma_start3A_60 = tpu.memref_slice %arg3[%dma_start3A_59, %mul3A_49] : memref<2x320000xi32, #tpu.memory_space<hbm>> -> memref<2x2560xi32, #tpu.memory_space<hbm>>
        tpu.enqueue_dma source(%dma_start3A_60 : memref<2x2560xi32, #tpu.memory_space<hbm>>) target(%arg10 : memref<2x2560xi32, #tpu.memory_space<vmem>>) target_semaphore(%run_scoped3A : memref<!tpu.dma_semaphore, #tpu.memory_space<semaphore_mem>>)
        %dma_wait3A = arith.constant 0 : i32
        %dma_wait3A_61 = tpu.memref_slice %arg3[%dma_wait3A, %mul3A_49] : memref<2x320000xi32, #tpu.memory_space<hbm>> -> memref<2x2560xi32, #tpu.memory_space<hbm>>
        %dma_wait3A_62 = arith.constant 0 : i32
        %dma_wait3A_63 = tpu.memref_slice %arg3[%dma_wait3A_62, %mul3A_49] : memref<2x320000xi32, #tpu.memory_space<hbm>> -> memref<2x2560xi32, #tpu.memory_space<hbm>>
        tpu.wait_dma2 semaphore(%run_scoped3A : memref<!tpu.dma_semaphore, #tpu.memory_space<semaphore_mem>>) src(%dma_wait3A_63 : memref<2x2560xi32, #tpu.memory_space<hbm>>) dst(%arg10 : memref<2x2560xi32, #tpu.memory_space<vmem>>)
        tpu.yield
      }) : () -> ()
      "tpu.region"() ({
        %run_scoped3A = tpu.sem_alloc : memref<!tpu.dma_semaphore, #tpu.memory_space<semaphore_mem>>
        %dma_start3A = tpu.memref_slice %arg4[%mul3A_49] : memref<320000xf32, #tpu.memory_space<hbm>> -> memref<2560xf32, #tpu.memory_space<hbm>>
        %dma_start3A_58 = tpu.memref_slice %arg4[%mul3A_49] : memref<320000xf32, #tpu.memory_space<hbm>> -> memref<2560xf32, #tpu.memory_space<hbm>>
        tpu.enqueue_dma source(%dma_start3A_58 : memref<2560xf32, #tpu.memory_space<hbm>>) target(%arg11 : memref<2560xf32, #tpu.memory_space<vmem>>) target_semaphore(%run_scoped3A : memref<!tpu.dma_semaphore, #tpu.memory_space<semaphore_mem>>)
        %dma_wait3A = tpu.memref_slice %arg4[%mul3A_49] : memref<320000xf32, #tpu.memory_space<hbm>> -> memref<2560xf32, #tpu.memory_space<hbm>>
        %dma_wait3A_59 = tpu.memref_slice %arg4[%mul3A_49] : memref<320000xf32, #tpu.memory_space<hbm>> -> memref<2560xf32, #tpu.memory_space<hbm>>
        tpu.wait_dma2 semaphore(%run_scoped3A : memref<!tpu.dma_semaphore, #tpu.memory_space<semaphore_mem>>) src(%dma_wait3A_59 : memref<2560xf32, #tpu.memory_space<hbm>>) dst(%arg11 : memref<2560xf32, #tpu.memory_space<vmem>>)
        tpu.yield
      }) : () -> ()
      "tpu.region"() ({
        %run_scoped3A = tpu.sem_alloc : memref<!tpu.dma_semaphore, #tpu.memory_space<semaphore_mem>>
        %dma_start3A = tpu.memref_slice %arg5[%mul3A_49] : memref<320000xf32, #tpu.memory_space<hbm>> -> memref<2560xf32, #tpu.memory_space<hbm>>
        %dma_start3A_58 = tpu.memref_slice %arg5[%mul3A_49] : memref<320000xf32, #tpu.memory_space<hbm>> -> memref<2560xf32, #tpu.memory_space<hbm>>
        tpu.enqueue_dma source(%dma_start3A_58 : memref<2560xf32, #tpu.memory_space<hbm>>) target(%arg12 : memref<2560xf32, #tpu.memory_space<vmem>>) target_semaphore(%run_scoped3A : memref<!tpu.dma_semaphore, #tpu.memory_space<semaphore_mem>>)
        %dma_wait3A = tpu.memref_slice %arg5[%mul3A_49] : memref<320000xf32, #tpu.memory_space<hbm>> -> memref<2560xf32, #tpu.memory_space<hbm>>
        %dma_wait3A_59 = tpu.memref_slice %arg5[%mul3A_49] : memref<320000xf32, #tpu.memory_space<hbm>> -> memref<2560xf32, #tpu.memory_space<hbm>>
        tpu.wait_dma2 semaphore(%run_scoped3A : memref<!tpu.dma_semaphore, #tpu.memory_space<semaphore_mem>>) src(%dma_wait3A_59 : memref<2560xf32, #tpu.memory_space<hbm>>) dst(%arg12 : memref<2560xf32, #tpu.memory_space<vmem>>)
        tpu.yield
      }) : () -> ()
      "tpu.region"() ({
        %run_scoped3A = tpu.sem_alloc : memref<!tpu.dma_semaphore, #tpu.memory_space<semaphore_mem>>
        %dma_start3A = tpu.memref_slice %arg6[%mul3A_49] : memref<320000xf32, #tpu.memory_space<hbm>> -> memref<2560xf32, #tpu.memory_space<hbm>>
        %dma_start3A_58 = tpu.memref_slice %arg6[%mul3A_49] : memref<320000xf32, #tpu.memory_space<hbm>> -> memref<2560xf32, #tpu.memory_space<hbm>>
        tpu.enqueue_dma source(%dma_start3A_58 : memref<2560xf32, #tpu.memory_space<hbm>>) target(%arg13 : memref<2560xf32, #tpu.memory_space<vmem>>) target_semaphore(%run_scoped3A : memref<!tpu.dma_semaphore, #tpu.memory_space<semaphore_mem>>)
        %dma_wait3A = tpu.memref_slice %arg6[%mul3A_49] : memref<320000xf32, #tpu.memory_space<hbm>> -> memref<2560xf32, #tpu.memory_space<hbm>>
        %dma_wait3A_59 = tpu.memref_slice %arg6[%mul3A_49] : memref<320000xf32, #tpu.memory_space<hbm>> -> memref<2560xf32, #tpu.memory_space<hbm>>
        tpu.wait_dma2 semaphore(%run_scoped3A : memref<!tpu.dma_semaphore, #tpu.memory_space<semaphore_mem>>) src(%dma_wait3A_59 : memref<2560xf32, #tpu.memory_space<hbm>>) dst(%arg13 : memref<2560xf32, #tpu.memory_space<vmem>>)
        tpu.yield
      }) : () -> ()
      %scan3A_50 = arith.constant 0 : i32
      %scan3A_51 = arith.constant 0 : i32
      %scan3A_52 = arith.constant 32 : i32
      %scan3A_53 = arith.addi %scan3A_51, %scan3A_52 : i32
      %scan3A_54 = arith.constant 1 : i32
      %scan3A_55 = scf.for %scan3A_58 = %scan3A_51 to %scan3A_53 step %scan3A_54 iter_args(%scan3A_59 = %scan3A_50) -> (i32)  : i32 {
        %mul3A_60 = arith.constant 5 : i32
        %mul3A_61 = arith.muli %scan3A_58, %mul3A_60 : i32
        %add3A_62 = arith.constant 0 : i32
        %add3A_63 = arith.addi %mul3A_61, %add3A_62 : i32
        %mul3A_64 = arith.constant 16 : i32
        %mul3A_65 = arith.muli %add3A_63, %mul3A_64 : i32
        %get3A = arith.constant 0 : i32
        %get3A_66 = arith.index_cast %get3A : i32 to index
        %get3A_67 = arith.index_cast %mul3A_65 : i32 to index
        %get3A_68 = tpu.vector_load %arg10[%get3A_66, %get3A_67] {strides = array<i32>} : memref<2x2560xi32, #tpu.memory_space<vmem>>, vector<16xi32>,
        %get3A_69 = arith.constant 1 : i32
        %get3A_70 = arith.index_cast %get3A_69 : i32 to index
        %get3A_71 = arith.index_cast %mul3A_65 : i32 to index
        %get3A_72 = tpu.vector_load %arg10[%get3A_70, %get3A_71] {strides = array<i32>} : memref<2x2560xi32, #tpu.memory_space<vmem>>, vector<16xi32>,
        %gather3A = tpu.vector_load_idx %arg8[%get3A_68] : memref<30000xf32, #tpu.memory_space<vmem>>[vector<16xi32>], vector<16xf32>,
        %get3A_73 = arith.index_cast %mul3A_65 : i32 to index
        %get3A_74 = tpu.vector_load %arg11[%get3A_73] {strides = array<i32>} : memref<2560xf32, #tpu.memory_space<vmem>>, vector<16xf32>,
        %mul3A_75 = arith.mulf %gather3A, %get3A_74 : vector<16xf32>
        tpu.vector_store_idx %arg9[%get3A_72], %mul3A_75 {add = true} : memref<30000xf32, #tpu.memory_space<vmem>>[vector<16xi32>], vector<16xf32>,
        %add3A_76 = arith.constant 10000 : i32
        %add3A_77 = vector.broadcast %add3A_76 : i32 to vector<16xi32>
        %add3A_78 = arith.addi %get3A_68, %add3A_77 : vector<16xi32>
        %gather3A_79 = tpu.vector_load_idx %arg8[%add3A_78] : memref<30000xf32, #tpu.memory_space<vmem>>[vector<16xi32>], vector<16xf32>,
        %get3A_80 = arith.index_cast %mul3A_65 : i32 to index
        %get3A_81 = tpu.vector_load %arg12[%get3A_80] {strides = array<i32>} : memref<2560xf32, #tpu.memory_space<vmem>>, vector<16xf32>,
        %mul3A_82 = arith.mulf %gather3A_79, %get3A_81 : vector<16xf32>
        %add3A_83 = arith.constant 10000 : i32
        %add3A_84 = vector.broadcast %add3A_83 : i32 to vector<16xi32>
        %add3A_85 = arith.addi %get3A_72, %add3A_84 : vector<16xi32>
        tpu.vector_store_idx %arg9[%add3A_85], %mul3A_82 {add = true} : memref<30000xf32, #tpu.memory_space<vmem>>[vector<16xi32>], vector<16xf32>,
        %add3A_86 = arith.constant 20000 : i32
        %add3A_87 = vector.broadcast %add3A_86 : i32 to vector<16xi32>
        %add3A_88 = arith.addi %get3A_68, %add3A_87 : vector<16xi32>
        %gather3A_89 = tpu.vector_load_idx %arg8[%add3A_88] : memref<30000xf32, #tpu.memory_space<vmem>>[vector<16xi32>], vector<16xf32>,
        %get3A_90 = arith.index_cast %mul3A_65 : i32 to index
        %get3A_91 = tpu.vector_load %arg13[%get3A_90] {strides = array<i32>} : memref<2560xf32, #tpu.memory_space<vmem>>, vector<16xf32>,
        %mul3A_92 = arith.mulf %gather3A_89, %get3A_91 : vector<16xf32>
        %add3A_93 = arith.constant 20000 : i32
        %add3A_94 = vector.broadcast %add3A_93 : i32 to vector<16xi32>
        %add3A_95 = arith.addi %get3A_72, %add3A_94 : vector<16xi32>
        tpu.vector_store_idx %arg9[%add3A_95], %mul3A_92 {add = true} : memref<30000xf32, #tpu.memory_space<vmem>>[vector<16xi32>], vector<16xf32>,
        %mul3A_96 = arith.constant 5 : i32
        %mul3A_97 = arith.muli %scan3A_58, %mul3A_96 : i32
        %add3A_98 = arith.constant 1 : i32
        %add3A_99 = arith.addi %mul3A_97, %add3A_98 : i32
        %mul3A_100 = arith.constant 16 : i32
        %mul3A_101 = arith.muli %add3A_99, %mul3A_100 : i32
        %get3A_102 = arith.constant 0 : i32
        %get3A_103 = arith.index_cast %get3A_102 : i32 to index
        %get3A_104 = arith.index_cast %mul3A_101 : i32 to index
        %get3A_105 = tpu.vector_load %arg10[%get3A_103, %get3A_104] {strides = array<i32>} : memref<2x2560xi32, #tpu.memory_space<vmem>>, vector<16xi32>,
        %get3A_106 = arith.constant 1 : i32
        %get3A_107 = arith.index_cast %get3A_106 : i32 to index
        %get3A_108 = arith.index_cast %mul3A_101 : i32 to index
        %get3A_109 = tpu.vector_load %arg10[%get3A_107, %get3A_108] {strides = array<i32>} : memref<2x2560xi32, #tpu.memory_space<vmem>>, vector<16xi32>,
        %gather3A_110 = tpu.vector_load_idx %arg8[%get3A_105] : memref<30000xf32, #tpu.memory_space<vmem>>[vector<16xi32>], vector<16xf32>,
        %get3A_111 = arith.index_cast %mul3A_101 : i32 to index
        %get3A_112 = tpu.vector_load %arg11[%get3A_111] {strides = array<i32>} : memref<2560xf32, #tpu.memory_space<vmem>>, vector<16xf32>,
        %mul3A_113 = arith.mulf %gather3A_110, %get3A_112 : vector<16xf32>
        tpu.vector_store_idx %arg9[%get3A_109], %mul3A_113 {add = true} : memref<30000xf32, #tpu.memory_space<vmem>>[vector<16xi32>], vector<16xf32>,
        %add3A_114 = arith.constant 10000 : i32
        %add3A_115 = vector.broadcast %add3A_114 : i32 to vector<16xi32>
        %add3A_116 = arith.addi %get3A_105, %add3A_115 : vector<16xi32>
        %gather3A_117 = tpu.vector_load_idx %arg8[%add3A_116] : memref<30000xf32, #tpu.memory_space<vmem>>[vector<16xi32>], vector<16xf32>,
        %get3A_118 = arith.index_cast %mul3A_101 : i32 to index
        %get3A_119 = tpu.vector_load %arg12[%get3A_118] {strides = array<i32>} : memref<2560xf32, #tpu.memory_space<vmem>>, vector<16xf32>,
        %mul3A_120 = arith.mulf %gather3A_117, %get3A_119 : vector<16xf32>
        %add3A_121 = arith.constant 10000 : i32
        %add3A_122 = vector.broadcast %add3A_121 : i32 to vector<16xi32>
        %add3A_123 = arith.addi %get3A_109, %add3A_122 : vector<16xi32>
        tpu.vector_store_idx %arg9[%add3A_123], %mul3A_120 {add = true} : memref<30000xf32, #tpu.memory_space<vmem>>[vector<16xi32>], vector<16xf32>,
        %add3A_124 = arith.constant 20000 : i32
        %add3A_125 = vector.broadcast %add3A_124 : i32 to vector<16xi32>
        %add3A_126 = arith.addi %get3A_105, %add3A_125 : vector<16xi32>
        %gather3A_127 = tpu.vector_load_idx %arg8[%add3A_126] : memref<30000xf32, #tpu.memory_space<vmem>>[vector<16xi32>], vector<16xf32>,
        %get3A_128 = arith.index_cast %mul3A_101 : i32 to index
        %get3A_129 = tpu.vector_load %arg13[%get3A_128] {strides = array<i32>} : memref<2560xf32, #tpu.memory_space<vmem>>, vector<16xf32>,
        %mul3A_130 = arith.mulf %gather3A_127, %get3A_129 : vector<16xf32>
        %add3A_131 = arith.constant 20000 : i32
        %add3A_132 = vector.broadcast %add3A_131 : i32 to vector<16xi32>
        %add3A_133 = arith.addi %get3A_109, %add3A_132 : vector<16xi32>
        tpu.vector_store_idx %arg9[%add3A_133], %mul3A_130 {add = true} : memref<30000xf32, #tpu.memory_space<vmem>>[vector<16xi32>], vector<16xf32>,
        %mul3A_134 = arith.constant 5 : i32
        %mul3A_135 = arith.muli %scan3A_58, %mul3A_134 : i32
        %add3A_136 = arith.constant 2 : i32
        %add3A_137 = arith.addi %mul3A_135, %add3A_136 : i32
        %mul3A_138 = arith.constant 16 : i32
        %mul3A_139 = arith.muli %add3A_137, %mul3A_138 : i32
        %get3A_140 = arith.constant 0 : i32
        %get3A_141 = arith.index_cast %get3A_140 : i32 to index
        %get3A_142 = arith.index_cast %mul3A_139 : i32 to index
        %get3A_143 = tpu.vector_load %arg10[%get3A_141, %get3A_142] {strides = array<i32>} : memref<2x2560xi32, #tpu.memory_space<vmem>>, vector<16xi32>,
        %get3A_144 = arith.constant 1 : i32
        %get3A_145 = arith.index_cast %get3A_144 : i32 to index
        %get3A_146 = arith.index_cast %mul3A_139 : i32 to index
        %get3A_147 = tpu.vector_load %arg10[%get3A_145, %get3A_146] {strides = array<i32>} : memref<2x2560xi32, #tpu.memory_space<vmem>>, vector<16xi32>,
        %gather3A_148 = tpu.vector_load_idx %arg8[%get3A_143] : memref<30000xf32, #tpu.memory_space<vmem>>[vector<16xi32>], vector<16xf32>,
        %get3A_149 = arith.index_cast %mul3A_139 : i32 to index
        %get3A_150 = tpu.vector_load %arg11[%get3A_149] {strides = array<i32>} : memref<2560xf32, #tpu.memory_space<vmem>>, vector<16xf32>,
        %mul3A_151 = arith.mulf %gather3A_148, %get3A_150 : vector<16xf32>
        tpu.vector_store_idx %arg9[%get3A_147], %mul3A_151 {add = true} : memref<30000xf32, #tpu.memory_space<vmem>>[vector<16xi32>], vector<16xf32>,
        %add3A_152 = arith.constant 10000 : i32
        %add3A_153 = vector.broadcast %add3A_152 : i32 to vector<16xi32>
        %add3A_154 = arith.addi %get3A_143, %add3A_153 : vector<16xi32>
        %gather3A_155 = tpu.vector_load_idx %arg8[%add3A_154] : memref<30000xf32, #tpu.memory_space<vmem>>[vector<16xi32>], vector<16xf32>,
        %get3A_156 = arith.index_cast %mul3A_139 : i32 to index
        %get3A_157 = tpu.vector_load %arg12[%get3A_156] {strides = array<i32>} : memref<2560xf32, #tpu.memory_space<vmem>>, vector<16xf32>,
        %mul3A_158 = arith.mulf %gather3A_155, %get3A_157 : vector<16xf32>
        %add3A_159 = arith.constant 10000 : i32
        %add3A_160 = vector.broadcast %add3A_159 : i32 to vector<16xi32>
        %add3A_161 = arith.addi %get3A_147, %add3A_160 : vector<16xi32>
        tpu.vector_store_idx %arg9[%add3A_161], %mul3A_158 {add = true} : memref<30000xf32, #tpu.memory_space<vmem>>[vector<16xi32>], vector<16xf32>,
        %add3A_162 = arith.constant 20000 : i32
        %add3A_163 = vector.broadcast %add3A_162 : i32 to vector<16xi32>
        %add3A_164 = arith.addi %get3A_143, %add3A_163 : vector<16xi32>
        %gather3A_165 = tpu.vector_load_idx %arg8[%add3A_164] : memref<30000xf32, #tpu.memory_space<vmem>>[vector<16xi32>], vector<16xf32>,
        %get3A_166 = arith.index_cast %mul3A_139 : i32 to index
        %get3A_167 = tpu.vector_load %arg13[%get3A_166] {strides = array<i32>} : memref<2560xf32, #tpu.memory_space<vmem>>, vector<16xf32>,
        %mul3A_168 = arith.mulf %gather3A_165, %get3A_167 : vector<16xf32>
        %add3A_169 = arith.constant 20000 : i32
        %add3A_170 = vector.broadcast %add3A_169 : i32 to vector<16xi32>
        %add3A_171 = arith.addi %get3A_147, %add3A_170 : vector<16xi32>
        tpu.vector_store_idx %arg9[%add3A_171], %mul3A_168 {add = true} : memref<30000xf32, #tpu.memory_space<vmem>>[vector<16xi32>], vector<16xf32>,
        %mul3A_172 = arith.constant 5 : i32
        %mul3A_173 = arith.muli %scan3A_58, %mul3A_172 : i32
        %add3A_174 = arith.constant 3 : i32
        %add3A_175 = arith.addi %mul3A_173, %add3A_174 : i32
        %mul3A_176 = arith.constant 16 : i32
        %mul3A_177 = arith.muli %add3A_175, %mul3A_176 : i32
        %get3A_178 = arith.constant 0 : i32
        %get3A_179 = arith.index_cast %get3A_178 : i32 to index
        %get3A_180 = arith.index_cast %mul3A_177 : i32 to index
        %get3A_181 = tpu.vector_load %arg10[%get3A_179, %get3A_180] {strides = array<i32>} : memref<2x2560xi32, #tpu.memory_space<vmem>>, vector<16xi32>,
        %get3A_182 = arith.constant 1 : i32
        %get3A_183 = arith.index_cast %get3A_182 : i32 to index
        %get3A_184 = arith.index_cast %mul3A_177 : i32 to index
        %get3A_185 = tpu.vector_load %arg10[%get3A_183, %get3A_184] {strides = array<i32>} : memref<2x2560xi32, #tpu.memory_space<vmem>>, vector<16xi32>,
        %gather3A_186 = tpu.vector_load_idx %arg8[%get3A_181] : memref<30000xf32, #tpu.memory_space<vmem>>[vector<16xi32>], vector<16xf32>,
        %get3A_187 = arith.index_cast %mul3A_177 : i32 to index
        %get3A_188 = tpu.vector_load %arg11[%get3A_187] {strides = array<i32>} : memref<2560xf32, #tpu.memory_space<vmem>>, vector<16xf32>,
        %mul3A_189 = arith.mulf %gather3A_186, %get3A_188 : vector<16xf32>
        tpu.vector_store_idx %arg9[%get3A_185], %mul3A_189 {add = true} : memref<30000xf32, #tpu.memory_space<vmem>>[vector<16xi32>], vector<16xf32>,
        %add3A_190 = arith.constant 10000 : i32
        %add3A_191 = vector.broadcast %add3A_190 : i32 to vector<16xi32>
        %add3A_192 = arith.addi %get3A_181, %add3A_191 : vector<16xi32>
        %gather3A_193 = tpu.vector_load_idx %arg8[%add3A_192] : memref<30000xf32, #tpu.memory_space<vmem>>[vector<16xi32>], vector<16xf32>,
        %get3A_194 = arith.index_cast %mul3A_177 : i32 to index
        %get3A_195 = tpu.vector_load %arg12[%get3A_194] {strides = array<i32>} : memref<2560xf32, #tpu.memory_space<vmem>>, vector<16xf32>,
        %mul3A_196 = arith.mulf %gather3A_193, %get3A_195 : vector<16xf32>
        %add3A_197 = arith.constant 10000 : i32
        %add3A_198 = vector.broadcast %add3A_197 : i32 to vector<16xi32>
        %add3A_199 = arith.addi %get3A_185, %add3A_198 : vector<16xi32>
        tpu.vector_store_idx %arg9[%add3A_199], %mul3A_196 {add = true} : memref<30000xf32, #tpu.memory_space<vmem>>[vector<16xi32>], vector<16xf32>,
        %add3A_200 = arith.constant 20000 : i32
        %add3A_201 = vector.broadcast %add3A_200 : i32 to vector<16xi32>
        %add3A_202 = arith.addi %get3A_181, %add3A_201 : vector<16xi32>
        %gather3A_203 = tpu.vector_load_idx %arg8[%add3A_202] : memref<30000xf32, #tpu.memory_space<vmem>>[vector<16xi32>], vector<16xf32>,
        %get3A_204 = arith.index_cast %mul3A_177 : i32 to index
        %get3A_205 = tpu.vector_load %arg13[%get3A_204] {strides = array<i32>} : memref<2560xf32, #tpu.memory_space<vmem>>, vector<16xf32>,
        %mul3A_206 = arith.mulf %gather3A_203, %get3A_205 : vector<16xf32>
        %add3A_207 = arith.constant 20000 : i32
        %add3A_208 = vector.broadcast %add3A_207 : i32 to vector<16xi32>
        %add3A_209 = arith.addi %get3A_185, %add3A_208 : vector<16xi32>
        tpu.vector_store_idx %arg9[%add3A_209], %mul3A_206 {add = true} : memref<30000xf32, #tpu.memory_space<vmem>>[vector<16xi32>], vector<16xf32>,
        %mul3A_210 = arith.constant 5 : i32
        %mul3A_211 = arith.muli %scan3A_58, %mul3A_210 : i32
        %add3A_212 = arith.constant 4 : i32
        %add3A_213 = arith.addi %mul3A_211, %add3A_212 : i32
        %mul3A_214 = arith.constant 16 : i32
        %mul3A_215 = arith.muli %add3A_213, %mul3A_214 : i32
        %get3A_216 = arith.constant 0 : i32
        %get3A_217 = arith.index_cast %get3A_216 : i32 to index
        %get3A_218 = arith.index_cast %mul3A_215 : i32 to index
        %get3A_219 = tpu.vector_load %arg10[%get3A_217, %get3A_218] {strides = array<i32>} : memref<2x2560xi32, #tpu.memory_space<vmem>>, vector<16xi32>,
        %get3A_220 = arith.constant 1 : i32
        %get3A_221 = arith.index_cast %get3A_220 : i32 to index
        %get3A_222 = arith.index_cast %mul3A_215 : i32 to index
        %get3A_223 = tpu.vector_load %arg10[%get3A_221, %get3A_222] {strides = array<i32>} : memref<2x2560xi32, #tpu.memory_space<vmem>>, vector<16xi32>,
        %gather3A_224 = tpu.vector_load_idx %arg8[%get3A_219] : memref<30000xf32, #tpu.memory_space<vmem>>[vector<16xi32>], vector<16xf32>,
        %get3A_225 = arith.index_cast %mul3A_215 : i32 to index
        %get3A_226 = tpu.vector_load %arg11[%get3A_225] {strides = array<i32>} : memref<2560xf32, #tpu.memory_space<vmem>>, vector<16xf32>,
        %mul3A_227 = arith.mulf %gather3A_224, %get3A_226 : vector<16xf32>
        tpu.vector_store_idx %arg9[%get3A_223], %mul3A_227 {add = true} : memref<30000xf32, #tpu.memory_space<vmem>>[vector<16xi32>], vector<16xf32>,
        %add3A_228 = arith.constant 10000 : i32
        %add3A_229 = vector.broadcast %add3A_228 : i32 to vector<16xi32>
        %add3A_230 = arith.addi %get3A_219, %add3A_229 : vector<16xi32>
        %gather3A_231 = tpu.vector_load_idx %arg8[%add3A_230] : memref<30000xf32, #tpu.memory_space<vmem>>[vector<16xi32>], vector<16xf32>,
        %get3A_232 = arith.index_cast %mul3A_215 : i32 to index
        %get3A_233 = tpu.vector_load %arg12[%get3A_232] {strides = array<i32>} : memref<2560xf32, #tpu.memory_space<vmem>>, vector<16xf32>,
        %mul3A_234 = arith.mulf %gather3A_231, %get3A_233 : vector<16xf32>
        %add3A_235 = arith.constant 10000 : i32
        %add3A_236 = vector.broadcast %add3A_235 : i32 to vector<16xi32>
        %add3A_237 = arith.addi %get3A_223, %add3A_236 : vector<16xi32>
        tpu.vector_store_idx %arg9[%add3A_237], %mul3A_234 {add = true} : memref<30000xf32, #tpu.memory_space<vmem>>[vector<16xi32>], vector<16xf32>,
        %add3A_238 = arith.constant 20000 : i32
        %add3A_239 = vector.broadcast %add3A_238 : i32 to vector<16xi32>
        %add3A_240 = arith.addi %get3A_219, %add3A_239 : vector<16xi32>
        %gather3A_241 = tpu.vector_load_idx %arg8[%add3A_240] : memref<30000xf32, #tpu.memory_space<vmem>>[vector<16xi32>], vector<16xf32>,
        %get3A_242 = arith.index_cast %mul3A_215 : i32 to index
        %get3A_243 = tpu.vector_load %arg13[%get3A_242] {strides = array<i32>} : memref<2560xf32, #tpu.memory_space<vmem>>, vector<16xf32>,
        %mul3A_244 = arith.mulf %gather3A_241, %get3A_243 : vector<16xf32>
        %add3A_245 = arith.constant 20000 : i32
        %add3A_246 = vector.broadcast %add3A_245 : i32 to vector<16xi32>
        %add3A_247 = arith.addi %get3A_223, %add3A_246 : vector<16xi32>
        tpu.vector_store_idx %arg9[%add3A_247], %mul3A_244 {add = true} : memref<30000xf32, #tpu.memory_space<vmem>>[vector<16xi32>], vector<16xf32>,
        %scan3A_248 = arith.constant 0 : i32
        scf.yield %scan3A_248 : i32
      }
      %scan3A_56 = arith.constant 32 : i32
      %while3A_57 = arith.constant 0 : i32
      scf.yield %while3A_57 : i32
    }
    "tpu.region"() ({
      %run_scoped3A = tpu.sem_alloc : memref<!tpu.dma_semaphore, #tpu.memory_space<semaphore_mem>>
      %dma_start3A = arith.constant 0 : i32
      %dma_start3A_41 = tpu.memref_slice %arg7[%add3A, %dma_start3A] : memref<32x30000xf32, #tpu.memory_space<hbm>> -> memref<1x30000xf32, #tpu.memory_space<hbm>>
      %dma_start3A_42 = tpu.memref_squeeze %dma_start3A_41 : memref<1x30000xf32, #tpu.memory_space<hbm>> -> memref<30000xf32, #tpu.memory_space<hbm>>
      %dma_start3A_43 = arith.constant 0 : i32
      %dma_start3A_44 = tpu.memref_slice %arg7[%add3A, %dma_start3A_43] : memref<32x30000xf32, #tpu.memory_space<hbm>> -> memref<1x30000xf32, #tpu.memory_space<hbm>>
      %dma_start3A_45 = tpu.memref_squeeze %dma_start3A_44 : memref<1x30000xf32, #tpu.memory_space<hbm>> -> memref<30000xf32, #tpu.memory_space<hbm>>
      tpu.enqueue_dma source(%arg9 : memref<30000xf32, #tpu.memory_space<vmem>>) target(%dma_start3A_45 : memref<30000xf32, #tpu.memory_space<hbm>>) target_semaphore(%run_scoped3A : memref<!tpu.dma_semaphore, #tpu.memory_space<semaphore_mem>>)
      %dma_wait3A = arith.constant 0 : i32
      %dma_wait3A_46 = tpu.memref_slice %arg7[%add3A, %dma_wait3A] : memref<32x30000xf32, #tpu.memory_space<hbm>> -> memref<1x30000xf32, #tpu.memory_space<hbm>>
      %dma_wait3A_47 = tpu.memref_squeeze %dma_wait3A_46 : memref<1x30000xf32, #tpu.memory_space<hbm>> -> memref<30000xf32, #tpu.memory_space<hbm>>
      %dma_wait3A_48 = arith.constant 0 : i32
      %dma_wait3A_49 = tpu.memref_slice %arg7[%add3A, %dma_wait3A_48] : memref<32x30000xf32, #tpu.memory_space<hbm>> -> memref<1x30000xf32, #tpu.memory_space<hbm>>
      %dma_wait3A_50 = tpu.memref_squeeze %dma_wait3A_49 : memref<1x30000xf32, #tpu.memory_space<hbm>> -> memref<30000xf32, #tpu.memory_space<hbm>>
      tpu.wait_dma2 semaphore(%run_scoped3A : memref<!tpu.dma_semaphore, #tpu.memory_space<semaphore_mem>>) src(%arg9 : memref<30000xf32, #tpu.memory_space<vmem>>) dst(%dma_wait3A_50 : memref<30000xf32, #tpu.memory_space<hbm>>)
      tpu.yield
    }) : () -> ()
    return
  }
}

#map = affine_map<(d0, d1) -> (0)>
#map1 = affine_map<(d0, d1) -> (0, 0)>
module attributes {stable_mosaic.version = 14 : i64} {
  func.func @k(%arg0: i32, %arg1: i32, %arg2: memref<30000xf32, #tpu.memory_space<hbm>>, %arg3: memref<2x320000xi32, #tpu.memory_space<hbm>>, %arg4: memref<320000xf32, #tpu.memory_space<hbm>>, %arg5: memref<320000xf32, #tpu.memory_space<hbm>>, %arg6: memref<320000xf32, #tpu.memory_space<hbm>>, %arg7: memref<30000xf32, #tpu.memory_space<vmem>>, %arg8: memref<2x2560xi32, #tpu.memory_space<vmem>>, %arg9: memref<2560xf32, #tpu.memory_space<vmem>>, %arg10: memref<2560xf32, #tpu.memory_space<vmem>>, %arg11: memref<2560xf32, #tpu.memory_space<vmem>>) attributes {dimension_semantics = [#tpu.dimension_semantics<core_parallel>, #tpu.dimension_semantics<subcore_parallel>], iteration_bounds = array<i64: 2, 16>, scalar_prefetch = 0 : i64, scratch_operands = 5 : i64, tpu.core_type = #tpu.core_type<sc_vector_subcore>, window_params = [{transform_indices = #map}, {transform_indices = #map1}, {transform_indices = #map}, {transform_indices = #map}, {transform_indices = #map}]} {
    %mul3A = arith.constant 2 : i32
    %mul3A_0 = arith.muli %arg1, %mul3A : i32
    %add3A = arith.addi %mul3A_0, %arg0 : i32
    "tpu.region"() ({
      %run_scoped3A = tpu.sem_alloc : memref<!tpu.dma_semaphore, #tpu.memory_space<semaphore_mem>>
      tpu.enqueue_dma source(%arg2 : memref<30000xf32, #tpu.memory_space<hbm>>) target(%arg7 : memref<30000xf32, #tpu.memory_space<vmem>>) target_semaphore(%run_scoped3A : memref<!tpu.dma_semaphore, #tpu.memory_space<semaphore_mem>>)
      tpu.wait_dma2 semaphore(%run_scoped3A : memref<!tpu.dma_semaphore, #tpu.memory_space<semaphore_mem>>) src(%arg2 : memref<30000xf32, #tpu.memory_space<hbm>>) dst(%arg7 : memref<30000xf32, #tpu.memory_space<vmem>>)
      tpu.yield
    }) : () -> ()
    %sub3A = arith.constant 64 : i32
    %sub3A_1 = arith.subi %sub3A, %add3A : i32
    %add3A_2 = arith.constant 32 : i32
    %add3A_3 = arith.addi %sub3A_1, %add3A_2 : i32
    %sub3A_4 = arith.constant 1 : i32
    %sub3A_5 = arith.subi %add3A_3, %sub3A_4 : i32
    %jit3A = arith.constant 32 : i32
    %div3A = arith.divsi %sub3A_5, %jit3A : i32
    %sign3A = arith.constant 0 : i32
    %sign3A_6 = arith.cmpi sgt, %sub3A_5, %sign3A : i32
    %sign3A_7 = arith.extui %sign3A_6 : i1 to i32
    %sign3A_8 = arith.constant 0 : i32
    %sign3A_9 = arith.cmpi slt, %sub3A_5, %sign3A_8 : i32
    %sign3A_10 = arith.extui %sign3A_9 : i1 to i32
    %sign3A_11 = arith.subi %sign3A_7, %sign3A_10 : i32
    %sign3A_12 = arith.constant 0 : i32
    %sign3A_13 = arith.cmpi sgt, %jit3A, %sign3A_12 : i32
    %sign3A_14 = arith.extui %sign3A_13 : i1 to i32
    %sign3A_15 = arith.constant 0 : i32
    %sign3A_16 = arith.cmpi slt, %jit3A, %sign3A_15 : i32
    %sign3A_17 = arith.extui %sign3A_16 : i1 to i32
    %sign3A_18 = arith.subi %sign3A_14, %sign3A_17 : i32
    %ne3A = arith.cmpi ne, %sign3A_11, %sign3A_18 : i32
    %rem3A = arith.remsi %sub3A_5, %jit3A : i32
    %ne3A_19 = arith.constant 0 : i32
    %ne3A_20 = arith.cmpi ne, %rem3A, %ne3A_19 : i32
    %and3A = arith.andi %ne3A, %ne3A_20 : i1
    %sub3A_21 = arith.constant 1 : i32
    %sub3A_22 = arith.subi %div3A, %sub3A_21 : i32
    %select_n3A = arith.select %and3A, %sub3A_22, %div3A : i32
    %while3A = arith.constant 0 : i32
    %while3A_23 = arith.constant 0 : i32
    %while3A_24 = arith.subi %select_n3A, %while3A : i32
    %while3A_25 = arith.addi %while3A, %while3A_24 : i32
    %while3A_26 = arith.constant 1 : i32
    %while3A_27 = arith.divsi %while3A_24, %while3A_26 : i32
    %while3A_28 = arith.muli %while3A_27, %while3A_26 : i32
    %while3A_29 = arith.addi %while3A, %while3A_28 : i32
    %while3A_30 = arith.constant 1 : i32
    %while3A_31 = scf.for %while3A_34 = %while3A to %while3A_29 step %while3A_30 iter_args(%while3A_35 = %while3A_23) -> (i32)  : i32 {
      %add3A_36 = arith.constant 0 : i32
      %add3A_37 = arith.addi %add3A_36, %add3A : i32
      %mul3A_38 = arith.constant 32 : i32
      %mul3A_39 = arith.muli %while3A_34, %mul3A_38 : i32
      %add3A_40 = arith.addi %add3A_37, %mul3A_39 : i32
      %mul3A_41 = arith.constant 2560 : i32
      %mul3A_42 = arith.muli %add3A_40, %mul3A_41 : i32
      "tpu.region"() ({
        %run_scoped3A = tpu.sem_alloc : memref<!tpu.dma_semaphore, #tpu.memory_space<semaphore_mem>>
        %dma_start3A = arith.constant 0 : i32
        %dma_start3A_50 = tpu.memref_slice %arg3[%dma_start3A, %mul3A_42] : memref<2x320000xi32, #tpu.memory_space<hbm>> -> memref<2x2560xi32, #tpu.memory_space<hbm>>
        %dma_start3A_51 = arith.constant 0 : i32
        %dma_start3A_52 = tpu.memref_slice %arg3[%dma_start3A_51, %mul3A_42] : memref<2x320000xi32, #tpu.memory_space<hbm>> -> memref<2x2560xi32, #tpu.memory_space<hbm>>
        tpu.enqueue_dma source(%dma_start3A_52 : memref<2x2560xi32, #tpu.memory_space<hbm>>) target(%arg8 : memref<2x2560xi32, #tpu.memory_space<vmem>>) target_semaphore(%run_scoped3A : memref<!tpu.dma_semaphore, #tpu.memory_space<semaphore_mem>>)
        %dma_wait3A = arith.constant 0 : i32
        %dma_wait3A_53 = tpu.memref_slice %arg3[%dma_wait3A, %mul3A_42] : memref<2x320000xi32, #tpu.memory_space<hbm>> -> memref<2x2560xi32, #tpu.memory_space<hbm>>
        %dma_wait3A_54 = arith.constant 0 : i32
        %dma_wait3A_55 = tpu.memref_slice %arg3[%dma_wait3A_54, %mul3A_42] : memref<2x320000xi32, #tpu.memory_space<hbm>> -> memref<2x2560xi32, #tpu.memory_space<hbm>>
        tpu.wait_dma2 semaphore(%run_scoped3A : memref<!tpu.dma_semaphore, #tpu.memory_space<semaphore_mem>>) src(%dma_wait3A_55 : memref<2x2560xi32, #tpu.memory_space<hbm>>) dst(%arg8 : memref<2x2560xi32, #tpu.memory_space<vmem>>)
        tpu.yield
      }) : () -> ()
      %scan3A = arith.constant 0 : i32
      %scan3A_43 = arith.constant 0 : i32
      %scan3A_44 = arith.constant 32 : i32
      %scan3A_45 = arith.addi %scan3A_43, %scan3A_44 : i32
      %scan3A_46 = arith.constant 1 : i32
      %scan3A_47 = scf.for %scan3A_50 = %scan3A_43 to %scan3A_45 step %scan3A_46 iter_args(%scan3A_51 = %scan3A) -> (i32)  : i32 {
        %mul3A_52 = arith.constant 5 : i32
        %mul3A_53 = arith.muli %scan3A_50, %mul3A_52 : i32
        %add3A_54 = arith.constant 0 : i32
        %add3A_55 = arith.addi %mul3A_53, %add3A_54 : i32
        %mul3A_56 = arith.constant 16 : i32
        %mul3A_57 = arith.muli %add3A_55, %mul3A_56 : i32
        %get3A = arith.constant 0 : i32
        %get3A_58 = arith.index_cast %get3A : i32 to index
        %get3A_59 = arith.index_cast %mul3A_57 : i32 to index
        %get3A_60 = tpu.vector_load %arg8[%get3A_58, %get3A_59] {strides = array<i32>} : memref<2x2560xi32, #tpu.memory_space<vmem>>, vector<16xi32>,
        %mul3A_61 = arith.constant 3 : i32
        %mul3A_62 = vector.broadcast %mul3A_61 : i32 to vector<16xi32>
        %mul3A_63 = arith.muli %get3A_60, %mul3A_62 : vector<16xi32>
        %get3A_64 = arith.constant 1 : i32
        %get3A_65 = arith.index_cast %get3A_64 : i32 to index
        %get3A_66 = arith.index_cast %mul3A_57 : i32 to index
        %get3A_67 = tpu.vector_load %arg8[%get3A_65, %get3A_66] {strides = array<i32>} : memref<2x2560xi32, #tpu.memory_space<vmem>>, vector<16xi32>,
        %mul3A_68 = arith.constant 3 : i32
        %mul3A_69 = vector.broadcast %mul3A_68 : i32 to vector<16xi32>
        %mul3A_70 = arith.muli %get3A_67, %mul3A_69 : vector<16xi32>
        %gather3A = tpu.vector_load_idx %arg7[%mul3A_63] : memref<30000xf32, #tpu.memory_space<vmem>>[vector<16xi32>], vector<16xf32>,
        %gather3A_71 = tpu.vector_load_idx %arg7[%mul3A_70] : memref<30000xf32, #tpu.memory_space<vmem>>[vector<16xi32>], vector<16xf32>,
        %sub3A_72 = arith.subf %gather3A, %gather3A_71 : vector<16xf32>
        %swap3A = arith.index_cast %mul3A_57 : i32 to index
        %swap3A_73 = tpu.vector_load %arg9[%swap3A] {strides = array<i32>} : memref<2560xf32, #tpu.memory_space<vmem>>, vector<16xf32>,
        tpu.vector_store %arg9[%swap3A], %sub3A_72 {strides = array<i32>} : memref<2560xf32, #tpu.memory_space<vmem>>, vector<16xf32>,
        %add3A_74 = arith.constant 1 : i32
        %add3A_75 = vector.broadcast %add3A_74 : i32 to vector<16xi32>
        %add3A_76 = arith.addi %mul3A_63, %add3A_75 : vector<16xi32>
        %gather3A_77 = tpu.vector_load_idx %arg7[%add3A_76] : memref<30000xf32, #tpu.memory_space<vmem>>[vector<16xi32>], vector<16xf32>,
        %add3A_78 = arith.constant 1 : i32
        %add3A_79 = vector.broadcast %add3A_78 : i32 to vector<16xi32>
        %add3A_80 = arith.addi %mul3A_70, %add3A_79 : vector<16xi32>
        %gather3A_81 = tpu.vector_load_idx %arg7[%add3A_80] : memref<30000xf32, #tpu.memory_space<vmem>>[vector<16xi32>], vector<16xf32>,
        %sub3A_82 = arith.subf %gather3A_77, %gather3A_81 : vector<16xf32>
        %swap3A_83 = arith.index_cast %mul3A_57 : i32 to index
        %swap3A_84 = tpu.vector_load %arg10[%swap3A_83] {strides = array<i32>} : memref<2560xf32, #tpu.memory_space<vmem>>, vector<16xf32>,
        tpu.vector_store %arg10[%swap3A_83], %sub3A_82 {strides = array<i32>} : memref<2560xf32, #tpu.memory_space<vmem>>, vector<16xf32>,
        %add3A_85 = arith.constant 2 : i32
        %add3A_86 = vector.broadcast %add3A_85 : i32 to vector<16xi32>
        %add3A_87 = arith.addi %mul3A_63, %add3A_86 : vector<16xi32>
        %gather3A_88 = tpu.vector_load_idx %arg7[%add3A_87] : memref<30000xf32, #tpu.memory_space<vmem>>[vector<16xi32>], vector<16xf32>,
        %add3A_89 = arith.constant 2 : i32
        %add3A_90 = vector.broadcast %add3A_89 : i32 to vector<16xi32>
        %add3A_91 = arith.addi %mul3A_70, %add3A_90 : vector<16xi32>
        %gather3A_92 = tpu.vector_load_idx %arg7[%add3A_91] : memref<30000xf32, #tpu.memory_space<vmem>>[vector<16xi32>], vector<16xf32>,
        %sub3A_93 = arith.subf %gather3A_88, %gather3A_92 : vector<16xf32>
        %swap3A_94 = arith.index_cast %mul3A_57 : i32 to index
        %swap3A_95 = tpu.vector_load %arg11[%swap3A_94] {strides = array<i32>} : memref<2560xf32, #tpu.memory_space<vmem>>, vector<16xf32>,
        tpu.vector_store %arg11[%swap3A_94], %sub3A_93 {strides = array<i32>} : memref<2560xf32, #tpu.memory_space<vmem>>, vector<16xf32>,
        %mul3A_96 = arith.constant 5 : i32
        %mul3A_97 = arith.muli %scan3A_50, %mul3A_96 : i32
        %add3A_98 = arith.constant 1 : i32
        %add3A_99 = arith.addi %mul3A_97, %add3A_98 : i32
        %mul3A_100 = arith.constant 16 : i32
        %mul3A_101 = arith.muli %add3A_99, %mul3A_100 : i32
        %get3A_102 = arith.constant 0 : i32
        %get3A_103 = arith.index_cast %get3A_102 : i32 to index
        %get3A_104 = arith.index_cast %mul3A_101 : i32 to index
        %get3A_105 = tpu.vector_load %arg8[%get3A_103, %get3A_104] {strides = array<i32>} : memref<2x2560xi32, #tpu.memory_space<vmem>>, vector<16xi32>,
        %mul3A_106 = arith.constant 3 : i32
        %mul3A_107 = vector.broadcast %mul3A_106 : i32 to vector<16xi32>
        %mul3A_108 = arith.muli %get3A_105, %mul3A_107 : vector<16xi32>
        %get3A_109 = arith.constant 1 : i32
        %get3A_110 = arith.index_cast %get3A_109 : i32 to index
        %get3A_111 = arith.index_cast %mul3A_101 : i32 to index
        %get3A_112 = tpu.vector_load %arg8[%get3A_110, %get3A_111] {strides = array<i32>} : memref<2x2560xi32, #tpu.memory_space<vmem>>, vector<16xi32>,
        %mul3A_113 = arith.constant 3 : i32
        %mul3A_114 = vector.broadcast %mul3A_113 : i32 to vector<16xi32>
        %mul3A_115 = arith.muli %get3A_112, %mul3A_114 : vector<16xi32>
        %gather3A_116 = tpu.vector_load_idx %arg7[%mul3A_108] : memref<30000xf32, #tpu.memory_space<vmem>>[vector<16xi32>], vector<16xf32>,
        %gather3A_117 = tpu.vector_load_idx %arg7[%mul3A_115] : memref<30000xf32, #tpu.memory_space<vmem>>[vector<16xi32>], vector<16xf32>,
        %sub3A_118 = arith.subf %gather3A_116, %gather3A_117 : vector<16xf32>
        %swap3A_119 = arith.index_cast %mul3A_101 : i32 to index
        %swap3A_120 = tpu.vector_load %arg9[%swap3A_119] {strides = array<i32>} : memref<2560xf32, #tpu.memory_space<vmem>>, vector<16xf32>,
        tpu.vector_store %arg9[%swap3A_119], %sub3A_118 {strides = array<i32>} : memref<2560xf32, #tpu.memory_space<vmem>>, vector<16xf32>,
        %add3A_121 = arith.constant 1 : i32
        %add3A_122 = vector.broadcast %add3A_121 : i32 to vector<16xi32>
        %add3A_123 = arith.addi %mul3A_108, %add3A_122 : vector<16xi32>
        %gather3A_124 = tpu.vector_load_idx %arg7[%add3A_123] : memref<30000xf32, #tpu.memory_space<vmem>>[vector<16xi32>], vector<16xf32>,
        %add3A_125 = arith.constant 1 : i32
        %add3A_126 = vector.broadcast %add3A_125 : i32 to vector<16xi32>
        %add3A_127 = arith.addi %mul3A_115, %add3A_126 : vector<16xi32>
        %gather3A_128 = tpu.vector_load_idx %arg7[%add3A_127] : memref<30000xf32, #tpu.memory_space<vmem>>[vector<16xi32>], vector<16xf32>,
        %sub3A_129 = arith.subf %gather3A_124, %gather3A_128 : vector<16xf32>
        %swap3A_130 = arith.index_cast %mul3A_101 : i32 to index
        %swap3A_131 = tpu.vector_load %arg10[%swap3A_130] {strides = array<i32>} : memref<2560xf32, #tpu.memory_space<vmem>>, vector<16xf32>,
        tpu.vector_store %arg10[%swap3A_130], %sub3A_129 {strides = array<i32>} : memref<2560xf32, #tpu.memory_space<vmem>>, vector<16xf32>,
        %add3A_132 = arith.constant 2 : i32
        %add3A_133 = vector.broadcast %add3A_132 : i32 to vector<16xi32>
        %add3A_134 = arith.addi %mul3A_108, %add3A_133 : vector<16xi32>
        %gather3A_135 = tpu.vector_load_idx %arg7[%add3A_134] : memref<30000xf32, #tpu.memory_space<vmem>>[vector<16xi32>], vector<16xf32>,
        %add3A_136 = arith.constant 2 : i32
        %add3A_137 = vector.broadcast %add3A_136 : i32 to vector<16xi32>
        %add3A_138 = arith.addi %mul3A_115, %add3A_137 : vector<16xi32>
        %gather3A_139 = tpu.vector_load_idx %arg7[%add3A_138] : memref<30000xf32, #tpu.memory_space<vmem>>[vector<16xi32>], vector<16xf32>,
        %sub3A_140 = arith.subf %gather3A_135, %gather3A_139 : vector<16xf32>
        %swap3A_141 = arith.index_cast %mul3A_101 : i32 to index
        %swap3A_142 = tpu.vector_load %arg11[%swap3A_141] {strides = array<i32>} : memref<2560xf32, #tpu.memory_space<vmem>>, vector<16xf32>,
        tpu.vector_store %arg11[%swap3A_141], %sub3A_140 {strides = array<i32>} : memref<2560xf32, #tpu.memory_space<vmem>>, vector<16xf32>,
        %mul3A_143 = arith.constant 5 : i32
        %mul3A_144 = arith.muli %scan3A_50, %mul3A_143 : i32
        %add3A_145 = arith.constant 2 : i32
        %add3A_146 = arith.addi %mul3A_144, %add3A_145 : i32
        %mul3A_147 = arith.constant 16 : i32
        %mul3A_148 = arith.muli %add3A_146, %mul3A_147 : i32
        %get3A_149 = arith.constant 0 : i32
        %get3A_150 = arith.index_cast %get3A_149 : i32 to index
        %get3A_151 = arith.index_cast %mul3A_148 : i32 to index
        %get3A_152 = tpu.vector_load %arg8[%get3A_150, %get3A_151] {strides = array<i32>} : memref<2x2560xi32, #tpu.memory_space<vmem>>, vector<16xi32>,
        %mul3A_153 = arith.constant 3 : i32
        %mul3A_154 = vector.broadcast %mul3A_153 : i32 to vector<16xi32>
        %mul3A_155 = arith.muli %get3A_152, %mul3A_154 : vector<16xi32>
        %get3A_156 = arith.constant 1 : i32
        %get3A_157 = arith.index_cast %get3A_156 : i32 to index
        %get3A_158 = arith.index_cast %mul3A_148 : i32 to index
        %get3A_159 = tpu.vector_load %arg8[%get3A_157, %get3A_158] {strides = array<i32>} : memref<2x2560xi32, #tpu.memory_space<vmem>>, vector<16xi32>,
        %mul3A_160 = arith.constant 3 : i32
        %mul3A_161 = vector.broadcast %mul3A_160 : i32 to vector<16xi32>
        %mul3A_162 = arith.muli %get3A_159, %mul3A_161 : vector<16xi32>
        %gather3A_163 = tpu.vector_load_idx %arg7[%mul3A_155] : memref<30000xf32, #tpu.memory_space<vmem>>[vector<16xi32>], vector<16xf32>,
        %gather3A_164 = tpu.vector_load_idx %arg7[%mul3A_162] : memref<30000xf32, #tpu.memory_space<vmem>>[vector<16xi32>], vector<16xf32>,
        %sub3A_165 = arith.subf %gather3A_163, %gather3A_164 : vector<16xf32>
        %swap3A_166 = arith.index_cast %mul3A_148 : i32 to index
        %swap3A_167 = tpu.vector_load %arg9[%swap3A_166] {strides = array<i32>} : memref<2560xf32, #tpu.memory_space<vmem>>, vector<16xf32>,
        tpu.vector_store %arg9[%swap3A_166], %sub3A_165 {strides = array<i32>} : memref<2560xf32, #tpu.memory_space<vmem>>, vector<16xf32>,
        %add3A_168 = arith.constant 1 : i32
        %add3A_169 = vector.broadcast %add3A_168 : i32 to vector<16xi32>
        %add3A_170 = arith.addi %mul3A_155, %add3A_169 : vector<16xi32>
        %gather3A_171 = tpu.vector_load_idx %arg7[%add3A_170] : memref<30000xf32, #tpu.memory_space<vmem>>[vector<16xi32>], vector<16xf32>,
        %add3A_172 = arith.constant 1 : i32
        %add3A_173 = vector.broadcast %add3A_172 : i32 to vector<16xi32>
        %add3A_174 = arith.addi %mul3A_162, %add3A_173 : vector<16xi32>
        %gather3A_175 = tpu.vector_load_idx %arg7[%add3A_174] : memref<30000xf32, #tpu.memory_space<vmem>>[vector<16xi32>], vector<16xf32>,
        %sub3A_176 = arith.subf %gather3A_171, %gather3A_175 : vector<16xf32>
        %swap3A_177 = arith.index_cast %mul3A_148 : i32 to index
        %swap3A_178 = tpu.vector_load %arg10[%swap3A_177] {strides = array<i32>} : memref<2560xf32, #tpu.memory_space<vmem>>, vector<16xf32>,
        tpu.vector_store %arg10[%swap3A_177], %sub3A_176 {strides = array<i32>} : memref<2560xf32, #tpu.memory_space<vmem>>, vector<16xf32>,
        %add3A_179 = arith.constant 2 : i32
        %add3A_180 = vector.broadcast %add3A_179 : i32 to vector<16xi32>
        %add3A_181 = arith.addi %mul3A_155, %add3A_180 : vector<16xi32>
        %gather3A_182 = tpu.vector_load_idx %arg7[%add3A_181] : memref<30000xf32, #tpu.memory_space<vmem>>[vector<16xi32>], vector<16xf32>,
        %add3A_183 = arith.constant 2 : i32
        %add3A_184 = vector.broadcast %add3A_183 : i32 to vector<16xi32>
        %add3A_185 = arith.addi %mul3A_162, %add3A_184 : vector<16xi32>
        %gather3A_186 = tpu.vector_load_idx %arg7[%add3A_185] : memref<30000xf32, #tpu.memory_space<vmem>>[vector<16xi32>], vector<16xf32>,
        %sub3A_187 = arith.subf %gather3A_182, %gather3A_186 : vector<16xf32>
        %swap3A_188 = arith.index_cast %mul3A_148 : i32 to index
        %swap3A_189 = tpu.vector_load %arg11[%swap3A_188] {strides = array<i32>} : memref<2560xf32, #tpu.memory_space<vmem>>, vector<16xf32>,
        tpu.vector_store %arg11[%swap3A_188], %sub3A_187 {strides = array<i32>} : memref<2560xf32, #tpu.memory_space<vmem>>, vector<16xf32>,
        %mul3A_190 = arith.constant 5 : i32
        %mul3A_191 = arith.muli %scan3A_50, %mul3A_190 : i32
        %add3A_192 = arith.constant 3 : i32
        %add3A_193 = arith.addi %mul3A_191, %add3A_192 : i32
        %mul3A_194 = arith.constant 16 : i32
        %mul3A_195 = arith.muli %add3A_193, %mul3A_194 : i32
        %get3A_196 = arith.constant 0 : i32
        %get3A_197 = arith.index_cast %get3A_196 : i32 to index
        %get3A_198 = arith.index_cast %mul3A_195 : i32 to index
        %get3A_199 = tpu.vector_load %arg8[%get3A_197, %get3A_198] {strides = array<i32>} : memref<2x2560xi32, #tpu.memory_space<vmem>>, vector<16xi32>,
        %mul3A_200 = arith.constant 3 : i32
        %mul3A_201 = vector.broadcast %mul3A_200 : i32 to vector<16xi32>
        %mul3A_202 = arith.muli %get3A_199, %mul3A_201 : vector<16xi32>
        %get3A_203 = arith.constant 1 : i32
        %get3A_204 = arith.index_cast %get3A_203 : i32 to index
        %get3A_205 = arith.index_cast %mul3A_195 : i32 to index
        %get3A_206 = tpu.vector_load %arg8[%get3A_204, %get3A_205] {strides = array<i32>} : memref<2x2560xi32, #tpu.memory_space<vmem>>, vector<16xi32>,
        %mul3A_207 = arith.constant 3 : i32
        %mul3A_208 = vector.broadcast %mul3A_207 : i32 to vector<16xi32>
        %mul3A_209 = arith.muli %get3A_206, %mul3A_208 : vector<16xi32>
        %gather3A_210 = tpu.vector_load_idx %arg7[%mul3A_202] : memref<30000xf32, #tpu.memory_space<vmem>>[vector<16xi32>], vector<16xf32>,
        %gather3A_211 = tpu.vector_load_idx %arg7[%mul3A_209] : memref<30000xf32, #tpu.memory_space<vmem>>[vector<16xi32>], vector<16xf32>,
        %sub3A_212 = arith.subf %gather3A_210, %gather3A_211 : vector<16xf32>
        %swap3A_213 = arith.index_cast %mul3A_195 : i32 to index
        %swap3A_214 = tpu.vector_load %arg9[%swap3A_213] {strides = array<i32>} : memref<2560xf32, #tpu.memory_space<vmem>>, vector<16xf32>,
        tpu.vector_store %arg9[%swap3A_213], %sub3A_212 {strides = array<i32>} : memref<2560xf32, #tpu.memory_space<vmem>>, vector<16xf32>,
        %add3A_215 = arith.constant 1 : i32
        %add3A_216 = vector.broadcast %add3A_215 : i32 to vector<16xi32>
        %add3A_217 = arith.addi %mul3A_202, %add3A_216 : vector<16xi32>
        %gather3A_218 = tpu.vector_load_idx %arg7[%add3A_217] : memref<30000xf32, #tpu.memory_space<vmem>>[vector<16xi32>], vector<16xf32>,
        %add3A_219 = arith.constant 1 : i32
        %add3A_220 = vector.broadcast %add3A_219 : i32 to vector<16xi32>
        %add3A_221 = arith.addi %mul3A_209, %add3A_220 : vector<16xi32>
        %gather3A_222 = tpu.vector_load_idx %arg7[%add3A_221] : memref<30000xf32, #tpu.memory_space<vmem>>[vector<16xi32>], vector<16xf32>,
        %sub3A_223 = arith.subf %gather3A_218, %gather3A_222 : vector<16xf32>
        %swap3A_224 = arith.index_cast %mul3A_195 : i32 to index
        %swap3A_225 = tpu.vector_load %arg10[%swap3A_224] {strides = array<i32>} : memref<2560xf32, #tpu.memory_space<vmem>>, vector<16xf32>,
        tpu.vector_store %arg10[%swap3A_224], %sub3A_223 {strides = array<i32>} : memref<2560xf32, #tpu.memory_space<vmem>>, vector<16xf32>,
        %add3A_226 = arith.constant 2 : i32
        %add3A_227 = vector.broadcast %add3A_226 : i32 to vector<16xi32>
        %add3A_228 = arith.addi %mul3A_202, %add3A_227 : vector<16xi32>
        %gather3A_229 = tpu.vector_load_idx %arg7[%add3A_228] : memref<30000xf32, #tpu.memory_space<vmem>>[vector<16xi32>], vector<16xf32>,
        %add3A_230 = arith.constant 2 : i32
        %add3A_231 = vector.broadcast %add3A_230 : i32 to vector<16xi32>
        %add3A_232 = arith.addi %mul3A_209, %add3A_231 : vector<16xi32>
        %gather3A_233 = tpu.vector_load_idx %arg7[%add3A_232] : memref<30000xf32, #tpu.memory_space<vmem>>[vector<16xi32>], vector<16xf32>,
        %sub3A_234 = arith.subf %gather3A_229, %gather3A_233 : vector<16xf32>
        %swap3A_235 = arith.index_cast %mul3A_195 : i32 to index
        %swap3A_236 = tpu.vector_load %arg11[%swap3A_235] {strides = array<i32>} : memref<2560xf32, #tpu.memory_space<vmem>>, vector<16xf32>,
        tpu.vector_store %arg11[%swap3A_235], %sub3A_234 {strides = array<i32>} : memref<2560xf32, #tpu.memory_space<vmem>>, vector<16xf32>,
        %mul3A_237 = arith.constant 5 : i32
        %mul3A_238 = arith.muli %scan3A_50, %mul3A_237 : i32
        %add3A_239 = arith.constant 4 : i32
        %add3A_240 = arith.addi %mul3A_238, %add3A_239 : i32
        %mul3A_241 = arith.constant 16 : i32
        %mul3A_242 = arith.muli %add3A_240, %mul3A_241 : i32
        %get3A_243 = arith.constant 0 : i32
        %get3A_244 = arith.index_cast %get3A_243 : i32 to index
        %get3A_245 = arith.index_cast %mul3A_242 : i32 to index
        %get3A_246 = tpu.vector_load %arg8[%get3A_244, %get3A_245] {strides = array<i32>} : memref<2x2560xi32, #tpu.memory_space<vmem>>, vector<16xi32>,
        %mul3A_247 = arith.constant 3 : i32
        %mul3A_248 = vector.broadcast %mul3A_247 : i32 to vector<16xi32>
        %mul3A_249 = arith.muli %get3A_246, %mul3A_248 : vector<16xi32>
        %get3A_250 = arith.constant 1 : i32
        %get3A_251 = arith.index_cast %get3A_250 : i32 to index
        %get3A_252 = arith.index_cast %mul3A_242 : i32 to index
        %get3A_253 = tpu.vector_load %arg8[%get3A_251, %get3A_252] {strides = array<i32>} : memref<2x2560xi32, #tpu.memory_space<vmem>>, vector<16xi32>,
        %mul3A_254 = arith.constant 3 : i32
        %mul3A_255 = vector.broadcast %mul3A_254 : i32 to vector<16xi32>
        %mul3A_256 = arith.muli %get3A_253, %mul3A_255 : vector<16xi32>
        %gather3A_257 = tpu.vector_load_idx %arg7[%mul3A_249] : memref<30000xf32, #tpu.memory_space<vmem>>[vector<16xi32>], vector<16xf32>,
        %gather3A_258 = tpu.vector_load_idx %arg7[%mul3A_256] : memref<30000xf32, #tpu.memory_space<vmem>>[vector<16xi32>], vector<16xf32>,
        %sub3A_259 = arith.subf %gather3A_257, %gather3A_258 : vector<16xf32>
        %swap3A_260 = arith.index_cast %mul3A_242 : i32 to index
        %swap3A_261 = tpu.vector_load %arg9[%swap3A_260] {strides = array<i32>} : memref<2560xf32, #tpu.memory_space<vmem>>, vector<16xf32>,
        tpu.vector_store %arg9[%swap3A_260], %sub3A_259 {strides = array<i32>} : memref<2560xf32, #tpu.memory_space<vmem>>, vector<16xf32>,
        %add3A_262 = arith.constant 1 : i32
        %add3A_263 = vector.broadcast %add3A_262 : i32 to vector<16xi32>
        %add3A_264 = arith.addi %mul3A_249, %add3A_263 : vector<16xi32>
        %gather3A_265 = tpu.vector_load_idx %arg7[%add3A_264] : memref<30000xf32, #tpu.memory_space<vmem>>[vector<16xi32>], vector<16xf32>,
        %add3A_266 = arith.constant 1 : i32
        %add3A_267 = vector.broadcast %add3A_266 : i32 to vector<16xi32>
        %add3A_268 = arith.addi %mul3A_256, %add3A_267 : vector<16xi32>
        %gather3A_269 = tpu.vector_load_idx %arg7[%add3A_268] : memref<30000xf32, #tpu.memory_space<vmem>>[vector<16xi32>], vector<16xf32>,
        %sub3A_270 = arith.subf %gather3A_265, %gather3A_269 : vector<16xf32>
        %swap3A_271 = arith.index_cast %mul3A_242 : i32 to index
        %swap3A_272 = tpu.vector_load %arg10[%swap3A_271] {strides = array<i32>} : memref<2560xf32, #tpu.memory_space<vmem>>, vector<16xf32>,
        tpu.vector_store %arg10[%swap3A_271], %sub3A_270 {strides = array<i32>} : memref<2560xf32, #tpu.memory_space<vmem>>, vector<16xf32>,
        %add3A_273 = arith.constant 2 : i32
        %add3A_274 = vector.broadcast %add3A_273 : i32 to vector<16xi32>
        %add3A_275 = arith.addi %mul3A_249, %add3A_274 : vector<16xi32>
        %gather3A_276 = tpu.vector_load_idx %arg7[%add3A_275] : memref<30000xf32, #tpu.memory_space<vmem>>[vector<16xi32>], vector<16xf32>,
        %add3A_277 = arith.constant 2 : i32
        %add3A_278 = vector.broadcast %add3A_277 : i32 to vector<16xi32>
        %add3A_279 = arith.addi %mul3A_256, %add3A_278 : vector<16xi32>
        %gather3A_280 = tpu.vector_load_idx %arg7[%add3A_279] : memref<30000xf32, #tpu.memory_space<vmem>>[vector<16xi32>], vector<16xf32>,
        %sub3A_281 = arith.subf %gather3A_276, %gather3A_280 : vector<16xf32>
        %swap3A_282 = arith.index_cast %mul3A_242 : i32 to index
        %swap3A_283 = tpu.vector_load %arg11[%swap3A_282] {strides = array<i32>} : memref<2560xf32, #tpu.memory_space<vmem>>, vector<16xf32>,
        tpu.vector_store %arg11[%swap3A_282], %sub3A_281 {strides = array<i32>} : memref<2560xf32, #tpu.memory_space<vmem>>, vector<16xf32>,
        %scan3A_284 = arith.constant 0 : i32
        scf.yield %scan3A_284 : i32
      }
      %scan3A_48 = arith.constant 32 : i32
      "tpu.region"() ({
        %run_scoped3A = tpu.sem_alloc : memref<!tpu.dma_semaphore, #tpu.memory_space<semaphore_mem>>
        %dma_start3A = tpu.memref_slice %arg4[%mul3A_42] : memref<320000xf32, #tpu.memory_space<hbm>> -> memref<2560xf32, #tpu.memory_space<hbm>>
        %dma_start3A_50 = tpu.memref_slice %arg4[%mul3A_42] : memref<320000xf32, #tpu.memory_space<hbm>> -> memref<2560xf32, #tpu.memory_space<hbm>>
        tpu.enqueue_dma source(%arg9 : memref<2560xf32, #tpu.memory_space<vmem>>) target(%dma_start3A_50 : memref<2560xf32, #tpu.memory_space<hbm>>) target_semaphore(%run_scoped3A : memref<!tpu.dma_semaphore, #tpu.memory_space<semaphore_mem>>)
        %dma_wait3A = tpu.memref_slice %arg4[%mul3A_42] : memref<320000xf32, #tpu.memory_space<hbm>> -> memref<2560xf32, #tpu.memory_space<hbm>>
        %dma_wait3A_51 = tpu.memref_slice %arg4[%mul3A_42] : memref<320000xf32, #tpu.memory_space<hbm>> -> memref<2560xf32, #tpu.memory_space<hbm>>
        tpu.wait_dma2 semaphore(%run_scoped3A : memref<!tpu.dma_semaphore, #tpu.memory_space<semaphore_mem>>) src(%arg9 : memref<2560xf32, #tpu.memory_space<vmem>>) dst(%dma_wait3A_51 : memref<2560xf32, #tpu.memory_space<hbm>>)
        tpu.yield
      }) : () -> ()
      "tpu.region"() ({
        %run_scoped3A = tpu.sem_alloc : memref<!tpu.dma_semaphore, #tpu.memory_space<semaphore_mem>>
        %dma_start3A = tpu.memref_slice %arg5[%mul3A_42] : memref<320000xf32, #tpu.memory_space<hbm>> -> memref<2560xf32, #tpu.memory_space<hbm>>
        %dma_start3A_50 = tpu.memref_slice %arg5[%mul3A_42] : memref<320000xf32, #tpu.memory_space<hbm>> -> memref<2560xf32, #tpu.memory_space<hbm>>
        tpu.enqueue_dma source(%arg10 : memref<2560xf32, #tpu.memory_space<vmem>>) target(%dma_start3A_50 : memref<2560xf32, #tpu.memory_space<hbm>>) target_semaphore(%run_scoped3A : memref<!tpu.dma_semaphore, #tpu.memory_space<semaphore_mem>>)
        %dma_wait3A = tpu.memref_slice %arg5[%mul3A_42] : memref<320000xf32, #tpu.memory_space<hbm>> -> memref<2560xf32, #tpu.memory_space<hbm>>
        %dma_wait3A_51 = tpu.memref_slice %arg5[%mul3A_42] : memref<320000xf32, #tpu.memory_space<hbm>> -> memref<2560xf32, #tpu.memory_space<hbm>>
        tpu.wait_dma2 semaphore(%run_scoped3A : memref<!tpu.dma_semaphore, #tpu.memory_space<semaphore_mem>>) src(%arg10 : memref<2560xf32, #tpu.memory_space<vmem>>) dst(%dma_wait3A_51 : memref<2560xf32, #tpu.memory_space<hbm>>)
        tpu.yield
      }) : () -> ()
      "tpu.region"() ({
        %run_scoped3A = tpu.sem_alloc : memref<!tpu.dma_semaphore, #tpu.memory_space<semaphore_mem>>
        %dma_start3A = tpu.memref_slice %arg6[%mul3A_42] : memref<320000xf32, #tpu.memory_space<hbm>> -> memref<2560xf32, #tpu.memory_space<hbm>>
        %dma_start3A_50 = tpu.memref_slice %arg6[%mul3A_42] : memref<320000xf32, #tpu.memory_space<hbm>> -> memref<2560xf32, #tpu.memory_space<hbm>>
        tpu.enqueue_dma source(%arg11 : memref<2560xf32, #tpu.memory_space<vmem>>) target(%dma_start3A_50 : memref<2560xf32, #tpu.memory_space<hbm>>) target_semaphore(%run_scoped3A : memref<!tpu.dma_semaphore, #tpu.memory_space<semaphore_mem>>)
        %dma_wait3A = tpu.memref_slice %arg6[%mul3A_42] : memref<320000xf32, #tpu.memory_space<hbm>> -> memref<2560xf32, #tpu.memory_space<hbm>>
        %dma_wait3A_51 = tpu.memref_slice %arg6[%mul3A_42] : memref<320000xf32, #tpu.memory_space<hbm>> -> memref<2560xf32, #tpu.memory_space<hbm>>
        tpu.wait_dma2 semaphore(%run_scoped3A : memref<!tpu.dma_semaphore, #tpu.memory_space<semaphore_mem>>) src(%arg11 : memref<2560xf32, #tpu.memory_space<vmem>>) dst(%dma_wait3A_51 : memref<2560xf32, #tpu.memory_space<hbm>>)
        tpu.yield
      }) : () -> ()
      %while3A_49 = arith.constant 0 : i32
      scf.yield %while3A_49 : i32
    }
    %while3A_32 = arith.constant 1 : i32
    %while3A_33 = scf.for %while3A_34 = %while3A_29 to %while3A_25 step %while3A_32 iter_args(%while3A_35 = %while3A_31) -> (i32)  : i32 {
      %add3A_36 = arith.constant 0 : i32
      %add3A_37 = arith.addi %add3A_36, %add3A : i32
      %mul3A_38 = arith.constant 32 : i32
      %mul3A_39 = arith.muli %while3A_34, %mul3A_38 : i32
      %add3A_40 = arith.addi %add3A_37, %mul3A_39 : i32
      %mul3A_41 = arith.constant 2560 : i32
      %mul3A_42 = arith.muli %add3A_40, %mul3A_41 : i32
      "tpu.region"() ({
        %run_scoped3A = tpu.sem_alloc : memref<!tpu.dma_semaphore, #tpu.memory_space<semaphore_mem>>
        %dma_start3A = arith.constant 0 : i32
        %dma_start3A_50 = tpu.memref_slice %arg3[%dma_start3A, %mul3A_42] : memref<2x320000xi32, #tpu.memory_space<hbm>> -> memref<2x2560xi32, #tpu.memory_space<hbm>>
        %dma_start3A_51 = arith.constant 0 : i32
        %dma_start3A_52 = tpu.memref_slice %arg3[%dma_start3A_51, %mul3A_42] : memref<2x320000xi32, #tpu.memory_space<hbm>> -> memref<2x2560xi32, #tpu.memory_space<hbm>>
        tpu.enqueue_dma source(%dma_start3A_52 : memref<2x2560xi32, #tpu.memory_space<hbm>>) target(%arg8 : memref<2x2560xi32, #tpu.memory_space<vmem>>) target_semaphore(%run_scoped3A : memref<!tpu.dma_semaphore, #tpu.memory_space<semaphore_mem>>)
        %dma_wait3A = arith.constant 0 : i32
        %dma_wait3A_53 = tpu.memref_slice %arg3[%dma_wait3A, %mul3A_42] : memref<2x320000xi32, #tpu.memory_space<hbm>> -> memref<2x2560xi32, #tpu.memory_space<hbm>>
        %dma_wait3A_54 = arith.constant 0 : i32
        %dma_wait3A_55 = tpu.memref_slice %arg3[%dma_wait3A_54, %mul3A_42] : memref<2x320000xi32, #tpu.memory_space<hbm>> -> memref<2x2560xi32, #tpu.memory_space<hbm>>
        tpu.wait_dma2 semaphore(%run_scoped3A : memref<!tpu.dma_semaphore, #tpu.memory_space<semaphore_mem>>) src(%dma_wait3A_55 : memref<2x2560xi32, #tpu.memory_space<hbm>>) dst(%arg8 : memref<2x2560xi32, #tpu.memory_space<vmem>>)
        tpu.yield
      }) : () -> ()
      %scan3A = arith.constant 0 : i32
      %scan3A_43 = arith.constant 0 : i32
      %scan3A_44 = arith.constant 32 : i32
      %scan3A_45 = arith.addi %scan3A_43, %scan3A_44 : i32
      %scan3A_46 = arith.constant 1 : i32
      %scan3A_47 = scf.for %scan3A_50 = %scan3A_43 to %scan3A_45 step %scan3A_46 iter_args(%scan3A_51 = %scan3A) -> (i32)  : i32 {
        %mul3A_52 = arith.constant 5 : i32
        %mul3A_53 = arith.muli %scan3A_50, %mul3A_52 : i32
        %add3A_54 = arith.constant 0 : i32
        %add3A_55 = arith.addi %mul3A_53, %add3A_54 : i32
        %mul3A_56 = arith.constant 16 : i32
        %mul3A_57 = arith.muli %add3A_55, %mul3A_56 : i32
        %get3A = arith.constant 0 : i32
        %get3A_58 = arith.index_cast %get3A : i32 to index
        %get3A_59 = arith.index_cast %mul3A_57 : i32 to index
        %get3A_60 = tpu.vector_load %arg8[%get3A_58, %get3A_59] {strides = array<i32>} : memref<2x2560xi32, #tpu.memory_space<vmem>>, vector<16xi32>,
        %mul3A_61 = arith.constant 3 : i32
        %mul3A_62 = vector.broadcast %mul3A_61 : i32 to vector<16xi32>
        %mul3A_63 = arith.muli %get3A_60, %mul3A_62 : vector<16xi32>
        %get3A_64 = arith.constant 1 : i32
        %get3A_65 = arith.index_cast %get3A_64 : i32 to index
        %get3A_66 = arith.index_cast %mul3A_57 : i32 to index
        %get3A_67 = tpu.vector_load %arg8[%get3A_65, %get3A_66] {strides = array<i32>} : memref<2x2560xi32, #tpu.memory_space<vmem>>, vector<16xi32>,
        %mul3A_68 = arith.constant 3 : i32
        %mul3A_69 = vector.broadcast %mul3A_68 : i32 to vector<16xi32>
        %mul3A_70 = arith.muli %get3A_67, %mul3A_69 : vector<16xi32>
        %gather3A = tpu.vector_load_idx %arg7[%mul3A_63] : memref<30000xf32, #tpu.memory_space<vmem>>[vector<16xi32>], vector<16xf32>,
        %gather3A_71 = tpu.vector_load_idx %arg7[%mul3A_70] : memref<30000xf32, #tpu.memory_space<vmem>>[vector<16xi32>], vector<16xf32>,
        %sub3A_72 = arith.subf %gather3A, %gather3A_71 : vector<16xf32>
        %swap3A = arith.index_cast %mul3A_57 : i32 to index
        %swap3A_73 = tpu.vector_load %arg9[%swap3A] {strides = array<i32>} : memref<2560xf32, #tpu.memory_space<vmem>>, vector<16xf32>,
        tpu.vector_store %arg9[%swap3A], %sub3A_72 {strides = array<i32>} : memref<2560xf32, #tpu.memory_space<vmem>>, vector<16xf32>,
        %add3A_74 = arith.constant 1 : i32
        %add3A_75 = vector.broadcast %add3A_74 : i32 to vector<16xi32>
        %add3A_76 = arith.addi %mul3A_63, %add3A_75 : vector<16xi32>
        %gather3A_77 = tpu.vector_load_idx %arg7[%add3A_76] : memref<30000xf32, #tpu.memory_space<vmem>>[vector<16xi32>], vector<16xf32>,
        %add3A_78 = arith.constant 1 : i32
        %add3A_79 = vector.broadcast %add3A_78 : i32 to vector<16xi32>
        %add3A_80 = arith.addi %mul3A_70, %add3A_79 : vector<16xi32>
        %gather3A_81 = tpu.vector_load_idx %arg7[%add3A_80] : memref<30000xf32, #tpu.memory_space<vmem>>[vector<16xi32>], vector<16xf32>,
        %sub3A_82 = arith.subf %gather3A_77, %gather3A_81 : vector<16xf32>
        %swap3A_83 = arith.index_cast %mul3A_57 : i32 to index
        %swap3A_84 = tpu.vector_load %arg10[%swap3A_83] {strides = array<i32>} : memref<2560xf32, #tpu.memory_space<vmem>>, vector<16xf32>,
        tpu.vector_store %arg10[%swap3A_83], %sub3A_82 {strides = array<i32>} : memref<2560xf32, #tpu.memory_space<vmem>>, vector<16xf32>,
        %add3A_85 = arith.constant 2 : i32
        %add3A_86 = vector.broadcast %add3A_85 : i32 to vector<16xi32>
        %add3A_87 = arith.addi %mul3A_63, %add3A_86 : vector<16xi32>
        %gather3A_88 = tpu.vector_load_idx %arg7[%add3A_87] : memref<30000xf32, #tpu.memory_space<vmem>>[vector<16xi32>], vector<16xf32>,
        %add3A_89 = arith.constant 2 : i32
        %add3A_90 = vector.broadcast %add3A_89 : i32 to vector<16xi32>
        %add3A_91 = arith.addi %mul3A_70, %add3A_90 : vector<16xi32>
        %gather3A_92 = tpu.vector_load_idx %arg7[%add3A_91] : memref<30000xf32, #tpu.memory_space<vmem>>[vector<16xi32>], vector<16xf32>,
        %sub3A_93 = arith.subf %gather3A_88, %gather3A_92 : vector<16xf32>
        %swap3A_94 = arith.index_cast %mul3A_57 : i32 to index
        %swap3A_95 = tpu.vector_load %arg11[%swap3A_94] {strides = array<i32>} : memref<2560xf32, #tpu.memory_space<vmem>>, vector<16xf32>,
        tpu.vector_store %arg11[%swap3A_94], %sub3A_93 {strides = array<i32>} : memref<2560xf32, #tpu.memory_space<vmem>>, vector<16xf32>,
        %mul3A_96 = arith.constant 5 : i32
        %mul3A_97 = arith.muli %scan3A_50, %mul3A_96 : i32
        %add3A_98 = arith.constant 1 : i32
        %add3A_99 = arith.addi %mul3A_97, %add3A_98 : i32
        %mul3A_100 = arith.constant 16 : i32
        %mul3A_101 = arith.muli %add3A_99, %mul3A_100 : i32
        %get3A_102 = arith.constant 0 : i32
        %get3A_103 = arith.index_cast %get3A_102 : i32 to index
        %get3A_104 = arith.index_cast %mul3A_101 : i32 to index
        %get3A_105 = tpu.vector_load %arg8[%get3A_103, %get3A_104] {strides = array<i32>} : memref<2x2560xi32, #tpu.memory_space<vmem>>, vector<16xi32>,
        %mul3A_106 = arith.constant 3 : i32
        %mul3A_107 = vector.broadcast %mul3A_106 : i32 to vector<16xi32>
        %mul3A_108 = arith.muli %get3A_105, %mul3A_107 : vector<16xi32>
        %get3A_109 = arith.constant 1 : i32
        %get3A_110 = arith.index_cast %get3A_109 : i32 to index
        %get3A_111 = arith.index_cast %mul3A_101 : i32 to index
        %get3A_112 = tpu.vector_load %arg8[%get3A_110, %get3A_111] {strides = array<i32>} : memref<2x2560xi32, #tpu.memory_space<vmem>>, vector<16xi32>,
        %mul3A_113 = arith.constant 3 : i32
        %mul3A_114 = vector.broadcast %mul3A_113 : i32 to vector<16xi32>
        %mul3A_115 = arith.muli %get3A_112, %mul3A_114 : vector<16xi32>
        %gather3A_116 = tpu.vector_load_idx %arg7[%mul3A_108] : memref<30000xf32, #tpu.memory_space<vmem>>[vector<16xi32>], vector<16xf32>,
        %gather3A_117 = tpu.vector_load_idx %arg7[%mul3A_115] : memref<30000xf32, #tpu.memory_space<vmem>>[vector<16xi32>], vector<16xf32>,
        %sub3A_118 = arith.subf %gather3A_116, %gather3A_117 : vector<16xf32>
        %swap3A_119 = arith.index_cast %mul3A_101 : i32 to index
        %swap3A_120 = tpu.vector_load %arg9[%swap3A_119] {strides = array<i32>} : memref<2560xf32, #tpu.memory_space<vmem>>, vector<16xf32>,
        tpu.vector_store %arg9[%swap3A_119], %sub3A_118 {strides = array<i32>} : memref<2560xf32, #tpu.memory_space<vmem>>, vector<16xf32>,
        %add3A_121 = arith.constant 1 : i32
        %add3A_122 = vector.broadcast %add3A_121 : i32 to vector<16xi32>
        %add3A_123 = arith.addi %mul3A_108, %add3A_122 : vector<16xi32>
        %gather3A_124 = tpu.vector_load_idx %arg7[%add3A_123] : memref<30000xf32, #tpu.memory_space<vmem>>[vector<16xi32>], vector<16xf32>,
        %add3A_125 = arith.constant 1 : i32
        %add3A_126 = vector.broadcast %add3A_125 : i32 to vector<16xi32>
        %add3A_127 = arith.addi %mul3A_115, %add3A_126 : vector<16xi32>
        %gather3A_128 = tpu.vector_load_idx %arg7[%add3A_127] : memref<30000xf32, #tpu.memory_space<vmem>>[vector<16xi32>], vector<16xf32>,
        %sub3A_129 = arith.subf %gather3A_124, %gather3A_128 : vector<16xf32>
        %swap3A_130 = arith.index_cast %mul3A_101 : i32 to index
        %swap3A_131 = tpu.vector_load %arg10[%swap3A_130] {strides = array<i32>} : memref<2560xf32, #tpu.memory_space<vmem>>, vector<16xf32>,
        tpu.vector_store %arg10[%swap3A_130], %sub3A_129 {strides = array<i32>} : memref<2560xf32, #tpu.memory_space<vmem>>, vector<16xf32>,
        %add3A_132 = arith.constant 2 : i32
        %add3A_133 = vector.broadcast %add3A_132 : i32 to vector<16xi32>
        %add3A_134 = arith.addi %mul3A_108, %add3A_133 : vector<16xi32>
        %gather3A_135 = tpu.vector_load_idx %arg7[%add3A_134] : memref<30000xf32, #tpu.memory_space<vmem>>[vector<16xi32>], vector<16xf32>,
        %add3A_136 = arith.constant 2 : i32
        %add3A_137 = vector.broadcast %add3A_136 : i32 to vector<16xi32>
        %add3A_138 = arith.addi %mul3A_115, %add3A_137 : vector<16xi32>
        %gather3A_139 = tpu.vector_load_idx %arg7[%add3A_138] : memref<30000xf32, #tpu.memory_space<vmem>>[vector<16xi32>], vector<16xf32>,
        %sub3A_140 = arith.subf %gather3A_135, %gather3A_139 : vector<16xf32>
        %swap3A_141 = arith.index_cast %mul3A_101 : i32 to index
        %swap3A_142 = tpu.vector_load %arg11[%swap3A_141] {strides = array<i32>} : memref<2560xf32, #tpu.memory_space<vmem>>, vector<16xf32>,
        tpu.vector_store %arg11[%swap3A_141], %sub3A_140 {strides = array<i32>} : memref<2560xf32, #tpu.memory_space<vmem>>, vector<16xf32>,
        %mul3A_143 = arith.constant 5 : i32
        %mul3A_144 = arith.muli %scan3A_50, %mul3A_143 : i32
        %add3A_145 = arith.constant 2 : i32
        %add3A_146 = arith.addi %mul3A_144, %add3A_145 : i32
        %mul3A_147 = arith.constant 16 : i32
        %mul3A_148 = arith.muli %add3A_146, %mul3A_147 : i32
        %get3A_149 = arith.constant 0 : i32
        %get3A_150 = arith.index_cast %get3A_149 : i32 to index
        %get3A_151 = arith.index_cast %mul3A_148 : i32 to index
        %get3A_152 = tpu.vector_load %arg8[%get3A_150, %get3A_151] {strides = array<i32>} : memref<2x2560xi32, #tpu.memory_space<vmem>>, vector<16xi32>,
        %mul3A_153 = arith.constant 3 : i32
        %mul3A_154 = vector.broadcast %mul3A_153 : i32 to vector<16xi32>
        %mul3A_155 = arith.muli %get3A_152, %mul3A_154 : vector<16xi32>
        %get3A_156 = arith.constant 1 : i32
        %get3A_157 = arith.index_cast %get3A_156 : i32 to index
        %get3A_158 = arith.index_cast %mul3A_148 : i32 to index
        %get3A_159 = tpu.vector_load %arg8[%get3A_157, %get3A_158] {strides = array<i32>} : memref<2x2560xi32, #tpu.memory_space<vmem>>, vector<16xi32>,
        %mul3A_160 = arith.constant 3 : i32
        %mul3A_161 = vector.broadcast %mul3A_160 : i32 to vector<16xi32>
        %mul3A_162 = arith.muli %get3A_159, %mul3A_161 : vector<16xi32>
        %gather3A_163 = tpu.vector_load_idx %arg7[%mul3A_155] : memref<30000xf32, #tpu.memory_space<vmem>>[vector<16xi32>], vector<16xf32>,
        %gather3A_164 = tpu.vector_load_idx %arg7[%mul3A_162] : memref<30000xf32, #tpu.memory_space<vmem>>[vector<16xi32>], vector<16xf32>,
        %sub3A_165 = arith.subf %gather3A_163, %gather3A_164 : vector<16xf32>
        %swap3A_166 = arith.index_cast %mul3A_148 : i32 to index
        %swap3A_167 = tpu.vector_load %arg9[%swap3A_166] {strides = array<i32>} : memref<2560xf32, #tpu.memory_space<vmem>>, vector<16xf32>,
        tpu.vector_store %arg9[%swap3A_166], %sub3A_165 {strides = array<i32>} : memref<2560xf32, #tpu.memory_space<vmem>>, vector<16xf32>,
        %add3A_168 = arith.constant 1 : i32
        %add3A_169 = vector.broadcast %add3A_168 : i32 to vector<16xi32>
        %add3A_170 = arith.addi %mul3A_155, %add3A_169 : vector<16xi32>
        %gather3A_171 = tpu.vector_load_idx %arg7[%add3A_170] : memref<30000xf32, #tpu.memory_space<vmem>>[vector<16xi32>], vector<16xf32>,
        %add3A_172 = arith.constant 1 : i32
        %add3A_173 = vector.broadcast %add3A_172 : i32 to vector<16xi32>
        %add3A_174 = arith.addi %mul3A_162, %add3A_173 : vector<16xi32>
        %gather3A_175 = tpu.vector_load_idx %arg7[%add3A_174] : memref<30000xf32, #tpu.memory_space<vmem>>[vector<16xi32>], vector<16xf32>,
        %sub3A_176 = arith.subf %gather3A_171, %gather3A_175 : vector<16xf32>
        %swap3A_177 = arith.index_cast %mul3A_148 : i32 to index
        %swap3A_178 = tpu.vector_load %arg10[%swap3A_177] {strides = array<i32>} : memref<2560xf32, #tpu.memory_space<vmem>>, vector<16xf32>,
        tpu.vector_store %arg10[%swap3A_177], %sub3A_176 {strides = array<i32>} : memref<2560xf32, #tpu.memory_space<vmem>>, vector<16xf32>,
        %add3A_179 = arith.constant 2 : i32
        %add3A_180 = vector.broadcast %add3A_179 : i32 to vector<16xi32>
        %add3A_181 = arith.addi %mul3A_155, %add3A_180 : vector<16xi32>
        %gather3A_182 = tpu.vector_load_idx %arg7[%add3A_181] : memref<30000xf32, #tpu.memory_space<vmem>>[vector<16xi32>], vector<16xf32>,
        %add3A_183 = arith.constant 2 : i32
        %add3A_184 = vector.broadcast %add3A_183 : i32 to vector<16xi32>
        %add3A_185 = arith.addi %mul3A_162, %add3A_184 : vector<16xi32>
        %gather3A_186 = tpu.vector_load_idx %arg7[%add3A_185] : memref<30000xf32, #tpu.memory_space<vmem>>[vector<16xi32>], vector<16xf32>,
        %sub3A_187 = arith.subf %gather3A_182, %gather3A_186 : vector<16xf32>
        %swap3A_188 = arith.index_cast %mul3A_148 : i32 to index
        %swap3A_189 = tpu.vector_load %arg11[%swap3A_188] {strides = array<i32>} : memref<2560xf32, #tpu.memory_space<vmem>>, vector<16xf32>,
        tpu.vector_store %arg11[%swap3A_188], %sub3A_187 {strides = array<i32>} : memref<2560xf32, #tpu.memory_space<vmem>>, vector<16xf32>,
        %mul3A_190 = arith.constant 5 : i32
        %mul3A_191 = arith.muli %scan3A_50, %mul3A_190 : i32
        %add3A_192 = arith.constant 3 : i32
        %add3A_193 = arith.addi %mul3A_191, %add3A_192 : i32
        %mul3A_194 = arith.constant 16 : i32
        %mul3A_195 = arith.muli %add3A_193, %mul3A_194 : i32
        %get3A_196 = arith.constant 0 : i32
        %get3A_197 = arith.index_cast %get3A_196 : i32 to index
        %get3A_198 = arith.index_cast %mul3A_195 : i32 to index
        %get3A_199 = tpu.vector_load %arg8[%get3A_197, %get3A_198] {strides = array<i32>} : memref<2x2560xi32, #tpu.memory_space<vmem>>, vector<16xi32>,
        %mul3A_200 = arith.constant 3 : i32
        %mul3A_201 = vector.broadcast %mul3A_200 : i32 to vector<16xi32>
        %mul3A_202 = arith.muli %get3A_199, %mul3A_201 : vector<16xi32>
        %get3A_203 = arith.constant 1 : i32
        %get3A_204 = arith.index_cast %get3A_203 : i32 to index
        %get3A_205 = arith.index_cast %mul3A_195 : i32 to index
        %get3A_206 = tpu.vector_load %arg8[%get3A_204, %get3A_205] {strides = array<i32>} : memref<2x2560xi32, #tpu.memory_space<vmem>>, vector<16xi32>,
        %mul3A_207 = arith.constant 3 : i32
        %mul3A_208 = vector.broadcast %mul3A_207 : i32 to vector<16xi32>
        %mul3A_209 = arith.muli %get3A_206, %mul3A_208 : vector<16xi32>
        %gather3A_210 = tpu.vector_load_idx %arg7[%mul3A_202] : memref<30000xf32, #tpu.memory_space<vmem>>[vector<16xi32>], vector<16xf32>,
        %gather3A_211 = tpu.vector_load_idx %arg7[%mul3A_209] : memref<30000xf32, #tpu.memory_space<vmem>>[vector<16xi32>], vector<16xf32>,
        %sub3A_212 = arith.subf %gather3A_210, %gather3A_211 : vector<16xf32>
        %swap3A_213 = arith.index_cast %mul3A_195 : i32 to index
        %swap3A_214 = tpu.vector_load %arg9[%swap3A_213] {strides = array<i32>} : memref<2560xf32, #tpu.memory_space<vmem>>, vector<16xf32>,
        tpu.vector_store %arg9[%swap3A_213], %sub3A_212 {strides = array<i32>} : memref<2560xf32, #tpu.memory_space<vmem>>, vector<16xf32>,
        %add3A_215 = arith.constant 1 : i32
        %add3A_216 = vector.broadcast %add3A_215 : i32 to vector<16xi32>
        %add3A_217 = arith.addi %mul3A_202, %add3A_216 : vector<16xi32>
        %gather3A_218 = tpu.vector_load_idx %arg7[%add3A_217] : memref<30000xf32, #tpu.memory_space<vmem>>[vector<16xi32>], vector<16xf32>,
        %add3A_219 = arith.constant 1 : i32
        %add3A_220 = vector.broadcast %add3A_219 : i32 to vector<16xi32>
        %add3A_221 = arith.addi %mul3A_209, %add3A_220 : vector<16xi32>
        %gather3A_222 = tpu.vector_load_idx %arg7[%add3A_221] : memref<30000xf32, #tpu.memory_space<vmem>>[vector<16xi32>], vector<16xf32>,
        %sub3A_223 = arith.subf %gather3A_218, %gather3A_222 : vector<16xf32>
        %swap3A_224 = arith.index_cast %mul3A_195 : i32 to index
        %swap3A_225 = tpu.vector_load %arg10[%swap3A_224] {strides = array<i32>} : memref<2560xf32, #tpu.memory_space<vmem>>, vector<16xf32>,
        tpu.vector_store %arg10[%swap3A_224], %sub3A_223 {strides = array<i32>} : memref<2560xf32, #tpu.memory_space<vmem>>, vector<16xf32>,
        %add3A_226 = arith.constant 2 : i32
        %add3A_227 = vector.broadcast %add3A_226 : i32 to vector<16xi32>
        %add3A_228 = arith.addi %mul3A_202, %add3A_227 : vector<16xi32>
        %gather3A_229 = tpu.vector_load_idx %arg7[%add3A_228] : memref<30000xf32, #tpu.memory_space<vmem>>[vector<16xi32>], vector<16xf32>,
        %add3A_230 = arith.constant 2 : i32
        %add3A_231 = vector.broadcast %add3A_230 : i32 to vector<16xi32>
        %add3A_232 = arith.addi %mul3A_209, %add3A_231 : vector<16xi32>
        %gather3A_233 = tpu.vector_load_idx %arg7[%add3A_232] : memref<30000xf32, #tpu.memory_space<vmem>>[vector<16xi32>], vector<16xf32>,
        %sub3A_234 = arith.subf %gather3A_229, %gather3A_233 : vector<16xf32>
        %swap3A_235 = arith.index_cast %mul3A_195 : i32 to index
        %swap3A_236 = tpu.vector_load %arg11[%swap3A_235] {strides = array<i32>} : memref<2560xf32, #tpu.memory_space<vmem>>, vector<16xf32>,
        tpu.vector_store %arg11[%swap3A_235], %sub3A_234 {strides = array<i32>} : memref<2560xf32, #tpu.memory_space<vmem>>, vector<16xf32>,
        %mul3A_237 = arith.constant 5 : i32
        %mul3A_238 = arith.muli %scan3A_50, %mul3A_237 : i32
        %add3A_239 = arith.constant 4 : i32
        %add3A_240 = arith.addi %mul3A_238, %add3A_239 : i32
        %mul3A_241 = arith.constant 16 : i32
        %mul3A_242 = arith.muli %add3A_240, %mul3A_241 : i32
        %get3A_243 = arith.constant 0 : i32
        %get3A_244 = arith.index_cast %get3A_243 : i32 to index
        %get3A_245 = arith.index_cast %mul3A_242 : i32 to index
        %get3A_246 = tpu.vector_load %arg8[%get3A_244, %get3A_245] {strides = array<i32>} : memref<2x2560xi32, #tpu.memory_space<vmem>>, vector<16xi32>,
        %mul3A_247 = arith.constant 3 : i32
        %mul3A_248 = vector.broadcast %mul3A_247 : i32 to vector<16xi32>
        %mul3A_249 = arith.muli %get3A_246, %mul3A_248 : vector<16xi32>
        %get3A_250 = arith.constant 1 : i32
        %get3A_251 = arith.index_cast %get3A_250 : i32 to index
        %get3A_252 = arith.index_cast %mul3A_242 : i32 to index
        %get3A_253 = tpu.vector_load %arg8[%get3A_251, %get3A_252] {strides = array<i32>} : memref<2x2560xi32, #tpu.memory_space<vmem>>, vector<16xi32>,
        %mul3A_254 = arith.constant 3 : i32
        %mul3A_255 = vector.broadcast %mul3A_254 : i32 to vector<16xi32>
        %mul3A_256 = arith.muli %get3A_253, %mul3A_255 : vector<16xi32>
        %gather3A_257 = tpu.vector_load_idx %arg7[%mul3A_249] : memref<30000xf32, #tpu.memory_space<vmem>>[vector<16xi32>], vector<16xf32>,
        %gather3A_258 = tpu.vector_load_idx %arg7[%mul3A_256] : memref<30000xf32, #tpu.memory_space<vmem>>[vector<16xi32>], vector<16xf32>,
        %sub3A_259 = arith.subf %gather3A_257, %gather3A_258 : vector<16xf32>
        %swap3A_260 = arith.index_cast %mul3A_242 : i32 to index
        %swap3A_261 = tpu.vector_load %arg9[%swap3A_260] {strides = array<i32>} : memref<2560xf32, #tpu.memory_space<vmem>>, vector<16xf32>,
        tpu.vector_store %arg9[%swap3A_260], %sub3A_259 {strides = array<i32>} : memref<2560xf32, #tpu.memory_space<vmem>>, vector<16xf32>,
        %add3A_262 = arith.constant 1 : i32
        %add3A_263 = vector.broadcast %add3A_262 : i32 to vector<16xi32>
        %add3A_264 = arith.addi %mul3A_249, %add3A_263 : vector<16xi32>
        %gather3A_265 = tpu.vector_load_idx %arg7[%add3A_264] : memref<30000xf32, #tpu.memory_space<vmem>>[vector<16xi32>], vector<16xf32>,
        %add3A_266 = arith.constant 1 : i32
        %add3A_267 = vector.broadcast %add3A_266 : i32 to vector<16xi32>
        %add3A_268 = arith.addi %mul3A_256, %add3A_267 : vector<16xi32>
        %gather3A_269 = tpu.vector_load_idx %arg7[%add3A_268] : memref<30000xf32, #tpu.memory_space<vmem>>[vector<16xi32>], vector<16xf32>,
        %sub3A_270 = arith.subf %gather3A_265, %gather3A_269 : vector<16xf32>
        %swap3A_271 = arith.index_cast %mul3A_242 : i32 to index
        %swap3A_272 = tpu.vector_load %arg10[%swap3A_271] {strides = array<i32>} : memref<2560xf32, #tpu.memory_space<vmem>>, vector<16xf32>,
        tpu.vector_store %arg10[%swap3A_271], %sub3A_270 {strides = array<i32>} : memref<2560xf32, #tpu.memory_space<vmem>>, vector<16xf32>,
        %add3A_273 = arith.constant 2 : i32
        %add3A_274 = vector.broadcast %add3A_273 : i32 to vector<16xi32>
        %add3A_275 = arith.addi %mul3A_249, %add3A_274 : vector<16xi32>
        %gather3A_276 = tpu.vector_load_idx %arg7[%add3A_275] : memref<30000xf32, #tpu.memory_space<vmem>>[vector<16xi32>], vector<16xf32>,
        %add3A_277 = arith.constant 2 : i32
        %add3A_278 = vector.broadcast %add3A_277 : i32 to vector<16xi32>
        %add3A_279 = arith.addi %mul3A_256, %add3A_278 : vector<16xi32>
        %gather3A_280 = tpu.vector_load_idx %arg7[%add3A_279] : memref<30000xf32, #tpu.memory_space<vmem>>[vector<16xi32>], vector<16xf32>,
        %sub3A_281 = arith.subf %gather3A_276, %gather3A_280 : vector<16xf32>
        %swap3A_282 = arith.index_cast %mul3A_242 : i32 to index
        %swap3A_283 = tpu.vector_load %arg11[%swap3A_282] {strides = array<i32>} : memref<2560xf32, #tpu.memory_space<vmem>>, vector<16xf32>,
        tpu.vector_store %arg11[%swap3A_282], %sub3A_281 {strides = array<i32>} : memref<2560xf32, #tpu.memory_space<vmem>>, vector<16xf32>,
        %scan3A_284 = arith.constant 0 : i32
        scf.yield %scan3A_284 : i32
      }
      %scan3A_48 = arith.constant 32 : i32
      "tpu.region"() ({
        %run_scoped3A = tpu.sem_alloc : memref<!tpu.dma_semaphore, #tpu.memory_space<semaphore_mem>>
        %dma_start3A = tpu.memref_slice %arg4[%mul3A_42] : memref<320000xf32, #tpu.memory_space<hbm>> -> memref<2560xf32, #tpu.memory_space<hbm>>
        %dma_start3A_50 = tpu.memref_slice %arg4[%mul3A_42] : memref<320000xf32, #tpu.memory_space<hbm>> -> memref<2560xf32, #tpu.memory_space<hbm>>
        tpu.enqueue_dma source(%arg9 : memref<2560xf32, #tpu.memory_space<vmem>>) target(%dma_start3A_50 : memref<2560xf32, #tpu.memory_space<hbm>>) target_semaphore(%run_scoped3A : memref<!tpu.dma_semaphore, #tpu.memory_space<semaphore_mem>>)
        %dma_wait3A = tpu.memref_slice %arg4[%mul3A_42] : memref<320000xf32, #tpu.memory_space<hbm>> -> memref<2560xf32, #tpu.memory_space<hbm>>
        %dma_wait3A_51 = tpu.memref_slice %arg4[%mul3A_42] : memref<320000xf32, #tpu.memory_space<hbm>> -> memref<2560xf32, #tpu.memory_space<hbm>>
        tpu.wait_dma2 semaphore(%run_scoped3A : memref<!tpu.dma_semaphore, #tpu.memory_space<semaphore_mem>>) src(%arg9 : memref<2560xf32, #tpu.memory_space<vmem>>) dst(%dma_wait3A_51 : memref<2560xf32, #tpu.memory_space<hbm>>)
        tpu.yield
      }) : () -> ()
      "tpu.region"() ({
        %run_scoped3A = tpu.sem_alloc : memref<!tpu.dma_semaphore, #tpu.memory_space<semaphore_mem>>
        %dma_start3A = tpu.memref_slice %arg5[%mul3A_42] : memref<320000xf32, #tpu.memory_space<hbm>> -> memref<2560xf32, #tpu.memory_space<hbm>>
        %dma_start3A_50 = tpu.memref_slice %arg5[%mul3A_42] : memref<320000xf32, #tpu.memory_space<hbm>> -> memref<2560xf32, #tpu.memory_space<hbm>>
        tpu.enqueue_dma source(%arg10 : memref<2560xf32, #tpu.memory_space<vmem>>) target(%dma_start3A_50 : memref<2560xf32, #tpu.memory_space<hbm>>) target_semaphore(%run_scoped3A : memref<!tpu.dma_semaphore, #tpu.memory_space<semaphore_mem>>)
        %dma_wait3A = tpu.memref_slice %arg5[%mul3A_42] : memref<320000xf32, #tpu.memory_space<hbm>> -> memref<2560xf32, #tpu.memory_space<hbm>>
        %dma_wait3A_51 = tpu.memref_slice %arg5[%mul3A_42] : memref<320000xf32, #tpu.memory_space<hbm>> -> memref<2560xf32, #tpu.memory_space<hbm>>
        tpu.wait_dma2 semaphore(%run_scoped3A : memref<!tpu.dma_semaphore, #tpu.memory_space<semaphore_mem>>) src(%arg10 : memref<2560xf32, #tpu.memory_space<vmem>>) dst(%dma_wait3A_51 : memref<2560xf32, #tpu.memory_space<hbm>>)
        tpu.yield
      }) : () -> ()
      "tpu.region"() ({
        %run_scoped3A = tpu.sem_alloc : memref<!tpu.dma_semaphore, #tpu.memory_space<semaphore_mem>>
        %dma_start3A = tpu.memref_slice %arg6[%mul3A_42] : memref<320000xf32, #tpu.memory_space<hbm>> -> memref<2560xf32, #tpu.memory_space<hbm>>
        %dma_start3A_50 = tpu.memref_slice %arg6[%mul3A_42] : memref<320000xf32, #tpu.memory_space<hbm>> -> memref<2560xf32, #tpu.memory_space<hbm>>
        tpu.enqueue_dma source(%arg11 : memref<2560xf32, #tpu.memory_space<vmem>>) target(%dma_start3A_50 : memref<2560xf32, #tpu.memory_space<hbm>>) target_semaphore(%run_scoped3A : memref<!tpu.dma_semaphore, #tpu.memory_space<semaphore_mem>>)
        %dma_wait3A = tpu.memref_slice %arg6[%mul3A_42] : memref<320000xf32, #tpu.memory_space<hbm>> -> memref<2560xf32, #tpu.memory_space<hbm>>
        %dma_wait3A_51 = tpu.memref_slice %arg6[%mul3A_42] : memref<320000xf32, #tpu.memory_space<hbm>> -> memref<2560xf32, #tpu.memory_space<hbm>>
        tpu.wait_dma2 semaphore(%run_scoped3A : memref<!tpu.dma_semaphore, #tpu.memory_space<semaphore_mem>>) src(%arg11 : memref<2560xf32, #tpu.memory_space<vmem>>) dst(%dma_wait3A_51 : memref<2560xf32, #tpu.memory_space<hbm>>)
        tpu.yield
      }) : () -> ()
      %while3A_49 = arith.constant 0 : i32
      scf.yield %while3A_49 : i32
    }
    return
  }
}

module attributes {stable_mosaic.version = 14 : i64} {
  func.func @_xproj_body(%arg0: memref<10000x128xf32, #tpu.memory_space<vmem>>, %arg1: memref<3x128xf32, #tpu.memory_space<vmem>>, %arg2: memref<3x10000xf32, #tpu.memory_space<vmem>>) attributes {dimension_semantics = [], scalar_prefetch = 0 : i64, scratch_operands = 0 : i64, tpu.core_type = #tpu.core_type<tc>} {
    %get3A = arith.constant 0 : index
    %get3A_0 = arith.constant 0 : index
    %get3A_1 = vector.load %arg1[%get3A, %get3A_0] : memref<3x128xf32, #tpu.memory_space<vmem>>, vector<3x128xf32>
    %get3A_2 = arith.constant 0 : index
    %get3A_3 = arith.constant 0 : index
    %get3A_4 = vector.load %arg0[%get3A_2, %get3A_3] : memref<10000x128xf32, #tpu.memory_space<vmem>>, vector<10000x128xf32>
    %dot_general3A = arith.constant dense<0.000000e+00> : vector<3x10000xf32>
    %dot_general3A_5 = tpu.matmul %get3A_1, %get3A_4, %dot_general3A {dimension_numbers = #tpu.dot_dimension_numbers<[1], [1], [0], [0], [0, 0, 1, 0], [], []>, transpose_lhs_hint = false} : vector<3x128xf32>, vector<10000x128xf32>, vector<3x10000xf32> -> vector<3x10000xf32>
    %swap3A = arith.constant 0 : index
    %swap3A_6 = arith.constant 0 : index
    %swap3A_7 = vector.load %arg2[%swap3A, %swap3A_6] : memref<3x10000xf32, #tpu.memory_space<vmem>>, vector<3x10000xf32>
    tpu.vector_store %arg2[%swap3A, %swap3A_6], %dot_general3A_5 {strides = array<i32>} : memref<3x10000xf32, #tpu.memory_space<vmem>>, vector<3x10000xf32>,
    return
  }
}

module attributes {stable_mosaic.version = 14 : i64} {
  func.func @_coeff_body(%arg0: i32, %arg1: memref<16384xf32, #tpu.memory_space<vmem>>, %arg2: memref<16384xf32, #tpu.memory_space<vmem>>, %arg3: memref<16384xf32, #tpu.memory_space<vmem>>, %arg4: memref<64x10xf32, #tpu.memory_space<vmem>>, %arg5: memref<64xf32, #tpu.memory_space<vmem>>, %arg6: memref<48x64xf32, #tpu.memory_space<vmem>>, %arg7: memref<48xf32, #tpu.memory_space<vmem>>, %arg8: memref<16384xf32, #tpu.memory_space<vmem>>, %arg9: memref<16384xf32, #tpu.memory_space<vmem>>, %arg10: memref<16384xf32, #tpu.memory_space<vmem>>) attributes {dimension_semantics = [#tpu.dimension_semantics<arbitrary>], iteration_bounds = array<i64: 10>, scalar_prefetch = 0 : i64, scratch_operands = 0 : i64, tpu.core_type = #tpu.core_type<tc>, window_params = [{transform_indices = @transform_0, window_bounds = array<i64: 16384>}, {transform_indices = @transform_1, window_bounds = array<i64: 16384>}, {transform_indices = @transform_2, window_bounds = array<i64: 16384>}, {pipeline_mode = #tpu.pipeline_mode<synchronous>, transform_indices = @transform_3, window_bounds = array<i64: 64, 10>}, {pipeline_mode = #tpu.pipeline_mode<synchronous>, transform_indices = @transform_4, window_bounds = array<i64: 64>}, {pipeline_mode = #tpu.pipeline_mode<synchronous>, transform_indices = @transform_5, window_bounds = array<i64: 48, 64>}, {pipeline_mode = #tpu.pipeline_mode<synchronous>, transform_indices = @transform_6, window_bounds = array<i64: 48>}, {transform_indices = @transform_7, window_bounds = array<i64: 16384>}, {transform_indices = @transform_8, window_bounds = array<i64: 16384>}, {transform_indices = @transform_9, window_bounds = array<i64: 16384>}]} {
    %get3A = arith.constant 0 : index
    %get3A_0 = vector.load %arg1[%get3A] : memref<16384xf32, #tpu.memory_space<vmem>>, vector<16384xf32>
    %get3A_1 = arith.constant 0 : index
    %get3A_2 = vector.load %arg2[%get3A_1] : memref<16384xf32, #tpu.memory_space<vmem>>, vector<16384xf32>
    %get3A_3 = arith.constant 0 : index
    %get3A_4 = vector.load %arg3[%get3A_3] : memref<16384xf32, #tpu.memory_space<vmem>>, vector<16384xf32>
    %mul3A = arith.mulf %get3A_0, %get3A_0 : vector<16384xf32>
    %mul3A_5 = arith.mulf %get3A_2, %get3A_2 : vector<16384xf32>
    %add3A = arith.addf %mul3A, %mul3A_5 : vector<16384xf32>
    %mul3A_6 = arith.mulf %get3A_4, %get3A_4 : vector<16384xf32>
    %add3A_7 = arith.addf %add3A, %mul3A_6 : vector<16384xf32>
    %add3A_8 = arith.constant 9.99999996E-13 : f32
    %add3A_9 = vector.broadcast %add3A_8 : f32 to vector<16384xf32>
    %add3A_10 = arith.addf %add3A_7, %add3A_9 : vector<16384xf32>
    %sqrt3A = math.sqrt %add3A_10 : vector<16384xf32>
    %iota3A = tpu.iota {dimensions = array<i32: 1>} : vector<1x10xi32>
    %iota3A_11 = vector.shape_cast %iota3A : vector<1x10xi32> to vector<10xi32>
    %add3A_12 = arith.constant 1 : i32
    %add3A_13 = vector.broadcast %add3A_12 : i32 to vector<10xi32>
    %add3A_14 = arith.addi %add3A_13, %iota3A_11 : vector<10xi32>
    %convert_element_type3A = arith.sitofp %add3A_14 : vector<10xi32> to vector<10xf32>
    %mul3A_15 = arith.constant 0.272727281 : f32
    %mul3A_16 = vector.broadcast %mul3A_15 : f32 to vector<10xf32>
    %mul3A_17 = arith.mulf %convert_element_type3A, %mul3A_16 : vector<10xf32>
    %broadcast_in_dim3A = vector.shape_cast %mul3A_17 : vector<10xf32> to vector<10x1xf32>
    %broadcast_in_dim3A_18 = vector.shape_cast %sqrt3A : vector<16384xf32> to vector<1x16384xf32>
    %sub3A = vector.broadcast %broadcast_in_dim3A_18 : vector<1x16384xf32> to vector<10x16384xf32>
    %sub3A_19 = vector.broadcast %broadcast_in_dim3A : vector<10x1xf32> to vector<10x16384xf32>
    %sub3A_20 = arith.subf %sub3A, %sub3A_19 : vector<10x16384xf32>
    %div3A = arith.constant 0.272727281 : f32
    %div3A_21 = vector.broadcast %div3A : f32 to vector<10x16384xf32>
    %div3A_22 = arith.divf %sub3A_20, %div3A_21 : vector<10x16384xf32>
    %abs3A = math.absf %div3A_22 : vector<10x16384xf32>
    %lt3A = arith.constant 1.000000e+00 : f32
    %lt3A_23 = vector.broadcast %lt3A : f32 to vector<10x16384xf32>
    %lt3A_24 = arith.cmpf olt, %abs3A, %lt3A_23 : vector<10x16384xf32>
    %jit3A = arith.constant 0.000000e+00 : f32
    %broadcast_in_dim3A_25 = vector.broadcast %jit3A : f32 to vector<10x16384xf32>
    %select_n3A = arith.select %lt3A_24, %div3A_22, %broadcast_in_dim3A_25 : vector<10x16384xi1>, vector<10x16384xf32>
    %mul3A_26 = arith.mulf %select_n3A, %select_n3A : vector<10x16384xf32>
    %sub3A_27 = arith.constant 1.000000e+00 : f32
    %sub3A_28 = vector.broadcast %sub3A_27 : f32 to vector<10x16384xf32>
    %sub3A_29 = arith.subf %mul3A_26, %sub3A_28 : vector<10x16384xf32>
    %div3A_30 = arith.constant 1.000000e+00 : f32
    %div3A_31 = vector.broadcast %div3A_30 : f32 to vector<10x16384xf32>
    %div3A_32 = arith.divf %div3A_31, %sub3A_29 : vector<10x16384xf32>
    %exp3A = math.exp %div3A_32 : vector<10x16384xf32>
    %mul3A_33 = arith.constant 2.666930e+01 : f32
    %mul3A_34 = vector.broadcast %mul3A_33 : f32 to vector<10x16384xf32>
    %mul3A_35 = arith.mulf %mul3A_34, %exp3A : vector<10x16384xf32>
    %jit3A_36 = arith.constant 0.000000e+00 : f32
    %broadcast_in_dim3A_37 = vector.broadcast %jit3A_36 : f32 to vector<10x16384xf32>
    %select_n3A_38 = arith.select %lt3A_24, %mul3A_35, %broadcast_in_dim3A_37 : vector<10x16384xi1>, vector<10x16384xf32>
    %get3A_39 = arith.constant 0 : index
    %get3A_40 = arith.constant 0 : index
    %get3A_41 = vector.load %arg4[%get3A_39, %get3A_40] : memref<64x10xf32, #tpu.memory_space<vmem>>, vector<64x10xf32>
    %dot_general3A = arith.constant dense<0.000000e+00> : vector<64x16384xf32>
    %dot_general3A_42 = tpu.matmul %get3A_41, %select_n3A_38, %dot_general3A {dimension_numbers = #tpu.dot_dimension_numbers<[1], [0], [0], [1], [0, 0, 1, 1], [], []>, transpose_lhs_hint = false} : vector<64x10xf32>, vector<10x16384xf32>, vector<64x16384xf32> -> vector<64x16384xf32>
    %get3A_43 = arith.constant 0 : index
    %get3A_44 = vector.load %arg5[%get3A_43] : memref<64xf32, #tpu.memory_space<vmem>>, vector<64xf32>
    %broadcast_in_dim3A_45 = vector.shape_cast %get3A_44 : vector<64xf32> to vector<64x1xf32>
    %add3A_46 = vector.broadcast %broadcast_in_dim3A_45 : vector<64x1xf32> to vector<64x16384xf32>
    %add3A_47 = arith.addf %dot_general3A_42, %add3A_46 : vector<64x16384xf32>
    %neg3A = arith.constant 0.000000e+00 : f32
    %neg3A_48 = vector.broadcast %neg3A : f32 to vector<64x16384xf32>
    %neg3A_49 = arith.subf %neg3A_48, %add3A_47 : vector<64x16384xf32>
    %exp3A_50 = math.exp %neg3A_49 : vector<64x16384xf32>
    %add3A_51 = arith.constant 1.000000e+00 : f32
    %add3A_52 = vector.broadcast %add3A_51 : f32 to vector<64x16384xf32>
    %add3A_53 = arith.addf %add3A_52, %exp3A_50 : vector<64x16384xf32>
    %div3A_54 = arith.divf %add3A_47, %add3A_53 : vector<64x16384xf32>
    %get3A_55 = arith.constant 0 : index
    %get3A_56 = arith.constant 0 : index
    %get3A_57 = vector.load %arg6[%get3A_55, %get3A_56] : memref<48x64xf32, #tpu.memory_space<vmem>>, vector<48x64xf32>
    %dot_general3A_58 = arith.constant dense<0.000000e+00> : vector<48x16384xf32>
    %dot_general3A_59 = tpu.matmul %get3A_57, %div3A_54, %dot_general3A_58 {dimension_numbers = #tpu.dot_dimension_numbers<[1], [0], [0], [1], [0, 0, 1, 1], [], []>, transpose_lhs_hint = false} : vector<48x64xf32>, vector<64x16384xf32>, vector<48x16384xf32> -> vector<48x16384xf32>
    %get3A_60 = arith.constant 0 : index
    %get3A_61 = vector.load %arg7[%get3A_60] : memref<48xf32, #tpu.memory_space<vmem>>, vector<48xf32>
    %broadcast_in_dim3A_62 = vector.shape_cast %get3A_61 : vector<48xf32> to vector<48x1xf32>
    %add3A_63 = vector.broadcast %broadcast_in_dim3A_62 : vector<48x1xf32> to vector<48x16384xf32>
    %add3A_64 = arith.addf %dot_general3A_59, %add3A_63 : vector<48x16384xf32>
    %div3A_65 = arith.constant 1.000000e+00 : f32
    %div3A_66 = vector.broadcast %div3A_65 : f32 to vector<16384xf32>
    %div3A_67 = arith.divf %div3A_66, %sqrt3A : vector<16384xf32>
    %mul3A_68 = arith.mulf %get3A_0, %div3A_67 : vector<16384xf32>
    %mul3A_69 = arith.mulf %get3A_2, %div3A_67 : vector<16384xf32>
    %mul3A_70 = arith.mulf %get3A_4, %div3A_67 : vector<16384xf32>
    %broadcast_in_dim3A_71 = arith.constant 1.000000e+00 : f32
    %broadcast_in_dim3A_72 = vector.broadcast %broadcast_in_dim3A_71 : f32 to vector<16384xf32>
    %broadcast_in_dim3A_73 = arith.constant 0.000000e+00 : f32
    %broadcast_in_dim3A_74 = vector.broadcast %broadcast_in_dim3A_73 : f32 to vector<16384xf32>
    %mul3A_75 = arith.constant 1.73205078 : f32
    %mul3A_76 = vector.broadcast %mul3A_75 : f32 to vector<16384xf32>
    %mul3A_77 = arith.mulf %mul3A_76, %mul3A_69 : vector<16384xf32>
    %mul3A_78 = arith.constant 1.73205078 : f32
    %mul3A_79 = vector.broadcast %mul3A_78 : f32 to vector<16384xf32>
    %mul3A_80 = arith.mulf %mul3A_79, %mul3A_70 : vector<16384xf32>
    %mul3A_81 = arith.constant 1.73205078 : f32
    %mul3A_82 = vector.broadcast %mul3A_81 : f32 to vector<16384xf32>
    %mul3A_83 = arith.mulf %mul3A_82, %mul3A_68 : vector<16384xf32>
    %mul3A_84 = arith.constant 3.87298346 : f32
    %mul3A_85 = vector.broadcast %mul3A_84 : f32 to vector<16384xf32>
    %mul3A_86 = arith.mulf %mul3A_85, %mul3A_68 : vector<16384xf32>
    %mul3A_87 = arith.mulf %mul3A_86, %mul3A_69 : vector<16384xf32>
    %mul3A_88 = arith.constant 3.87298346 : f32
    %mul3A_89 = vector.broadcast %mul3A_88 : f32 to vector<16384xf32>
    %mul3A_90 = arith.mulf %mul3A_89, %mul3A_69 : vector<16384xf32>
    %mul3A_91 = arith.mulf %mul3A_90, %mul3A_70 : vector<16384xf32>
    %mul3A_92 = arith.constant 3.000000e+00 : f32
    %mul3A_93 = vector.broadcast %mul3A_92 : f32 to vector<16384xf32>
    %mul3A_94 = arith.mulf %mul3A_93, %mul3A_70 : vector<16384xf32>
    %mul3A_95 = arith.mulf %mul3A_94, %mul3A_70 : vector<16384xf32>
    %sub3A_96 = arith.constant 1.000000e+00 : f32
    %sub3A_97 = vector.broadcast %sub3A_96 : f32 to vector<16384xf32>
    %sub3A_98 = arith.subf %mul3A_95, %sub3A_97 : vector<16384xf32>
    %mul3A_99 = arith.constant 1.11803401 : f32
    %mul3A_100 = vector.broadcast %mul3A_99 : f32 to vector<16384xf32>
    %mul3A_101 = arith.mulf %mul3A_100, %sub3A_98 : vector<16384xf32>
    %mul3A_102 = arith.constant 3.87298346 : f32
    %mul3A_103 = vector.broadcast %mul3A_102 : f32 to vector<16384xf32>
    %mul3A_104 = arith.mulf %mul3A_103, %mul3A_68 : vector<16384xf32>
    %mul3A_105 = arith.mulf %mul3A_104, %mul3A_70 : vector<16384xf32>
    %mul3A_106 = arith.mulf %mul3A_68, %mul3A_68 : vector<16384xf32>
    %mul3A_107 = arith.mulf %mul3A_69, %mul3A_69 : vector<16384xf32>
    %sub3A_108 = arith.subf %mul3A_106, %mul3A_107 : vector<16384xf32>
    %mul3A_109 = arith.constant 1.93649173 : f32
    %mul3A_110 = vector.broadcast %mul3A_109 : f32 to vector<16384xf32>
    %mul3A_111 = arith.mulf %mul3A_110, %sub3A_108 : vector<16384xf32>
    %stack3A = vector.shape_cast %broadcast_in_dim3A_72 : vector<16384xf32> to vector<1x16384xf32>
    %stack3A_112 = vector.shape_cast %mul3A_77 : vector<16384xf32> to vector<1x16384xf32>
    %stack3A_113 = vector.shape_cast %mul3A_80 : vector<16384xf32> to vector<1x16384xf32>
    %stack3A_114 = vector.shape_cast %mul3A_83 : vector<16384xf32> to vector<1x16384xf32>
    %stack3A_115 = vector.shape_cast %mul3A_87 : vector<16384xf32> to vector<1x16384xf32>
    %stack3A_116 = vector.shape_cast %mul3A_91 : vector<16384xf32> to vector<1x16384xf32>
    %stack3A_117 = vector.shape_cast %mul3A_101 : vector<16384xf32> to vector<1x16384xf32>
    %stack3A_118 = vector.shape_cast %mul3A_105 : vector<16384xf32> to vector<1x16384xf32>
    %stack3A_119 = vector.shape_cast %mul3A_111 : vector<16384xf32> to vector<1x16384xf32>
    %stack3A_120 = vector.shape_cast %broadcast_in_dim3A_74 : vector<16384xf32> to vector<1x16384xf32>
    %stack3A_121 = vector.shape_cast %broadcast_in_dim3A_74 : vector<16384xf32> to vector<1x16384xf32>
    %stack3A_122 = vector.shape_cast %broadcast_in_dim3A_74 : vector<16384xf32> to vector<1x16384xf32>
    %stack3A_123 = vector.shape_cast %broadcast_in_dim3A_74 : vector<16384xf32> to vector<1x16384xf32>
    %stack3A_124 = vector.shape_cast %broadcast_in_dim3A_74 : vector<16384xf32> to vector<1x16384xf32>
    %stack3A_125 = vector.shape_cast %broadcast_in_dim3A_74 : vector<16384xf32> to vector<1x16384xf32>
    %stack3A_126 = vector.shape_cast %broadcast_in_dim3A_74 : vector<16384xf32> to vector<1x16384xf32>
    %stack3A_127 = tpu.concatenate %stack3A, %stack3A_112, %stack3A_113, %stack3A_114, %stack3A_115, %stack3A_116, %stack3A_117, %stack3A_118, %stack3A_119, %stack3A_120, %stack3A_121, %stack3A_122, %stack3A_123, %stack3A_124, %stack3A_125, %stack3A_126 in 0 : vector<1x16384xf32>, vector<1x16384xf32>, vector<1x16384xf32>, vector<1x16384xf32>, vector<1x16384xf32>, vector<1x16384xf32>, vector<1x16384xf32>, vector<1x16384xf32>, vector<1x16384xf32>, vector<1x16384xf32>, vector<1x16384xf32>, vector<1x16384xf32>, vector<1x16384xf32>, vector<1x16384xf32>, vector<1x16384xf32>, vector<1x16384xf32> -> vector<16x16384xf32>
    %div3A_128 = arith.constant 3.000000e+00 : f32
    %div3A_129 = vector.broadcast %div3A_128 : f32 to vector<16384xf32>
    %div3A_130 = arith.divf %sqrt3A, %div3A_129 : vector<16384xf32>
    %sub3A_131 = arith.constant 1.000000e+00 : f32
    %sub3A_132 = vector.broadcast %sub3A_131 : f32 to vector<16384xf32>
    %sub3A_133 = arith.subf %sub3A_132, %div3A_130 : vector<16384xf32>
    %mul3A_134 = arith.constant 1.000000e+01 : f32
    %mul3A_135 = vector.broadcast %mul3A_134 : f32 to vector<16384xf32>
    %mul3A_136 = arith.mulf %mul3A_135, %sub3A_133 : vector<16384xf32>
    %gt3A = arith.constant 0.000000e+00 : f32
    %gt3A_137 = vector.broadcast %gt3A : f32 to vector<16384xf32>
    %gt3A_138 = arith.cmpf ogt, %mul3A_136, %gt3A_137 : vector<16384xf32>
    %gt3A_139 = arith.constant 0.000000e+00 : f32
    %gt3A_140 = vector.broadcast %gt3A_139 : f32 to vector<16384xf32>
    %gt3A_141 = arith.cmpf ogt, %mul3A_136, %gt3A_140 : vector<16384xf32>
    %jit3A_142 = arith.constant 1.000000e+00 : f32
    %broadcast_in_dim3A_143 = vector.broadcast %jit3A_142 : f32 to vector<16384xf32>
    %select_n3A_144 = arith.select %gt3A_141, %mul3A_136, %broadcast_in_dim3A_143 : vector<16384xi1>, vector<16384xf32>
    %div3A_145 = arith.constant -1.000000e+00 : f32
    %div3A_146 = vector.broadcast %div3A_145 : f32 to vector<16384xf32>
    %div3A_147 = arith.divf %div3A_146, %select_n3A_144 : vector<16384xf32>
    %exp3A_148 = math.exp %div3A_147 : vector<16384xf32>
    %jit3A_149 = arith.constant 0.000000e+00 : f32
    %broadcast_in_dim3A_150 = vector.broadcast %jit3A_149 : f32 to vector<16384xf32>
    %select_n3A_151 = arith.select %gt3A_138, %exp3A_148, %broadcast_in_dim3A_150 : vector<16384xi1>, vector<16384xf32>
    %slice3A = vector.extract_strided_slice %add3A_64 {offsets = [0, 0], sizes = [16, 16384], strides = [1, 1]} : vector<48x16384xf32> to vector<16x16384xf32>
    %mul3A_152 = arith.mulf %stack3A_127, %slice3A : vector<16x16384xf32>
    %reduce_sum3A = arith.constant dense<0.000000e+00> : vector<16384xf32>
    %reduce_sum3A_153 = vector.multi_reduction <add>, %mul3A_152, %reduce_sum3A [0] : vector<16x16384xf32> to vector<16384xf32>
    %mul3A_154 = arith.mulf %select_n3A_151, %reduce_sum3A_153 : vector<16384xf32>
    %swap3A = arith.constant 0 : index
    %swap3A_155 = vector.load %arg8[%swap3A] : memref<16384xf32, #tpu.memory_space<vmem>>, vector<16384xf32>
    tpu.vector_store %arg8[%swap3A], %mul3A_154 {strides = array<i32>} : memref<16384xf32, #tpu.memory_space<vmem>>, vector<16384xf32>,
    %slice3A_156 = vector.extract_strided_slice %add3A_64 {offsets = [16, 0], sizes = [16, 16384], strides = [1, 1]} : vector<48x16384xf32> to vector<16x16384xf32>
    %mul3A_157 = arith.mulf %stack3A_127, %slice3A_156 : vector<16x16384xf32>
    %reduce_sum3A_158 = arith.constant dense<0.000000e+00> : vector<16384xf32>
    %reduce_sum3A_159 = vector.multi_reduction <add>, %mul3A_157, %reduce_sum3A_158 [0] : vector<16x16384xf32> to vector<16384xf32>
    %mul3A_160 = arith.mulf %select_n3A_151, %reduce_sum3A_159 : vector<16384xf32>
    %swap3A_161 = arith.constant 0 : index
    %swap3A_162 = vector.load %arg9[%swap3A_161] : memref<16384xf32, #tpu.memory_space<vmem>>, vector<16384xf32>
    tpu.vector_store %arg9[%swap3A_161], %mul3A_160 {strides = array<i32>} : memref<16384xf32, #tpu.memory_space<vmem>>, vector<16384xf32>,
    %slice3A_163 = vector.extract_strided_slice %add3A_64 {offsets = [32, 0], sizes = [16, 16384], strides = [1, 1]} : vector<48x16384xf32> to vector<16x16384xf32>
    %mul3A_164 = arith.mulf %stack3A_127, %slice3A_163 : vector<16x16384xf32>
    %reduce_sum3A_165 = arith.constant dense<0.000000e+00> : vector<16384xf32>
    %reduce_sum3A_166 = vector.multi_reduction <add>, %mul3A_164, %reduce_sum3A_165 [0] : vector<16x16384xf32> to vector<16384xf32>
    %mul3A_167 = arith.mulf %select_n3A_151, %reduce_sum3A_166 : vector<16384xf32>
    %swap3A_168 = arith.constant 0 : index
    %swap3A_169 = vector.load %arg10[%swap3A_168] : memref<16384xf32, #tpu.memory_space<vmem>>, vector<16384xf32>
    tpu.vector_store %arg10[%swap3A_168], %mul3A_167 {strides = array<i32>} : memref<16384xf32, #tpu.memory_space<vmem>>, vector<16384xf32>,
    return
  }
  func.func @transform_0(%arg0: i32) -> i32 {
    %add3A = arith.constant 0 : i32
    %add3A_0 = arith.addi %arg0, %add3A : i32
    %c0_i32 = arith.constant 0 : i32
    return %add3A_0 : i32
  }
  func.func @transform_1(%arg0: i32) -> i32 {
    %add3A = arith.constant 0 : i32
    %add3A_0 = arith.addi %arg0, %add3A : i32
    %c0_i32 = arith.constant 0 : i32
    return %add3A_0 : i32
  }
  func.func @transform_2(%arg0: i32) -> i32 {
    %add3A = arith.constant 0 : i32
    %add3A_0 = arith.addi %arg0, %add3A : i32
    %c0_i32 = arith.constant 0 : i32
    return %add3A_0 : i32
  }
  func.func @transform_3(%arg0: i32) -> (i32, i32) {
    %c0_i32 = arith.constant 0 : i32
    %c0_i32_0 = arith.constant 0 : i32
    %c0_i32_1 = arith.constant 0 : i32
    return %c0_i32, %c0_i32_0 : i32, i32
  }
  func.func @transform_4(%arg0: i32) -> i32 {
    %c0_i32 = arith.constant 0 : i32
    %c0_i32_0 = arith.constant 0 : i32
    return %c0_i32 : i32
  }
  func.func @transform_5(%arg0: i32) -> (i32, i32) {
    %c0_i32 = arith.constant 0 : i32
    %c0_i32_0 = arith.constant 0 : i32
    %c0_i32_1 = arith.constant 0 : i32
    return %c0_i32, %c0_i32_0 : i32, i32
  }
  func.func @transform_6(%arg0: i32) -> i32 {
    %c0_i32 = arith.constant 0 : i32
    %c0_i32_0 = arith.constant 0 : i32
    return %c0_i32 : i32
  }
  func.func @transform_7(%arg0: i32) -> i32 {
    %add3A = arith.constant 0 : i32
    %add3A_0 = arith.addi %arg0, %add3A : i32
    %c0_i32 = arith.constant 0 : i32
    return %add3A_0 : i32
  }
  func.func @transform_8(%arg0: i32) -> i32 {
    %add3A = arith.constant 0 : i32
    %add3A_0 = arith.addi %arg0, %add3A : i32
    %c0_i32 = arith.constant 0 : i32
    return %add3A_0 : i32
  }
  func.func @transform_9(%arg0: i32) -> i32 {
    %add3A = arith.constant 0 : i32
    %add3A_0 = arith.addi %arg0, %add3A : i32
    %c0_i32 = arith.constant 0 : i32
    return %add3A_0 : i32
  }
}

module attributes {stable_mosaic.version = 14 : i64} {
  func.func @_coeff_body(%arg0: i32, %arg1: memref<16384xf32, #tpu.memory_space<vmem>>, %arg2: memref<16384xf32, #tpu.memory_space<vmem>>, %arg3: memref<16384xf32, #tpu.memory_space<vmem>>, %arg4: memref<64x10xf32, #tpu.memory_space<vmem>>, %arg5: memref<64xf32, #tpu.memory_space<vmem>>, %arg6: memref<48x64xf32, #tpu.memory_space<vmem>>, %arg7: memref<48xf32, #tpu.memory_space<vmem>>, %arg8: memref<16384xf32, #tpu.memory_space<vmem>>, %arg9: memref<16384xf32, #tpu.memory_space<vmem>>, %arg10: memref<16384xf32, #tpu.memory_space<vmem>>) attributes {dimension_semantics = [#tpu.dimension_semantics<arbitrary>], iteration_bounds = array<i64: 10>, scalar_prefetch = 0 : i64, scratch_operands = 0 : i64, tpu.core_type = #tpu.core_type<tc>, window_params = [{transform_indices = @transform_0, window_bounds = array<i64: 16384>}, {transform_indices = @transform_1, window_bounds = array<i64: 16384>}, {transform_indices = @transform_2, window_bounds = array<i64: 16384>}, {pipeline_mode = #tpu.pipeline_mode<synchronous>, transform_indices = @transform_3, window_bounds = array<i64: 64, 10>}, {pipeline_mode = #tpu.pipeline_mode<synchronous>, transform_indices = @transform_4, window_bounds = array<i64: 64>}, {pipeline_mode = #tpu.pipeline_mode<synchronous>, transform_indices = @transform_5, window_bounds = array<i64: 48, 64>}, {pipeline_mode = #tpu.pipeline_mode<synchronous>, transform_indices = @transform_6, window_bounds = array<i64: 48>}, {transform_indices = @transform_7, window_bounds = array<i64: 16384>}, {transform_indices = @transform_8, window_bounds = array<i64: 16384>}, {transform_indices = @transform_9, window_bounds = array<i64: 16384>}]} {
    %get3A = arith.constant 0 : index
    %get3A_0 = vector.load %arg1[%get3A] : memref<16384xf32, #tpu.memory_space<vmem>>, vector<16384xf32>
    %get3A_1 = arith.constant 0 : index
    %get3A_2 = vector.load %arg2[%get3A_1] : memref<16384xf32, #tpu.memory_space<vmem>>, vector<16384xf32>
    %get3A_3 = arith.constant 0 : index
    %get3A_4 = vector.load %arg3[%get3A_3] : memref<16384xf32, #tpu.memory_space<vmem>>, vector<16384xf32>
    %mul3A = arith.mulf %get3A_0, %get3A_0 : vector<16384xf32>
    %mul3A_5 = arith.mulf %get3A_2, %get3A_2 : vector<16384xf32>
    %add3A = arith.addf %mul3A, %mul3A_5 : vector<16384xf32>
    %mul3A_6 = arith.mulf %get3A_4, %get3A_4 : vector<16384xf32>
    %add3A_7 = arith.addf %add3A, %mul3A_6 : vector<16384xf32>
    %add3A_8 = arith.constant 9.99999996E-13 : f32
    %add3A_9 = vector.broadcast %add3A_8 : f32 to vector<16384xf32>
    %add3A_10 = arith.addf %add3A_7, %add3A_9 : vector<16384xf32>
    %sqrt3A = math.sqrt %add3A_10 : vector<16384xf32>
    %iota3A = tpu.iota {dimensions = array<i32: 1>} : vector<1x10xi32>
    %iota3A_11 = vector.shape_cast %iota3A : vector<1x10xi32> to vector<10xi32>
    %add3A_12 = arith.constant 1 : i32
    %add3A_13 = vector.broadcast %add3A_12 : i32 to vector<10xi32>
    %add3A_14 = arith.addi %add3A_13, %iota3A_11 : vector<10xi32>
    %convert_element_type3A = arith.sitofp %add3A_14 : vector<10xi32> to vector<10xf32>
    %mul3A_15 = arith.constant 0.272727281 : f32
    %mul3A_16 = vector.broadcast %mul3A_15 : f32 to vector<10xf32>
    %mul3A_17 = arith.mulf %convert_element_type3A, %mul3A_16 : vector<10xf32>
    %broadcast_in_dim3A = vector.shape_cast %mul3A_17 : vector<10xf32> to vector<10x1xf32>
    %broadcast_in_dim3A_18 = vector.shape_cast %sqrt3A : vector<16384xf32> to vector<1x16384xf32>
    %sub3A = vector.broadcast %broadcast_in_dim3A_18 : vector<1x16384xf32> to vector<10x16384xf32>
    %sub3A_19 = vector.broadcast %broadcast_in_dim3A : vector<10x1xf32> to vector<10x16384xf32>
    %sub3A_20 = arith.subf %sub3A, %sub3A_19 : vector<10x16384xf32>
    %div3A = arith.constant 0.272727281 : f32
    %div3A_21 = vector.broadcast %div3A : f32 to vector<10x16384xf32>
    %div3A_22 = arith.divf %sub3A_20, %div3A_21 : vector<10x16384xf32>
    %abs3A = math.absf %div3A_22 : vector<10x16384xf32>
    %lt3A = arith.constant 1.000000e+00 : f32
    %lt3A_23 = vector.broadcast %lt3A : f32 to vector<10x16384xf32>
    %lt3A_24 = arith.cmpf olt, %abs3A, %lt3A_23 : vector<10x16384xf32>
    %jit3A = arith.constant 0.000000e+00 : f32
    %broadcast_in_dim3A_25 = vector.broadcast %jit3A : f32 to vector<10x16384xf32>
    %select_n3A = arith.select %lt3A_24, %div3A_22, %broadcast_in_dim3A_25 : vector<10x16384xi1>, vector<10x16384xf32>
    %mul3A_26 = arith.mulf %select_n3A, %select_n3A : vector<10x16384xf32>
    %sub3A_27 = arith.constant 1.000000e+00 : f32
    %sub3A_28 = vector.broadcast %sub3A_27 : f32 to vector<10x16384xf32>
    %sub3A_29 = arith.subf %mul3A_26, %sub3A_28 : vector<10x16384xf32>
    %div3A_30 = arith.constant 1.000000e+00 : f32
    %div3A_31 = vector.broadcast %div3A_30 : f32 to vector<10x16384xf32>
    %div3A_32 = arith.divf %div3A_31, %sub3A_29 : vector<10x16384xf32>
    %exp3A = math.exp %div3A_32 : vector<10x16384xf32>
    %mul3A_33 = arith.constant 2.666930e+01 : f32
    %mul3A_34 = vector.broadcast %mul3A_33 : f32 to vector<10x16384xf32>
    %mul3A_35 = arith.mulf %mul3A_34, %exp3A : vector<10x16384xf32>
    %jit3A_36 = arith.constant 0.000000e+00 : f32
    %broadcast_in_dim3A_37 = vector.broadcast %jit3A_36 : f32 to vector<10x16384xf32>
    %select_n3A_38 = arith.select %lt3A_24, %mul3A_35, %broadcast_in_dim3A_37 : vector<10x16384xi1>, vector<10x16384xf32>
    %get3A_39 = arith.constant 0 : index
    %get3A_40 = arith.constant 0 : index
    %get3A_41 = vector.load %arg4[%get3A_39, %get3A_40] : memref<64x10xf32, #tpu.memory_space<vmem>>, vector<64x10xf32>
    %dot_general3A = arith.constant dense<0.000000e+00> : vector<64x16384xf32>
    %dot_general3A_42 = tpu.matmul %get3A_41, %select_n3A_38, %dot_general3A {dimension_numbers = #tpu.dot_dimension_numbers<[1], [0], [0], [1], [0, 0, 1, 1], [], []>, transpose_lhs_hint = false} : vector<64x10xf32>, vector<10x16384xf32>, vector<64x16384xf32> -> vector<64x16384xf32>
    %get3A_43 = arith.constant 0 : index
    %get3A_44 = vector.load %arg5[%get3A_43] : memref<64xf32, #tpu.memory_space<vmem>>, vector<64xf32>
    %broadcast_in_dim3A_45 = vector.shape_cast %get3A_44 : vector<64xf32> to vector<64x1xf32>
    %add3A_46 = vector.broadcast %broadcast_in_dim3A_45 : vector<64x1xf32> to vector<64x16384xf32>
    %add3A_47 = arith.addf %dot_general3A_42, %add3A_46 : vector<64x16384xf32>
    %neg3A = arith.constant 0.000000e+00 : f32
    %neg3A_48 = vector.broadcast %neg3A : f32 to vector<64x16384xf32>
    %neg3A_49 = arith.subf %neg3A_48, %add3A_47 : vector<64x16384xf32>
    %exp3A_50 = math.exp %neg3A_49 : vector<64x16384xf32>
    %add3A_51 = arith.constant 1.000000e+00 : f32
    %add3A_52 = vector.broadcast %add3A_51 : f32 to vector<64x16384xf32>
    %add3A_53 = arith.addf %add3A_52, %exp3A_50 : vector<64x16384xf32>
    %div3A_54 = arith.divf %add3A_47, %add3A_53 : vector<64x16384xf32>
    %get3A_55 = arith.constant 0 : index
    %get3A_56 = arith.constant 0 : index
    %get3A_57 = vector.load %arg6[%get3A_55, %get3A_56] : memref<48x64xf32, #tpu.memory_space<vmem>>, vector<48x64xf32>
    %dot_general3A_58 = arith.constant dense<0.000000e+00> : vector<48x16384xf32>
    %dot_general3A_59 = tpu.matmul %get3A_57, %div3A_54, %dot_general3A_58 {dimension_numbers = #tpu.dot_dimension_numbers<[1], [0], [0], [1], [0, 0, 1, 1], [], []>, transpose_lhs_hint = false} : vector<48x64xf32>, vector<64x16384xf32>, vector<48x16384xf32> -> vector<48x16384xf32>
    %get3A_60 = arith.constant 0 : index
    %get3A_61 = vector.load %arg7[%get3A_60] : memref<48xf32, #tpu.memory_space<vmem>>, vector<48xf32>
    %broadcast_in_dim3A_62 = vector.shape_cast %get3A_61 : vector<48xf32> to vector<48x1xf32>
    %add3A_63 = vector.broadcast %broadcast_in_dim3A_62 : vector<48x1xf32> to vector<48x16384xf32>
    %add3A_64 = arith.addf %dot_general3A_59, %add3A_63 : vector<48x16384xf32>
    %div3A_65 = arith.constant 1.000000e+00 : f32
    %div3A_66 = vector.broadcast %div3A_65 : f32 to vector<16384xf32>
    %div3A_67 = arith.divf %div3A_66, %sqrt3A : vector<16384xf32>
    %mul3A_68 = arith.mulf %get3A_0, %div3A_67 : vector<16384xf32>
    %mul3A_69 = arith.mulf %get3A_2, %div3A_67 : vector<16384xf32>
    %mul3A_70 = arith.mulf %get3A_4, %div3A_67 : vector<16384xf32>
    %broadcast_in_dim3A_71 = arith.constant 1.000000e+00 : f32
    %broadcast_in_dim3A_72 = vector.broadcast %broadcast_in_dim3A_71 : f32 to vector<16384xf32>
    %broadcast_in_dim3A_73 = arith.constant 0.000000e+00 : f32
    %broadcast_in_dim3A_74 = vector.broadcast %broadcast_in_dim3A_73 : f32 to vector<16384xf32>
    %mul3A_75 = arith.constant 1.73205078 : f32
    %mul3A_76 = vector.broadcast %mul3A_75 : f32 to vector<16384xf32>
    %mul3A_77 = arith.mulf %mul3A_76, %mul3A_69 : vector<16384xf32>
    %mul3A_78 = arith.constant 1.73205078 : f32
    %mul3A_79 = vector.broadcast %mul3A_78 : f32 to vector<16384xf32>
    %mul3A_80 = arith.mulf %mul3A_79, %mul3A_70 : vector<16384xf32>
    %mul3A_81 = arith.constant 1.73205078 : f32
    %mul3A_82 = vector.broadcast %mul3A_81 : f32 to vector<16384xf32>
    %mul3A_83 = arith.mulf %mul3A_82, %mul3A_68 : vector<16384xf32>
    %mul3A_84 = arith.constant 3.87298346 : f32
    %mul3A_85 = vector.broadcast %mul3A_84 : f32 to vector<16384xf32>
    %mul3A_86 = arith.mulf %mul3A_85, %mul3A_68 : vector<16384xf32>
    %mul3A_87 = arith.mulf %mul3A_86, %mul3A_69 : vector<16384xf32>
    %mul3A_88 = arith.constant 3.87298346 : f32
    %mul3A_89 = vector.broadcast %mul3A_88 : f32 to vector<16384xf32>
    %mul3A_90 = arith.mulf %mul3A_89, %mul3A_69 : vector<16384xf32>
    %mul3A_91 = arith.mulf %mul3A_90, %mul3A_70 : vector<16384xf32>
    %mul3A_92 = arith.constant 3.000000e+00 : f32
    %mul3A_93 = vector.broadcast %mul3A_92 : f32 to vector<16384xf32>
    %mul3A_94 = arith.mulf %mul3A_93, %mul3A_70 : vector<16384xf32>
    %mul3A_95 = arith.mulf %mul3A_94, %mul3A_70 : vector<16384xf32>
    %sub3A_96 = arith.constant 1.000000e+00 : f32
    %sub3A_97 = vector.broadcast %sub3A_96 : f32 to vector<16384xf32>
    %sub3A_98 = arith.subf %mul3A_95, %sub3A_97 : vector<16384xf32>
    %mul3A_99 = arith.constant 1.11803401 : f32
    %mul3A_100 = vector.broadcast %mul3A_99 : f32 to vector<16384xf32>
    %mul3A_101 = arith.mulf %mul3A_100, %sub3A_98 : vector<16384xf32>
    %mul3A_102 = arith.constant 3.87298346 : f32
    %mul3A_103 = vector.broadcast %mul3A_102 : f32 to vector<16384xf32>
    %mul3A_104 = arith.mulf %mul3A_103, %mul3A_68 : vector<16384xf32>
    %mul3A_105 = arith.mulf %mul3A_104, %mul3A_70 : vector<16384xf32>
    %mul3A_106 = arith.mulf %mul3A_68, %mul3A_68 : vector<16384xf32>
    %mul3A_107 = arith.mulf %mul3A_69, %mul3A_69 : vector<16384xf32>
    %sub3A_108 = arith.subf %mul3A_106, %mul3A_107 : vector<16384xf32>
    %mul3A_109 = arith.constant 1.93649173 : f32
    %mul3A_110 = vector.broadcast %mul3A_109 : f32 to vector<16384xf32>
    %mul3A_111 = arith.mulf %mul3A_110, %sub3A_108 : vector<16384xf32>
    %stack3A = vector.shape_cast %broadcast_in_dim3A_72 : vector<16384xf32> to vector<1x16384xf32>
    %stack3A_112 = vector.shape_cast %mul3A_77 : vector<16384xf32> to vector<1x16384xf32>
    %stack3A_113 = vector.shape_cast %mul3A_80 : vector<16384xf32> to vector<1x16384xf32>
    %stack3A_114 = vector.shape_cast %mul3A_83 : vector<16384xf32> to vector<1x16384xf32>
    %stack3A_115 = vector.shape_cast %mul3A_87 : vector<16384xf32> to vector<1x16384xf32>
    %stack3A_116 = vector.shape_cast %mul3A_91 : vector<16384xf32> to vector<1x16384xf32>
    %stack3A_117 = vector.shape_cast %mul3A_101 : vector<16384xf32> to vector<1x16384xf32>
    %stack3A_118 = vector.shape_cast %mul3A_105 : vector<16384xf32> to vector<1x16384xf32>
    %stack3A_119 = vector.shape_cast %mul3A_111 : vector<16384xf32> to vector<1x16384xf32>
    %stack3A_120 = vector.shape_cast %broadcast_in_dim3A_74 : vector<16384xf32> to vector<1x16384xf32>
    %stack3A_121 = vector.shape_cast %broadcast_in_dim3A_74 : vector<16384xf32> to vector<1x16384xf32>
    %stack3A_122 = vector.shape_cast %broadcast_in_dim3A_74 : vector<16384xf32> to vector<1x16384xf32>
    %stack3A_123 = vector.shape_cast %broadcast_in_dim3A_74 : vector<16384xf32> to vector<1x16384xf32>
    %stack3A_124 = vector.shape_cast %broadcast_in_dim3A_74 : vector<16384xf32> to vector<1x16384xf32>
    %stack3A_125 = vector.shape_cast %broadcast_in_dim3A_74 : vector<16384xf32> to vector<1x16384xf32>
    %stack3A_126 = vector.shape_cast %broadcast_in_dim3A_74 : vector<16384xf32> to vector<1x16384xf32>
    %stack3A_127 = tpu.concatenate %stack3A, %stack3A_112, %stack3A_113, %stack3A_114, %stack3A_115, %stack3A_116, %stack3A_117, %stack3A_118, %stack3A_119, %stack3A_120, %stack3A_121, %stack3A_122, %stack3A_123, %stack3A_124, %stack3A_125, %stack3A_126 in 0 : vector<1x16384xf32>, vector<1x16384xf32>, vector<1x16384xf32>, vector<1x16384xf32>, vector<1x16384xf32>, vector<1x16384xf32>, vector<1x16384xf32>, vector<1x16384xf32>, vector<1x16384xf32>, vector<1x16384xf32>, vector<1x16384xf32>, vector<1x16384xf32>, vector<1x16384xf32>, vector<1x16384xf32>, vector<1x16384xf32>, vector<1x16384xf32> -> vector<16x16384xf32>
    %div3A_128 = arith.constant 3.000000e+00 : f32
    %div3A_129 = vector.broadcast %div3A_128 : f32 to vector<16384xf32>
    %div3A_130 = arith.divf %sqrt3A, %div3A_129 : vector<16384xf32>
    %sub3A_131 = arith.constant 1.000000e+00 : f32
    %sub3A_132 = vector.broadcast %sub3A_131 : f32 to vector<16384xf32>
    %sub3A_133 = arith.subf %sub3A_132, %div3A_130 : vector<16384xf32>
    %mul3A_134 = arith.constant 1.000000e+01 : f32
    %mul3A_135 = vector.broadcast %mul3A_134 : f32 to vector<16384xf32>
    %mul3A_136 = arith.mulf %mul3A_135, %sub3A_133 : vector<16384xf32>
    %gt3A = arith.constant 0.000000e+00 : f32
    %gt3A_137 = vector.broadcast %gt3A : f32 to vector<16384xf32>
    %gt3A_138 = arith.cmpf ogt, %mul3A_136, %gt3A_137 : vector<16384xf32>
    %gt3A_139 = arith.constant 0.000000e+00 : f32
    %gt3A_140 = vector.broadcast %gt3A_139 : f32 to vector<16384xf32>
    %gt3A_141 = arith.cmpf ogt, %mul3A_136, %gt3A_140 : vector<16384xf32>
    %jit3A_142 = arith.constant 1.000000e+00 : f32
    %broadcast_in_dim3A_143 = vector.broadcast %jit3A_142 : f32 to vector<16384xf32>
    %select_n3A_144 = arith.select %gt3A_141, %mul3A_136, %broadcast_in_dim3A_143 : vector<16384xi1>, vector<16384xf32>
    %div3A_145 = arith.constant -1.000000e+00 : f32
    %div3A_146 = vector.broadcast %div3A_145 : f32 to vector<16384xf32>
    %div3A_147 = arith.divf %div3A_146, %select_n3A_144 : vector<16384xf32>
    %exp3A_148 = math.exp %div3A_147 : vector<16384xf32>
    %jit3A_149 = arith.constant 0.000000e+00 : f32
    %broadcast_in_dim3A_150 = vector.broadcast %jit3A_149 : f32 to vector<16384xf32>
    %select_n3A_151 = arith.select %gt3A_138, %exp3A_148, %broadcast_in_dim3A_150 : vector<16384xi1>, vector<16384xf32>
    %slice3A = vector.extract_strided_slice %add3A_64 {offsets = [0, 0], sizes = [16, 16384], strides = [1, 1]} : vector<48x16384xf32> to vector<16x16384xf32>
    %mul3A_152 = arith.mulf %stack3A_127, %slice3A : vector<16x16384xf32>
    %reduce_sum3A = arith.constant dense<0.000000e+00> : vector<16384xf32>
    %reduce_sum3A_153 = vector.multi_reduction <add>, %mul3A_152, %reduce_sum3A [0] : vector<16x16384xf32> to vector<16384xf32>
    %mul3A_154 = arith.mulf %select_n3A_151, %reduce_sum3A_153 : vector<16384xf32>
    %swap3A = arith.constant 0 : index
    %swap3A_155 = vector.load %arg8[%swap3A] : memref<16384xf32, #tpu.memory_space<vmem>>, vector<16384xf32>
    tpu.vector_store %arg8[%swap3A], %mul3A_154 {strides = array<i32>} : memref<16384xf32, #tpu.memory_space<vmem>>, vector<16384xf32>,
    %slice3A_156 = vector.extract_strided_slice %add3A_64 {offsets = [16, 0], sizes = [16, 16384], strides = [1, 1]} : vector<48x16384xf32> to vector<16x16384xf32>
    %mul3A_157 = arith.mulf %stack3A_127, %slice3A_156 : vector<16x16384xf32>
    %reduce_sum3A_158 = arith.constant dense<0.000000e+00> : vector<16384xf32>
    %reduce_sum3A_159 = vector.multi_reduction <add>, %mul3A_157, %reduce_sum3A_158 [0] : vector<16x16384xf32> to vector<16384xf32>
    %mul3A_160 = arith.mulf %select_n3A_151, %reduce_sum3A_159 : vector<16384xf32>
    %swap3A_161 = arith.constant 0 : index
    %swap3A_162 = vector.load %arg9[%swap3A_161] : memref<16384xf32, #tpu.memory_space<vmem>>, vector<16384xf32>
    tpu.vector_store %arg9[%swap3A_161], %mul3A_160 {strides = array<i32>} : memref<16384xf32, #tpu.memory_space<vmem>>, vector<16384xf32>,
    %slice3A_163 = vector.extract_strided_slice %add3A_64 {offsets = [32, 0], sizes = [16, 16384], strides = [1, 1]} : vector<48x16384xf32> to vector<16x16384xf32>
    %mul3A_164 = arith.mulf %stack3A_127, %slice3A_163 : vector<16x16384xf32>
    %reduce_sum3A_165 = arith.constant dense<0.000000e+00> : vector<16384xf32>
    %reduce_sum3A_166 = vector.multi_reduction <add>, %mul3A_164, %reduce_sum3A_165 [0] : vector<16x16384xf32> to vector<16384xf32>
    %mul3A_167 = arith.mulf %select_n3A_151, %reduce_sum3A_166 : vector<16384xf32>
    %swap3A_168 = arith.constant 0 : index
    %swap3A_169 = vector.load %arg10[%swap3A_168] : memref<16384xf32, #tpu.memory_space<vmem>>, vector<16384xf32>
    tpu.vector_store %arg10[%swap3A_168], %mul3A_167 {strides = array<i32>} : memref<16384xf32, #tpu.memory_space<vmem>>, vector<16384xf32>,
    return
  }
  func.func @transform_0(%arg0: i32) -> i32 {
    %add3A = arith.constant 10 : i32
    %add3A_0 = arith.addi %arg0, %add3A : i32
    %c0_i32 = arith.constant 0 : i32
    return %add3A_0 : i32
  }
  func.func @transform_1(%arg0: i32) -> i32 {
    %add3A = arith.constant 10 : i32
    %add3A_0 = arith.addi %arg0, %add3A : i32
    %c0_i32 = arith.constant 0 : i32
    return %add3A_0 : i32
  }
  func.func @transform_2(%arg0: i32) -> i32 {
    %add3A = arith.constant 10 : i32
    %add3A_0 = arith.addi %arg0, %add3A : i32
    %c0_i32 = arith.constant 0 : i32
    return %add3A_0 : i32
  }
  func.func @transform_3(%arg0: i32) -> (i32, i32) {
    %c0_i32 = arith.constant 0 : i32
    %c0_i32_0 = arith.constant 0 : i32
    %c0_i32_1 = arith.constant 0 : i32
    return %c0_i32, %c0_i32_0 : i32, i32
  }
  func.func @transform_4(%arg0: i32) -> i32 {
    %c0_i32 = arith.constant 0 : i32
    %c0_i32_0 = arith.constant 0 : i32
    return %c0_i32 : i32
  }
  func.func @transform_5(%arg0: i32) -> (i32, i32) {
    %c0_i32 = arith.constant 0 : i32
    %c0_i32_0 = arith.constant 0 : i32
    %c0_i32_1 = arith.constant 0 : i32
    return %c0_i32, %c0_i32_0 : i32, i32
  }
  func.func @transform_6(%arg0: i32) -> i32 {
    %c0_i32 = arith.constant 0 : i32
    %c0_i32_0 = arith.constant 0 : i32
    return %c0_i32 : i32
  }
  func.func @transform_7(%arg0: i32) -> i32 {
    %add3A = arith.constant 10 : i32
    %add3A_0 = arith.addi %arg0, %add3A : i32
    %c0_i32 = arith.constant 0 : i32
    return %add3A_0 : i32
  }
  func.func @transform_8(%arg0: i32) -> i32 {
    %add3A = arith.constant 10 : i32
    %add3A_0 = arith.addi %arg0, %add3A : i32
    %c0_i32 = arith.constant 0 : i32
    return %add3A_0 : i32
  }
  func.func @transform_9(%arg0: i32) -> i32 {
    %add3A = arith.constant 10 : i32
    %add3A_0 = arith.addi %arg0, %add3A : i32
    %c0_i32 = arith.constant 0 : i32
    return %add3A_0 : i32
  }
}

module attributes {stable_mosaic.version = 14 : i64} {
  func.func @_finish_body(%arg0: memref<32x3x10000xf32, #tpu.memory_space<vmem>>, %arg1: memref<32x3x10000xf32, #tpu.memory_space<vmem>>, %arg2: memref<3x10000xf32, #tpu.memory_space<vmem>>) attributes {dimension_semantics = [], scalar_prefetch = 0 : i64, scratch_operands = 0 : i64, tpu.core_type = #tpu.core_type<tc>} {
    %get3A = arith.constant 0 : index
    %get3A_0 = arith.constant 0 : index
    %get3A_1 = arith.constant 0 : index
    %get3A_2 = vector.load %arg0[%get3A, %get3A_0, %get3A_1] : memref<32x3x10000xf32, #tpu.memory_space<vmem>>, vector<32x1x10000xf32>
    %get3A_3 = vector.shape_cast %get3A_2 : vector<32x1x10000xf32> to vector<32x10000xf32>
    %reduce_sum3A = arith.constant dense<0.000000e+00> : vector<10000xf32>
    %reduce_sum3A_4 = vector.multi_reduction <add>, %get3A_3, %reduce_sum3A [0] : vector<32x10000xf32> to vector<10000xf32>
    %get3A_5 = arith.constant 0 : index
    %get3A_6 = arith.constant 0 : index
    %get3A_7 = arith.constant 0 : index
    %get3A_8 = vector.load %arg1[%get3A_5, %get3A_6, %get3A_7] : memref<32x3x10000xf32, #tpu.memory_space<vmem>>, vector<32x1x10000xf32>
    %get3A_9 = vector.shape_cast %get3A_8 : vector<32x1x10000xf32> to vector<32x10000xf32>
    %reduce_sum3A_10 = arith.constant dense<0.000000e+00> : vector<10000xf32>
    %reduce_sum3A_11 = vector.multi_reduction <add>, %get3A_9, %reduce_sum3A_10 [0] : vector<32x10000xf32> to vector<10000xf32>
    %add3A = arith.addf %reduce_sum3A_4, %reduce_sum3A_11 : vector<10000xf32>
    %get3A_12 = arith.constant 0 : index
    %get3A_13 = arith.constant 1 : index
    %get3A_14 = arith.constant 0 : index
    %get3A_15 = vector.load %arg0[%get3A_12, %get3A_13, %get3A_14] : memref<32x3x10000xf32, #tpu.memory_space<vmem>>, vector<32x1x10000xf32>
    %get3A_16 = vector.shape_cast %get3A_15 : vector<32x1x10000xf32> to vector<32x10000xf32>
    %reduce_sum3A_17 = arith.constant dense<0.000000e+00> : vector<10000xf32>
    %reduce_sum3A_18 = vector.multi_reduction <add>, %get3A_16, %reduce_sum3A_17 [0] : vector<32x10000xf32> to vector<10000xf32>
    %get3A_19 = arith.constant 0 : index
    %get3A_20 = arith.constant 1 : index
    %get3A_21 = arith.constant 0 : index
    %get3A_22 = vector.load %arg1[%get3A_19, %get3A_20, %get3A_21] : memref<32x3x10000xf32, #tpu.memory_space<vmem>>, vector<32x1x10000xf32>
    %get3A_23 = vector.shape_cast %get3A_22 : vector<32x1x10000xf32> to vector<32x10000xf32>
    %reduce_sum3A_24 = arith.constant dense<0.000000e+00> : vector<10000xf32>
    %reduce_sum3A_25 = vector.multi_reduction <add>, %get3A_23, %reduce_sum3A_24 [0] : vector<32x10000xf32> to vector<10000xf32>
    %add3A_26 = arith.addf %reduce_sum3A_18, %reduce_sum3A_25 : vector<10000xf32>
    %get3A_27 = arith.constant 0 : index
    %get3A_28 = arith.constant 2 : index
    %get3A_29 = arith.constant 0 : index
    %get3A_30 = vector.load %arg0[%get3A_27, %get3A_28, %get3A_29] : memref<32x3x10000xf32, #tpu.memory_space<vmem>>, vector<32x1x10000xf32>
    %get3A_31 = vector.shape_cast %get3A_30 : vector<32x1x10000xf32> to vector<32x10000xf32>
    %reduce_sum3A_32 = arith.constant dense<0.000000e+00> : vector<10000xf32>
    %reduce_sum3A_33 = vector.multi_reduction <add>, %get3A_31, %reduce_sum3A_32 [0] : vector<32x10000xf32> to vector<10000xf32>
    %get3A_34 = arith.constant 0 : index
    %get3A_35 = arith.constant 2 : index
    %get3A_36 = arith.constant 0 : index
    %get3A_37 = vector.load %arg1[%get3A_34, %get3A_35, %get3A_36] : memref<32x3x10000xf32, #tpu.memory_space<vmem>>, vector<32x1x10000xf32>
    %get3A_38 = vector.shape_cast %get3A_37 : vector<32x1x10000xf32> to vector<32x10000xf32>
    %reduce_sum3A_39 = arith.constant dense<0.000000e+00> : vector<10000xf32>
    %reduce_sum3A_40 = vector.multi_reduction <add>, %get3A_38, %reduce_sum3A_39 [0] : vector<32x10000xf32> to vector<10000xf32>
    %add3A_41 = arith.addf %reduce_sum3A_33, %reduce_sum3A_40 : vector<10000xf32>
    %sub3A = arith.subf %add3A_41, %add3A_26 : vector<10000xf32>
    %swap3A = arith.constant 0 : index
    %swap3A_42 = arith.constant 0 : index
    %swap3A_43 = vector.load %arg2[%swap3A, %swap3A_42] : memref<3x10000xf32, #tpu.memory_space<vmem>>, vector<1x10000xf32>
    %swap3A_44 = vector.shape_cast %swap3A_43 : vector<1x10000xf32> to vector<10000xf32>
    %swap3A_45 = vector.shape_cast %sub3A : vector<10000xf32> to vector<1x10000xf32>
    tpu.vector_store %arg2[%swap3A, %swap3A_42], %swap3A_45 {strides = array<i32>} : memref<3x10000xf32, #tpu.memory_space<vmem>>, vector<1x10000xf32>,
    %sub3A_46 = arith.subf %add3A, %add3A_41 : vector<10000xf32>
    %swap3A_47 = arith.constant 1 : index
    %swap3A_48 = arith.constant 0 : index
    %swap3A_49 = vector.load %arg2[%swap3A_47, %swap3A_48] : memref<3x10000xf32, #tpu.memory_space<vmem>>, vector<1x10000xf32>
    %swap3A_50 = vector.shape_cast %swap3A_49 : vector<1x10000xf32> to vector<10000xf32>
    %swap3A_51 = vector.shape_cast %sub3A_46 : vector<10000xf32> to vector<1x10000xf32>
    tpu.vector_store %arg2[%swap3A_47, %swap3A_48], %swap3A_51 {strides = array<i32>} : memref<3x10000xf32, #tpu.memory_space<vmem>>, vector<1x10000xf32>,
    %sub3A_52 = arith.subf %add3A_26, %add3A : vector<10000xf32>
    %swap3A_53 = arith.constant 2 : index
    %swap3A_54 = arith.constant 0 : index
    %swap3A_55 = vector.load %arg2[%swap3A_53, %swap3A_54] : memref<3x10000xf32, #tpu.memory_space<vmem>>, vector<1x10000xf32>
    %swap3A_56 = vector.shape_cast %swap3A_55 : vector<1x10000xf32> to vector<10000xf32>
    %swap3A_57 = vector.shape_cast %sub3A_52 : vector<10000xf32> to vector<1x10000xf32>
    tpu.vector_store %arg2[%swap3A_53, %swap3A_54], %swap3A_57 {strides = array<i32>} : memref<3x10000xf32, #tpu.memory_space<vmem>>, vector<1x10000xf32>,
    return
  }
}

</mosaic_0001>

<sc_bundles>
// kernel: kernel.10.cloned.1.call-start
scs
__scs_entry_jumppad:
0x0: {  	(pc) =	sbr.rel $0x88, $3  }
0x1: {  	(tag) =	ssettag $0x0;
	lr =	simm.s32 $0x1  }
0x2: {  	[smem:$0x3F99] =	sst lr;
	_ =	strace $0xD0000000  }
0x3: {  	_ = 	snop  }
0x4: {  	_ = 	snop  }
0x5: {  	_ = 	snop  }
0x6: {  	_ = 	snop  }
0x7: {  	_ = 	snop  }
__scs_overlays_trampoline_lowered:
0x8: {  	[smem:$0x3FA8] =	sst s0  }
0x9: {  	[smem:$0x3FA9] =	sst s1  }
0xa: {  	[smem:$0x3FAA] =	sst s2  }
0xb: {  	[smem:$0x3FAB] =	sst s3  }
0xc: {  	[smem:$0x3FAC] =	sst s4  }
0xd: {  	[smem:$0x3FAD] =	sst s5  }
0xe: {  	[smem:$0x3FAE] =	sst s6  }
0xf: {  	[smem:$0x3FAF] =	sst s7  }
0x10: {  	[smem:$0x3FB0] =	sst s8  }
0x11: {  	[smem:$0x3FB1] =	sst s9;
	s0 =	simm.s32 @!p0 $0x0  }
0x12: {  	s1 =	sld [smem:$0x3F97];
	s0 =	simm.s32 @p0 $0x1  }
0x13: {  	[smem:$0x3FB2] =	sst s0;
	s0 =	simm.s32 @!p1 $0x0  }
0x14: {  	s2 =	sld [smem:$0x3F96];
	s0 =	simm.s32 @p1 $0x1  }
0x15: {  	[smem:$0x3FB3] =	sst s0;
	s0 =	simm.s32 @!p2 $0x0  }
0x16: {  	s3 =	sld [smem:$0x3FDB];
	s0 =	simm.s32 @p2 $0x1  }
0x17: {  	s4 =	simm.s32 $0x1BF5;
	[smem:$0x3FB5] =	sst s0  }
0x18: {  	s0 =	sld [smem:$0x3F98];
	_ =	swait.ge [sflag:s4], $0x0  }
0x19: {  	s7 =	sld [smem:$0x3F99]  }
0x1a: {  	s8 =	sadd.s32 $0xFFFFE003, lr  }
0x1b: {  	s9 =	sadd.s32 $0xFFFFFEF7, lr;
	s5 =	simm.s32 $0xFFFFFFFF;
	p2 =	slt.u32 s8, $0xFFFFF086  }
0x1c: {  	p1 =	slt.u32 s9, $0xF7A;
	s5 =	simm.s32 @!p2 $0x0  }
0x1d: {  	s5 =	simm.s32 @p1 $0x1;
	p0 =	seq.s32 s7, s2  }
0x1e: {  	s7 =	smul.u32 @!p0 $0xF7A, s2;
	p2 =	seq.s32 @!p0 s5, $0x0  }
0x1f: {  	s9 =	smul.u32 $0xF7A, s1;
	s8 =	simm.s32 @!p0 $0x1BF5;
	p2 =	por !p2, p0  }
0x20: {  	[sflag:s8] =	ssyncset.s32 @!p0 $0xFFFFF086;
	s6 =	sadd.s32 @!p0 s3, s7;
	s7 =	simm.s32 @!p0 $0x108  }
0x21: {  	s3 =	sadd.s32 s3, s9;
	s6 =	sadd.s32 @!p0 $0x88, s6;
	s7 =	simm.s32 @p2 $0x1082  }
0x22: {  	[simem:s7], [sflag:s8] =	dma.local @!p0 [hbm:s6], $0xF7A  }
0x23: {  	s9 =	sor.u32 $0xD0000000, s2;
	s6 =	simm.s32 $0x108;
	_ =	swait.ge @!p0 [sflag:s8], $0x0  }
0x24: {  	s3 =	sadd.s32 $0x88, s3;
	s6 =	simm.s32 @!p1 $0x1082;
	[sflag:s4] =	ssyncset.s32 $0xFFFFF086  }
0x25: {  	[simem:s6], [sflag:s4] =	dma.local [hbm:s3], $0xF7A  }
0x26: {  	[smem:$0x3F99] =	sst s1;
	(tag) =	ssettag s2;
	_ =	strace s9  }
0x27: {  	s1 =	sld [smem:$0x3FA9]  }
0x28: {  	s2 =	sld [smem:$0x3FAA]  }
0x29: {  	s4 =	sld [smem:$0x3FAC]  }
0x2a: {  	p0 =	seq.s32 s5, $0x0;
	s5 =	sld [smem:$0x3FAD]  }
0x2b: {  	s6 =	sld [smem:$0x3FAE]  }
0x2c: {  	s7 =	sld [smem:$0x3FAF]  }
0x2d: {  	s3 =	simm.s32 $0x108;
	s8 =	sld [smem:$0x3FB0]  }
0x2e: {  	s3 =	simm.s32 @!p0 $0x1082;
	s9 =	sld [smem:$0x3FB1]  }
0x2f: {  	lr =	sadd.s32 s0, s3;
	s0 =	sld [smem:$0x3FA8]  }
0x30: {  	s3 =	sld [smem:$0x3FAB]  }
0x31: {  	[smem:$0x3FB4] =	sst s10  }
0x32: {  	s10 =	sld [smem:$0x3FB2];
	_ =	sdelay $0x3  }
0x33: {  	p0 =	seq.s32 s10, $0x1;
	s10 =	sld [smem:$0x3FB4];
	_ =	sdelay $0x3  }
0x34: {  	[smem:$0x3FB4] =	sst s10  }
0x35: {  	s10 =	sld [smem:$0x3FB3];
	_ =	sdelay $0x3  }
0x36: {  	p1 =	seq.s32 s10, $0x1;
	s10 =	sld [smem:$0x3FB4];
	_ =	sdelay $0x3  }
0x37: {  	[smem:$0x3FB4] =	sst s10  }
0x38: {  	s10 =	sld [smem:$0x3FB5]  }
0x39: {  	_ = 	snop;
	(pc) =	sbr.ind lr, $3  }
0x3a: {  	_ = 	snop  }
0x3b: {  	_ = 	snop  }
0x3c: {  	p2 =	seq.s32 s10, $0x1;
	s10 =	sld [smem:$0x3FB4]  }
0x3d: {  	_ =	shalt  }
0x3e: {  	_ =	shalt  }
0x3f: {  	_ =	shalt  }
0x40: {  	_ =	shalt  }
0x41: {  	_ =	shalt  }
0x42: {  	_ =	shalt  }
0x43: {  	_ =	shalt  }
0x44: {  	_ =	shalt  }
0x45: {  	_ =	shalt  }
0x46: {  	_ =	shalt  }
0x47: {  	_ =	shalt  }
0x48: {  	_ =	shalt  }
0x49: {  	_ =	shalt  }
0x4a: {  	_ =	shalt  }
0x4b: {  	_ =	shalt  }
0x4c: {  	_ =	shalt  }
0x4d: {  	_ =	shalt  }
0x4e: {  	_ =	shalt  }
0x4f: {  	_ =	shalt  }
0x50: {  	_ =	shalt  }
0x51: {  	_ =	shalt  }
0x52: {  	_ =	shalt  }
0x53: {  	_ =	shalt  }
0x54: {  	_ =	shalt  }
0x55: {  	_ =	shalt  }
0x56: {  	_ =	shalt  }
0x57: {  	_ =	shalt  }
0x58: {  	_ =	shalt  }
0x59: {  	_ =	shalt  }
0x5a: {  	_ =	shalt  }
0x5b: {  	_ =	shalt  }
0x5c: {  	_ =	shalt  }
0x5d: {  	_ =	shalt  }
0x5e: {  	_ =	shalt  }
0x5f: {  	_ =	shalt  }
0x60: {  	_ =	shalt  }
0x61: {  	_ =	shalt  }
0x62: {  	_ =	shalt  }
0x63: {  	_ =	shalt  }
0x64: {  	_ =	shalt  }
0x65: {  	_ =	shalt  }
0x66: {  	_ =	shalt  }
0x67: {  	_ =	shalt  }
0x68: {  	_ =	shalt  }
0x69: {  	_ =	shalt  }
0x6a: {  	_ =	shalt  }
0x6b: {  	_ =	shalt  }
0x6c: {  	_ =	shalt  }
0x6d: {  	_ =	shalt  }
0x6e: {  	_ =	shalt  }
0x6f: {  	_ =	shalt  }
0x70: {  	_ =	shalt  }
0x71: {  	_ =	shalt  }
0x72: {  	_ =	shalt  }
0x73: {  	_ =	shalt  }
0x74: {  	_ =	shalt  }
0x75: {  	_ =	shalt  }
0x76: {  	_ =	shalt  }
0x77: {  	_ =	shalt  }
0x78: {  	_ =	shalt  }
0x79: {  	_ =	shalt  }
0x7a: {  	_ =	shalt  }
0x7b: {  	_ =	shalt  }
0x7c: {  	_ =	shalt  }
0x7d: {  	_ =	shalt  }
0x7e: {  	_ =	shalt  }
0x7f: {  	_ =	shalt  }
0x80: {  	_ =	shalt  }
0x81: {  	_ =	shalt  }
0x82: {  	_ =	shalt  }
0x83: {  	_ =	shalt  }
0x84: {  	_ =	shalt  }
0x85: {  	_ =	shalt  }
0x86: {  	_ =	shalt  }
0x87: {  	_ =	shalt  }
.Lfunc_end0:
.L_simem_size_0:
called_computation_lowered:
.L_overlay_start_0:
0x88: {  	s2 =	sld [smem:$0x3FD9]  }
0x89: {  	s3 =	sld [smem:$0x3FFE];
	_ =	sdelay $0x1  }
0x8a: {  	s1 =	srdreg.scid  }
0x8b: {  	s0 =	sand.u32 $0x1, s1  }
0x8c: {  	s17 =	sshll.u32 s0, $0xA;
	s2 =	sadd.s32 s3, s2  }
0x8d: {  	s2 =	sadd.s32 s2, s17  }
0x8e: {  	[smem:$0x3FC0] =	sst s2  }
0x8f: {  	_ = 	snop  }
0x90: {  	s2 =	sld [smem:$0x3FC7];
	(tm) =	ssettm $0x1  }
0x91: {  	s18 =	sld [smem:$0x3FFB];
	_ =	sdelay $0x3  }
0x92: {  	_ =	strace s18  }
0x93: {  	s3 =	sld [smem:$0x3FFC];
	_ =	sdelay $0x3  }
0x94: {  	_ =	strace s3  }
0x95: {  	s3 =	sld [smem:$0x3FFD];
	_ =	sdelay $0x3  }
0x96: {  	_ =	strace s3  }
0x97: {  	_ =	strace $0x8FFFFFFF  }
0x98: {  	s19 =	sld [smem:$0x3FDB];
	_ =	sdelay $0x1  }
0x99: {  	s4 =	simm.s32 $_scs_section_size  }
0x9a: {  	s5 =	simm.s32 $_size__tile_overlayer_lowered;
	s6 =	simm.s32 $_tile_overlayer_lowered  }
0x9b: {  	s22 =	simm.s32 $0x1BFF;
	s21 =	sshll.u32 s6, $0x1;
	s3 =	sadd.s32 s4, s19  }
0x9c: {  	s7 =	simm.s32 $0x0;
	s20 =	sshll.u32 s5, $0x1;
	s5 =	sadd.s32 s21, s3  }
0x9d: {  	[timem:s7], [sflag:s22] =	dma.local [hbm:s5], s20  }
0x9e: {  	_ =	swait.ge [sflag:s22], s20  }
0x9f: {  	s4 =	ssub.s32 $0x0, s20;
	[sflag:s22] =	ssyncset.done $0x0  }
0xa0: {  	[sflag:s22] =	ssyncadd.s32 s4;
	_ =	sdelay $0x1  }
0xa1: {  	s23 =	simm.s32 $0x1B8B  }
0xa2: {  	_ =	swait.ge [sflag:s23], $0x1  }
0xa3: {  	[sflag:s23] =	ssyncset.done $0x0  }
0xa4: {  	s25 =	simm.s32 $0x1B8E;
	s24 =	sld [smem:$0x3FFE];
	[sflag:s23] =	ssyncadd.s32 $0xFFFFFFFF  }
0xa5: {  	s26 =	simm.s32 $execute0_lowered;
	[smem:$0x3FD2] =	sst s25  }
0xa6: {  	s5 =	sshll.u32 s26, $0x1;
	_ =	strace $0x80000046;
	[dreg:$0x1] =	wrdreg $0xFFFFFFFF  }
0xa7: {  	s28 =	simm.s32 $_size_execute0_lowered;
	s3 =	sadd.s32 s3, s5;
	[dreg:$0x0] =	wrdreg $0x0  }
0xa8: {  	s5 =	sshll.u32 s28, $0x1;
	[dreg:$0x2] =	wrdreg s3  }
0xa9: {  	[dreg:$0x3] =	wrdreg s5  }
0xaa: {  	[dreg:$0x4] =	wrdreg $0xC0  }
0xab: {  	_ =	task [dreg:s7], $0x5FFFF  }
0xac: {  	[dreg:$0x1] =	wrdreg $0xFFFFFFFF  }
0xad: {  	[dreg:$0x0] =	wrdreg $0x60  }
0xae: {  	[dreg:$0x2] =	wrdreg s24  }
0xaf: {  	[dreg:$0x3] =	wrdreg s2  }
0xb0: {  	[dreg:$0x4] =	wrdreg $0xA  }
0xb1: {  	_ =	task.clear_ibuf [dreg:s7], $0x5FFFF;
	_ =	strace $0x90000046  }
0xb2: {  	s29 =	simm.s32 $0xA;
	_ =	strace $0x80000048  }
0xb3: {  	_ =	swait.ge [sflag:s29], $0x1  }
0xb4: {  	[sflag:s29] =	ssyncadd.s32 $0xFFFFFFFF  }
0xb5: {  	_ =	strace $0x90000048  }
0xb6: {  	_ =	sfence  }
0xb7: {  	s30 =	sld [smem:$0x0];
	_ =	sdelay $0x2  }
0xb8: {  	s31 =	sshll.u32 s1, $0xD;
	s1 =	sshrl.u32 s1, $0x2  }
0xb9: {  	s3 =	sand.u32 $0x4000, s31;
	s1 =	sadd.s32 s1, s30  }
0xba: {  	s0 =	sor.u32 s3, s0;
	s1 =	sshll.u32 s1, $0x11  }
0xbb: {  	s0 =	sor.u32 s1, s0  }
0xbc: {  	s0 =	sadd.s32 $0x8F2B, s0  }
0xbd: {  	[sflag:s0] =	ssyncadd.remote.s32 $0x1  }
0xbe: {  	_ =	sfence.sel $0xFFFF  }
0xbf: {  	[dreg:$0x0] =	wrdreg $0xFFFFFFFF;
	(pc) =	sbr.abs _section_cstart, $3  }
0xc0: {  	[dreg:$0x1] =	wrdreg $0xFFFFFFFF  }
0xc1: {  	_ =	task.clear_ibuf [dreg:s7], $0x2FFFF;
	_ =	strace $0x9FFFFFFF  }
0xc2: {  	(tm) =	ssettm $0x7FFFFFFF  }
0xc3: {  	_ =	shalt  }
tec
execute0_lowered:
.L_overlay_start_1:
0x0: {  	(tag) =	ssettag $0x1  }
0x1: {  	s8 =	rddreg [dreg:$0x0]  }
0x2: {  	s1 =	rddreg [dreg:$0x1]  }
0x3: {  	s0 =	rddreg [dreg:$0x2]  }
0x4: {  	s2 =	simm.s32 $0x0;
	s3 =	srdreg.scid;
	s4 =	stileid.u32  }
0x5: {  	s11 =	simm.s32 $0x1;
	s12 =	simm.s32 $0x7580;
	s13 =	simm.s32 $0x8980  }
0x6: {  	s14 =	simm.s32 $0x9380;
	s15 =	simm.s32 $0x9D80;
	s3 =	sand.u32 $0x1, s3  }
0x7: {  	s16 =	simm.s32 $0x0;
	[smem:$0x7FF] =	sst s2;
	s9 =	ssub.s32 $0x2, s3  }
0x8: {  	s5 =	sadd.s32 $0x4000, s8;
	s6 =	sadd.s32 $0x5000, s8;
	s10 =	sshrl.u32 s9, $0x1  }
0x9: {  	s7 =	sadd.s32 $0xEE00, s8;
	s8 =	sadd.s32 $0x18C00, s8;
	s10 =	ssub.s32 s9, s10  }
0xa: {  	_ =	strace $0x80000047;
	s9 =	sshll.u32 s4, $0x1;
	s10 =	smax.u32 s10, $0x1  }
.LBB2_1:
0xb: {  	[tilespmem:s2], [sflag:$0x1] =	stream.linear.gather [hbm4b:s5+s2], $0x7580, $0x38;
	[tilespmem:$0xA780] =	vst v63  }
0xc: {  	_ =	swait.ge [sflag:s11], $0x7580  }
0xd: {  	[sflag:s11] =	ssyncset.done $0x0  }
0xe: {  	p1 =	por $0x1, $0x1;
	s17 =	simm.s32 $0x0;
	[sflag:s11] =	ssyncadd.s32 $0xFFFF8A80  }
.LBB2_2:
0xf: {  	s17 =	sor.u32 s17, s9  }
0x10: {  	s17 =	sor.u32 s3, s17  }
0x11: {  	s18 =	smul.u32 $0x280, s17;
	_ =	sdelay $0x1  }
0x12: {  	s19 =	sadd.s32 s1, s18;
	s18 =	simm.s32 $0x0  }
0x13: {  	[tilespmem:s12], [sflag:$0x1] =	stream.linear.gather [hbm4b:s19+s18], $0x1400, $0x38;
	[tilespmem:$0xA780] =	vst v63  }
0x14: {  	p0 =	por p1, p1;
	_ =	swait.ge [sflag:s11], $0x1400  }
0x15: {  	s20 =	simm.s32 $0x89A0;
	s21 =	simm.s32 $0x93A0;
	[sflag:s11] =	ssyncset.done $0x0  }
0x16: {  	s22 =	simm.s32 $0x0;
	s19 =	simm.s32 $0x9DA0;
	[sflag:s11] =	ssyncadd.s32 $0xFFFFEC00  }
.LBB2_3:
0x17: {  	s23 =	sand.u32 $0x70, s18;
	s24 =	sand.u32 $0x1F00, s22  }
0x18: {  	s23 =	sor.u32 s23, s24  }
0x19: {  	v0 =	vld [tilespmem:s23+$0x7580]  }
0x1a: {  	v1 =	vld [tilespmem:s23+$0x7600];
	_ =	sdelay $0x3  }
0x1b: {  	v0 =	vmul.u32 $0x3, v0  }
0x1c: {  	v1 =	vmul.u32 $0x3, v1;
	_ =	sdelay $0x4  }
0x1d: {  	v2 =	vld.idx.msk [tilespmem:v0+s2+$0x0], $0xffff  }
0x1e: {  	v3 =	vld.idx.msk [tilespmem:v1+s2+$0x0], $0xffff;
	_ =	sdelay $0x2  }
0x1f: {  	v4 =	vadd.s32 $0x1, v0  }
0x20: {  	v5 =	vadd.s32 $0x1, v1  }
0x21: {  	v2 =	vsub.f32 v2, v3;
	_ =	sdelay $0x1  }
0x22: {  	[tilespmem:s20+$0xFFFFFFE0] =	vst v2  }
0x23: {  	v2 =	vld.idx.msk [tilespmem:v4+s2+$0x0], $0xffff  }
0x24: {  	v43 =	vld.idx.msk [tilespmem:v5+s2+$0x0], $0xffff;
	_ =	sdelay $0x2  }
0x25: {  	v0 =	vadd.s32 $0x2, v0  }
0x26: {  	v1 =	vadd.s32 $0x2, v1  }
0x27: {  	v2 =	vsub.f32 v2, v43;
	_ =	sdelay $0x1  }
0x28: {  	[tilespmem:s21+$0xFFFFFFE0] =	vst v2  }
0x29: {  	v0 =	vld.idx.msk [tilespmem:v0+s2+$0x0], $0xffff  }
0x2a: {  	v1 =	vld.idx.msk [tilespmem:v1+s2+$0x0], $0xffff;
	_ =	sdelay $0x4  }
0x2b: {  	s30 =	sadd.s32 $0x10, s18;
	s31 =	sadd.s32 $0x20, s22;
	v0 =	vsub.f32 v0, v1  }
0x2c: {  	s24 =	sand.u32 $0x3F00, s31;
	s23 =	sand.u32 $0x70, s30  }
0x2d: {  	s23 =	sor.u32 s23, s24;
	[tilespmem:s19+$0xFFFFFFE0] =	vst v0  }
0x2e: {  	v0 =	vld [tilespmem:s23+$0x7580]  }
0x2f: {  	v44 =	vld [tilespmem:s23+$0x7600];
	_ =	sdelay $0x3  }
0x30: {  	v0 =	vmul.u32 $0x3, v0  }
0x31: {  	v1 =	vmul.u32 $0x3, v44;
	_ =	sdelay $0x4  }
0x32: {  	v2 =	vld.idx.msk [tilespmem:v0+s2+$0x0], $0xffff  }
0x33: {  	v45 =	vld.idx.msk [tilespmem:v1+s2+$0x0], $0xffff;
	_ =	sdelay $0x2  }
0x34: {  	v46 =	vadd.s32 $0x1, v0  }
0x35: {  	v47 =	vadd.s32 $0x1, v1  }
0x36: {  	v2 =	vsub.f32 v2, v45;
	_ =	sdelay $0x1  }
0x37: {  	[tilespmem:s20+$0xFFFFFFF0] =	vst v2  }
0x38: {  	v2 =	vld.idx.msk [tilespmem:v46+s2+$0x0], $0xffff  }
0x39: {  	v48 =	vld.idx.msk [tilespmem:v47+s2+$0x0], $0xffff;
	_ =	sdelay $0x2  }
0x3a: {  	v0 =	vadd.s32 $0x2, v0  }
0x3b: {  	v1 =	vadd.s32 $0x2, v1  }
0x3c: {  	v2 =	vsub.f32 v2, v48;
	_ =	sdelay $0x1  }
0x3d: {  	[tilespmem:s21+$0xFFFFFFF0] =	vst v2  }
0x3e: {  	v0 =	vld.idx.msk [tilespmem:v0+s2+$0x0], $0xffff  }
0x3f: {  	v1 =	vld.idx.msk [tilespmem:v1+s2+$0x0], $0xffff;
	_ =	sdelay $0x4  }
0x40: {  	s25 =	sadd.s32 $0x20, s18;
	s26 =	sadd.s32 $0x40, s22;
	v0 =	vsub.f32 v0, v1  }
0x41: {  	s24 =	sand.u32 $0x3F00, s26;
	s23 =	sand.u32 $0x70, s25  }
0x42: {  	s23 =	sor.u32 s23, s24;
	[tilespmem:s19+$0xFFFFFFF0] =	vst v0  }
0x43: {  	v0 =	vld [tilespmem:s23+$0x7580]  }
0x44: {  	v49 =	vld [tilespmem:s23+$0x7600];
	_ =	sdelay $0x3  }
0x45: {  	v0 =	vmul.u32 $0x3, v0  }
0x46: {  	v1 =	vmul.u32 $0x3, v49;
	_ =	sdelay $0x4  }
0x47: {  	v2 =	vld.idx.msk [tilespmem:v0+s2+$0x0], $0xffff  }
0x48: {  	v50 =	vld.idx.msk [tilespmem:v1+s2+$0x0], $0xffff;
	_ =	sdelay $0x2  }
0x49: {  	v51 =	vadd.s32 $0x1, v0  }
0x4a: {  	v52 =	vadd.s32 $0x1, v1  }
0x4b: {  	v2 =	vsub.f32 v2, v50;
	_ =	sdelay $0x1  }
0x4c: {  	[tilespmem:s20+$0x0] =	vst v2  }
0x4d: {  	v2 =	vld.idx.msk [tilespmem:v51+s2+$0x0], $0xffff  }
0x4e: {  	v53 =	vld.idx.msk [tilespmem:v52+s2+$0x0], $0xffff;
	_ =	sdelay $0x2  }
0x4f: {  	v0 =	vadd.s32 $0x2, v0  }
0x50: {  	v1 =	vadd.s32 $0x2, v1  }
0x51: {  	v2 =	vsub.f32 v2, v53;
	_ =	sdelay $0x1  }
0x52: {  	[tilespmem:s21+$0x0] =	vst v2  }
0x53: {  	v0 =	vld.idx.msk [tilespmem:v0+s2+$0x0], $0xffff  }
0x54: {  	v1 =	vld.idx.msk [tilespmem:v1+s2+$0x0], $0xffff;
	_ =	sdelay $0x4  }
0x55: {  	s28 =	sadd.s32 $0x30, s18;
	s29 =	sadd.s32 $0x60, s22;
	v0 =	vsub.f32 v0, v1  }
0x56: {  	s24 =	sand.u32 $0x3F00, s29;
	s23 =	sand.u32 $0x70, s28  }
0x57: {  	s23 =	sor.u32 s23, s24;
	[tilespmem:s19+$0x0] =	vst v0  }
0x58: {  	v0 =	vld [tilespmem:s23+$0x7580]  }
0x59: {  	v54 =	vld [tilespmem:s23+$0x7600];
	_ =	sdelay $0x3  }
0x5a: {  	v0 =	vmul.u32 $0x3, v0  }
0x5b: {  	v1 =	vmul.u32 $0x3, v54;
	_ =	sdelay $0x4  }
0x5c: {  	v2 =	vld.idx.msk [tilespmem:v0+s2+$0x0], $0xffff  }
0x5d: {  	v55 =	vld.idx.msk [tilespmem:v1+s2+$0x0], $0xffff;
	_ =	sdelay $0x2  }
0x5e: {  	v56 =	vadd.s32 $0x1, v0  }
0x5f: {  	v57 =	vadd.s32 $0x1, v1  }
0x60: {  	v2 =	vsub.f32 v2, v55;
	_ =	sdelay $0x1  }
0x61: {  	[tilespmem:s20+$0x10] =	vst v2  }
0x62: {  	v2 =	vld.idx.msk [tilespmem:v56+s2+$0x0], $0xffff  }
0x63: {  	v58 =	vld.idx.msk [tilespmem:v57+s2+$0x0], $0xffff;
	_ =	sdelay $0x2  }
0x64: {  	v0 =	vadd.s32 $0x2, v0  }
0x65: {  	v1 =	vadd.s32 $0x2, v1  }
0x66: {  	v2 =	vsub.f32 v2, v58;
	_ =	sdelay $0x1  }
0x67: {  	[tilespmem:s21+$0x10] =	vst v2  }
0x68: {  	v0 =	vld.idx.msk [tilespmem:v0+s2+$0x0], $0xffff  }
0x69: {  	v1 =	vld.idx.msk [tilespmem:v1+s2+$0x0], $0xffff;
	_ =	sdelay $0x4  }
0x6a: {  	s31 =	sadd.s32 $0x80, s22;
	s30 =	sadd.s32 $0x40, s18;
	v0 =	vsub.f32 v0, v1  }
0x6b: {  	s24 =	sand.u32 $0x3F00, s31;
	s23 =	sand.u32 $0x70, s30  }
0x6c: {  	s23 =	sor.u32 s23, s24;
	[tilespmem:s19+$0x10] =	vst v0  }
0x6d: {  	v0 =	vld [tilespmem:s23+$0x7580]  }
0x6e: {  	v59 =	vld [tilespmem:s23+$0x7600];
	_ =	sdelay $0x3  }
0x6f: {  	v0 =	vmul.u32 $0x3, v0  }
0x70: {  	v1 =	vmul.u32 $0x3, v59;
	_ =	sdelay $0x4  }
0x71: {  	v2 =	vld.idx.msk [tilespmem:v0+s2+$0x0], $0xffff  }
0x72: {  	v60 =	vld.idx.msk [tilespmem:v1+s2+$0x0], $0xffff;
	_ =	sdelay $0x2  }
0x73: {  	v61 =	vadd.s32 $0x1, v0  }
0x74: {  	v62 =	vadd.s32 $0x1, v1  }
0x75: {  	v2 =	vsub.f32 v2, v60;
	_ =	sdelay $0x1  }
0x76: {  	[tilespmem:s20+$0x20] =	vst v2  }
0x77: {  	v2 =	vld.idx.msk [tilespmem:v61+s2+$0x0], $0xffff  }
0x78: {  	v63 =	vld.idx.msk [tilespmem:v62+s2+$0x0], $0xffff;
	_ =	sdelay $0x2  }
0x79: {  	v0 =	vadd.s32 $0x2, v0  }
0x7a: {  	v1 =	vadd.s32 $0x2, v1  }
0x7b: {  	v2 =	vsub.f32 v2, v63;
	_ =	sdelay $0x1  }
0x7c: {  	[tilespmem:s21+$0x20] =	vst v2  }
0x7d: {  	v0 =	vld.idx.msk [tilespmem:v0+s2+$0x0], $0xffff  }
0x7e: {  	v1 =	vld.idx.msk [tilespmem:v1+s2+$0x0], $0xffff;
	_ =	sdelay $0x1  }
0x7f: {  	p1 =	sne.s32 s22, $0x1360  }
.Ltmp0:
0x80: {  	_ = 	snop;
	(pc) =	sbr.rel @p1 .LBB2_3-.Ltmp0, $4  }
0x81: {  	_ = 	snop  }
0x82: {  	v0 =	vsub.f32 v0, v1  }
0x83: {  	s22 =	sadd.s32 $0xA0, s22;
	s18 =	sadd.s32 $0x50, s18  }
0x84: {  	s20 =	sadd.s32 $0x50, s20;
	s21 =	sadd.s32 $0x50, s21;
	[tilespmem:s19+$0x20] =	vst v0;
	s19 =	sadd.s32 $0x50, s19  }
0x85: {  	s17 =	smul.u32 $0x140, s17;
	_ =	sdelay $0x1  }
0x86: {  	s18 =	sadd.s32 s6, s17  }
0x87: {  	[hbm4b:s18+s2] =	stream.linear.scatter [tilespmem:s13], [sflag:$0x1], $0xA00, $0x38;
	[tilespmem:$0xA780] =	vst v63  }
0x88: {  	_ =	swait.ge [sflag:s11], $0xA00  }
0x89: {  	[sflag:s11] =	ssyncset.done $0x0  }
0x8a: {  	s31 =	sadd.s32 s7, s17;
	[sflag:s11] =	ssyncadd.s32 $0xFFFFF600  }
0x8b: {  	[hbm4b:s31+s2] =	stream.linear.scatter [tilespmem:s14], [sflag:$0x1], $0xA00, $0x38;
	[tilespmem:$0xA780] =	vst v63  }
0x8c: {  	_ =	swait.ge [sflag:s11], $0xA00  }
0x8d: {  	[sflag:s11] =	ssyncset.done $0x0  }
.Ltmp1:
0x8e: {  	s17 =	sadd.s32 s8, s17;
	[sflag:s11] =	ssyncadd.s32 $0xFFFFF600;
	(pc) =	sbr.rel @p0 .LBB2_2-.Ltmp1, $4  }
0x8f: {  	[hbm4b:s17+s2] =	stream.linear.scatter [tilespmem:s15], [sflag:$0x1], $0xA00, $0x38;
	[tilespmem:$0xA780] =	vst v63  }
0x90: {  	_ =	swait.ge [sflag:s11], $0xA00  }
0x91: {  	[sflag:s11] =	ssyncset.done $0x0  }
0x92: {  	p1 =	por $0x0, $0x0;
	s17 =	simm.s32 $0x20;
	[sflag:s11] =	ssyncadd.s32 $0xFFFFF600  }
0x93: {  	s16 =	sadd.s32 $0x1, s16  }
0x94: {  	p0 =	sne.s32 s16, s10  }
.Ltmp2:
0x95: {  	_ = 	snop;
	(pc) =	sbr.rel @p0 .LBB2_1-.Ltmp2, $1  }
0x96: {  	_ =	sdelay $0x3  }
0x97: {  	_ =	sfence.sel $0x180000  }
0x98: {  	[bflag:$0x0] =	sbarrier.arrive $0xFFFF  }
0x99: {  	p0 =	sne.s32 s4, $0x0;
	_ =	strace $0x90000047  }
0x9a: {  	s0 =	sadd.s32 @!p0 $0x100000, s0;
	[bflag:$0x2] =	sbarrier.arrive $0xFFFF  }
0x9b: {  	[sflag:s0] =	ssyncadd.tile.s32 @!p0 $0x1;
	_ =	shalt  }
.Lfunc_end2:
_tile_overlayer_lowered:
.L_overlay_start_2:
0x9c: {  	(tag) =	ssettag $0x2  }
0x9d: {  	s0 =	rddreg [dreg:$0x0];
	s2 =	stileid.u32  }
0x9e: {  	s1 =	rddreg [dreg:$0x1];
	p0 =	sne.s32 s2, $0x0  }
0x9f: {  	s3 =	rddreg [dreg:$0x2];
	[bflag:$0x3] =	sbarrier.arrive $0xFFFF;
	s2 =	simm.s32 @!p0 $0x1C01  }
0xa0: {  	[timem:s3], [sflag:s2] =	dma.local @!p0 [hbm:s0], s1  }
0xa1: {  	s0 =	simm.s32 @!p0 $0x1  }
0xa2: {  	_ =	swait.ge @!p0 [sflag:s0], s1  }
0xa3: {  	s1 =	ssub.s32 @!p0 $0x0, s1;
	[sflag:s0] =	ssyncset.done @!p0 $0x0  }
0xa4: {  	[sflag:s0] =	ssyncadd.s32 @!p0 s1  }
0xa5: {  	[bflag:$0x3] =	sbarrier.arrive $0xFFFF  }
0xa6: {  	_ =	shalt  }

// kernel: kernel.13.cloned.1.call-start
scs
__scs_entry_jumppad:
0x0: {  	(pc) =	sbr.rel $0x88, $3  }
0x1: {  	(tag) =	ssettag $0x0;
	lr =	simm.s32 $0x1  }
0x2: {  	[smem:$0x3F99] =	sst lr;
	_ =	strace $0xD0000000  }
0x3: {  	_ = 	snop  }
0x4: {  	_ = 	snop  }
0x5: {  	_ = 	snop  }
0x6: {  	_ = 	snop  }
0x7: {  	_ = 	snop  }
__scs_overlays_trampoline_lowered:
0x8: {  	[smem:$0x3FA8] =	sst s0  }
0x9: {  	[smem:$0x3FA9] =	sst s1  }
0xa: {  	[smem:$0x3FAA] =	sst s2  }
0xb: {  	[smem:$0x3FAB] =	sst s3  }
0xc: {  	[smem:$0x3FAC] =	sst s4  }
0xd: {  	[smem:$0x3FAD] =	sst s5  }
0xe: {  	[smem:$0x3FAE] =	sst s6  }
0xf: {  	[smem:$0x3FAF] =	sst s7  }
0x10: {  	[smem:$0x3FB0] =	sst s8  }
0x11: {  	[smem:$0x3FB1] =	sst s9;
	s0 =	simm.s32 @!p0 $0x0  }
0x12: {  	s1 =	sld [smem:$0x3F97];
	s0 =	simm.s32 @p0 $0x1  }
0x13: {  	[smem:$0x3FB2] =	sst s0;
	s0 =	simm.s32 @!p1 $0x0  }
0x14: {  	s2 =	sld [smem:$0x3F96];
	s0 =	simm.s32 @p1 $0x1  }
0x15: {  	[smem:$0x3FB3] =	sst s0;
	s0 =	simm.s32 @!p2 $0x0  }
0x16: {  	s3 =	sld [smem:$0x3FDB];
	s0 =	simm.s32 @p2 $0x1  }
0x17: {  	s4 =	simm.s32 $0x1BF5;
	[smem:$0x3FB5] =	sst s0  }
0x18: {  	s0 =	sld [smem:$0x3F98];
	_ =	swait.ge [sflag:s4], $0x0  }
0x19: {  	s7 =	sld [smem:$0x3F99]  }
0x1a: {  	s8 =	sadd.s32 $0xFFFFE003, lr  }
0x1b: {  	s9 =	sadd.s32 $0xFFFFFEF7, lr;
	s5 =	simm.s32 $0xFFFFFFFF;
	p2 =	slt.u32 s8, $0xFFFFF086  }
0x1c: {  	p1 =	slt.u32 s9, $0xF7A;
	s5 =	simm.s32 @!p2 $0x0  }
0x1d: {  	s5 =	simm.s32 @p1 $0x1;
	p0 =	seq.s32 s7, s2  }
0x1e: {  	s7 =	smul.u32 @!p0 $0xF7A, s2;
	p2 =	seq.s32 @!p0 s5, $0x0  }
0x1f: {  	s9 =	smul.u32 $0xF7A, s1;
	s8 =	simm.s32 @!p0 $0x1BF5;
	p2 =	por !p2, p0  }
0x20: {  	[sflag:s8] =	ssyncset.s32 @!p0 $0xFFFFF086;
	s6 =	sadd.s32 @!p0 s3, s7;
	s7 =	simm.s32 @!p0 $0x108  }
0x21: {  	s3 =	sadd.s32 s3, s9;
	s6 =	sadd.s32 @!p0 $0x88, s6;
	s7 =	simm.s32 @p2 $0x1082  }
0x22: {  	[simem:s7], [sflag:s8] =	dma.local @!p0 [hbm:s6], $0xF7A  }
0x23: {  	s9 =	sor.u32 $0xD0000000, s2;
	s6 =	simm.s32 $0x108;
	_ =	swait.ge @!p0 [sflag:s8], $0x0  }
0x24: {  	s3 =	sadd.s32 $0x88, s3;
	s6 =	simm.s32 @!p1 $0x1082;
	[sflag:s4] =	ssyncset.s32 $0xFFFFF086  }
0x25: {  	[simem:s6], [sflag:s4] =	dma.local [hbm:s3], $0xF7A  }
0x26: {  	[smem:$0x3F99] =	sst s1;
	(tag) =	ssettag s2;
	_ =	strace s9  }
0x27: {  	s1 =	sld [smem:$0x3FA9]  }
0x28: {  	s2 =	sld [smem:$0x3FAA]  }
0x29: {  	s4 =	sld [smem:$0x3FAC]  }
0x2a: {  	p0 =	seq.s32 s5, $0x0;
	s5 =	sld [smem:$0x3FAD]  }
0x2b: {  	s6 =	sld [smem:$0x3FAE]  }
0x2c: {  	s7 =	sld [smem:$0x3FAF]  }
0x2d: {  	s3 =	simm.s32 $0x108;
	s8 =	sld [smem:$0x3FB0]  }
0x2e: {  	s3 =	simm.s32 @!p0 $0x1082;
	s9 =	sld [smem:$0x3FB1]  }
0x2f: {  	lr =	sadd.s32 s0, s3;
	s0 =	sld [smem:$0x3FA8]  }
0x30: {  	s3 =	sld [smem:$0x3FAB]  }
0x31: {  	[smem:$0x3FB4] =	sst s10  }
0x32: {  	s10 =	sld [smem:$0x3FB2];
	_ =	sdelay $0x3  }
0x33: {  	p0 =	seq.s32 s10, $0x1;
	s10 =	sld [smem:$0x3FB4];
	_ =	sdelay $0x3  }
0x34: {  	[smem:$0x3FB4] =	sst s10  }
0x35: {  	s10 =	sld [smem:$0x3FB3];
	_ =	sdelay $0x3  }
0x36: {  	p1 =	seq.s32 s10, $0x1;
	s10 =	sld [smem:$0x3FB4];
	_ =	sdelay $0x3  }
0x37: {  	[smem:$0x3FB4] =	sst s10  }
0x38: {  	s10 =	sld [smem:$0x3FB5]  }
0x39: {  	_ = 	snop;
	(pc) =	sbr.ind lr, $3  }
0x3a: {  	_ = 	snop  }
0x3b: {  	_ = 	snop  }
0x3c: {  	p2 =	seq.s32 s10, $0x1;
	s10 =	sld [smem:$0x3FB4]  }
0x3d: {  	_ =	shalt  }
0x3e: {  	_ =	shalt  }
0x3f: {  	_ =	shalt  }
0x40: {  	_ =	shalt  }
0x41: {  	_ =	shalt  }
0x42: {  	_ =	shalt  }
0x43: {  	_ =	shalt  }
0x44: {  	_ =	shalt  }
0x45: {  	_ =	shalt  }
0x46: {  	_ =	shalt  }
0x47: {  	_ =	shalt  }
0x48: {  	_ =	shalt  }
0x49: {  	_ =	shalt  }
0x4a: {  	_ =	shalt  }
0x4b: {  	_ =	shalt  }
0x4c: {  	_ =	shalt  }
0x4d: {  	_ =	shalt  }
0x4e: {  	_ =	shalt  }
0x4f: {  	_ =	shalt  }
0x50: {  	_ =	shalt  }
0x51: {  	_ =	shalt  }
0x52: {  	_ =	shalt  }
0x53: {  	_ =	shalt  }
0x54: {  	_ =	shalt  }
0x55: {  	_ =	shalt  }
0x56: {  	_ =	shalt  }
0x57: {  	_ =	shalt  }
0x58: {  	_ =	shalt  }
0x59: {  	_ =	shalt  }
0x5a: {  	_ =	shalt  }
0x5b: {  	_ =	shalt  }
0x5c: {  	_ =	shalt  }
0x5d: {  	_ =	shalt  }
0x5e: {  	_ =	shalt  }
0x5f: {  	_ =	shalt  }
0x60: {  	_ =	shalt  }
0x61: {  	_ =	shalt  }
0x62: {  	_ =	shalt  }
0x63: {  	_ =	shalt  }
0x64: {  	_ =	shalt  }
0x65: {  	_ =	shalt  }
0x66: {  	_ =	shalt  }
0x67: {  	_ =	shalt  }
0x68: {  	_ =	shalt  }
0x69: {  	_ =	shalt  }
0x6a: {  	_ =	shalt  }
0x6b: {  	_ =	shalt  }
0x6c: {  	_ =	shalt  }
0x6d: {  	_ =	shalt  }
0x6e: {  	_ =	shalt  }
0x6f: {  	_ =	shalt  }
0x70: {  	_ =	shalt  }
0x71: {  	_ =	shalt  }
0x72: {  	_ =	shalt  }
0x73: {  	_ =	shalt  }
0x74: {  	_ =	shalt  }
0x75: {  	_ =	shalt  }
0x76: {  	_ =	shalt  }
0x77: {  	_ =	shalt  }
0x78: {  	_ =	shalt  }
0x79: {  	_ =	shalt  }
0x7a: {  	_ =	shalt  }
0x7b: {  	_ =	shalt  }
0x7c: {  	_ =	shalt  }
0x7d: {  	_ =	shalt  }
0x7e: {  	_ =	shalt  }
0x7f: {  	_ =	shalt  }
0x80: {  	_ =	shalt  }
0x81: {  	_ =	shalt  }
0x82: {  	_ =	shalt  }
0x83: {  	_ =	shalt  }
0x84: {  	_ =	shalt  }
0x85: {  	_ =	shalt  }
0x86: {  	_ =	shalt  }
0x87: {  	_ =	shalt  }
.Lfunc_end0:
.L_simem_size_0:
called_computation.1_lowered:
.L_overlay_start_0:
0x88: {  	s2 =	sld [smem:$0x3FD9]  }
0x89: {  	s3 =	sld [smem:$0x3FFE];
	_ =	sdelay $0x1  }
0x8a: {  	s1 =	srdreg.scid  }
0x8b: {  	s0 =	sand.u32 $0x1, s1  }
0x8c: {  	s17 =	sshll.u32 s0, $0xA;
	s2 =	sadd.s32 s3, s2  }
0x8d: {  	s2 =	sadd.s32 s2, s17  }
0x8e: {  	[smem:$0x3FC0] =	sst s2  }
0x8f: {  	_ = 	snop  }
0x90: {  	s18 =	sld [smem:$0x3FC7];
	(tm) =	ssettm $0x1  }
0x91: {  	s19 =	sld [smem:$0x3FFB];
	_ =	sdelay $0x3  }
0x92: {  	_ =	strace s19  }
0x93: {  	s2 =	sld [smem:$0x3FFC];
	_ =	sdelay $0x3  }
0x94: {  	_ =	strace s2  }
0x95: {  	s2 =	sld [smem:$0x3FFD];
	_ =	sdelay $0x3  }
0x96: {  	_ =	strace s2  }
0x97: {  	_ =	strace $0x8FFFFFFF  }
0x98: {  	s20 =	sld [smem:$0x3FDB];
	_ =	sdelay $0x1  }
0x99: {  	s4 =	simm.s32 $_scs_section_size  }
0x9a: {  	s5 =	simm.s32 $_size__tile_overlayer_lowered;
	s6 =	simm.s32 $_tile_overlayer_lowered  }
0x9b: {  	s7 =	simm.s32 $0x1BFF;
	s21 =	sshll.u32 s6, $0x1;
	s4 =	sadd.s32 s4, s20  }
0x9c: {  	s22 =	simm.s32 $0x0;
	s5 =	sshll.u32 s5, $0x1;
	s6 =	sadd.s32 s21, s4  }
0x9d: {  	[timem:s22], [sflag:s7] =	dma.local [hbm:s6], s5  }
0x9e: {  	_ =	swait.ge [sflag:s7], s5  }
0x9f: {  	s5 =	ssub.s32 $0x0, s5;
	[sflag:s7] =	ssyncset.done $0x0  }
0xa0: {  	[sflag:s7] =	ssyncadd.s32 s5;
	_ =	sdelay $0x1  }
0xa1: {  	s23 =	simm.s32 $0x1B8B  }
0xa2: {  	_ =	swait.ge [sflag:s23], $0x1  }
0xa3: {  	[sflag:s23] =	ssyncset.done $0x0  }
0xa4: {  	[sflag:s23] =	ssyncadd.s32 $0xFFFFFFFF  }
0xa5: {  	s5 =	sld [smem:$0x0]  }
0xa6: {  	s6 =	sand.u32 $0xFFFFFFFE, s1  }
0xa7: {  	p0 =	sne.s32 s1, s6  }
0xa8: {  	s6 =	sshll.u32 @p0 s6, $0xE  }
0xa9: {  	s6 =	sadd.s32 @p0 $0x11B8D, s6;
	s7 =	sshll.u32 @p0 s5, $0x11  }
0xaa: {  	s6 =	sor.u32 @p0 s7, s6  }
0xab: {  	[sflag:s6] =	ssyncadd.remote.s32 @p0 $0x1;
	_ =	sdelay $0x1  }
0xac: {  	s6 =	simm.s32 @p0 $0x1B8D  }
0xad: {  	_ =	swait.eq @p0 [sflag:s6], $0x1  }
0xae: {  	[sflag:s6] =	ssyncadd.s32 @p0 $0xFFFFFFFF  }
0xaf: {  	s7 =	sshll.u32 @!p0 s1, $0xE  }
0xb0: {  	s7 =	sor.u32 @!p0 $0x4000, s7;
	s6 =	simm.s32 @!p0 $0x1B8D  }
0xb1: {  	s5 =	sshll.u32 @!p0 s5, $0x11;
	s7 =	sadd.s32 @!p0 $0x11B8D, s7;
	_ =	swait.eq @!p0 [sflag:s6], $0x1  }
0xb2: {  	s5 =	sor.u32 @!p0 s5, s7;
	[sflag:s6] =	ssyncadd.s32 @!p0 $0xFFFFFFFF  }
0xb3: {  	s25 =	simm.s32 $0x1B8E;
	s24 =	sld [smem:$0x3FFE];
	[sflag:s5] =	ssyncadd.remote.s32 @!p0 $0x1  }
0xb4: {  	s26 =	simm.s32 $execute0_lowered;
	[smem:$0x3FD2] =	sst s25  }
0xb5: {  	s6 =	sshll.u32 s26, $0x1;
	_ =	strace $0x80000049;
	[dreg:$0x1] =	wrdreg $0xFFFFFFFF  }
0xb6: {  	s28 =	simm.s32 $_size_execute0_lowered;
	s4 =	sadd.s32 s4, s6;
	[dreg:$0x0] =	wrdreg $0x0  }
0xb7: {  	s6 =	sshll.u32 s28, $0x1;
	[dreg:$0x2] =	wrdreg s4  }
0xb8: {  	[dreg:$0x3] =	wrdreg s6  }
0xb9: {  	[dreg:$0x4] =	wrdreg $0xC0  }
0xba: {  	_ =	task [dreg:s22], $0x5FFFF  }
0xbb: {  	[dreg:$0x1] =	wrdreg $0xFFFFFFFF  }
0xbc: {  	[dreg:$0x0] =	wrdreg $0x60  }
0xbd: {  	[dreg:$0x2] =	wrdreg s24  }
0xbe: {  	[dreg:$0x3] =	wrdreg s18  }
0xbf: {  	[dreg:$0x4] =	wrdreg $0x9  }
0xc0: {  	_ =	task.clear_ibuf [dreg:s22], $0x5FFFF;
	_ =	strace $0x90000049  }
0xc1: {  	s29 =	simm.s32 $0x9;
	_ =	strace $0x8000004B  }
0xc2: {  	_ =	swait.ge [sflag:s29], $0x1  }
0xc3: {  	[sflag:s29] =	ssyncadd.s32 $0xFFFFFFFF  }
0xc4: {  	_ =	strace $0x9000004B  }
0xc5: {  	_ =	sfence  }
0xc6: {  	s30 =	sld [smem:$0x0];
	_ =	sdelay $0x2  }
0xc7: {  	s31 =	sshll.u32 s1, $0xD;
	s1 =	sshrl.u32 s1, $0x2  }
0xc8: {  	s4 =	sand.u32 $0x4000, s31;
	s1 =	sadd.s32 s1, s30  }
0xc9: {  	s0 =	sor.u32 s4, s0;
	s1 =	sshll.u32 s1, $0x11  }
0xca: {  	s0 =	sor.u32 s1, s0  }
0xcb: {  	s0 =	sadd.s32 $0x8F2B, s0  }
0xcc: {  	[sflag:s0] =	ssyncadd.remote.s32 $0x1  }
0xcd: {  	_ =	sfence.sel $0xFFFF  }
0xce: {  	[dreg:$0x0] =	wrdreg $0xFFFFFFFF;
	(pc) =	sbr.abs _section_cstart, $3  }
0xcf: {  	[dreg:$0x1] =	wrdreg $0xFFFFFFFF  }
0xd0: {  	_ =	task.clear_ibuf [dreg:s22], $0x2FFFF;
	_ =	strace $0x9FFFFFFF  }
0xd1: {  	(tm) =	ssettm $0x7FFFFFFF  }
tec
execute0_lowered:
.L_overlay_start_1:
0x0: {  	(tag) =	ssettag $0x1  }
0x1: {  	s7 =	rddreg [dreg:$0x0]  }
0x2: {  	s1 =	rddreg [dreg:$0x1]  }
0x3: {  	s0 =	rddreg [dreg:$0x2];
	s2 =	simm.s32 $0x0  }
0x4: {  	s5 =	srdreg.scid;
	s3 =	stileid.u32;
	s12 =	simm.s32 $0x7580  }
0x5: {  	s13 =	simm.s32 $0x8980;
	s14 =	simm.s32 $0x9380;
	s15 =	simm.s32 $0x9D80  }
0x6: {  	s16 =	simm.s32 $0x0;
	[smem:$0x7FF] =	sst s2;
	s4 =	sadd.s32 $0x4000, s7  }
0x7: {  	s8 =	sand.u32 $0x1, s5;
	s5 =	sadd.s32 $0x22A00, s7;
	s10 =	sshll.u32 s3, $0x1  }
0x8: {  	s6 =	sadd.s32 $0x2C800, s7;
	s7 =	sadd.s32 $0x36600, s7;
	s9 =	ssub.s32 $0x2, s8  }
0x9: {  	_ =	strace $0x8000004A;
	s8 =	sor.u32 s8, s10;
	s11 =	sshrl.u32 s9, $0x1  }
0xa: {  	s31 =	ssub.s32 $0x5C, s8;
	s8 =	sor.u32 $0x40, s8;
	s30 =	ssub.s32 s9, s11  }
0xb: {  	s9 =	sshrl.u32 s31, $0x5;
	s11 =	simm.s32 $0x1;
	s10 =	smax.u32 s30, $0x1  }
.LBB2_1:
0xc: {  	[tilespmem:s2], [sflag:$0x1] =	stream.linear.gather [hbm4b:s4+s2], $0x7580, $0x38;
	[tilespmem:$0xA780] =	vst v63  }
0xd: {  	_ =	swait.ge [sflag:s11], $0x7580  }
0xe: {  	[sflag:s11] =	ssyncset.done $0x0  }
0xf: {  	s17 =	simm.s32 $0x0;
	[sflag:s11] =	ssyncadd.s32 $0xFFFF8A80  }
.LBB2_2:
0x10: {  	s18 =	sshll.u32 s17, $0x5  }
0x11: {  	s18 =	sadd.s32 s8, s18  }
0x12: {  	s19 =	smul.u32 $0x280, s18;
	_ =	sdelay $0x1  }
0x13: {  	s20 =	sadd.s32 s1, s19;
	s19 =	simm.s32 $0x0  }
0x14: {  	[tilespmem:s12], [sflag:$0x1] =	stream.linear.gather [hbm4b:s20+s19], $0x1400, $0x38;
	[tilespmem:$0xA780] =	vst v63  }
0x15: {  	_ =	swait.ge [sflag:s11], $0x1400  }
0x16: {  	s21 =	simm.s32 $0x89A0;
	s22 =	simm.s32 $0x93A0;
	[sflag:s11] =	ssyncset.done $0x0  }
0x17: {  	s23 =	simm.s32 $0x0;
	s20 =	simm.s32 $0x9DA0;
	[sflag:s11] =	ssyncadd.s32 $0xFFFFEC00  }
.LBB2_3:
0x18: {  	s24 =	sand.u32 $0x70, s19;
	s25 =	sand.u32 $0x1F00, s23  }
0x19: {  	s24 =	sor.u32 s24, s25  }
0x1a: {  	v0 =	vld [tilespmem:s24+$0x7580]  }
0x1b: {  	v1 =	vld [tilespmem:s24+$0x7600];
	_ =	sdelay $0x3  }
0x1c: {  	v0 =	vmul.u32 $0x3, v0  }
0x1d: {  	v1 =	vmul.u32 $0x3, v1;
	_ =	sdelay $0x4  }
0x1e: {  	v2 =	vld.idx.msk [tilespmem:v0+s2+$0x0], $0xffff  }
0x1f: {  	v3 =	vld.idx.msk [tilespmem:v1+s2+$0x0], $0xffff;
	_ =	sdelay $0x2  }
0x20: {  	v4 =	vadd.s32 $0x1, v0  }
0x21: {  	v5 =	vadd.s32 $0x1, v1  }
0x22: {  	v2 =	vsub.f32 v2, v3;
	_ =	sdelay $0x1  }
0x23: {  	[tilespmem:s21+$0xFFFFFFE0] =	vst v2  }
0x24: {  	v2 =	vld.idx.msk [tilespmem:v4+s2+$0x0], $0xffff  }
0x25: {  	v43 =	vld.idx.msk [tilespmem:v5+s2+$0x0], $0xffff;
	_ =	sdelay $0x2  }
0x26: {  	v0 =	vadd.s32 $0x2, v0  }
0x27: {  	v1 =	vadd.s32 $0x2, v1  }
0x28: {  	v2 =	vsub.f32 v2, v43;
	_ =	sdelay $0x1  }
0x29: {  	[tilespmem:s22+$0xFFFFFFE0] =	vst v2  }
0x2a: {  	v0 =	vld.idx.msk [tilespmem:v0+s2+$0x0], $0xffff  }
0x2b: {  	v1 =	vld.idx.msk [tilespmem:v1+s2+$0x0], $0xffff;
	_ =	sdelay $0x4  }
0x2c: {  	s30 =	sadd.s32 $0x10, s19;
	s31 =	sadd.s32 $0x20, s23;
	v0 =	vsub.f32 v0, v1  }
0x2d: {  	s25 =	sand.u32 $0x3F00, s31;
	s24 =	sand.u32 $0x70, s30  }
0x2e: {  	s24 =	sor.u32 s24, s25;
	[tilespmem:s20+$0xFFFFFFE0] =	vst v0  }
0x2f: {  	v0 =	vld [tilespmem:s24+$0x7580]  }
0x30: {  	v44 =	vld [tilespmem:s24+$0x7600];
	_ =	sdelay $0x3  }
0x31: {  	v0 =	vmul.u32 $0x3, v0  }
0x32: {  	v1 =	vmul.u32 $0x3, v44;
	_ =	sdelay $0x4  }
0x33: {  	v2 =	vld.idx.msk [tilespmem:v0+s2+$0x0], $0xffff  }
0x34: {  	v45 =	vld.idx.msk [tilespmem:v1+s2+$0x0], $0xffff;
	_ =	sdelay $0x2  }
0x35: {  	v46 =	vadd.s32 $0x1, v0  }
0x36: {  	v47 =	vadd.s32 $0x1, v1  }
0x37: {  	v2 =	vsub.f32 v2, v45;
	_ =	sdelay $0x1  }
0x38: {  	[tilespmem:s21+$0xFFFFFFF0] =	vst v2  }
0x39: {  	v2 =	vld.idx.msk [tilespmem:v46+s2+$0x0], $0xffff  }
0x3a: {  	v48 =	vld.idx.msk [tilespmem:v47+s2+$0x0], $0xffff;
	_ =	sdelay $0x2  }
0x3b: {  	v0 =	vadd.s32 $0x2, v0  }
0x3c: {  	v1 =	vadd.s32 $0x2, v1  }
0x3d: {  	v2 =	vsub.f32 v2, v48;
	_ =	sdelay $0x1  }
0x3e: {  	[tilespmem:s22+$0xFFFFFFF0] =	vst v2  }
0x3f: {  	v0 =	vld.idx.msk [tilespmem:v0+s2+$0x0], $0xffff  }
0x40: {  	v1 =	vld.idx.msk [tilespmem:v1+s2+$0x0], $0xffff;
	_ =	sdelay $0x4  }
0x41: {  	s26 =	sadd.s32 $0x40, s23;
	s25 =	sadd.s32 $0x20, s19;
	v0 =	vsub.f32 v0, v1  }
0x42: {  	s24 =	sand.u32 $0x70, s25;
	s25 =	sand.u32 $0x3F00, s26  }
0x43: {  	s24 =	sor.u32 s24, s25;
	[tilespmem:s20+$0xFFFFFFF0] =	vst v0  }
0x44: {  	v0 =	vld [tilespmem:s24+$0x7580]  }
0x45: {  	v49 =	vld [tilespmem:s24+$0x7600];
	_ =	sdelay $0x3  }
0x46: {  	v0 =	vmul.u32 $0x3, v0  }
0x47: {  	v1 =	vmul.u32 $0x3, v49;
	_ =	sdelay $0x4  }
0x48: {  	v2 =	vld.idx.msk [tilespmem:v0+s2+$0x0], $0xffff  }
0x49: {  	v50 =	vld.idx.msk [tilespmem:v1+s2+$0x0], $0xffff;
	_ =	sdelay $0x2  }
0x4a: {  	v51 =	vadd.s32 $0x1, v0  }
0x4b: {  	v52 =	vadd.s32 $0x1, v1  }
0x4c: {  	v2 =	vsub.f32 v2, v50;
	_ =	sdelay $0x1  }
0x4d: {  	[tilespmem:s21+$0x0] =	vst v2  }
0x4e: {  	v2 =	vld.idx.msk [tilespmem:v51+s2+$0x0], $0xffff  }
0x4f: {  	v53 =	vld.idx.msk [tilespmem:v52+s2+$0x0], $0xffff;
	_ =	sdelay $0x2  }
0x50: {  	v0 =	vadd.s32 $0x2, v0  }
0x51: {  	v1 =	vadd.s32 $0x2, v1  }
0x52: {  	v2 =	vsub.f32 v2, v53;
	_ =	sdelay $0x1  }
0x53: {  	[tilespmem:s22+$0x0] =	vst v2  }
0x54: {  	v0 =	vld.idx.msk [tilespmem:v0+s2+$0x0], $0xffff  }
0x55: {  	v1 =	vld.idx.msk [tilespmem:v1+s2+$0x0], $0xffff;
	_ =	sdelay $0x4  }
0x56: {  	s28 =	sadd.s32 $0x30, s19;
	s29 =	sadd.s32 $0x60, s23;
	v0 =	vsub.f32 v0, v1  }
0x57: {  	s25 =	sand.u32 $0x3F00, s29;
	s24 =	sand.u32 $0x70, s28  }
0x58: {  	s24 =	sor.u32 s24, s25;
	[tilespmem:s20+$0x0] =	vst v0  }
0x59: {  	v0 =	vld [tilespmem:s24+$0x7580]  }
0x5a: {  	v54 =	vld [tilespmem:s24+$0x7600];
	_ =	sdelay $0x3  }
0x5b: {  	v0 =	vmul.u32 $0x3, v0  }
0x5c: {  	v1 =	vmul.u32 $0x3, v54;
	_ =	sdelay $0x4  }
0x5d: {  	v2 =	vld.idx.msk [tilespmem:v0+s2+$0x0], $0xffff  }
0x5e: {  	v55 =	vld.idx.msk [tilespmem:v1+s2+$0x0], $0xffff;
	_ =	sdelay $0x2  }
0x5f: {  	v56 =	vadd.s32 $0x1, v0  }
0x60: {  	v57 =	vadd.s32 $0x1, v1  }
0x61: {  	v2 =	vsub.f32 v2, v55;
	_ =	sdelay $0x1  }
0x62: {  	[tilespmem:s21+$0x10] =	vst v2  }
0x63: {  	v2 =	vld.idx.msk [tilespmem:v56+s2+$0x0], $0xffff  }
0x64: {  	v58 =	vld.idx.msk [tilespmem:v57+s2+$0x0], $0xffff;
	_ =	sdelay $0x2  }
0x65: {  	v0 =	vadd.s32 $0x2, v0  }
0x66: {  	v1 =	vadd.s32 $0x2, v1  }
0x67: {  	v2 =	vsub.f32 v2, v58;
	_ =	sdelay $0x1  }
0x68: {  	[tilespmem:s22+$0x10] =	vst v2  }
0x69: {  	v0 =	vld.idx.msk [tilespmem:v0+s2+$0x0], $0xffff  }
0x6a: {  	v1 =	vld.idx.msk [tilespmem:v1+s2+$0x0], $0xffff;
	_ =	sdelay $0x4  }
0x6b: {  	s31 =	sadd.s32 $0x80, s23;
	s30 =	sadd.s32 $0x40, s19;
	v0 =	vsub.f32 v0, v1  }
0x6c: {  	s25 =	sand.u32 $0x3F00, s31;
	s24 =	sand.u32 $0x70, s30  }
0x6d: {  	s24 =	sor.u32 s24, s25;
	[tilespmem:s20+$0x10] =	vst v0  }
0x6e: {  	v0 =	vld [tilespmem:s24+$0x7580]  }
0x6f: {  	v59 =	vld [tilespmem:s24+$0x7600];
	_ =	sdelay $0x3  }
0x70: {  	v0 =	vmul.u32 $0x3, v0  }
0x71: {  	v1 =	vmul.u32 $0x3, v59;
	_ =	sdelay $0x4  }
0x72: {  	v2 =	vld.idx.msk [tilespmem:v0+s2+$0x0], $0xffff  }
0x73: {  	v60 =	vld.idx.msk [tilespmem:v1+s2+$0x0], $0xffff;
	_ =	sdelay $0x2  }
0x74: {  	v61 =	vadd.s32 $0x1, v0  }
0x75: {  	v62 =	vadd.s32 $0x1, v1  }
0x76: {  	v2 =	vsub.f32 v2, v60;
	_ =	sdelay $0x1  }
0x77: {  	[tilespmem:s21+$0x20] =	vst v2  }
0x78: {  	v2 =	vld.idx.msk [tilespmem:v61+s2+$0x0], $0xffff  }
0x79: {  	v63 =	vld.idx.msk [tilespmem:v62+s2+$0x0], $0xffff;
	_ =	sdelay $0x2  }
0x7a: {  	v0 =	vadd.s32 $0x2, v0  }
0x7b: {  	v1 =	vadd.s32 $0x2, v1  }
0x7c: {  	v2 =	vsub.f32 v2, v63;
	_ =	sdelay $0x1  }
0x7d: {  	[tilespmem:s22+$0x20] =	vst v2  }
0x7e: {  	v0 =	vld.idx.msk [tilespmem:v0+s2+$0x0], $0xffff  }
0x7f: {  	v1 =	vld.idx.msk [tilespmem:v1+s2+$0x0], $0xffff;
	_ =	sdelay $0x1  }
0x80: {  	p0 =	sne.s32 s23, $0x1360  }
.Ltmp0:
0x81: {  	_ = 	snop;
	(pc) =	sbr.rel @p0 .LBB2_3-.Ltmp0, $4  }
0x82: {  	_ = 	snop  }
0x83: {  	v0 =	vsub.f32 v0, v1  }
0x84: {  	s23 =	sadd.s32 $0xA0, s23;
	s19 =	sadd.s32 $0x50, s19  }
0x85: {  	s21 =	sadd.s32 $0x50, s21;
	s22 =	sadd.s32 $0x50, s22;
	[tilespmem:s20+$0x20] =	vst v0;
	s20 =	sadd.s32 $0x50, s20  }
0x86: {  	s18 =	smul.u32 $0x140, s18;
	_ =	sdelay $0x1  }
0x87: {  	s19 =	sadd.s32 s5, s18  }
0x88: {  	[hbm4b:s19+s2] =	stream.linear.scatter [tilespmem:s13], [sflag:$0x1], $0xA00, $0x38;
	[tilespmem:$0xA780] =	vst v63  }
0x89: {  	_ =	swait.ge [sflag:s11], $0xA00  }
0x8a: {  	[sflag:s11] =	ssyncset.done $0x0  }
0x8b: {  	s31 =	sadd.s32 s6, s18;
	[sflag:s11] =	ssyncadd.s32 $0xFFFFF600  }
0x8c: {  	[hbm4b:s31+s2] =	stream.linear.scatter [tilespmem:s14], [sflag:$0x1], $0xA00, $0x38;
	[tilespmem:$0xA780] =	vst v63  }
0x8d: {  	s17 =	sadd.s32 $0x1, s17;
	_ =	swait.ge [sflag:s11], $0xA00  }
0x8e: {  	p0 =	sne.s32 s17, s9;
	[sflag:s11] =	ssyncset.done $0x0  }
.Ltmp1:
0x8f: {  	s18 =	sadd.s32 s7, s18;
	[sflag:s11] =	ssyncadd.s32 $0xFFFFF600;
	(pc) =	sbr.rel @p0 .LBB2_2-.Ltmp1, $4  }
0x90: {  	[hbm4b:s18+s2] =	stream.linear.scatter [tilespmem:s15], [sflag:$0x1], $0xA00, $0x38;
	[tilespmem:$0xA780] =	vst v63  }
0x91: {  	_ =	swait.ge [sflag:s11], $0xA00  }
0x92: {  	[sflag:s11] =	ssyncset.done $0x0  }
0x93: {  	[sflag:s11] =	ssyncadd.s32 $0xFFFFF600  }
0x94: {  	s16 =	sadd.s32 $0x1, s16  }
0x95: {  	p0 =	sne.s32 s16, s10  }
.Ltmp2:
0x96: {  	_ = 	snop;
	(pc) =	sbr.rel @p0 .LBB2_1-.Ltmp2, $1  }
0x97: {  	_ =	sdelay $0x3  }
0x98: {  	_ =	sfence.sel $0x180000  }
0x99: {  	[bflag:$0x0] =	sbarrier.arrive $0xFFFF  }
0x9a: {  	p0 =	sne.s32 s3, $0x0;
	_ =	strace $0x9000004A  }
0x9b: {  	s0 =	sadd.s32 @!p0 $0x100000, s0;
	[bflag:$0x2] =	sbarrier.arrive $0xFFFF  }
0x9c: {  	[sflag:s0] =	ssyncadd.tile.s32 @!p0 $0x1;
	_ =	shalt  }
.Lfunc_end2:
_tile_overlayer_lowered:
.L_overlay_start_2:
0x9d: {  	(tag) =	ssettag $0x2  }
0x9e: {  	s0 =	rddreg [dreg:$0x0];
	s2 =	stileid.u32  }
0x9f: {  	s1 =	rddreg [dreg:$0x1];
	p0 =	sne.s32 s2, $0x0  }
0xa0: {  	s3 =	rddreg [dreg:$0x2];
	[bflag:$0x3] =	sbarrier.arrive $0xFFFF;
	s2 =	simm.s32 @!p0 $0x1C01  }
0xa1: {  	[timem:s3], [sflag:s2] =	dma.local @!p0 [hbm:s0], s1  }
0xa2: {  	s0 =	simm.s32 @!p0 $0x1  }
0xa3: {  	_ =	swait.ge @!p0 [sflag:s0], s1  }
0xa4: {  	s1 =	ssub.s32 @!p0 $0x0, s1;
	[sflag:s0] =	ssyncset.done @!p0 $0x0  }
0xa5: {  	[sflag:s0] =	ssyncadd.s32 @!p0 s1  }
0xa6: {  	[bflag:$0x3] =	sbarrier.arrive $0xFFFF  }
0xa7: {  	_ =	shalt  }

// kernel: kernel.16.cloned.1.call-start
scs
__scs_entry_jumppad:
0x0: {  	(pc) =	sbr.rel $0x88, $3  }
0x1: {  	(tag) =	ssettag $0x0;
	lr =	simm.s32 $0x1  }
0x2: {  	[smem:$0x3F99] =	sst lr;
	_ =	strace $0xD0000000  }
0x3: {  	_ = 	snop  }
0x4: {  	_ = 	snop  }
0x5: {  	_ = 	snop  }
0x6: {  	_ = 	snop  }
0x7: {  	_ = 	snop  }
__scs_overlays_trampoline_lowered:
0x8: {  	[smem:$0x3FA8] =	sst s0  }
0x9: {  	[smem:$0x3FA9] =	sst s1  }
0xa: {  	[smem:$0x3FAA] =	sst s2  }
0xb: {  	[smem:$0x3FAB] =	sst s3  }
0xc: {  	[smem:$0x3FAC] =	sst s4  }
0xd: {  	[smem:$0x3FAD] =	sst s5  }
0xe: {  	[smem:$0x3FAE] =	sst s6  }
0xf: {  	[smem:$0x3FAF] =	sst s7  }
0x10: {  	[smem:$0x3FB0] =	sst s8  }
0x11: {  	[smem:$0x3FB1] =	sst s9;
	s0 =	simm.s32 @!p0 $0x0  }
0x12: {  	s1 =	sld [smem:$0x3F97];
	s0 =	simm.s32 @p0 $0x1  }
0x13: {  	[smem:$0x3FB2] =	sst s0;
	s0 =	simm.s32 @!p1 $0x0  }
0x14: {  	s2 =	sld [smem:$0x3F96];
	s0 =	simm.s32 @p1 $0x1  }
0x15: {  	[smem:$0x3FB3] =	sst s0;
	s0 =	simm.s32 @!p2 $0x0  }
0x16: {  	s3 =	sld [smem:$0x3FDB];
	s0 =	simm.s32 @p2 $0x1  }
0x17: {  	s4 =	simm.s32 $0x1BF5;
	[smem:$0x3FB5] =	sst s0  }
0x18: {  	s0 =	sld [smem:$0x3F98];
	_ =	swait.ge [sflag:s4], $0x0  }
0x19: {  	s7 =	sld [smem:$0x3F99]  }
0x1a: {  	s8 =	sadd.s32 $0xFFFFE003, lr  }
0x1b: {  	s9 =	sadd.s32 $0xFFFFFEF7, lr;
	s5 =	simm.s32 $0xFFFFFFFF;
	p2 =	slt.u32 s8, $0xFFFFF086  }
0x1c: {  	p1 =	slt.u32 s9, $0xF7A;
	s5 =	simm.s32 @!p2 $0x0  }
0x1d: {  	s5 =	simm.s32 @p1 $0x1;
	p0 =	seq.s32 s7, s2  }
0x1e: {  	s7 =	smul.u32 @!p0 $0xF7A, s2;
	p2 =	seq.s32 @!p0 s5, $0x0  }
0x1f: {  	s9 =	smul.u32 $0xF7A, s1;
	s8 =	simm.s32 @!p0 $0x1BF5;
	p2 =	por !p2, p0  }
0x20: {  	[sflag:s8] =	ssyncset.s32 @!p0 $0xFFFFF086;
	s6 =	sadd.s32 @!p0 s3, s7;
	s7 =	simm.s32 @!p0 $0x108  }
0x21: {  	s3 =	sadd.s32 s3, s9;
	s6 =	sadd.s32 @!p0 $0x88, s6;
	s7 =	simm.s32 @p2 $0x1082  }
0x22: {  	[simem:s7], [sflag:s8] =	dma.local @!p0 [hbm:s6], $0xF7A  }
0x23: {  	s9 =	sor.u32 $0xD0000000, s2;
	s6 =	simm.s32 $0x108;
	_ =	swait.ge @!p0 [sflag:s8], $0x0  }
0x24: {  	s3 =	sadd.s32 $0x88, s3;
	s6 =	simm.s32 @!p1 $0x1082;
	[sflag:s4] =	ssyncset.s32 $0xFFFFF086  }
0x25: {  	[simem:s6], [sflag:s4] =	dma.local [hbm:s3], $0xF7A  }
0x26: {  	[smem:$0x3F99] =	sst s1;
	(tag) =	ssettag s2;
	_ =	strace s9  }
0x27: {  	s1 =	sld [smem:$0x3FA9]  }
0x28: {  	s2 =	sld [smem:$0x3FAA]  }
0x29: {  	s4 =	sld [smem:$0x3FAC]  }
0x2a: {  	p0 =	seq.s32 s5, $0x0;
	s5 =	sld [smem:$0x3FAD]  }
0x2b: {  	s6 =	sld [smem:$0x3FAE]  }
0x2c: {  	s7 =	sld [smem:$0x3FAF]  }
0x2d: {  	s3 =	simm.s32 $0x108;
	s8 =	sld [smem:$0x3FB0]  }
0x2e: {  	s3 =	simm.s32 @!p0 $0x1082;
	s9 =	sld [smem:$0x3FB1]  }
0x2f: {  	lr =	sadd.s32 s0, s3;
	s0 =	sld [smem:$0x3FA8]  }
0x30: {  	s3 =	sld [smem:$0x3FAB]  }
0x31: {  	[smem:$0x3FB4] =	sst s10  }
0x32: {  	s10 =	sld [smem:$0x3FB2];
	_ =	sdelay $0x3  }
0x33: {  	p0 =	seq.s32 s10, $0x1;
	s10 =	sld [smem:$0x3FB4];
	_ =	sdelay $0x3  }
0x34: {  	[smem:$0x3FB4] =	sst s10  }
0x35: {  	s10 =	sld [smem:$0x3FB3];
	_ =	sdelay $0x3  }
0x36: {  	p1 =	seq.s32 s10, $0x1;
	s10 =	sld [smem:$0x3FB4];
	_ =	sdelay $0x3  }
0x37: {  	[smem:$0x3FB4] =	sst s10  }
0x38: {  	s10 =	sld [smem:$0x3FB5]  }
0x39: {  	_ = 	snop;
	(pc) =	sbr.ind lr, $3  }
0x3a: {  	_ = 	snop  }
0x3b: {  	_ = 	snop  }
0x3c: {  	p2 =	seq.s32 s10, $0x1;
	s10 =	sld [smem:$0x3FB4]  }
0x3d: {  	_ =	shalt  }
0x3e: {  	_ =	shalt  }
0x3f: {  	_ =	shalt  }
0x40: {  	_ =	shalt  }
0x41: {  	_ =	shalt  }
0x42: {  	_ =	shalt  }
0x43: {  	_ =	shalt  }
0x44: {  	_ =	shalt  }
0x45: {  	_ =	shalt  }
0x46: {  	_ =	shalt  }
0x47: {  	_ =	shalt  }
0x48: {  	_ =	shalt  }
0x49: {  	_ =	shalt  }
0x4a: {  	_ =	shalt  }
0x4b: {  	_ =	shalt  }
0x4c: {  	_ =	shalt  }
0x4d: {  	_ =	shalt  }
0x4e: {  	_ =	shalt  }
0x4f: {  	_ =	shalt  }
0x50: {  	_ =	shalt  }
0x51: {  	_ =	shalt  }
0x52: {  	_ =	shalt  }
0x53: {  	_ =	shalt  }
0x54: {  	_ =	shalt  }
0x55: {  	_ =	shalt  }
0x56: {  	_ =	shalt  }
0x57: {  	_ =	shalt  }
0x58: {  	_ =	shalt  }
0x59: {  	_ =	shalt  }
0x5a: {  	_ =	shalt  }
0x5b: {  	_ =	shalt  }
0x5c: {  	_ =	shalt  }
0x5d: {  	_ =	shalt  }
0x5e: {  	_ =	shalt  }
0x5f: {  	_ =	shalt  }
0x60: {  	_ =	shalt  }
0x61: {  	_ =	shalt  }
0x62: {  	_ =	shalt  }
0x63: {  	_ =	shalt  }
0x64: {  	_ =	shalt  }
0x65: {  	_ =	shalt  }
0x66: {  	_ =	shalt  }
0x67: {  	_ =	shalt  }
0x68: {  	_ =	shalt  }
0x69: {  	_ =	shalt  }
0x6a: {  	_ =	shalt  }
0x6b: {  	_ =	shalt  }
0x6c: {  	_ =	shalt  }
0x6d: {  	_ =	shalt  }
0x6e: {  	_ =	shalt  }
0x6f: {  	_ =	shalt  }
0x70: {  	_ =	shalt  }
0x71: {  	_ =	shalt  }
0x72: {  	_ =	shalt  }
0x73: {  	_ =	shalt  }
0x74: {  	_ =	shalt  }
0x75: {  	_ =	shalt  }
0x76: {  	_ =	shalt  }
0x77: {  	_ =	shalt  }
0x78: {  	_ =	shalt  }
0x79: {  	_ =	shalt  }
0x7a: {  	_ =	shalt  }
0x7b: {  	_ =	shalt  }
0x7c: {  	_ =	shalt  }
0x7d: {  	_ =	shalt  }
0x7e: {  	_ =	shalt  }
0x7f: {  	_ =	shalt  }
0x80: {  	_ =	shalt  }
0x81: {  	_ =	shalt  }
0x82: {  	_ =	shalt  }
0x83: {  	_ =	shalt  }
0x84: {  	_ =	shalt  }
0x85: {  	_ =	shalt  }
0x86: {  	_ =	shalt  }
0x87: {  	_ =	shalt  }
.Lfunc_end0:
.L_simem_size_0:
called_computation.2_lowered:
.L_overlay_start_0:
0x88: {  	s2 =	sld [smem:$0x3FD9]  }
0x89: {  	s3 =	sld [smem:$0x3FFE];
	_ =	sdelay $0x1  }
0x8a: {  	s1 =	srdreg.scid  }
0x8b: {  	s0 =	sand.u32 $0x1, s1  }
0x8c: {  	s17 =	sshll.u32 s0, $0xA;
	s2 =	sadd.s32 s3, s2  }
0x8d: {  	s2 =	sadd.s32 s2, s17  }
0x8e: {  	[smem:$0x3FC0] =	sst s2  }
0x8f: {  	_ = 	snop  }
0x90: {  	s18 =	sld [smem:$0x3FC7];
	(tm) =	ssettm $0x1  }
0x91: {  	s19 =	sld [smem:$0x3FFB];
	_ =	sdelay $0x3  }
0x92: {  	_ =	strace s19  }
0x93: {  	s2 =	sld [smem:$0x3FFC];
	_ =	sdelay $0x3  }
0x94: {  	_ =	strace s2  }
0x95: {  	s2 =	sld [smem:$0x3FFD];
	_ =	sdelay $0x3  }
0x96: {  	_ =	strace s2  }
0x97: {  	_ =	strace $0x8FFFFFFF  }
0x98: {  	s20 =	sld [smem:$0x3FDB];
	_ =	sdelay $0x1  }
0x99: {  	s4 =	simm.s32 $_scs_section_size  }
0x9a: {  	s5 =	simm.s32 $_size__tile_overlayer_lowered;
	s6 =	simm.s32 $_tile_overlayer_lowered  }
0x9b: {  	s7 =	simm.s32 $0x1BFF;
	s21 =	sshll.u32 s6, $0x1;
	s4 =	sadd.s32 s4, s20  }
0x9c: {  	s22 =	simm.s32 $0x0;
	s5 =	sshll.u32 s5, $0x1;
	s6 =	sadd.s32 s21, s4  }
0x9d: {  	[timem:s22], [sflag:s7] =	dma.local [hbm:s6], s5  }
0x9e: {  	_ =	swait.ge [sflag:s7], s5  }
0x9f: {  	s5 =	ssub.s32 $0x0, s5;
	[sflag:s7] =	ssyncset.done $0x0  }
0xa0: {  	[sflag:s7] =	ssyncadd.s32 s5;
	_ =	sdelay $0x1  }
0xa1: {  	s23 =	simm.s32 $0x1B8B  }
0xa2: {  	_ =	swait.ge [sflag:s23], $0x1  }
0xa3: {  	[sflag:s23] =	ssyncset.done $0x0  }
0xa4: {  	[sflag:s23] =	ssyncadd.s32 $0xFFFFFFFF  }
0xa5: {  	s5 =	sld [smem:$0x0]  }
0xa6: {  	s6 =	sand.u32 $0xFFFFFFFE, s1  }
0xa7: {  	p0 =	sne.s32 s1, s6  }
0xa8: {  	s6 =	sshll.u32 @p0 s6, $0xE  }
0xa9: {  	s6 =	sadd.s32 @p0 $0x11B8D, s6;
	s7 =	sshll.u32 @p0 s5, $0x11  }
0xaa: {  	s6 =	sor.u32 @p0 s7, s6  }
0xab: {  	[sflag:s6] =	ssyncadd.remote.s32 @p0 $0x1;
	_ =	sdelay $0x1  }
0xac: {  	s6 =	simm.s32 @p0 $0x1B8D  }
0xad: {  	_ =	swait.eq @p0 [sflag:s6], $0x1  }
0xae: {  	[sflag:s6] =	ssyncadd.s32 @p0 $0xFFFFFFFF  }
0xaf: {  	s7 =	sshll.u32 @!p0 s1, $0xE  }
0xb0: {  	s7 =	sor.u32 @!p0 $0x4000, s7;
	s6 =	simm.s32 @!p0 $0x1B8D  }
0xb1: {  	s5 =	sshll.u32 @!p0 s5, $0x11;
	s7 =	sadd.s32 @!p0 $0x11B8D, s7;
	_ =	swait.eq @!p0 [sflag:s6], $0x1  }
0xb2: {  	s5 =	sor.u32 @!p0 s5, s7;
	[sflag:s6] =	ssyncadd.s32 @!p0 $0xFFFFFFFF  }
0xb3: {  	s25 =	simm.s32 $0x1B8E;
	s24 =	sld [smem:$0x3FFE];
	[sflag:s5] =	ssyncadd.remote.s32 @!p0 $0x1  }
0xb4: {  	s26 =	simm.s32 $execute0_lowered;
	[smem:$0x3FD2] =	sst s25  }
0xb5: {  	s6 =	sshll.u32 s26, $0x1;
	_ =	strace $0x8000004C;
	[dreg:$0x1] =	wrdreg $0xFFFFFFFF  }
0xb6: {  	s28 =	simm.s32 $_size_execute0_lowered;
	s4 =	sadd.s32 s4, s6;
	[dreg:$0x0] =	wrdreg $0x0  }
0xb7: {  	s6 =	sshll.u32 s28, $0x1;
	[dreg:$0x2] =	wrdreg s4  }
0xb8: {  	[dreg:$0x3] =	wrdreg s6  }
0xb9: {  	[dreg:$0x4] =	wrdreg $0xC0  }
0xba: {  	_ =	task [dreg:s22], $0x5FFFF  }
0xbb: {  	[dreg:$0x1] =	wrdreg $0xFFFFFFFF  }
0xbc: {  	[dreg:$0x0] =	wrdreg $0x60  }
0xbd: {  	[dreg:$0x2] =	wrdreg s24  }
0xbe: {  	[dreg:$0x3] =	wrdreg s18  }
0xbf: {  	[dreg:$0x4] =	wrdreg $0xA  }
0xc0: {  	_ =	task.clear_ibuf [dreg:s22], $0x5FFFF;
	_ =	strace $0x9000004C  }
0xc1: {  	s29 =	simm.s32 $0xA;
	_ =	strace $0x8000004E  }
0xc2: {  	_ =	swait.ge [sflag:s29], $0x1  }
0xc3: {  	[sflag:s29] =	ssyncadd.s32 $0xFFFFFFFF  }
0xc4: {  	_ =	strace $0x9000004E  }
0xc5: {  	_ =	sfence  }
0xc6: {  	s30 =	sld [smem:$0x0];
	_ =	sdelay $0x2  }
0xc7: {  	s31 =	sshll.u32 s1, $0xD;
	s1 =	sshrl.u32 s1, $0x2  }
0xc8: {  	s4 =	sand.u32 $0x4000, s31;
	s1 =	sadd.s32 s1, s30  }
0xc9: {  	s0 =	sor.u32 s4, s0;
	s1 =	sshll.u32 s1, $0x11  }
0xca: {  	s0 =	sor.u32 s1, s0  }
0xcb: {  	s0 =	sadd.s32 $0x8F2B, s0  }
0xcc: {  	[sflag:s0] =	ssyncadd.remote.s32 $0x1  }
0xcd: {  	_ =	sfence.sel $0xFFFF  }
0xce: {  	[dreg:$0x0] =	wrdreg $0xFFFFFFFF;
	(pc) =	sbr.abs _section_cstart, $3  }
0xcf: {  	[dreg:$0x1] =	wrdreg $0xFFFFFFFF  }
0xd0: {  	_ =	task.clear_ibuf [dreg:s22], $0x2FFFF;
	_ =	strace $0x9FFFFFFF  }
0xd1: {  	(tm) =	ssettm $0x7FFFFFFF  }
tec
execute0_lowered:
.L_overlay_start_1:
0x0: {  	(tag) =	ssettag $0x1  }
0x1: {  	s8 =	rddreg [dreg:$0x0]  }
0x2: {  	s2 =	rddreg [dreg:$0x1];
	s3 =	srdreg.scid  }
0x3: {  	s1 =	stileid.u32;
	s0 =	rddreg [dreg:$0x2];
	s12 =	simm.s32 $0xEB00  }
0x4: {  	s13 =	simm.s32 $0xFF00;
	s14 =	simm.s32 $0x10900;
	s15 =	simm.s32 $0x11300  }
0x5: {  	s16 =	simm.s32 $0x7580;
	s17 =	simm.s32 $0x80;
	s18 =	simm.s32 $0x400  }
0x6: {  	s19 =	simm.s32 $0x0;
	s6 =	sand.u32 $0x1, s3;
	s4 =	sshll.u32 s1, $0x1  }
0x7: {  	s3 =	simm.s32 $0x0;
	s5 =	sshrl.u32 s1, $0x2;
	s4 =	sor.u32 s6, s4  }
0x8: {  	[smem:$0x7FF] =	sst s3;
	s7 =	smul.u32 $0x3AC00, s5;
	s30 =	sshll.u32 s4, $0x7  }
0x9: {  	s5 =	sadd.s32 $0x40400, s8;
	s31 =	ssub.s32 $0x2, s6;
	s9 =	sand.u32 $0x380, s30  }
0xa: {  	s6 =	sadd.s32 $0x5000, s8;
	s11 =	sshrl.u32 s31, $0x1;
	s7 =	sor.u32 s7, s9  }
0xb: {  	_ =	strace $0x8000004D;
	s11 =	ssub.s32 s31, s11;
	s10 =	sshrl.u32 s7, $0x3  }
0xc: {  	s7 =	sadd.s32 $0xEE00, s8;
	s10 =	sadd.s32 s10, s8;
	s8 =	sadd.s32 $0x18C00, s8  }
0xd: {  	v0 =	vimm.f32 $0.0e+00;
	s9 =	sadd.s32 $0x41400, s10;
	s10 =	smax.u32 s11, $0x1;
	s11 =	simm.s32 $0x1  }
.LBB2_1:
0xe: {  	[tilespmem:s3], [sflag:$0x1] =	stream.linear.gather [hbm4b:s5+s3], $0x7580, $0x38;
	[tilespmem:$0x11D00] =	vst v63  }
0xf: {  	_ =	swait.ge [sflag:s11], $0x7580  }
0x10: {  	[sflag:s11] =	ssyncset.done $0x0  }
0x11: {  	s20 =	simm.s32 $0x0;
	[sflag:s11] =	ssyncadd.s32 $0xFFFF8A80  }
.LBB2_2:
0x12: {  	p0 =	sne.s32 s20, $0x1D480  }
.Ltmp0:
0x13: {  	_ = 	snop;
	(pc) =	sbr.rel @p0 .LBB2_2-.Ltmp0, $3  }
0x14: {  	_ =	sdelay $0x1  }
0x15: {  	s21 =	sshra.s32 s20, $0x2  }
0x16: {  	s20 =	sadd.s32 $0x40, s20;
	[tilespmem:s21+$0x7580] =	vst v0  }
0x17: {  	s20 =	simm.s32 $0x0;
	p1 =	por $0x1, $0x1;
	s21 =	simm.s32 $0x0  }
.LBB2_4:
0x18: {  	s21 =	sor.u32 s4, s21  }
0x19: {  	s22 =	smul.u32 $0x280, s21;
	_ =	sdelay $0x1  }
0x1a: {  	s22 =	sadd.s32 s2, s22  }
0x1b: {  	[tilespmem:s12], [sflag:$0x1] =	stream.linear.gather [hbm4b:s22+s20], $0x1400, $0x38;
	[tilespmem:$0x11D00] =	vst v63  }
0x1c: {  	s21 =	smul.u32 $0x140, s21;
	_ =	swait.ge [sflag:s11], $0x1400  }
0x1d: {  	[sflag:s11] =	ssyncset.done $0x0  }
0x1e: {  	s30 =	sadd.s32 s6, s21;
	[sflag:s11] =	ssyncadd.s32 $0xFFFFEC00  }
0x1f: {  	[tilespmem:s13], [sflag:$0x1] =	stream.linear.gather [hbm4b:s30+s20], $0xA00, $0x38;
	[tilespmem:$0x11D00] =	vst v63  }
0x20: {  	_ =	swait.ge [sflag:s11], $0xA00  }
0x21: {  	[sflag:s11] =	ssyncset.done $0x0  }
0x22: {  	s31 =	sadd.s32 s7, s21;
	[sflag:s11] =	ssyncadd.s32 $0xFFFFF600  }
0x23: {  	[tilespmem:s14], [sflag:$0x1] =	stream.linear.gather [hbm4b:s31+s20], $0xA00, $0x38;
	[tilespmem:$0x11D00] =	vst v63  }
0x24: {  	_ =	swait.ge [sflag:s11], $0xA00  }
0x25: {  	[sflag:s11] =	ssyncset.done $0x0  }
0x26: {  	s21 =	sadd.s32 s8, s21;
	[sflag:s11] =	ssyncadd.s32 $0xFFFFF600  }
0x27: {  	[tilespmem:s15], [sflag:$0x1] =	stream.linear.gather [hbm4b:s21+s20], $0xA00, $0x38;
	[tilespmem:$0x11D00] =	vst v63  }
0x28: {  	p0 =	por p1, p1;
	s23 =	simm.s32 $0x10920;
	_ =	swait.ge [sflag:s11], $0xA00  }
0x29: {  	s24 =	simm.s32 $0x0;
	s25 =	simm.s32 $0x0;
	[sflag:s11] =	ssyncset.done $0x0  }
0x2a: {  	s22 =	simm.s32 $0xFF20;
	s21 =	simm.s32 $0x11320;
	[sflag:s11] =	ssyncadd.s32 $0xFFFFF600  }
.LBB2_5:
0x2b: {  	s26 =	sand.u32 $0x70, s24;
	s28 =	sand.u32 $0x1F00, s25  }
0x2c: {  	s26 =	sor.u32 s26, s28  }
0x2d: {  	v1 =	vld [tilespmem:s26+$0xEB00];
	_ =	sdelay $0x5  }
0x2e: {  	v4 =	vld [tilespmem:s22+$0xFFFFFFE0]  }
0x2f: {  	v2 =	vld [tilespmem:s26+$0xEB80]  }
0x30: {  	v3 =	vld.idx.msk [tilespmem:v1+s3+$0x0], $0xffff;
	_ =	sdelay $0x2  }
0x31: {  	v5 =	vadd.s32 $0x2710, v1;
	_ =	sdelay $0x1  }
0x32: {  	v3 =	vmul.f32 v4, v3;
	_ =	sdelay $0x1  }
0x33: {  	[tilespmem:v2+s16+$0x0] =	vst.idx.add.f32.msk $0xffff, v3  }
0x34: {  	v3 =	vld.idx.msk [tilespmem:v5+s3+$0x0], $0xffff  }
0x35: {  	v46 =	vld [tilespmem:s23+$0xFFFFFFE0];
	_ =	sdelay $0x1  }
0x36: {  	v47 =	vadd.s32 $0x2710, v2  }
0x37: {  	v1 =	vadd.s32 $0x4E20, v1;
	_ =	sdelay $0x1  }
0x38: {  	v3 =	vmul.f32 v46, v3;
	_ =	sdelay $0x1  }
0x39: {  	[tilespmem:v47+s16+$0x0] =	vst.idx.add.f32.msk $0xffff, v3  }
0x3a: {  	v1 =	vld.idx.msk [tilespmem:v1+s3+$0x0], $0xffff  }
0x3b: {  	v3 =	vld [tilespmem:s21+$0xFFFFFFE0];
	_ =	sdelay $0x1  }
0x3c: {  	v2 =	vadd.s32 $0x4E20, v2;
	_ =	sdelay $0x2  }
0x3d: {  	s30 =	sadd.s32 $0x10, s24;
	s31 =	sadd.s32 $0x20, s25;
	v1 =	vmul.f32 v3, v1  }
0x3e: {  	s28 =	sand.u32 $0x3F00, s31;
	s26 =	sand.u32 $0x70, s30  }
0x3f: {  	s26 =	sor.u32 s26, s28;
	[tilespmem:v2+s16+$0x0] =	vst.idx.add.f32.msk $0xffff, v1  }
0x40: {  	v1 =	vld [tilespmem:s26+$0xEB00];
	_ =	sdelay $0x5  }
0x41: {  	v2 =	vld [tilespmem:s26+$0xEB80]  }
0x42: {  	v48 =	vld [tilespmem:s22+$0xFFFFFFF0]  }
0x43: {  	v3 =	vld.idx.msk [tilespmem:v1+s3+$0x0], $0xffff;
	_ =	sdelay $0x2  }
0x44: {  	v49 =	vadd.s32 $0x2710, v1;
	_ =	sdelay $0x1  }
0x45: {  	v3 =	vmul.f32 v48, v3;
	_ =	sdelay $0x1  }
0x46: {  	[tilespmem:v2+s16+$0x0] =	vst.idx.add.f32.msk $0xffff, v3  }
0x47: {  	v3 =	vld.idx.msk [tilespmem:v49+s3+$0x0], $0xffff  }
0x48: {  	v50 =	vld [tilespmem:s23+$0xFFFFFFF0];
	_ =	sdelay $0x1  }
0x49: {  	v51 =	vadd.s32 $0x2710, v2  }
0x4a: {  	v1 =	vadd.s32 $0x4E20, v1;
	_ =	sdelay $0x1  }
0x4b: {  	v3 =	vmul.f32 v50, v3;
	_ =	sdelay $0x1  }
0x4c: {  	[tilespmem:v51+s16+$0x0] =	vst.idx.add.f32.msk $0xffff, v3  }
0x4d: {  	v1 =	vld.idx.msk [tilespmem:v1+s3+$0x0], $0xffff  }
0x4e: {  	v3 =	vld [tilespmem:s21+$0xFFFFFFF0];
	_ =	sdelay $0x1  }
0x4f: {  	v2 =	vadd.s32 $0x4E20, v2;
	_ =	sdelay $0x2  }
0x50: {  	s29 =	sadd.s32 $0x20, s24;
	s30 =	sadd.s32 $0x40, s25;
	v1 =	vmul.f32 v3, v1  }
0x51: {  	s28 =	sand.u32 $0x3F00, s30;
	s26 =	sand.u32 $0x70, s29  }
0x52: {  	s26 =	sor.u32 s26, s28;
	[tilespmem:v2+s16+$0x0] =	vst.idx.add.f32.msk $0xffff, v1  }
0x53: {  	v1 =	vld [tilespmem:s26+$0xEB00];
	_ =	sdelay $0x5  }
0x54: {  	v2 =	vld [tilespmem:s26+$0xEB80]  }
0x55: {  	v52 =	vld [tilespmem:s22+$0x0]  }
0x56: {  	v3 =	vld.idx.msk [tilespmem:v1+s3+$0x0], $0xffff;
	_ =	sdelay $0x2  }
0x57: {  	v53 =	vadd.s32 $0x2710, v1;
	_ =	sdelay $0x1  }
0x58: {  	v3 =	vmul.f32 v52, v3;
	_ =	sdelay $0x1  }
0x59: {  	[tilespmem:v2+s16+$0x0] =	vst.idx.add.f32.msk $0xffff, v3  }
0x5a: {  	v3 =	vld.idx.msk [tilespmem:v53+s3+$0x0], $0xffff  }
0x5b: {  	v54 =	vld [tilespmem:s23+$0x0];
	_ =	sdelay $0x1  }
0x5c: {  	v55 =	vadd.s32 $0x2710, v2  }
0x5d: {  	v1 =	vadd.s32 $0x4E20, v1;
	_ =	sdelay $0x1  }
0x5e: {  	v3 =	vmul.f32 v54, v3;
	_ =	sdelay $0x1  }
0x5f: {  	[tilespmem:v55+s16+$0x0] =	vst.idx.add.f32.msk $0xffff, v3  }
0x60: {  	v1 =	vld.idx.msk [tilespmem:v1+s3+$0x0], $0xffff  }
0x61: {  	v3 =	vld [tilespmem:s21+$0x0];
	_ =	sdelay $0x1  }
0x62: {  	v2 =	vadd.s32 $0x4E20, v2;
	_ =	sdelay $0x2  }
0x63: {  	s31 =	sadd.s32 $0x30, s24;
	s29 =	sadd.s32 $0x60, s25;
	v1 =	vmul.f32 v3, v1  }
0x64: {  	s28 =	sand.u32 $0x3F00, s29;
	s26 =	sand.u32 $0x70, s31  }
0x65: {  	s26 =	sor.u32 s26, s28;
	[tilespmem:v2+s16+$0x0] =	vst.idx.add.f32.msk $0xffff, v1  }
0x66: {  	v1 =	vld [tilespmem:s26+$0xEB00];
	_ =	sdelay $0x5  }
0x67: {  	v2 =	vld [tilespmem:s26+$0xEB80]  }
0x68: {  	v56 =	vld [tilespmem:s22+$0x10]  }
0x69: {  	v3 =	vld.idx.msk [tilespmem:v1+s3+$0x0], $0xffff;
	_ =	sdelay $0x2  }
0x6a: {  	v57 =	vadd.s32 $0x2710, v1;
	_ =	sdelay $0x1  }
0x6b: {  	v3 =	vmul.f32 v56, v3;
	_ =	sdelay $0x1  }
0x6c: {  	[tilespmem:v2+s16+$0x0] =	vst.idx.add.f32.msk $0xffff, v3  }
0x6d: {  	v3 =	vld.idx.msk [tilespmem:v57+s3+$0x0], $0xffff  }
0x6e: {  	v58 =	vld [tilespmem:s23+$0x10];
	_ =	sdelay $0x1  }
0x6f: {  	v59 =	vadd.s32 $0x2710, v2  }
0x70: {  	v1 =	vadd.s32 $0x4E20, v1;
	_ =	sdelay $0x1  }
0x71: {  	v3 =	vmul.f32 v58, v3;
	_ =	sdelay $0x1  }
0x72: {  	[tilespmem:v59+s16+$0x0] =	vst.idx.add.f32.msk $0xffff, v3  }
0x73: {  	v1 =	vld.idx.msk [tilespmem:v1+s3+$0x0], $0xffff  }
0x74: {  	v3 =	vld [tilespmem:s21+$0x10];
	_ =	sdelay $0x1  }
0x75: {  	v2 =	vadd.s32 $0x4E20, v2;
	_ =	sdelay $0x2  }
0x76: {  	s30 =	sadd.s32 $0x40, s24;
	s31 =	sadd.s32 $0x80, s25;
	v1 =	vmul.f32 v3, v1  }
0x77: {  	s28 =	sand.u32 $0x3F00, s31;
	s26 =	sand.u32 $0x70, s30  }
0x78: {  	s26 =	sor.u32 s26, s28;
	[tilespmem:v2+s16+$0x0] =	vst.idx.add.f32.msk $0xffff, v1  }
0x79: {  	v1 =	vld [tilespmem:s26+$0xEB00];
	_ =	sdelay $0x5  }
0x7a: {  	v2 =	vld [tilespmem:s26+$0xEB80]  }
0x7b: {  	v60 =	vld [tilespmem:s22+$0x20]  }
0x7c: {  	v3 =	vld.idx.msk [tilespmem:v1+s3+$0x0], $0xffff;
	_ =	sdelay $0x2  }
0x7d: {  	v61 =	vadd.s32 $0x2710, v1;
	_ =	sdelay $0x1  }
0x7e: {  	v3 =	vmul.f32 v60, v3;
	_ =	sdelay $0x1  }
0x7f: {  	[tilespmem:v2+s16+$0x0] =	vst.idx.add.f32.msk $0xffff, v3  }
0x80: {  	v3 =	vld.idx.msk [tilespmem:v61+s3+$0x0], $0xffff  }
0x81: {  	v62 =	vld [tilespmem:s23+$0x20];
	_ =	sdelay $0x1  }
0x82: {  	v63 =	vadd.s32 $0x2710, v2  }
0x83: {  	v1 =	vadd.s32 $0x4E20, v1;
	_ =	sdelay $0x1  }
0x84: {  	v3 =	vmul.f32 v62, v3;
	_ =	sdelay $0x1  }
0x85: {  	[tilespmem:v63+s16+$0x0] =	vst.idx.add.f32.msk $0xffff, v3  }
0x86: {  	v1 =	vld.idx.msk [tilespmem:v1+s3+$0x0], $0xffff  }
0x87: {  	v3 =	vld [tilespmem:s21+$0x20];
	_ =	sdelay $0x1  }
0x88: {  	p1 =	sne.s32 s25, $0x1360;
	v2 =	vadd.s32 $0x4E20, v2  }
.Ltmp1:
0x89: {  	_ = 	snop;
	(pc) =	sbr.rel @p1 .LBB2_5-.Ltmp1, $4  }
0x8a: {  	_ = 	snop  }
0x8b: {  	v1 =	vmul.f32 v3, v1  }
0x8c: {  	s24 =	sadd.s32 $0x50, s24;
	s25 =	sadd.s32 $0xA0, s25  }
0x8d: {  	s22 =	sadd.s32 $0x50, s22;
	s23 =	sadd.s32 $0x50, s23;
	s21 =	sadd.s32 $0x50, s21;
	[tilespmem:v2+s16+$0x0] =	vst.idx.add.f32.msk $0xffff, v1  }
.Ltmp2:
0x8e: {  	(pc) =	sbr.rel @p0 .LBB2_4-.Ltmp2, $2  }
0x8f: {  	_ =	sdelay $0x2  }
0x90: {  	s21 =	simm.s32 $0x20;
	p1 =	por $0x0, $0x0  }
0x91: {  	s19 =	sadd.s32 $0x1, s19  }
0x92: {  	p0 =	sne.s32 s19, s10  }
.Ltmp3:
0x93: {  	_ = 	snop;
	(pc) =	sbr.rel @p0 .LBB2_1-.Ltmp3, $4  }
0x94: {  	[hbm4b:s9+s17] =	stream.strided.scatter [tilespmem:s16], [sflag:$0x1], $0x7580, s18, s17, $0x38;
	[tilespmem:$0x11D00] =	vst v63  }
0x95: {  	_ =	swait.ge [sflag:s11], $0x7580  }
0x96: {  	[sflag:s11] =	ssyncset.done $0x0  }
0x97: {  	[sflag:s11] =	ssyncadd.s32 $0xFFFF8A80  }
0x98: {  	_ =	sfence.sel $0x180000  }
0x99: {  	[bflag:$0x0] =	sbarrier.arrive $0xFFFF  }
0x9a: {  	p0 =	sne.s32 s1, $0x0;
	_ =	strace $0x9000004D  }
0x9b: {  	s0 =	sadd.s32 @!p0 $0x100000, s0;
	[bflag:$0x2] =	sbarrier.arrive $0xFFFF  }
0x9c: {  	[sflag:s0] =	ssyncadd.tile.s32 @!p0 $0x1;
	_ =	shalt  }
.Lfunc_end2:
_tile_overlayer_lowered:
.L_overlay_start_2:
0x9d: {  	(tag) =	ssettag $0x2  }
0x9e: {  	s0 =	rddreg [dreg:$0x0];
	s2 =	stileid.u32  }
0x9f: {  	s1 =	rddreg [dreg:$0x1];
	p0 =	sne.s32 s2, $0x0  }
0xa0: {  	s3 =	rddreg [dreg:$0x2];
	[bflag:$0x3] =	sbarrier.arrive $0xFFFF;
	s2 =	simm.s32 @!p0 $0x1C01  }
0xa1: {  	[timem:s3], [sflag:s2] =	dma.local @!p0 [hbm:s0], s1  }
0xa2: {  	s0 =	simm.s32 @!p0 $0x1  }
0xa3: {  	_ =	swait.ge @!p0 [sflag:s0], s1  }
0xa4: {  	s1 =	ssub.s32 @!p0 $0x0, s1;
	[sflag:s0] =	ssyncset.done @!p0 $0x0  }
0xa5: {  	[sflag:s0] =	ssyncadd.s32 @!p0 s1  }
0xa6: {  	[bflag:$0x3] =	sbarrier.arrive $0xFFFF  }
0xa7: {  	_ =	shalt  }

// kernel: kernel.19.cloned.1.call-start
scs
__scs_entry_jumppad:
0x0: {  	(pc) =	sbr.rel $0x88, $3  }
0x1: {  	(tag) =	ssettag $0x0;
	lr =	simm.s32 $0x1  }
0x2: {  	[smem:$0x3F99] =	sst lr;
	_ =	strace $0xD0000000  }
0x3: {  	_ = 	snop  }
0x4: {  	_ = 	snop  }
0x5: {  	_ = 	snop  }
0x6: {  	_ = 	snop  }
0x7: {  	_ = 	snop  }
__scs_overlays_trampoline_lowered:
0x8: {  	[smem:$0x3FA8] =	sst s0  }
0x9: {  	[smem:$0x3FA9] =	sst s1  }
0xa: {  	[smem:$0x3FAA] =	sst s2  }
0xb: {  	[smem:$0x3FAB] =	sst s3  }
0xc: {  	[smem:$0x3FAC] =	sst s4  }
0xd: {  	[smem:$0x3FAD] =	sst s5  }
0xe: {  	[smem:$0x3FAE] =	sst s6  }
0xf: {  	[smem:$0x3FAF] =	sst s7  }
0x10: {  	[smem:$0x3FB0] =	sst s8  }
0x11: {  	[smem:$0x3FB1] =	sst s9;
	s0 =	simm.s32 @!p0 $0x0  }
0x12: {  	s1 =	sld [smem:$0x3F97];
	s0 =	simm.s32 @p0 $0x1  }
0x13: {  	[smem:$0x3FB2] =	sst s0;
	s0 =	simm.s32 @!p1 $0x0  }
0x14: {  	s2 =	sld [smem:$0x3F96];
	s0 =	simm.s32 @p1 $0x1  }
0x15: {  	[smem:$0x3FB3] =	sst s0;
	s0 =	simm.s32 @!p2 $0x0  }
0x16: {  	s3 =	sld [smem:$0x3FDB];
	s0 =	simm.s32 @p2 $0x1  }
0x17: {  	s4 =	simm.s32 $0x1BF5;
	[smem:$0x3FB5] =	sst s0  }
0x18: {  	s0 =	sld [smem:$0x3F98];
	_ =	swait.ge [sflag:s4], $0x0  }
0x19: {  	s7 =	sld [smem:$0x3F99]  }
0x1a: {  	s8 =	sadd.s32 $0xFFFFE003, lr  }
0x1b: {  	s9 =	sadd.s32 $0xFFFFFEF7, lr;
	s5 =	simm.s32 $0xFFFFFFFF;
	p2 =	slt.u32 s8, $0xFFFFF086  }
0x1c: {  	p1 =	slt.u32 s9, $0xF7A;
	s5 =	simm.s32 @!p2 $0x0  }
0x1d: {  	s5 =	simm.s32 @p1 $0x1;
	p0 =	seq.s32 s7, s2  }
0x1e: {  	s7 =	smul.u32 @!p0 $0xF7A, s2;
	p2 =	seq.s32 @!p0 s5, $0x0  }
0x1f: {  	s9 =	smul.u32 $0xF7A, s1;
	s8 =	simm.s32 @!p0 $0x1BF5;
	p2 =	por !p2, p0  }
0x20: {  	[sflag:s8] =	ssyncset.s32 @!p0 $0xFFFFF086;
	s6 =	sadd.s32 @!p0 s3, s7;
	s7 =	simm.s32 @!p0 $0x108  }
0x21: {  	s3 =	sadd.s32 s3, s9;
	s6 =	sadd.s32 @!p0 $0x88, s6;
	s7 =	simm.s32 @p2 $0x1082  }
0x22: {  	[simem:s7], [sflag:s8] =	dma.local @!p0 [hbm:s6], $0xF7A  }
0x23: {  	s9 =	sor.u32 $0xD0000000, s2;
	s6 =	simm.s32 $0x108;
	_ =	swait.ge @!p0 [sflag:s8], $0x0  }
0x24: {  	s3 =	sadd.s32 $0x88, s3;
	s6 =	simm.s32 @!p1 $0x1082;
	[sflag:s4] =	ssyncset.s32 $0xFFFFF086  }
0x25: {  	[simem:s6], [sflag:s4] =	dma.local [hbm:s3], $0xF7A  }
0x26: {  	[smem:$0x3F99] =	sst s1;
	(tag) =	ssettag s2;
	_ =	strace s9  }
0x27: {  	s1 =	sld [smem:$0x3FA9]  }
0x28: {  	s2 =	sld [smem:$0x3FAA]  }
0x29: {  	s4 =	sld [smem:$0x3FAC]  }
0x2a: {  	p0 =	seq.s32 s5, $0x0;
	s5 =	sld [smem:$0x3FAD]  }
0x2b: {  	s6 =	sld [smem:$0x3FAE]  }
0x2c: {  	s7 =	sld [smem:$0x3FAF]  }
0x2d: {  	s3 =	simm.s32 $0x108;
	s8 =	sld [smem:$0x3FB0]  }
0x2e: {  	s3 =	simm.s32 @!p0 $0x1082;
	s9 =	sld [smem:$0x3FB1]  }
0x2f: {  	lr =	sadd.s32 s0, s3;
	s0 =	sld [smem:$0x3FA8]  }
0x30: {  	s3 =	sld [smem:$0x3FAB]  }
0x31: {  	[smem:$0x3FB4] =	sst s10  }
0x32: {  	s10 =	sld [smem:$0x3FB2];
	_ =	sdelay $0x3  }
0x33: {  	p0 =	seq.s32 s10, $0x1;
	s10 =	sld [smem:$0x3FB4];
	_ =	sdelay $0x3  }
0x34: {  	[smem:$0x3FB4] =	sst s10  }
0x35: {  	s10 =	sld [smem:$0x3FB3];
	_ =	sdelay $0x3  }
0x36: {  	p1 =	seq.s32 s10, $0x1;
	s10 =	sld [smem:$0x3FB4];
	_ =	sdelay $0x3  }
0x37: {  	[smem:$0x3FB4] =	sst s10  }
0x38: {  	s10 =	sld [smem:$0x3FB5]  }
0x39: {  	_ = 	snop;
	(pc) =	sbr.ind lr, $3  }
0x3a: {  	_ = 	snop  }
0x3b: {  	_ = 	snop  }
0x3c: {  	p2 =	seq.s32 s10, $0x1;
	s10 =	sld [smem:$0x3FB4]  }
0x3d: {  	_ =	shalt  }
0x3e: {  	_ =	shalt  }
0x3f: {  	_ =	shalt  }
0x40: {  	_ =	shalt  }
0x41: {  	_ =	shalt  }
0x42: {  	_ =	shalt  }
0x43: {  	_ =	shalt  }
0x44: {  	_ =	shalt  }
0x45: {  	_ =	shalt  }
0x46: {  	_ =	shalt  }
0x47: {  	_ =	shalt  }
0x48: {  	_ =	shalt  }
0x49: {  	_ =	shalt  }
0x4a: {  	_ =	shalt  }
0x4b: {  	_ =	shalt  }
0x4c: {  	_ =	shalt  }
0x4d: {  	_ =	shalt  }
0x4e: {  	_ =	shalt  }
0x4f: {  	_ =	shalt  }
0x50: {  	_ =	shalt  }
0x51: {  	_ =	shalt  }
0x52: {  	_ =	shalt  }
0x53: {  	_ =	shalt  }
0x54: {  	_ =	shalt  }
0x55: {  	_ =	shalt  }
0x56: {  	_ =	shalt  }
0x57: {  	_ =	shalt  }
0x58: {  	_ =	shalt  }
0x59: {  	_ =	shalt  }
0x5a: {  	_ =	shalt  }
0x5b: {  	_ =	shalt  }
0x5c: {  	_ =	shalt  }
0x5d: {  	_ =	shalt  }
0x5e: {  	_ =	shalt  }
0x5f: {  	_ =	shalt  }
0x60: {  	_ =	shalt  }
0x61: {  	_ =	shalt  }
0x62: {  	_ =	shalt  }
0x63: {  	_ =	shalt  }
0x64: {  	_ =	shalt  }
0x65: {  	_ =	shalt  }
0x66: {  	_ =	shalt  }
0x67: {  	_ =	shalt  }
0x68: {  	_ =	shalt  }
0x69: {  	_ =	shalt  }
0x6a: {  	_ =	shalt  }
0x6b: {  	_ =	shalt  }
0x6c: {  	_ =	shalt  }
0x6d: {  	_ =	shalt  }
0x6e: {  	_ =	shalt  }
0x6f: {  	_ =	shalt  }
0x70: {  	_ =	shalt  }
0x71: {  	_ =	shalt  }
0x72: {  	_ =	shalt  }
0x73: {  	_ =	shalt  }
0x74: {  	_ =	shalt  }
0x75: {  	_ =	shalt  }
0x76: {  	_ =	shalt  }
0x77: {  	_ =	shalt  }
0x78: {  	_ =	shalt  }
0x79: {  	_ =	shalt  }
0x7a: {  	_ =	shalt  }
0x7b: {  	_ =	shalt  }
0x7c: {  	_ =	shalt  }
0x7d: {  	_ =	shalt  }
0x7e: {  	_ =	shalt  }
0x7f: {  	_ =	shalt  }
0x80: {  	_ =	shalt  }
0x81: {  	_ =	shalt  }
0x82: {  	_ =	shalt  }
0x83: {  	_ =	shalt  }
0x84: {  	_ =	shalt  }
0x85: {  	_ =	shalt  }
0x86: {  	_ =	shalt  }
0x87: {  	_ =	shalt  }
.Lfunc_end0:
.L_simem_size_0:
called_computation.3_lowered:
.L_overlay_start_0:
0x88: {  	s2 =	sld [smem:$0x3FD9]  }
0x89: {  	s3 =	sld [smem:$0x3FFE];
	_ =	sdelay $0x1  }
0x8a: {  	s1 =	srdreg.scid  }
0x8b: {  	s0 =	sand.u32 $0x1, s1  }
0x8c: {  	s17 =	sshll.u32 s0, $0xA;
	s2 =	sadd.s32 s3, s2  }
0x8d: {  	s2 =	sadd.s32 s2, s17  }
0x8e: {  	[smem:$0x3FC0] =	sst s2  }
0x8f: {  	_ = 	snop  }
0x90: {  	s18 =	sld [smem:$0x3FC7];
	(tm) =	ssettm $0x1  }
0x91: {  	s19 =	sld [smem:$0x3FFB];
	_ =	sdelay $0x3  }
0x92: {  	_ =	strace s19  }
0x93: {  	s2 =	sld [smem:$0x3FFC];
	_ =	sdelay $0x3  }
0x94: {  	_ =	strace s2  }
0x95: {  	s2 =	sld [smem:$0x3FFD];
	_ =	sdelay $0x3  }
0x96: {  	_ =	strace s2  }
0x97: {  	_ =	strace $0x8FFFFFFF  }
0x98: {  	s20 =	sld [smem:$0x3FDB];
	_ =	sdelay $0x1  }
0x99: {  	s4 =	simm.s32 $_scs_section_size  }
0x9a: {  	s5 =	simm.s32 $_size__tile_overlayer_lowered;
	s6 =	simm.s32 $_tile_overlayer_lowered  }
0x9b: {  	s7 =	simm.s32 $0x1BFF;
	s21 =	sshll.u32 s6, $0x1;
	s4 =	sadd.s32 s4, s20  }
0x9c: {  	s22 =	simm.s32 $0x0;
	s5 =	sshll.u32 s5, $0x1;
	s6 =	sadd.s32 s21, s4  }
0x9d: {  	[timem:s22], [sflag:s7] =	dma.local [hbm:s6], s5  }
0x9e: {  	_ =	swait.ge [sflag:s7], s5  }
0x9f: {  	s5 =	ssub.s32 $0x0, s5;
	[sflag:s7] =	ssyncset.done $0x0  }
0xa0: {  	[sflag:s7] =	ssyncadd.s32 s5;
	_ =	sdelay $0x1  }
0xa1: {  	s23 =	simm.s32 $0x1B8B  }
0xa2: {  	_ =	swait.ge [sflag:s23], $0x1  }
0xa3: {  	[sflag:s23] =	ssyncset.done $0x0  }
0xa4: {  	[sflag:s23] =	ssyncadd.s32 $0xFFFFFFFF  }
0xa5: {  	s5 =	sld [smem:$0x0]  }
0xa6: {  	s6 =	sand.u32 $0xFFFFFFFE, s1  }
0xa7: {  	p0 =	sne.s32 s1, s6  }
0xa8: {  	s6 =	sshll.u32 @p0 s6, $0xE  }
0xa9: {  	s6 =	sadd.s32 @p0 $0x11B8D, s6;
	s7 =	sshll.u32 @p0 s5, $0x11  }
0xaa: {  	s6 =	sor.u32 @p0 s7, s6  }
0xab: {  	[sflag:s6] =	ssyncadd.remote.s32 @p0 $0x1;
	_ =	sdelay $0x1  }
0xac: {  	s6 =	simm.s32 @p0 $0x1B8D  }
0xad: {  	_ =	swait.eq @p0 [sflag:s6], $0x1  }
0xae: {  	[sflag:s6] =	ssyncadd.s32 @p0 $0xFFFFFFFF  }
0xaf: {  	s7 =	sshll.u32 @!p0 s1, $0xE  }
0xb0: {  	s7 =	sor.u32 @!p0 $0x4000, s7;
	s6 =	simm.s32 @!p0 $0x1B8D  }
0xb1: {  	s5 =	sshll.u32 @!p0 s5, $0x11;
	s7 =	sadd.s32 @!p0 $0x11B8D, s7;
	_ =	swait.eq @!p0 [sflag:s6], $0x1  }
0xb2: {  	s5 =	sor.u32 @!p0 s5, s7;
	[sflag:s6] =	ssyncadd.s32 @!p0 $0xFFFFFFFF  }
0xb3: {  	s25 =	simm.s32 $0x1B8E;
	s24 =	sld [smem:$0x3FFE];
	[sflag:s5] =	ssyncadd.remote.s32 @!p0 $0x1  }
0xb4: {  	s26 =	simm.s32 $execute0_lowered;
	[smem:$0x3FD2] =	sst s25  }
0xb5: {  	s6 =	sshll.u32 s26, $0x1;
	_ =	strace $0x8000004F;
	[dreg:$0x1] =	wrdreg $0xFFFFFFFF  }
0xb6: {  	s28 =	simm.s32 $_size_execute0_lowered;
	s4 =	sadd.s32 s4, s6;
	[dreg:$0x0] =	wrdreg $0x0  }
0xb7: {  	s6 =	sshll.u32 s28, $0x1;
	[dreg:$0x2] =	wrdreg s4  }
0xb8: {  	[dreg:$0x3] =	wrdreg s6  }
0xb9: {  	[dreg:$0x4] =	wrdreg $0xC0  }
0xba: {  	_ =	task [dreg:s22], $0x5FFFF  }
0xbb: {  	[dreg:$0x1] =	wrdreg $0xFFFFFFFF  }
0xbc: {  	[dreg:$0x0] =	wrdreg $0x60  }
0xbd: {  	[dreg:$0x2] =	wrdreg s24  }
0xbe: {  	[dreg:$0x3] =	wrdreg s18  }
0xbf: {  	[dreg:$0x4] =	wrdreg $0x9  }
0xc0: {  	_ =	task.clear_ibuf [dreg:s22], $0x5FFFF;
	_ =	strace $0x9000004F  }
0xc1: {  	s29 =	simm.s32 $0x9;
	_ =	strace $0x80000051  }
0xc2: {  	_ =	swait.ge [sflag:s29], $0x1  }
0xc3: {  	[sflag:s29] =	ssyncadd.s32 $0xFFFFFFFF  }
0xc4: {  	_ =	strace $0x90000051  }
0xc5: {  	_ =	sfence  }
0xc6: {  	s30 =	sld [smem:$0x0];
	_ =	sdelay $0x2  }
0xc7: {  	s31 =	sshll.u32 s1, $0xD;
	s1 =	sshrl.u32 s1, $0x2  }
0xc8: {  	s4 =	sand.u32 $0x4000, s31;
	s1 =	sadd.s32 s1, s30  }
0xc9: {  	s0 =	sor.u32 s4, s0;
	s1 =	sshll.u32 s1, $0x11  }
0xca: {  	s0 =	sor.u32 s1, s0  }
0xcb: {  	s0 =	sadd.s32 $0x8F2B, s0  }
0xcc: {  	[sflag:s0] =	ssyncadd.remote.s32 $0x1  }
0xcd: {  	_ =	sfence.sel $0xFFFF  }
0xce: {  	[dreg:$0x0] =	wrdreg $0xFFFFFFFF;
	(pc) =	sbr.abs _section_cstart, $3  }
0xcf: {  	[dreg:$0x1] =	wrdreg $0xFFFFFFFF  }
0xd0: {  	_ =	task.clear_ibuf [dreg:s22], $0x2FFFF;
	_ =	strace $0x9FFFFFFF  }
0xd1: {  	(tm) =	ssettm $0x7FFFFFFF  }
tec
execute0_lowered:
.L_overlay_start_1:
0x0: {  	(tag) =	ssettag $0x1  }
0x1: {  	s8 =	rddreg [dreg:$0x0]  }
0x2: {  	s2 =	rddreg [dreg:$0x1];
	s3 =	srdreg.scid  }
0x3: {  	s1 =	stileid.u32;
	s0 =	rddreg [dreg:$0x2];
	s13 =	simm.s32 $0xEB00  }
0x4: {  	s14 =	simm.s32 $0xFF00;
	s15 =	simm.s32 $0x10900;
	s16 =	simm.s32 $0x11300  }
0x5: {  	s17 =	simm.s32 $0x7580;
	s18 =	simm.s32 $0x80;
	s19 =	simm.s32 $0x400  }
0x6: {  	s20 =	simm.s32 $0x0;
	s7 =	sand.u32 $0x1, s3;
	s4 =	sshll.u32 s1, $0x1  }
0x7: {  	s3 =	simm.s32 $0x0;
	s29 =	sshrl.u32 s1, $0x2;
	s5 =	sadd.s32 $0x22A00, s8  }
0x8: {  	s9 =	sor.u32 s7, s4;
	[smem:$0x7FF] =	sst s3;
	s6 =	smul.u32 $0x3AC00, s29  }
0x9: {  	s4 =	sadd.s32 $0x40400, s8;
	s11 =	ssub.s32 $0x2, s7;
	s30 =	sshll.u32 s9, $0x7  }
0xa: {  	s7 =	sadd.s32 $0x36600, s8;
	_ =	strace $0x80000050;
	s10 =	sand.u32 $0x380, s30  }
0xb: {  	s31 =	sshrl.u32 s11, $0x1;
	s12 =	ssub.s32 $0x5C, s9;
	s10 =	sor.u32 s6, s10  }
0xc: {  	s11 =	ssub.s32 s11, s31;
	s6 =	sadd.s32 $0x2C800, s8;
	s10 =	sshrl.u32 s10, $0x3  }
0xd: {  	s11 =	smax.u32 s11, $0x1;
	s10 =	sadd.s32 s10, s8;
	s8 =	sor.u32 $0x40, s9  }
0xe: {  	v0 =	vimm.f32 $0.0e+00;
	s9 =	sadd.s32 $0x5EA00, s10;
	s10 =	sshrl.u32 s12, $0x5;
	s12 =	simm.s32 $0x1  }
.LBB2_1:
0xf: {  	[tilespmem:s3], [sflag:$0x1] =	stream.linear.gather [hbm4b:s4+s3], $0x7580, $0x38;
	[tilespmem:$0x11D00] =	vst v63  }
0x10: {  	_ =	swait.ge [sflag:s12], $0x7580  }
0x11: {  	[sflag:s12] =	ssyncset.done $0x0  }
0x12: {  	s21 =	simm.s32 $0x40;
	s22 =	simm.s32 $0x0;
	[sflag:s12] =	ssyncadd.s32 $0xFFFF8A80  }
.LBB2_2:
0x13: {  	p0 =	sne.s32 s21, $0x1D480;
	[tilespmem:s22+$0x7580] =	vst v0;
	s22 =	smov.u32 s21;
	s21 =	sadd.s32 $0x40, s21  }
.Ltmp0:
0x14: {  	(pc) =	sbr.rel @p0 .LBB2_2-.Ltmp0, $2  }
0x15: {  	_ =	sdelay $0x2  }
0x16: {  	s22 =	sshra.s32 s22, $0x2  }
0x17: {  	[tilespmem:s22+$0x7580] =	vst v0;
	s21 =	simm.s32 $0x0;
	s22 =	simm.s32 $0x0  }
.LBB2_4:
0x18: {  	s23 =	sshll.u32 s22, $0x5  }
0x19: {  	s23 =	sadd.s32 s8, s23  }
0x1a: {  	s24 =	smul.u32 $0x280, s23;
	_ =	sdelay $0x1  }
0x1b: {  	s24 =	sadd.s32 s2, s24  }
0x1c: {  	[tilespmem:s13], [sflag:$0x1] =	stream.linear.gather [hbm4b:s24+s21], $0x1400, $0x38;
	[tilespmem:$0x11D00] =	vst v63  }
0x1d: {  	s23 =	smul.u32 $0x140, s23;
	_ =	swait.ge [sflag:s12], $0x1400  }
0x1e: {  	[sflag:s12] =	ssyncset.done $0x0  }
0x1f: {  	s30 =	sadd.s32 s5, s23;
	[sflag:s12] =	ssyncadd.s32 $0xFFFFEC00  }
0x20: {  	[tilespmem:s14], [sflag:$0x1] =	stream.linear.gather [hbm4b:s30+s21], $0xA00, $0x38;
	[tilespmem:$0x11D00] =	vst v63  }
0x21: {  	_ =	swait.ge [sflag:s12], $0xA00  }
0x22: {  	[sflag:s12] =	ssyncset.done $0x0  }
0x23: {  	s31 =	sadd.s32 s6, s23;
	[sflag:s12] =	ssyncadd.s32 $0xFFFFF600  }
0x24: {  	[tilespmem:s15], [sflag:$0x1] =	stream.linear.gather [hbm4b:s31+s21], $0xA00, $0x38;
	[tilespmem:$0x11D00] =	vst v63  }
0x25: {  	_ =	swait.ge [sflag:s12], $0xA00  }
0x26: {  	[sflag:s12] =	ssyncset.done $0x0  }
0x27: {  	s23 =	sadd.s32 s7, s23;
	[sflag:s12] =	ssyncadd.s32 $0xFFFFF600  }
0x28: {  	[tilespmem:s16], [sflag:$0x1] =	stream.linear.gather [hbm4b:s23+s21], $0xA00, $0x38;
	[tilespmem:$0x11D00] =	vst v63  }
0x29: {  	s25 =	simm.s32 $0x10920;
	_ =	swait.ge [sflag:s12], $0xA00  }
0x2a: {  	s26 =	simm.s32 $0x0;
	s28 =	simm.s32 $0x0;
	[sflag:s12] =	ssyncset.done $0x0  }
0x2b: {  	s24 =	simm.s32 $0xFF20;
	s23 =	simm.s32 $0x11320;
	[sflag:s12] =	ssyncadd.s32 $0xFFFFF600  }
.LBB2_5:
0x2c: {  	s29 =	sand.u32 $0x70, s26;
	s30 =	sand.u32 $0x1F00, s28  }
0x2d: {  	s29 =	sor.u32 s29, s30  }
0x2e: {  	v1 =	vld [tilespmem:s29+$0xEB00];
	_ =	sdelay $0x5  }
0x2f: {  	v4 =	vld [tilespmem:s24+$0xFFFFFFE0]  }
0x30: {  	v2 =	vld [tilespmem:s29+$0xEB80]  }
0x31: {  	v3 =	vld.idx.msk [tilespmem:v1+s3+$0x0], $0xffff;
	_ =	sdelay $0x2  }
0x32: {  	v5 =	vadd.s32 $0x2710, v1;
	_ =	sdelay $0x1  }
0x33: {  	v3 =	vmul.f32 v4, v3;
	_ =	sdelay $0x1  }
0x34: {  	[tilespmem:v2+s17+$0x0] =	vst.idx.add.f32.msk $0xffff, v3  }
0x35: {  	v3 =	vld.idx.msk [tilespmem:v5+s3+$0x0], $0xffff  }
0x36: {  	v46 =	vld [tilespmem:s25+$0xFFFFFFE0];
	_ =	sdelay $0x1  }
0x37: {  	v47 =	vadd.s32 $0x2710, v2  }
0x38: {  	v1 =	vadd.s32 $0x4E20, v1;
	_ =	sdelay $0x1  }
0x39: {  	v3 =	vmul.f32 v46, v3;
	_ =	sdelay $0x1  }
0x3a: {  	[tilespmem:v47+s17+$0x0] =	vst.idx.add.f32.msk $0xffff, v3  }
0x3b: {  	v1 =	vld.idx.msk [tilespmem:v1+s3+$0x0], $0xffff  }
0x3c: {  	v3 =	vld [tilespmem:s23+$0xFFFFFFE0];
	_ =	sdelay $0x1  }
0x3d: {  	v2 =	vadd.s32 $0x4E20, v2;
	_ =	sdelay $0x2  }
0x3e: {  	s31 =	sadd.s32 $0x20, s28;
	s29 =	sadd.s32 $0x10, s26;
	v1 =	vmul.f32 v3, v1  }
0x3f: {  	s30 =	sand.u32 $0x3F00, s31;
	s29 =	sand.u32 $0x70, s29  }
0x40: {  	s29 =	sor.u32 s29, s30;
	[tilespmem:v2+s17+$0x0] =	vst.idx.add.f32.msk $0xffff, v1  }
0x41: {  	v1 =	vld [tilespmem:s29+$0xEB00];
	_ =	sdelay $0x5  }
0x42: {  	v2 =	vld [tilespmem:s29+$0xEB80]  }
0x43: {  	v48 =	vld [tilespmem:s24+$0xFFFFFFF0]  }
0x44: {  	v3 =	vld.idx.msk [tilespmem:v1+s3+$0x0], $0xffff;
	_ =	sdelay $0x2  }
0x45: {  	v49 =	vadd.s32 $0x2710, v1;
	_ =	sdelay $0x1  }
0x46: {  	v3 =	vmul.f32 v48, v3;
	_ =	sdelay $0x1  }
0x47: {  	[tilespmem:v2+s17+$0x0] =	vst.idx.add.f32.msk $0xffff, v3  }
0x48: {  	v3 =	vld.idx.msk [tilespmem:v49+s3+$0x0], $0xffff  }
0x49: {  	v50 =	vld [tilespmem:s25+$0xFFFFFFF0];
	_ =	sdelay $0x1  }
0x4a: {  	v51 =	vadd.s32 $0x2710, v2  }
0x4b: {  	v1 =	vadd.s32 $0x4E20, v1;
	_ =	sdelay $0x1  }
0x4c: {  	v3 =	vmul.f32 v50, v3;
	_ =	sdelay $0x1  }
0x4d: {  	[tilespmem:v51+s17+$0x0] =	vst.idx.add.f32.msk $0xffff, v3  }
0x4e: {  	v1 =	vld.idx.msk [tilespmem:v1+s3+$0x0], $0xffff  }
0x4f: {  	v3 =	vld [tilespmem:s23+$0xFFFFFFF0];
	_ =	sdelay $0x1  }
0x50: {  	v2 =	vadd.s32 $0x4E20, v2;
	_ =	sdelay $0x2  }
0x51: {  	s31 =	sadd.s32 $0x40, s28;
	s29 =	sadd.s32 $0x20, s26;
	v1 =	vmul.f32 v3, v1  }
0x52: {  	s30 =	sand.u32 $0x3F00, s31;
	s29 =	sand.u32 $0x70, s29  }
0x53: {  	s29 =	sor.u32 s29, s30;
	[tilespmem:v2+s17+$0x0] =	vst.idx.add.f32.msk $0xffff, v1  }
0x54: {  	v1 =	vld [tilespmem:s29+$0xEB00];
	_ =	sdelay $0x5  }
0x55: {  	v2 =	vld [tilespmem:s29+$0xEB80]  }
0x56: {  	v52 =	vld [tilespmem:s24+$0x0]  }
0x57: {  	v3 =	vld.idx.msk [tilespmem:v1+s3+$0x0], $0xffff;
	_ =	sdelay $0x2  }
0x58: {  	v53 =	vadd.s32 $0x2710, v1;
	_ =	sdelay $0x1  }
0x59: {  	v3 =	vmul.f32 v52, v3;
	_ =	sdelay $0x1  }
0x5a: {  	[tilespmem:v2+s17+$0x0] =	vst.idx.add.f32.msk $0xffff, v3  }
0x5b: {  	v3 =	vld.idx.msk [tilespmem:v53+s3+$0x0], $0xffff  }
0x5c: {  	v54 =	vld [tilespmem:s25+$0x0];
	_ =	sdelay $0x1  }
0x5d: {  	v55 =	vadd.s32 $0x2710, v2  }
0x5e: {  	v1 =	vadd.s32 $0x4E20, v1;
	_ =	sdelay $0x1  }
0x5f: {  	v3 =	vmul.f32 v54, v3;
	_ =	sdelay $0x1  }
0x60: {  	[tilespmem:v55+s17+$0x0] =	vst.idx.add.f32.msk $0xffff, v3  }
0x61: {  	v1 =	vld.idx.msk [tilespmem:v1+s3+$0x0], $0xffff  }
0x62: {  	v3 =	vld [tilespmem:s23+$0x0];
	_ =	sdelay $0x1  }
0x63: {  	v2 =	vadd.s32 $0x4E20, v2;
	_ =	sdelay $0x2  }
0x64: {  	s31 =	sadd.s32 $0x60, s28;
	s29 =	sadd.s32 $0x30, s26;
	v1 =	vmul.f32 v3, v1  }
0x65: {  	s30 =	sand.u32 $0x3F00, s31;
	s29 =	sand.u32 $0x70, s29  }
0x66: {  	s29 =	sor.u32 s29, s30;
	[tilespmem:v2+s17+$0x0] =	vst.idx.add.f32.msk $0xffff, v1  }
0x67: {  	v1 =	vld [tilespmem:s29+$0xEB00];
	_ =	sdelay $0x5  }
0x68: {  	v2 =	vld [tilespmem:s29+$0xEB80]  }
0x69: {  	v56 =	vld [tilespmem:s24+$0x10]  }
0x6a: {  	v3 =	vld.idx.msk [tilespmem:v1+s3+$0x0], $0xffff;
	_ =	sdelay $0x2  }
0x6b: {  	v57 =	vadd.s32 $0x2710, v1;
	_ =	sdelay $0x1  }
0x6c: {  	v3 =	vmul.f32 v56, v3;
	_ =	sdelay $0x1  }
0x6d: {  	[tilespmem:v2+s17+$0x0] =	vst.idx.add.f32.msk $0xffff, v3  }
0x6e: {  	v3 =	vld.idx.msk [tilespmem:v57+s3+$0x0], $0xffff  }
0x6f: {  	v58 =	vld [tilespmem:s25+$0x10];
	_ =	sdelay $0x1  }
0x70: {  	v59 =	vadd.s32 $0x2710, v2  }
0x71: {  	v1 =	vadd.s32 $0x4E20, v1;
	_ =	sdelay $0x1  }
0x72: {  	v3 =	vmul.f32 v58, v3;
	_ =	sdelay $0x1  }
0x73: {  	[tilespmem:v59+s17+$0x0] =	vst.idx.add.f32.msk $0xffff, v3  }
0x74: {  	v1 =	vld.idx.msk [tilespmem:v1+s3+$0x0], $0xffff  }
0x75: {  	v3 =	vld [tilespmem:s23+$0x10];
	_ =	sdelay $0x1  }
0x76: {  	v2 =	vadd.s32 $0x4E20, v2;
	_ =	sdelay $0x2  }
0x77: {  	s31 =	sadd.s32 $0x80, s28;
	s29 =	sadd.s32 $0x40, s26;
	v1 =	vmul.f32 v3, v1  }
0x78: {  	s30 =	sand.u32 $0x3F00, s31;
	s29 =	sand.u32 $0x70, s29  }
0x79: {  	s29 =	sor.u32 s29, s30;
	[tilespmem:v2+s17+$0x0] =	vst.idx.add.f32.msk $0xffff, v1  }
0x7a: {  	v1 =	vld [tilespmem:s29+$0xEB00];
	_ =	sdelay $0x5  }
0x7b: {  	v2 =	vld [tilespmem:s29+$0xEB80]  }
0x7c: {  	v60 =	vld [tilespmem:s24+$0x20]  }
0x7d: {  	v3 =	vld.idx.msk [tilespmem:v1+s3+$0x0], $0xffff;
	_ =	sdelay $0x2  }
0x7e: {  	v61 =	vadd.s32 $0x2710, v1;
	_ =	sdelay $0x1  }
0x7f: {  	v3 =	vmul.f32 v60, v3;
	_ =	sdelay $0x1  }
0x80: {  	[tilespmem:v2+s17+$0x0] =	vst.idx.add.f32.msk $0xffff, v3  }
0x81: {  	v3 =	vld.idx.msk [tilespmem:v61+s3+$0x0], $0xffff  }
0x82: {  	v62 =	vld [tilespmem:s25+$0x20];
	_ =	sdelay $0x1  }
0x83: {  	v63 =	vadd.s32 $0x2710, v2  }
0x84: {  	v1 =	vadd.s32 $0x4E20, v1;
	_ =	sdelay $0x1  }
0x85: {  	v3 =	vmul.f32 v62, v3;
	_ =	sdelay $0x1  }
0x86: {  	[tilespmem:v63+s17+$0x0] =	vst.idx.add.f32.msk $0xffff, v3  }
0x87: {  	v1 =	vld.idx.msk [tilespmem:v1+s3+$0x0], $0xffff  }
0x88: {  	v3 =	vld [tilespmem:s23+$0x20];
	_ =	sdelay $0x1  }
0x89: {  	p0 =	sne.s32 s28, $0x1360;
	v2 =	vadd.s32 $0x4E20, v2  }
.Ltmp1:
0x8a: {  	_ = 	snop;
	(pc) =	sbr.rel @p0 .LBB2_5-.Ltmp1, $4  }
0x8b: {  	_ = 	snop  }
0x8c: {  	v1 =	vmul.f32 v3, v1  }
0x8d: {  	s28 =	sadd.s32 $0xA0, s28;
	s26 =	sadd.s32 $0x50, s26  }
0x8e: {  	s24 =	sadd.s32 $0x50, s24;
	s25 =	sadd.s32 $0x50, s25;
	s23 =	sadd.s32 $0x50, s23;
	[tilespmem:v2+s17+$0x0] =	vst.idx.add.f32.msk $0xffff, v1  }
0x8f: {  	s22 =	sadd.s32 $0x1, s22  }
0x90: {  	p0 =	sne.s32 s22, s10  }
.Ltmp2:
0x91: {  	_ = 	snop;
	(pc) =	sbr.rel @p0 .LBB2_4-.Ltmp2, $1  }
0x92: {  	_ =	sdelay $0x3  }
0x93: {  	s20 =	sadd.s32 $0x1, s20  }
0x94: {  	p0 =	sne.s32 s20, s11  }
.Ltmp3:
0x95: {  	_ = 	snop;
	(pc) =	sbr.rel @p0 .LBB2_1-.Ltmp3, $4  }
0x96: {  	[hbm4b:s9+s18] =	stream.strided.scatter [tilespmem:s17], [sflag:$0x1], $0x7580, s19, s18, $0x38;
	[tilespmem:$0x11D00] =	vst v63  }
0x97: {  	_ =	swait.ge [sflag:s12], $0x7580  }
0x98: {  	[sflag:s12] =	ssyncset.done $0x0  }
0x99: {  	[sflag:s12] =	ssyncadd.s32 $0xFFFF8A80  }
0x9a: {  	_ =	sfence.sel $0x180000  }
0x9b: {  	[bflag:$0x0] =	sbarrier.arrive $0xFFFF  }
0x9c: {  	p0 =	sne.s32 s1, $0x0;
	_ =	strace $0x90000050  }
0x9d: {  	s0 =	sadd.s32 @!p0 $0x100000, s0;
	[bflag:$0x2] =	sbarrier.arrive $0xFFFF  }
0x9e: {  	[sflag:s0] =	ssyncadd.tile.s32 @!p0 $0x1;
	_ =	shalt  }
.Lfunc_end2:
_tile_overlayer_lowered:
.L_overlay_start_2:
0x9f: {  	(tag) =	ssettag $0x2  }
0xa0: {  	s0 =	rddreg [dreg:$0x0];
	s2 =	stileid.u32  }
0xa1: {  	s1 =	rddreg [dreg:$0x1];
	p0 =	sne.s32 s2, $0x0  }
0xa2: {  	s3 =	rddreg [dreg:$0x2];
	[bflag:$0x3] =	sbarrier.arrive $0xFFFF;
	s2 =	simm.s32 @!p0 $0x1C01  }
0xa3: {  	[timem:s3], [sflag:s2] =	dma.local @!p0 [hbm:s0], s1  }
0xa4: {  	s0 =	simm.s32 @!p0 $0x1  }
0xa5: {  	_ =	swait.ge @!p0 [sflag:s0], s1  }
0xa6: {  	s1 =	ssub.s32 @!p0 $0x0, s1;
	[sflag:s0] =	ssyncset.done @!p0 $0x0  }
0xa7: {  	[sflag:s0] =	ssyncadd.s32 @!p0 s1  }
0xa8: {  	[bflag:$0x3] =	sbarrier.arrive $0xFFFF  }
0xa9: {  	_ =	shalt  }

</sc_bundles>
